<compile_context>
chip_gen: v7x
topology: tpu7x:2x2x1
jax: 0.10.2.dev20260603
libtpu: 0.0.44.dev20260713+nightly
codegen_flags: <defaults>
</compile_context>

<pallas_src>
import dataclasses
import functools

import jax
import jax.numpy as jnp
from jax import lax
from jax.experimental import pallas as pl
from jax.experimental.pallas import tpu as pltpu
from jax.experimental.pallas import tpu_sc as plsc

NC = 2
NS = 16
NW = NC * NS


def _sc_mesh():
    return plsc.VectorSubcoreMesh(
        core_axis_name="c", subcore_axis_name="s", num_cores=NC, num_subcores=NS
    )


def _degree_body(np_, epw, ei_hbm, degc_hbm, idx_v, hist_v, col_v, res_v, grid_sh):
    cid = lax.axis_index("c")
    sid = lax.axis_index("s")
    wid = sid * NC + cid
    rps = np_ // NS

    z16 = jnp.zeros((16,), jnp.float32)

    @pl.loop(0, np_, step=16)
    def _(i):
        hist_v[pl.ds(i, 16)] = z16

    pltpu.sync_copy(ei_hbm.at[wid], idx_v)

    ones16 = jnp.ones((16,), jnp.float32)

    @pl.loop(0, epw, step=16)
    def _(i):
        plsc.addupdate_scatter(hist_v, [idx_v[pl.ds(i, 16)]], ones16)

    for t in range(NS):
        pltpu.sync_copy(hist_v.at[pl.ds(t * rps, rps)], grid_sh.at[t, sid])
    plsc.subcore_barrier()
    pltpu.sync_copy(grid_sh.at[sid], col_v)

    @pl.loop(0, rps, step=16)
    def _(k):
        acc = col_v[0, pl.ds(k, 16)]
        for t in range(1, NS):
            acc = acc + col_v[t, pl.ds(k, 16)]
        res_v[pl.ds(k, 16)] = acc

    pltpu.sync_copy(res_v, degc_hbm.at[cid, 0, pl.ds(sid * rps, rps)])


def _sc_degree(ei2, np_):
    nw, epw = ei2.shape
    cp = pltpu.CompilerParams()
    if "needs_layout_passes" in pltpu.CompilerParams.__dataclass_fields__:
        cp = dataclasses.replace(cp, needs_layout_passes=False)
    body = functools.partial(_degree_body, np_, epw)
    return pl.kernel(
        body,
        out_type=jax.ShapeDtypeStruct((NC, 1, np_), jnp.float32),
        mesh=_sc_mesh(),
        compiler_params=cp,
        scratch_types=[
            pltpu.VMEM((epw,), jnp.int32),
            pltpu.VMEM((np_,), jnp.float32),
            pltpu.VMEM((NS, np_ // NS), jnp.float32),
            pltpu.VMEM((np_ // NS,), jnp.float32),
            pltpu.VMEM_SHARED((NS, NS, np_ // NS), jnp.float32),
        ],
    )(ei2)


def _agg_body(np_, nmac, ms, c, d, g, y_hbm, ei_hbm, ej_hbm, zeros_hbm, part_hbm,
              *scr):
    cid = lax.axis_index("c")
    sid = lax.axis_index("s")
    wid = sid * NC + cid
    rps = np_ // NS
    ei_v = scr[0:2]
    ej_v = scr[2:4]
    rows = scr[4 : 4 + 2 * g]
    isems = scr[4 + 2 * g : 6 + 2 * g]
    ssem = scr[6 + 2 * g]
    gsems = scr[7 + 2 * g : 7 + 4 * g]
    acc_sh = scr[7 + 4 * g]

    pltpu.sync_copy(zeros_hbm, acc_sh.at[pl.ds(sid * rps, rps)])
    pltpu.sync_copy(ei_hbm.at[wid, 0], ei_v[0])
    pltpu.sync_copy(ej_hbm.at[wid, 0], ej_v[0])
    plsc.subcore_barrier()

    def load_idx(m, p):
        return (
            pltpu.async_copy(ei_hbm.at[wid, m], ei_v[p], isems[0]),
            pltpu.async_copy(ej_hbm.at[wid, m], ej_v[p], isems[1]),
        )

    h = g

    def fire_gathers(k, p, base):
        return [
            pltpu.async_copy(
                y_hbm.at[ei_v[p].at[k + b]], rows[base + b], gsems[base + b]
            )
            for b in range(h)
        ]

    def scatter_half(k, p, base):
        sds = []
        for b in range(h):
            sds.append(
                pltpu.async_copy(
                    rows[base + b], acc_sh.at[ej_v[p].at[k + b]], ssem, add=True
                )
            )
        return sds

    def wait_gather_a(k, p):
        for b in range(h):
            pltpu.make_async_copy(
                y_hbm.at[ei_v[p].at[k + b]], rows[b], gsems[b]
            ).wait()

    def macro(m, p, last):
        if not last:
            nxt = load_idx(m + 1, 1 - p)

        main = ((ms - 2 * h) // (2 * h)) * (2 * h)
        fire_gathers(0, p, 0)

        @pl.loop(0, main, step=2 * h)
        def _(k):
            bds = fire_gathers(k + h, p, h)
            wait_gather_a(k, p)
            sa = scatter_half(k, p, 0)
            for sd in sa:
                sd.wait()

            @pl.when(k + 2 * h < main)
            def _():
                fire_gathers(k + 2 * h, p, 0)

            for bd in bds:
                bd.wait()
            sb = scatter_half(k + h, p, h)
            for sd in sb:
                sd.wait()

        k = main
        while k < ms:
            nb = min(h, ms - k)
            gds = [
                pltpu.async_copy(
                    y_hbm.at[ei_v[p].at[k + b]], rows[b], gsems[b]
                )
                for b in range(nb)
            ]
            sds = []
            for b in range(nb):
                gds[b].wait()
                sds.append(
                    pltpu.async_copy(
                        rows[b], acc_sh.at[ej_v[p].at[k + b]], ssem, add=True
                    )
                )
            for sd in sds:
                sd.wait()
            k += nb

        if not last:
            nxt[0].wait()
            nxt[1].wait()

    if nmac % 2 == 0:
        @pl.loop(0, nmac - 2, step=2)
        def _(mm):
            macro(mm, 0, False)
            macro(mm + 1, 1, False)

        macro(nmac - 2, 0, False)
        macro(nmac - 1, 1, True)
    else:
        @pl.loop(0, nmac - 1, step=2)
        def _(mm):
            macro(mm, 0, False)
            macro(mm + 1, 1, False)

        macro(nmac - 1, 0, True)

    plsc.subcore_barrier()
    pltpu.sync_copy(
        acc_sh.at[pl.ds(sid * rps, rps)],
        part_hbm.at[cid, pl.ds(sid * rps, rps)],
    )


def _sc_aggregate(y, eir, ejr, zeros_y, np_, g=3):
    nw, nmac, ms, c = eir.shape
    d = y.shape[1]
    assert ms >= 2 * g and nmac >= 3
    body = functools.partial(_agg_body, np_, nmac, ms, c, d, g)
    return pl.kernel(
        body,
        out_type=jax.ShapeDtypeStruct((NC, np_, d), jnp.float32),
        mesh=_sc_mesh(),
        scratch_types=[pltpu.VMEM((ms, c), jnp.int32)] * 4
        + [pltpu.VMEM((c, d), jnp.float32)] * (2 * g)
        + [pltpu.SemaphoreType.DMA] * 2
        + [pltpu.SemaphoreType.DMA]
        + [pltpu.SemaphoreType.DMA] * (2 * g)
        + [pltpu.VMEM_SHARED((np_, d), jnp.float32)],
    )(y, eir, ejr, zeros_y)


def _inv_sqrt_deg(degt_blk):
    deg = degt_blk[:, 0:1] + degt_blk[:, 1:2]
    return jnp.where(deg > 0.0, lax.rsqrt(deg), 0.0)


def _matmul_scale_body(degt_ref, x_ref, w_ref, o_ref):
    xw = jnp.dot(x_ref[...], w_ref[...], preferred_element_type=jnp.float32)
    o_ref[...] = _inv_sqrt_deg(degt_ref[...]) * xw


def _tc_matmul_scale(degt, x, w, bn=2000):
    n, k = x.shape
    d = w.shape[1]
    return pl.pallas_call(
        _matmul_scale_body,
        grid=(n // bn,),
        in_specs=[
            pl.BlockSpec((bn, NC), lambda i: (i, 0)),
            pl.BlockSpec((bn, k), lambda i: (i, 0)),
            pl.BlockSpec((k, d), lambda i: (0, 0)),
        ],
        out_specs=pl.BlockSpec((bn, d), lambda i: (i, 0)),
        out_shape=jax.ShapeDtypeStruct((n, d), jnp.float32),
    )(degt, x, w)


def _final_body(degt_ref, part_ref, bias_ref, o_ref):
    s = _inv_sqrt_deg(degt_ref[...])
    acc = part_ref[0] + part_ref[1]
    o_ref[...] = s * acc + bias_ref[...]


def _tc_final(degt, parts, bias2d, n, bn=2000):
    d = parts.shape[2]
    return pl.pallas_call(
        _final_body,
        grid=(n // bn,),
        in_specs=[
            pl.BlockSpec((bn, NC), lambda i: (i, 0)),
            pl.BlockSpec((NC, bn, d), lambda i: (0, i, 0)),
            pl.BlockSpec((1, d), lambda i: (0, 0)),
        ],
        out_specs=pl.BlockSpec((bn, d), lambda i: (i, 0)),
        out_shape=jax.ShapeDtypeStruct((n, d), jnp.float32),
    )(degt, parts, bias2d)


def kernel(x, edge_index, weight, bias):
    n, _ = x.shape
    d = weight.shape[1]
    e = edge_index.shape[1]
    assert e % NW == 0 and n % NS == 0
    epw = e // NW
    c = 40
    ms = 25
    assert epw % (c * ms) == 0
    nch = epw // c
    nmac = nch // ms

    npad = -(-n // (NS * 16)) * (NS * 16)

    ei2 = edge_index[0].reshape(NW, epw)
    eir4 = edge_index[0].reshape(NW, nmac, ms, c)
    ejr4 = edge_index[1].reshape(NW, nmac, ms, c)
    zeros_rd = jnp.zeros((npad // NS, d), jnp.float32)

    degc = _sc_degree(ei2, npad)
    degt = degc.reshape(NC, npad).T
    y = _tc_matmul_scale(degt, x, weight)
    parts = _sc_aggregate(y, eir4, ejr4, zeros_rd, npad)
    return _tc_final(degt, parts, bias.reshape(1, d), n)

# --- scband reference (transcript-rebuilt; emitter-appended) ---
"""Pipeline reference for scband-gcnconv-15006615733818 (READ-ONLY COPY).

The authoritative reference and input builder live on the scoring server;
editing this copy changes nothing except your own understanding.
"""

import jax, jax.numpy as jnp
import numpy as np

N = 10000
E = 320000
D_IN = 128
D_OUT = 128


def setup_inputs(seed: int = 0) -> dict:
    key = jax.random.key(seed)
    k1, k2, k3 = jax.random.split(key, 3)
    x = jax.random.normal(k1, (N, D_IN), dtype=jnp.float32)
    edge_index = jax.random.randint(k2, (2, E), 0, N, dtype=jnp.int32)
    # xavier_uniform init for weight
    limit = float(np.sqrt(6.0 / (D_IN + D_OUT)))
    weight = jax.random.uniform(k3, (D_IN, D_OUT), dtype=jnp.float32, minval=-limit, maxval=limit)
    bias = jnp.zeros((D_OUT,), dtype=jnp.float32)
    return {"x": x, "edge_index": edge_index, "weight": weight, "bias": bias}


def reference(x, edge_index, weight, bias):
    num_nodes = x.shape[0]
    ei = edge_index[0]
    ej = edge_index[1]
    # degree via scatter-add of ones onto source index ei
    deg = jnp.zeros((num_nodes,), dtype=x.dtype).at[ei].add(jnp.ones((ei.shape[0],), dtype=x.dtype))
    deg_inv_sqrt = jnp.power(deg, -0.5)
    deg_inv_sqrt = jnp.where(jnp.isinf(deg_inv_sqrt), 0.0, deg_inv_sqrt)
    norm = deg_inv_sqrt[ei] * deg_inv_sqrt[ej]
    xw = jnp.matmul(x, weight)
    msgs = norm[:, None] * xw[ei]
    out = jnp.zeros_like(xw).at[ej].add(msgs)
    out = out + bias
    return out

if __name__ == "__main__":
    import jax
    _d = setup_inputs()
    print(jax.jit(kernel)(*tuple(_d.values())))

</pallas_src>

<mosaic_0001>
#map = affine_map<(d0, d1) -> (0, 0)>
#map1 = affine_map<(d0, d1) -> (0, 0, 0, 0)>
#map2 = affine_map<(d0, d1) -> (0, 0, 0)>
module attributes {stable_mosaic.version = 14 : i64} {
  func.func @_agg_body(%arg0: i32, %arg1: i32, %arg2: memref<10000x128xf32, #tpu.memory_space<hbm>>, %arg3: memref<32x10x25x40xi32, #tpu.memory_space<hbm>>, %arg4: memref<32x10x25x40xi32, #tpu.memory_space<hbm>>, %arg5: memref<640x128xf32, #tpu.memory_space<hbm>>, %arg6: memref<2x10240x128xf32, #tpu.memory_space<hbm>>, %arg7: memref<25x40xi32, #tpu.memory_space<vmem>>, %arg8: memref<25x40xi32, #tpu.memory_space<vmem>>, %arg9: memref<25x40xi32, #tpu.memory_space<vmem>>, %arg10: memref<25x40xi32, #tpu.memory_space<vmem>>, %arg11: memref<40x128xf32, #tpu.memory_space<vmem>>, %arg12: memref<40x128xf32, #tpu.memory_space<vmem>>, %arg13: memref<40x128xf32, #tpu.memory_space<vmem>>, %arg14: memref<40x128xf32, #tpu.memory_space<vmem>>, %arg15: memref<40x128xf32, #tpu.memory_space<vmem>>, %arg16: memref<40x128xf32, #tpu.memory_space<vmem>>, %arg17: memref<!tpu.dma_semaphore, #tpu.memory_space<semaphore_mem>>, %arg18: memref<!tpu.dma_semaphore, #tpu.memory_space<semaphore_mem>>, %arg19: memref<!tpu.dma_semaphore, #tpu.memory_space<semaphore_mem>>, %arg20: memref<!tpu.dma_semaphore, #tpu.memory_space<semaphore_mem>>, %arg21: memref<!tpu.dma_semaphore, #tpu.memory_space<semaphore_mem>>, %arg22: memref<!tpu.dma_semaphore, #tpu.memory_space<semaphore_mem>>, %arg23: memref<!tpu.dma_semaphore, #tpu.memory_space<semaphore_mem>>, %arg24: memref<!tpu.dma_semaphore, #tpu.memory_space<semaphore_mem>>, %arg25: memref<!tpu.dma_semaphore, #tpu.memory_space<semaphore_mem>>, %arg26: memref<10240x128xf32, #tpu.memory_space<vmem_shared>>) attributes {dimension_semantics = [#tpu.dimension_semantics<core_parallel>, #tpu.dimension_semantics<subcore_parallel>], iteration_bounds = array<i64: 2, 16>, scalar_prefetch = 0 : i64, scratch_operands = 20 : i64, tpu.core_type = #tpu.core_type<sc_vector_subcore>, window_params = [{transform_indices = #map}, {transform_indices = #map1}, {transform_indices = #map1}, {transform_indices = #map}, {transform_indices = #map2}]} {
    %mul3A = arith.constant 2 : i32
    %mul3A_0 = arith.muli %arg1, %mul3A : i32
    %add3A = arith.addi %mul3A_0, %arg0 : i32
    %mul3A_1 = arith.constant 640 : i32
    %mul3A_2 = arith.muli %arg1, %mul3A_1 : i32
    "tpu.region"() ({
      %run_scoped3A_491 = tpu.sem_alloc : memref<!tpu.dma_semaphore, #tpu.memory_space<semaphore_mem>>
      %dma_start3A_492 = arith.constant 0 : i32
      %dma_start3A_493 = tpu.memref_slice %arg26[%mul3A_2, %dma_start3A_492] : memref<10240x128xf32, #tpu.memory_space<vmem_shared>> -> memref<640x128xf32, #tpu.memory_space<vmem_shared>>
      tpu.enqueue_dma source(%arg5 : memref<640x128xf32, #tpu.memory_space<hbm>>) target(%dma_start3A_493 : memref<640x128xf32, #tpu.memory_space<vmem_shared>>) target_semaphore(%run_scoped3A_491 : memref<!tpu.dma_semaphore, #tpu.memory_space<semaphore_mem>>)
      %dma_wait3A_494 = arith.constant 0 : i32
      %dma_wait3A_495 = tpu.memref_slice %arg26[%mul3A_2, %dma_wait3A_494] : memref<10240x128xf32, #tpu.memory_space<vmem_shared>> -> memref<640x128xf32, #tpu.memory_space<vmem_shared>>
      tpu.wait_dma2 semaphore(%run_scoped3A_491 : memref<!tpu.dma_semaphore, #tpu.memory_space<semaphore_mem>>) src(%arg5 : memref<640x128xf32, #tpu.memory_space<hbm>>) dst(%dma_wait3A_495 : memref<640x128xf32, #tpu.memory_space<vmem_shared>>)
      tpu.yield
    }) : () -> ()
    %run_scoped3A = arith.constant 0 : i32
    "tpu.region"() ({
      %run_scoped3A_491 = tpu.sem_alloc : memref<!tpu.dma_semaphore, #tpu.memory_space<semaphore_mem>>
      %dma_start3A_492 = arith.constant 0 : i32
      %dma_start3A_493 = arith.constant 0 : i32
      %dma_start3A_494 = tpu.memref_slice %arg3[%add3A, %run_scoped3A, %dma_start3A_492, %dma_start3A_493] : memref<32x10x25x40xi32, #tpu.memory_space<hbm>> -> memref<1x1x25x40xi32, #tpu.memory_space<hbm>>
      %dma_start3A_495 = tpu.memref_squeeze %dma_start3A_494 : memref<1x1x25x40xi32, #tpu.memory_space<hbm>> -> memref<25x40xi32, #tpu.memory_space<hbm>>
      %dma_start3A_496 = arith.constant 0 : i32
      %dma_start3A_497 = arith.constant 0 : i32
      %dma_start3A_498 = tpu.memref_slice %arg3[%add3A, %run_scoped3A, %dma_start3A_496, %dma_start3A_497] : memref<32x10x25x40xi32, #tpu.memory_space<hbm>> -> memref<1x1x25x40xi32, #tpu.memory_space<hbm>>
      %dma_start3A_499 = tpu.memref_squeeze %dma_start3A_498 : memref<1x1x25x40xi32, #tpu.memory_space<hbm>> -> memref<25x40xi32, #tpu.memory_space<hbm>>
      tpu.enqueue_dma source(%dma_start3A_499 : memref<25x40xi32, #tpu.memory_space<hbm>>) target(%arg7 : memref<25x40xi32, #tpu.memory_space<vmem>>) target_semaphore(%run_scoped3A_491 : memref<!tpu.dma_semaphore, #tpu.memory_space<semaphore_mem>>)
      %dma_wait3A_500 = arith.constant 0 : i32
      %dma_wait3A_501 = arith.constant 0 : i32
      %dma_wait3A_502 = tpu.memref_slice %arg3[%add3A, %run_scoped3A, %dma_wait3A_500, %dma_wait3A_501] : memref<32x10x25x40xi32, #tpu.memory_space<hbm>> -> memref<1x1x25x40xi32, #tpu.memory_space<hbm>>
      %dma_wait3A_503 = tpu.memref_squeeze %dma_wait3A_502 : memref<1x1x25x40xi32, #tpu.memory_space<hbm>> -> memref<25x40xi32, #tpu.memory_space<hbm>>
      %dma_wait3A_504 = arith.constant 0 : i32
      %dma_wait3A_505 = arith.constant 0 : i32
      %dma_wait3A_506 = tpu.memref_slice %arg3[%add3A, %run_scoped3A, %dma_wait3A_504, %dma_wait3A_505] : memref<32x10x25x40xi32, #tpu.memory_space<hbm>> -> memref<1x1x25x40xi32, #tpu.memory_space<hbm>>
      %dma_wait3A_507 = tpu.memref_squeeze %dma_wait3A_506 : memref<1x1x25x40xi32, #tpu.memory_space<hbm>> -> memref<25x40xi32, #tpu.memory_space<hbm>>
      tpu.wait_dma2 semaphore(%run_scoped3A_491 : memref<!tpu.dma_semaphore, #tpu.memory_space<semaphore_mem>>) src(%dma_wait3A_507 : memref<25x40xi32, #tpu.memory_space<hbm>>) dst(%arg7 : memref<25x40xi32, #tpu.memory_space<vmem>>)
      tpu.yield
    }) : () -> ()
    %run_scoped3A_3 = arith.constant 0 : i32
    "tpu.region"() ({
      %run_scoped3A_491 = tpu.sem_alloc : memref<!tpu.dma_semaphore, #tpu.memory_space<semaphore_mem>>
      %dma_start3A_492 = arith.constant 0 : i32
      %dma_start3A_493 = arith.constant 0 : i32
      %dma_start3A_494 = tpu.memref_slice %arg4[%add3A, %run_scoped3A_3, %dma_start3A_492, %dma_start3A_493] : memref<32x10x25x40xi32, #tpu.memory_space<hbm>> -> memref<1x1x25x40xi32, #tpu.memory_space<hbm>>
      %dma_start3A_495 = tpu.memref_squeeze %dma_start3A_494 : memref<1x1x25x40xi32, #tpu.memory_space<hbm>> -> memref<25x40xi32, #tpu.memory_space<hbm>>
      %dma_start3A_496 = arith.constant 0 : i32
      %dma_start3A_497 = arith.constant 0 : i32
      %dma_start3A_498 = tpu.memref_slice %arg4[%add3A, %run_scoped3A_3, %dma_start3A_496, %dma_start3A_497] : memref<32x10x25x40xi32, #tpu.memory_space<hbm>> -> memref<1x1x25x40xi32, #tpu.memory_space<hbm>>
      %dma_start3A_499 = tpu.memref_squeeze %dma_start3A_498 : memref<1x1x25x40xi32, #tpu.memory_space<hbm>> -> memref<25x40xi32, #tpu.memory_space<hbm>>
      tpu.enqueue_dma source(%dma_start3A_499 : memref<25x40xi32, #tpu.memory_space<hbm>>) target(%arg9 : memref<25x40xi32, #tpu.memory_space<vmem>>) target_semaphore(%run_scoped3A_491 : memref<!tpu.dma_semaphore, #tpu.memory_space<semaphore_mem>>)
      %dma_wait3A_500 = arith.constant 0 : i32
      %dma_wait3A_501 = arith.constant 0 : i32
      %dma_wait3A_502 = tpu.memref_slice %arg4[%add3A, %run_scoped3A_3, %dma_wait3A_500, %dma_wait3A_501] : memref<32x10x25x40xi32, #tpu.memory_space<hbm>> -> memref<1x1x25x40xi32, #tpu.memory_space<hbm>>
      %dma_wait3A_503 = tpu.memref_squeeze %dma_wait3A_502 : memref<1x1x25x40xi32, #tpu.memory_space<hbm>> -> memref<25x40xi32, #tpu.memory_space<hbm>>
      %dma_wait3A_504 = arith.constant 0 : i32
      %dma_wait3A_505 = arith.constant 0 : i32
      %dma_wait3A_506 = tpu.memref_slice %arg4[%add3A, %run_scoped3A_3, %dma_wait3A_504, %dma_wait3A_505] : memref<32x10x25x40xi32, #tpu.memory_space<hbm>> -> memref<1x1x25x40xi32, #tpu.memory_space<hbm>>
      %dma_wait3A_507 = tpu.memref_squeeze %dma_wait3A_506 : memref<1x1x25x40xi32, #tpu.memory_space<hbm>> -> memref<25x40xi32, #tpu.memory_space<hbm>>
      tpu.wait_dma2 semaphore(%run_scoped3A_491 : memref<!tpu.dma_semaphore, #tpu.memory_space<semaphore_mem>>) src(%dma_wait3A_507 : memref<25x40xi32, #tpu.memory_space<hbm>>) dst(%arg9 : memref<25x40xi32, #tpu.memory_space<vmem>>)
      tpu.yield
    }) : () -> ()
    %barrier3A = arith.constant 0 : index
    tpu.barrier barrier_id(%barrier3A)
    %scan3A = arith.constant 0 : i32
    %scan3A_4 = arith.constant 4 : i32
    %scan3A_5 = arith.addi %scan3A, %scan3A_4 : i32
    %scan3A_6 = arith.constant 1 : i32
    scf.for %scan3A_491 = %scan3A to %scan3A_5 step %scan3A_6  : i32 {
      %mul3A_492 = arith.constant 2 : i32
      %mul3A_493 = arith.muli %scan3A_491, %mul3A_492 : i32
      %add3A_494 = arith.constant 0 : i32
      %add3A_495 = arith.addi %add3A_494, %mul3A_493 : i32
      %add3A_496 = arith.constant 1 : i32
      %add3A_497 = arith.addi %add3A_495, %add3A_496 : i32
      %dma_start3A_498 = arith.constant 0 : i32
      %dma_start3A_499 = arith.constant 0 : i32
      %dma_start3A_500 = tpu.memref_slice %arg3[%add3A, %add3A_497, %dma_start3A_498, %dma_start3A_499] : memref<32x10x25x40xi32, #tpu.memory_space<hbm>> -> memref<1x1x25x40xi32, #tpu.memory_space<hbm>>
      %dma_start3A_501 = tpu.memref_squeeze %dma_start3A_500 : memref<1x1x25x40xi32, #tpu.memory_space<hbm>> -> memref<25x40xi32, #tpu.memory_space<hbm>>
      %dma_start3A_502 = arith.constant 0 : i32
      %dma_start3A_503 = arith.constant 0 : i32
      %dma_start3A_504 = tpu.memref_slice %arg3[%add3A, %add3A_497, %dma_start3A_502, %dma_start3A_503] : memref<32x10x25x40xi32, #tpu.memory_space<hbm>> -> memref<1x1x25x40xi32, #tpu.memory_space<hbm>>
      %dma_start3A_505 = tpu.memref_squeeze %dma_start3A_504 : memref<1x1x25x40xi32, #tpu.memory_space<hbm>> -> memref<25x40xi32, #tpu.memory_space<hbm>>
      tpu.enqueue_dma source(%dma_start3A_505 : memref<25x40xi32, #tpu.memory_space<hbm>>) target(%arg8 : memref<25x40xi32, #tpu.memory_space<vmem>>) target_semaphore(%arg17 : memref<!tpu.dma_semaphore, #tpu.memory_space<semaphore_mem>>)
      %dma_start3A_506 = arith.constant 0 : i32
      %dma_start3A_507 = arith.constant 0 : i32
      %dma_start3A_508 = tpu.memref_slice %arg4[%add3A, %add3A_497, %dma_start3A_506, %dma_start3A_507] : memref<32x10x25x40xi32, #tpu.memory_space<hbm>> -> memref<1x1x25x40xi32, #tpu.memory_space<hbm>>
      %dma_start3A_509 = tpu.memref_squeeze %dma_start3A_508 : memref<1x1x25x40xi32, #tpu.memory_space<hbm>> -> memref<25x40xi32, #tpu.memory_space<hbm>>
      %dma_start3A_510 = arith.constant 0 : i32
      %dma_start3A_511 = arith.constant 0 : i32
      %dma_start3A_512 = tpu.memref_slice %arg4[%add3A, %add3A_497, %dma_start3A_510, %dma_start3A_511] : memref<32x10x25x40xi32, #tpu.memory_space<hbm>> -> memref<1x1x25x40xi32, #tpu.memory_space<hbm>>
      %dma_start3A_513 = tpu.memref_squeeze %dma_start3A_512 : memref<1x1x25x40xi32, #tpu.memory_space<hbm>> -> memref<25x40xi32, #tpu.memory_space<hbm>>
      tpu.enqueue_dma source(%dma_start3A_513 : memref<25x40xi32, #tpu.memory_space<hbm>>) target(%arg10 : memref<25x40xi32, #tpu.memory_space<vmem>>) target_semaphore(%arg18 : memref<!tpu.dma_semaphore, #tpu.memory_space<semaphore_mem>>)
      %dma_start3A_514 = arith.constant 0 : i32
      %dma_start3A_515 = arith.constant 0 : i32
      %dma_start3A_516 = tpu.memref_slice %arg7[%dma_start3A_514, %dma_start3A_515] : memref<25x40xi32, #tpu.memory_space<vmem>> -> memref<1x40xi32, #tpu.memory_space<vmem>>
      %dma_start3A_517 = tpu.memref_squeeze %dma_start3A_516 : memref<1x40xi32, #tpu.memory_space<vmem>> -> memref<40xi32, #tpu.memory_space<vmem>>
      %dma_start3A_518 = arith.constant 0 : i32
      %dma_start3A_519 = arith.constant 0 : i32
      %dma_start3A_520 = tpu.memref_slice %arg2[%dma_start3A_518, %dma_start3A_519] : memref<10000x128xf32, #tpu.memory_space<hbm>> -> memref<10000x128xf32, #tpu.memory_space<hbm>>
      tpu.enqueue_indirect_dma source(%dma_start3A_520 : memref<10000x128xf32, #tpu.memory_space<hbm>>) target(%arg11 : memref<40x128xf32, #tpu.memory_space<vmem>>) offsets(%dma_start3A_517 : memref<40xi32, #tpu.memory_space<vmem>>) semaphore(%arg20 : memref<!tpu.dma_semaphore, #tpu.memory_space<semaphore_mem>>)
      %dma_start3A_521 = arith.constant 1 : i32
      %dma_start3A_522 = arith.constant 0 : i32
      %dma_start3A_523 = tpu.memref_slice %arg7[%dma_start3A_521, %dma_start3A_522] : memref<25x40xi32, #tpu.memory_space<vmem>> -> memref<1x40xi32, #tpu.memory_space<vmem>>
      %dma_start3A_524 = tpu.memref_squeeze %dma_start3A_523 : memref<1x40xi32, #tpu.memory_space<vmem>> -> memref<40xi32, #tpu.memory_space<vmem>>
      %dma_start3A_525 = arith.constant 0 : i32
      %dma_start3A_526 = arith.constant 0 : i32
      %dma_start3A_527 = tpu.memref_slice %arg2[%dma_start3A_525, %dma_start3A_526] : memref<10000x128xf32, #tpu.memory_space<hbm>> -> memref<10000x128xf32, #tpu.memory_space<hbm>>
      tpu.enqueue_indirect_dma source(%dma_start3A_527 : memref<10000x128xf32, #tpu.memory_space<hbm>>) target(%arg12 : memref<40x128xf32, #tpu.memory_space<vmem>>) offsets(%dma_start3A_524 : memref<40xi32, #tpu.memory_space<vmem>>) semaphore(%arg21 : memref<!tpu.dma_semaphore, #tpu.memory_space<semaphore_mem>>)
      %dma_start3A_528 = arith.constant 2 : i32
      %dma_start3A_529 = arith.constant 0 : i32
      %dma_start3A_530 = tpu.memref_slice %arg7[%dma_start3A_528, %dma_start3A_529] : memref<25x40xi32, #tpu.memory_space<vmem>> -> memref<1x40xi32, #tpu.memory_space<vmem>>
      %dma_start3A_531 = tpu.memref_squeeze %dma_start3A_530 : memref<1x40xi32, #tpu.memory_space<vmem>> -> memref<40xi32, #tpu.memory_space<vmem>>
      %dma_start3A_532 = arith.constant 0 : i32
      %dma_start3A_533 = arith.constant 0 : i32
      %dma_start3A_534 = tpu.memref_slice %arg2[%dma_start3A_532, %dma_start3A_533] : memref<10000x128xf32, #tpu.memory_space<hbm>> -> memref<10000x128xf32, #tpu.memory_space<hbm>>
      tpu.enqueue_indirect_dma source(%dma_start3A_534 : memref<10000x128xf32, #tpu.memory_space<hbm>>) target(%arg13 : memref<40x128xf32, #tpu.memory_space<vmem>>) offsets(%dma_start3A_531 : memref<40xi32, #tpu.memory_space<vmem>>) semaphore(%arg22 : memref<!tpu.dma_semaphore, #tpu.memory_space<semaphore_mem>>)
      %scan3A_535 = arith.constant 0 : i32
      %scan3A_536 = arith.constant 3 : i32
      %scan3A_537 = arith.addi %scan3A_535, %scan3A_536 : i32
      %scan3A_538 = arith.constant 1 : i32
      scf.for %scan3A_1010 = %scan3A_535 to %scan3A_537 step %scan3A_538  : i32 {
        %mul3A_1011 = arith.constant 6 : i32
        %mul3A_1012 = arith.muli %scan3A_1010, %mul3A_1011 : i32
        %add3A_1013 = arith.constant 0 : i32
        %add3A_1014 = arith.addi %add3A_1013, %mul3A_1012 : i32
        %add3A_1015 = arith.constant 3 : i32
        %add3A_1016 = arith.addi %add3A_1014, %add3A_1015 : i32
        %add3A_1017 = arith.constant 0 : i32
        %add3A_1018 = arith.addi %add3A_1016, %add3A_1017 : i32
        %dma_start3A_1019 = arith.constant 0 : i32
        %dma_start3A_1020 = tpu.memref_slice %arg7[%add3A_1018, %dma_start3A_1019] : memref<25x40xi32, #tpu.memory_space<vmem>> -> memref<1x40xi32, #tpu.memory_space<vmem>>
        %dma_start3A_1021 = tpu.memref_squeeze %dma_start3A_1020 : memref<1x40xi32, #tpu.memory_space<vmem>> -> memref<40xi32, #tpu.memory_space<vmem>>
        %dma_start3A_1022 = arith.constant 0 : i32
        %dma_start3A_1023 = arith.constant 0 : i32
        %dma_start3A_1024 = tpu.memref_slice %arg2[%dma_start3A_1022, %dma_start3A_1023] : memref<10000x128xf32, #tpu.memory_space<hbm>> -> memref<10000x128xf32, #tpu.memory_space<hbm>>
        tpu.enqueue_indirect_dma source(%dma_start3A_1024 : memref<10000x128xf32, #tpu.memory_space<hbm>>) target(%arg14 : memref<40x128xf32, #tpu.memory_space<vmem>>) offsets(%dma_start3A_1021 : memref<40xi32, #tpu.memory_space<vmem>>) semaphore(%arg23 : memref<!tpu.dma_semaphore, #tpu.memory_space<semaphore_mem>>)
        %add3A_1025 = arith.constant 1 : i32
        %add3A_1026 = arith.addi %add3A_1016, %add3A_1025 : i32
        %dma_start3A_1027 = arith.constant 0 : i32
        %dma_start3A_1028 = tpu.memref_slice %arg7[%add3A_1026, %dma_start3A_1027] : memref<25x40xi32, #tpu.memory_space<vmem>> -> memref<1x40xi32, #tpu.memory_space<vmem>>
        %dma_start3A_1029 = tpu.memref_squeeze %dma_start3A_1028 : memref<1x40xi32, #tpu.memory_space<vmem>> -> memref<40xi32, #tpu.memory_space<vmem>>
        %dma_start3A_1030 = arith.constant 0 : i32
        %dma_start3A_1031 = arith.constant 0 : i32
        %dma_start3A_1032 = tpu.memref_slice %arg2[%dma_start3A_1030, %dma_start3A_1031] : memref<10000x128xf32, #tpu.memory_space<hbm>> -> memref<10000x128xf32, #tpu.memory_space<hbm>>
        tpu.enqueue_indirect_dma source(%dma_start3A_1032 : memref<10000x128xf32, #tpu.memory_space<hbm>>) target(%arg15 : memref<40x128xf32, #tpu.memory_space<vmem>>) offsets(%dma_start3A_1029 : memref<40xi32, #tpu.memory_space<vmem>>) semaphore(%arg24 : memref<!tpu.dma_semaphore, #tpu.memory_space<semaphore_mem>>)
        %add3A_1033 = arith.constant 2 : i32
        %add3A_1034 = arith.addi %add3A_1016, %add3A_1033 : i32
        %dma_start3A_1035 = arith.constant 0 : i32
        %dma_start3A_1036 = tpu.memref_slice %arg7[%add3A_1034, %dma_start3A_1035] : memref<25x40xi32, #tpu.memory_space<vmem>> -> memref<1x40xi32, #tpu.memory_space<vmem>>
        %dma_start3A_1037 = tpu.memref_squeeze %dma_start3A_1036 : memref<1x40xi32, #tpu.memory_space<vmem>> -> memref<40xi32, #tpu.memory_space<vmem>>
        %dma_start3A_1038 = arith.constant 0 : i32
        %dma_start3A_1039 = arith.constant 0 : i32
        %dma_start3A_1040 = tpu.memref_slice %arg2[%dma_start3A_1038, %dma_start3A_1039] : memref<10000x128xf32, #tpu.memory_space<hbm>> -> memref<10000x128xf32, #tpu.memory_space<hbm>>
        tpu.enqueue_indirect_dma source(%dma_start3A_1040 : memref<10000x128xf32, #tpu.memory_space<hbm>>) target(%arg16 : memref<40x128xf32, #tpu.memory_space<vmem>>) offsets(%dma_start3A_1037 : memref<40xi32, #tpu.memory_space<vmem>>) semaphore(%arg25 : memref<!tpu.dma_semaphore, #tpu.memory_space<semaphore_mem>>)
        %add3A_1041 = arith.constant 0 : i32
        %add3A_1042 = arith.addi %add3A_1014, %add3A_1041 : i32
        %dma_wait3A_1043 = arith.constant 0 : i32
        %dma_wait3A_1044 = tpu.memref_slice %arg7[%add3A_1042, %dma_wait3A_1043] : memref<25x40xi32, #tpu.memory_space<vmem>> -> memref<1x40xi32, #tpu.memory_space<vmem>>
        %dma_wait3A_1045 = tpu.memref_squeeze %dma_wait3A_1044 : memref<1x40xi32, #tpu.memory_space<vmem>> -> memref<40xi32, #tpu.memory_space<vmem>>
        %dma_wait3A_1046 = arith.constant 0 : i32
        %dma_wait3A_1047 = arith.constant 0 : i32
        %dma_wait3A_1048 = tpu.memref_slice %arg2[%dma_wait3A_1046, %dma_wait3A_1047] : memref<10000x128xf32, #tpu.memory_space<hbm>> -> memref<10000x128xf32, #tpu.memory_space<hbm>>
        tpu.wait_indirect_dma semaphore(%arg20 : memref<!tpu.dma_semaphore, #tpu.memory_space<semaphore_mem>>) src(%dma_wait3A_1048 : memref<10000x128xf32, #tpu.memory_space<hbm>>) dst(%arg11 : memref<40x128xf32, #tpu.memory_space<vmem>>)
        %add3A_1049 = arith.constant 1 : i32
        %add3A_1050 = arith.addi %add3A_1014, %add3A_1049 : i32
        %dma_wait3A_1051 = arith.constant 0 : i32
        %dma_wait3A_1052 = tpu.memref_slice %arg7[%add3A_1050, %dma_wait3A_1051] : memref<25x40xi32, #tpu.memory_space<vmem>> -> memref<1x40xi32, #tpu.memory_space<vmem>>
        %dma_wait3A_1053 = tpu.memref_squeeze %dma_wait3A_1052 : memref<1x40xi32, #tpu.memory_space<vmem>> -> memref<40xi32, #tpu.memory_space<vmem>>
        %dma_wait3A_1054 = arith.constant 0 : i32
        %dma_wait3A_1055 = arith.constant 0 : i32
        %dma_wait3A_1056 = tpu.memref_slice %arg2[%dma_wait3A_1054, %dma_wait3A_1055] : memref<10000x128xf32, #tpu.memory_space<hbm>> -> memref<10000x128xf32, #tpu.memory_space<hbm>>
        tpu.wait_indirect_dma semaphore(%arg21 : memref<!tpu.dma_semaphore, #tpu.memory_space<semaphore_mem>>) src(%dma_wait3A_1056 : memref<10000x128xf32, #tpu.memory_space<hbm>>) dst(%arg12 : memref<40x128xf32, #tpu.memory_space<vmem>>)
        %add3A_1057 = arith.constant 2 : i32
        %add3A_1058 = arith.addi %add3A_1014, %add3A_1057 : i32
        %dma_wait3A_1059 = arith.constant 0 : i32
        %dma_wait3A_1060 = tpu.memref_slice %arg7[%add3A_1058, %dma_wait3A_1059] : memref<25x40xi32, #tpu.memory_space<vmem>> -> memref<1x40xi32, #tpu.memory_space<vmem>>
        %dma_wait3A_1061 = tpu.memref_squeeze %dma_wait3A_1060 : memref<1x40xi32, #tpu.memory_space<vmem>> -> memref<40xi32, #tpu.memory_space<vmem>>
        %dma_wait3A_1062 = arith.constant 0 : i32
        %dma_wait3A_1063 = arith.constant 0 : i32
        %dma_wait3A_1064 = tpu.memref_slice %arg2[%dma_wait3A_1062, %dma_wait3A_1063] : memref<10000x128xf32, #tpu.memory_space<hbm>> -> memref<10000x128xf32, #tpu.memory_space<hbm>>
        tpu.wait_indirect_dma semaphore(%arg22 : memref<!tpu.dma_semaphore, #tpu.memory_space<semaphore_mem>>) src(%dma_wait3A_1064 : memref<10000x128xf32, #tpu.memory_space<hbm>>) dst(%arg13 : memref<40x128xf32, #tpu.memory_space<vmem>>)
        %add3A_1065 = arith.constant 0 : i32
        %add3A_1066 = arith.addi %add3A_1014, %add3A_1065 : i32
        %dma_start3A_1067 = arith.constant 0 : i32
        %dma_start3A_1068 = tpu.memref_slice %arg9[%add3A_1066, %dma_start3A_1067] : memref<25x40xi32, #tpu.memory_space<vmem>> -> memref<1x40xi32, #tpu.memory_space<vmem>>
        %dma_start3A_1069 = tpu.memref_squeeze %dma_start3A_1068 : memref<1x40xi32, #tpu.memory_space<vmem>> -> memref<40xi32, #tpu.memory_space<vmem>>
        %dma_start3A_1070 = arith.constant 0 : i32
        %dma_start3A_1071 = arith.constant 0 : i32
        %dma_start3A_1072 = tpu.memref_slice %arg26[%dma_start3A_1070, %dma_start3A_1071] : memref<10240x128xf32, #tpu.memory_space<vmem_shared>> -> memref<10240x128xf32, #tpu.memory_space<vmem_shared>>
        tpu.enqueue_indirect_dma source(%arg11 : memref<40x128xf32, #tpu.memory_space<vmem>>) target(%dma_start3A_1072 : memref<10240x128xf32, #tpu.memory_space<vmem_shared>>) offsets(%dma_start3A_1069 : memref<40xi32, #tpu.memory_space<vmem>>) semaphore(%arg19 : memref<!tpu.dma_semaphore, #tpu.memory_space<semaphore_mem>>) {add = true}
        %add3A_1073 = arith.constant 1 : i32
        %add3A_1074 = arith.addi %add3A_1014, %add3A_1073 : i32
        %dma_start3A_1075 = arith.constant 0 : i32
        %dma_start3A_1076 = tpu.memref_slice %arg9[%add3A_1074, %dma_start3A_1075] : memref<25x40xi32, #tpu.memory_space<vmem>> -> memref<1x40xi32, #tpu.memory_space<vmem>>
        %dma_start3A_1077 = tpu.memref_squeeze %dma_start3A_1076 : memref<1x40xi32, #tpu.memory_space<vmem>> -> memref<40xi32, #tpu.memory_space<vmem>>
        %dma_start3A_1078 = arith.constant 0 : i32
        %dma_start3A_1079 = arith.constant 0 : i32
        %dma_start3A_1080 = tpu.memref_slice %arg26[%dma_start3A_1078, %dma_start3A_1079] : memref<10240x128xf32, #tpu.memory_space<vmem_shared>> -> memref<10240x128xf32, #tpu.memory_space<vmem_shared>>
        tpu.enqueue_indirect_dma source(%arg12 : memref<40x128xf32, #tpu.memory_space<vmem>>) target(%dma_start3A_1080 : memref<10240x128xf32, #tpu.memory_space<vmem_shared>>) offsets(%dma_start3A_1077 : memref<40xi32, #tpu.memory_space<vmem>>) semaphore(%arg19 : memref<!tpu.dma_semaphore, #tpu.memory_space<semaphore_mem>>) {add = true}
        %add3A_1081 = arith.constant 2 : i32
        %add3A_1082 = arith.addi %add3A_1014, %add3A_1081 : i32
        %dma_start3A_1083 = arith.constant 0 : i32
        %dma_start3A_1084 = tpu.memref_slice %arg9[%add3A_1082, %dma_start3A_1083] : memref<25x40xi32, #tpu.memory_space<vmem>> -> memref<1x40xi32, #tpu.memory_space<vmem>>
        %dma_start3A_1085 = tpu.memref_squeeze %dma_start3A_1084 : memref<1x40xi32, #tpu.memory_space<vmem>> -> memref<40xi32, #tpu.memory_space<vmem>>
        %dma_start3A_1086 = arith.constant 0 : i32
        %dma_start3A_1087 = arith.constant 0 : i32
        %dma_start3A_1088 = tpu.memref_slice %arg26[%dma_start3A_1086, %dma_start3A_1087] : memref<10240x128xf32, #tpu.memory_space<vmem_shared>> -> memref<10240x128xf32, #tpu.memory_space<vmem_shared>>
        tpu.enqueue_indirect_dma source(%arg13 : memref<40x128xf32, #tpu.memory_space<vmem>>) target(%dma_start3A_1088 : memref<10240x128xf32, #tpu.memory_space<vmem_shared>>) offsets(%dma_start3A_1085 : memref<40xi32, #tpu.memory_space<vmem>>) semaphore(%arg19 : memref<!tpu.dma_semaphore, #tpu.memory_space<semaphore_mem>>) {add = true}
        %dma_wait3A_1089 = arith.constant 0 : i32
        %dma_wait3A_1090 = tpu.memref_slice %arg9[%add3A_1066, %dma_wait3A_1089] : memref<25x40xi32, #tpu.memory_space<vmem>> -> memref<1x40xi32, #tpu.memory_space<vmem>>
        %dma_wait3A_1091 = tpu.memref_squeeze %dma_wait3A_1090 : memref<1x40xi32, #tpu.memory_space<vmem>> -> memref<40xi32, #tpu.memory_space<vmem>>
        %dma_wait3A_1092 = arith.constant 0 : i32
        %dma_wait3A_1093 = arith.constant 0 : i32
        %dma_wait3A_1094 = tpu.memref_slice %arg26[%dma_wait3A_1092, %dma_wait3A_1093] : memref<10240x128xf32, #tpu.memory_space<vmem_shared>> -> memref<10240x128xf32, #tpu.memory_space<vmem_shared>>
        tpu.wait_indirect_dma semaphore(%arg19 : memref<!tpu.dma_semaphore, #tpu.memory_space<semaphore_mem>>) src(%arg11 : memref<40x128xf32, #tpu.memory_space<vmem>>) dst(%dma_wait3A_1094 : memref<10240x128xf32, #tpu.memory_space<vmem_shared>>)
        %dma_wait3A_1095 = arith.constant 0 : i32
        %dma_wait3A_1096 = tpu.memref_slice %arg9[%add3A_1074, %dma_wait3A_1095] : memref<25x40xi32, #tpu.memory_space<vmem>> -> memref<1x40xi32, #tpu.memory_space<vmem>>
        %dma_wait3A_1097 = tpu.memref_squeeze %dma_wait3A_1096 : memref<1x40xi32, #tpu.memory_space<vmem>> -> memref<40xi32, #tpu.memory_space<vmem>>
        %dma_wait3A_1098 = arith.constant 0 : i32
        %dma_wait3A_1099 = arith.constant 0 : i32
        %dma_wait3A_1100 = tpu.memref_slice %arg26[%dma_wait3A_1098, %dma_wait3A_1099] : memref<10240x128xf32, #tpu.memory_space<vmem_shared>> -> memref<10240x128xf32, #tpu.memory_space<vmem_shared>>
        tpu.wait_indirect_dma semaphore(%arg19 : memref<!tpu.dma_semaphore, #tpu.memory_space<semaphore_mem>>) src(%arg12 : memref<40x128xf32, #tpu.memory_space<vmem>>) dst(%dma_wait3A_1100 : memref<10240x128xf32, #tpu.memory_space<vmem_shared>>)
        %dma_wait3A_1101 = arith.constant 0 : i32
        %dma_wait3A_1102 = tpu.memref_slice %arg9[%add3A_1082, %dma_wait3A_1101] : memref<25x40xi32, #tpu.memory_space<vmem>> -> memref<1x40xi32, #tpu.memory_space<vmem>>
        %dma_wait3A_1103 = tpu.memref_squeeze %dma_wait3A_1102 : memref<1x40xi32, #tpu.memory_space<vmem>> -> memref<40xi32, #tpu.memory_space<vmem>>
        %dma_wait3A_1104 = arith.constant 0 : i32
        %dma_wait3A_1105 = arith.constant 0 : i32
        %dma_wait3A_1106 = tpu.memref_slice %arg26[%dma_wait3A_1104, %dma_wait3A_1105] : memref<10240x128xf32, #tpu.memory_space<vmem_shared>> -> memref<10240x128xf32, #tpu.memory_space<vmem_shared>>
        tpu.wait_indirect_dma semaphore(%arg19 : memref<!tpu.dma_semaphore, #tpu.memory_space<semaphore_mem>>) src(%arg13 : memref<40x128xf32, #tpu.memory_space<vmem>>) dst(%dma_wait3A_1106 : memref<10240x128xf32, #tpu.memory_space<vmem_shared>>)
        %add3A_1107 = arith.constant 6 : i32
        %add3A_1108 = arith.addi %add3A_1014, %add3A_1107 : i32
        %lt3A = arith.constant 18 : i32
        %lt3A_1109 = arith.cmpi slt, %add3A_1108, %lt3A : i32
        %convert_element_type3A = arith.extui %lt3A_1109 : i1 to i32
        %cond3A = arith.constant 0 : i32
        %cond3A_1110 = arith.cmpi ne, %convert_element_type3A, %cond3A : i32
        scf.if %cond3A_1110 {
          %add3A_1173 = arith.constant 6 : i32
          %add3A_1174 = arith.addi %add3A_1014, %add3A_1173 : i32
          %add3A_1175 = arith.constant 0 : i32
          %add3A_1176 = arith.addi %add3A_1174, %add3A_1175 : i32
          %dma_start3A_1177 = arith.constant 0 : i32
          %dma_start3A_1178 = tpu.memref_slice %arg7[%add3A_1176, %dma_start3A_1177] : memref<25x40xi32, #tpu.memory_space<vmem>> -> memref<1x40xi32, #tpu.memory_space<vmem>>
          %dma_start3A_1179 = tpu.memref_squeeze %dma_start3A_1178 : memref<1x40xi32, #tpu.memory_space<vmem>> -> memref<40xi32, #tpu.memory_space<vmem>>
          %dma_start3A_1180 = arith.constant 0 : i32
          %dma_start3A_1181 = arith.constant 0 : i32
          %dma_start3A_1182 = tpu.memref_slice %arg2[%dma_start3A_1180, %dma_start3A_1181] : memref<10000x128xf32, #tpu.memory_space<hbm>> -> memref<10000x128xf32, #tpu.memory_space<hbm>>
          tpu.enqueue_indirect_dma source(%dma_start3A_1182 : memref<10000x128xf32, #tpu.memory_space<hbm>>) target(%arg11 : memref<40x128xf32, #tpu.memory_space<vmem>>) offsets(%dma_start3A_1179 : memref<40xi32, #tpu.memory_space<vmem>>) semaphore(%arg20 : memref<!tpu.dma_semaphore, #tpu.memory_space<semaphore_mem>>)
          %add3A_1183 = arith.constant 1 : i32
          %add3A_1184 = arith.addi %add3A_1174, %add3A_1183 : i32
          %dma_start3A_1185 = arith.constant 0 : i32
          %dma_start3A_1186 = tpu.memref_slice %arg7[%add3A_1184, %dma_start3A_1185] : memref<25x40xi32, #tpu.memory_space<vmem>> -> memref<1x40xi32, #tpu.memory_space<vmem>>
          %dma_start3A_1187 = tpu.memref_squeeze %dma_start3A_1186 : memref<1x40xi32, #tpu.memory_space<vmem>> -> memref<40xi32, #tpu.memory_space<vmem>>
          %dma_start3A_1188 = arith.constant 0 : i32
          %dma_start3A_1189 = arith.constant 0 : i32
          %dma_start3A_1190 = tpu.memref_slice %arg2[%dma_start3A_1188, %dma_start3A_1189] : memref<10000x128xf32, #tpu.memory_space<hbm>> -> memref<10000x128xf32, #tpu.memory_space<hbm>>
          tpu.enqueue_indirect_dma source(%dma_start3A_1190 : memref<10000x128xf32, #tpu.memory_space<hbm>>) target(%arg12 : memref<40x128xf32, #tpu.memory_space<vmem>>) offsets(%dma_start3A_1187 : memref<40xi32, #tpu.memory_space<vmem>>) semaphore(%arg21 : memref<!tpu.dma_semaphore, #tpu.memory_space<semaphore_mem>>)
          %add3A_1191 = arith.constant 2 : i32
          %add3A_1192 = arith.addi %add3A_1174, %add3A_1191 : i32
          %dma_start3A_1193 = arith.constant 0 : i32
          %dma_start3A_1194 = tpu.memref_slice %arg7[%add3A_1192, %dma_start3A_1193] : memref<25x40xi32, #tpu.memory_space<vmem>> -> memref<1x40xi32, #tpu.memory_space<vmem>>
          %dma_start3A_1195 = tpu.memref_squeeze %dma_start3A_1194 : memref<1x40xi32, #tpu.memory_space<vmem>> -> memref<40xi32, #tpu.memory_space<vmem>>
          %dma_start3A_1196 = arith.constant 0 : i32
          %dma_start3A_1197 = arith.constant 0 : i32
          %dma_start3A_1198 = tpu.memref_slice %arg2[%dma_start3A_1196, %dma_start3A_1197] : memref<10000x128xf32, #tpu.memory_space<hbm>> -> memref<10000x128xf32, #tpu.memory_space<hbm>>
          tpu.enqueue_indirect_dma source(%dma_start3A_1198 : memref<10000x128xf32, #tpu.memory_space<hbm>>) target(%arg13 : memref<40x128xf32, #tpu.memory_space<vmem>>) offsets(%dma_start3A_1195 : memref<40xi32, #tpu.memory_space<vmem>>) semaphore(%arg22 : memref<!tpu.dma_semaphore, #tpu.memory_space<semaphore_mem>>)
        } else {
        }
        %dma_wait3A_1111 = arith.constant 0 : i32
        %dma_wait3A_1112 = tpu.memref_slice %arg7[%add3A_1018, %dma_wait3A_1111] : memref<25x40xi32, #tpu.memory_space<vmem>> -> memref<1x40xi32, #tpu.memory_space<vmem>>
        %dma_wait3A_1113 = tpu.memref_squeeze %dma_wait3A_1112 : memref<1x40xi32, #tpu.memory_space<vmem>> -> memref<40xi32, #tpu.memory_space<vmem>>
        %dma_wait3A_1114 = arith.constant 0 : i32
        %dma_wait3A_1115 = arith.constant 0 : i32
        %dma_wait3A_1116 = tpu.memref_slice %arg2[%dma_wait3A_1114, %dma_wait3A_1115] : memref<10000x128xf32, #tpu.memory_space<hbm>> -> memref<10000x128xf32, #tpu.memory_space<hbm>>
        tpu.wait_indirect_dma semaphore(%arg23 : memref<!tpu.dma_semaphore, #tpu.memory_space<semaphore_mem>>) src(%dma_wait3A_1116 : memref<10000x128xf32, #tpu.memory_space<hbm>>) dst(%arg14 : memref<40x128xf32, #tpu.memory_space<vmem>>)
        %dma_wait3A_1117 = arith.constant 0 : i32
        %dma_wait3A_1118 = tpu.memref_slice %arg7[%add3A_1026, %dma_wait3A_1117] : memref<25x40xi32, #tpu.memory_space<vmem>> -> memref<1x40xi32, #tpu.memory_space<vmem>>
        %dma_wait3A_1119 = tpu.memref_squeeze %dma_wait3A_1118 : memref<1x40xi32, #tpu.memory_space<vmem>> -> memref<40xi32, #tpu.memory_space<vmem>>
        %dma_wait3A_1120 = arith.constant 0 : i32
        %dma_wait3A_1121 = arith.constant 0 : i32
        %dma_wait3A_1122 = tpu.memref_slice %arg2[%dma_wait3A_1120, %dma_wait3A_1121] : memref<10000x128xf32, #tpu.memory_space<hbm>> -> memref<10000x128xf32, #tpu.memory_space<hbm>>
        tpu.wait_indirect_dma semaphore(%arg24 : memref<!tpu.dma_semaphore, #tpu.memory_space<semaphore_mem>>) src(%dma_wait3A_1122 : memref<10000x128xf32, #tpu.memory_space<hbm>>) dst(%arg15 : memref<40x128xf32, #tpu.memory_space<vmem>>)
        %dma_wait3A_1123 = arith.constant 0 : i32
        %dma_wait3A_1124 = tpu.memref_slice %arg7[%add3A_1034, %dma_wait3A_1123] : memref<25x40xi32, #tpu.memory_space<vmem>> -> memref<1x40xi32, #tpu.memory_space<vmem>>
        %dma_wait3A_1125 = tpu.memref_squeeze %dma_wait3A_1124 : memref<1x40xi32, #tpu.memory_space<vmem>> -> memref<40xi32, #tpu.memory_space<vmem>>
        %dma_wait3A_1126 = arith.constant 0 : i32
        %dma_wait3A_1127 = arith.constant 0 : i32
        %dma_wait3A_1128 = tpu.memref_slice %arg2[%dma_wait3A_1126, %dma_wait3A_1127] : memref<10000x128xf32, #tpu.memory_space<hbm>> -> memref<10000x128xf32, #tpu.memory_space<hbm>>
        tpu.wait_indirect_dma semaphore(%arg25 : memref<!tpu.dma_semaphore, #tpu.memory_space<semaphore_mem>>) src(%dma_wait3A_1128 : memref<10000x128xf32, #tpu.memory_space<hbm>>) dst(%arg16 : memref<40x128xf32, #tpu.memory_space<vmem>>)
        %add3A_1129 = arith.constant 3 : i32
        %add3A_1130 = arith.addi %add3A_1014, %add3A_1129 : i32
        %add3A_1131 = arith.constant 0 : i32
        %add3A_1132 = arith.addi %add3A_1130, %add3A_1131 : i32
        %dma_start3A_1133 = arith.constant 0 : i32
        %dma_start3A_1134 = tpu.memref_slice %arg9[%add3A_1132, %dma_start3A_1133] : memref<25x40xi32, #tpu.memory_space<vmem>> -> memref<1x40xi32, #tpu.memory_space<vmem>>
        %dma_start3A_1135 = tpu.memref_squeeze %dma_start3A_1134 : memref<1x40xi32, #tpu.memory_space<vmem>> -> memref<40xi32, #tpu.memory_space<vmem>>
        %dma_start3A_1136 = arith.constant 0 : i32
        %dma_start3A_1137 = arith.constant 0 : i32
        %dma_start3A_1138 = tpu.memref_slice %arg26[%dma_start3A_1136, %dma_start3A_1137] : memref<10240x128xf32, #tpu.memory_space<vmem_shared>> -> memref<10240x128xf32, #tpu.memory_space<vmem_shared>>
        tpu.enqueue_indirect_dma source(%arg14 : memref<40x128xf32, #tpu.memory_space<vmem>>) target(%dma_start3A_1138 : memref<10240x128xf32, #tpu.memory_space<vmem_shared>>) offsets(%dma_start3A_1135 : memref<40xi32, #tpu.memory_space<vmem>>) semaphore(%arg19 : memref<!tpu.dma_semaphore, #tpu.memory_space<semaphore_mem>>) {add = true}
        %add3A_1139 = arith.constant 1 : i32
        %add3A_1140 = arith.addi %add3A_1130, %add3A_1139 : i32
        %dma_start3A_1141 = arith.constant 0 : i32
        %dma_start3A_1142 = tpu.memref_slice %arg9[%add3A_1140, %dma_start3A_1141] : memref<25x40xi32, #tpu.memory_space<vmem>> -> memref<1x40xi32, #tpu.memory_space<vmem>>
        %dma_start3A_1143 = tpu.memref_squeeze %dma_start3A_1142 : memref<1x40xi32, #tpu.memory_space<vmem>> -> memref<40xi32, #tpu.memory_space<vmem>>
        %dma_start3A_1144 = arith.constant 0 : i32
        %dma_start3A_1145 = arith.constant 0 : i32
        %dma_start3A_1146 = tpu.memref_slice %arg26[%dma_start3A_1144, %dma_start3A_1145] : memref<10240x128xf32, #tpu.memory_space<vmem_shared>> -> memref<10240x128xf32, #tpu.memory_space<vmem_shared>>
        tpu.enqueue_indirect_dma source(%arg15 : memref<40x128xf32, #tpu.memory_space<vmem>>) target(%dma_start3A_1146 : memref<10240x128xf32, #tpu.memory_space<vmem_shared>>) offsets(%dma_start3A_1143 : memref<40xi32, #tpu.memory_space<vmem>>) semaphore(%arg19 : memref<!tpu.dma_semaphore, #tpu.memory_space<semaphore_mem>>) {add = true}
        %add3A_1147 = arith.constant 2 : i32
        %add3A_1148 = arith.addi %add3A_1130, %add3A_1147 : i32
        %dma_start3A_1149 = arith.constant 0 : i32
        %dma_start3A_1150 = tpu.memref_slice %arg9[%add3A_1148, %dma_start3A_1149] : memref<25x40xi32, #tpu.memory_space<vmem>> -> memref<1x40xi32, #tpu.memory_space<vmem>>
        %dma_start3A_1151 = tpu.memref_squeeze %dma_start3A_1150 : memref<1x40xi32, #tpu.memory_space<vmem>> -> memref<40xi32, #tpu.memory_space<vmem>>
        %dma_start3A_1152 = arith.constant 0 : i32
        %dma_start3A_1153 = arith.constant 0 : i32
        %dma_start3A_1154 = tpu.memref_slice %arg26[%dma_start3A_1152, %dma_start3A_1153] : memref<10240x128xf32, #tpu.memory_space<vmem_shared>> -> memref<10240x128xf32, #tpu.memory_space<vmem_shared>>
        tpu.enqueue_indirect_dma source(%arg16 : memref<40x128xf32, #tpu.memory_space<vmem>>) target(%dma_start3A_1154 : memref<10240x128xf32, #tpu.memory_space<vmem_shared>>) offsets(%dma_start3A_1151 : memref<40xi32, #tpu.memory_space<vmem>>) semaphore(%arg19 : memref<!tpu.dma_semaphore, #tpu.memory_space<semaphore_mem>>) {add = true}
        %dma_wait3A_1155 = arith.constant 0 : i32
        %dma_wait3A_1156 = tpu.memref_slice %arg9[%add3A_1132, %dma_wait3A_1155] : memref<25x40xi32, #tpu.memory_space<vmem>> -> memref<1x40xi32, #tpu.memory_space<vmem>>
        %dma_wait3A_1157 = tpu.memref_squeeze %dma_wait3A_1156 : memref<1x40xi32, #tpu.memory_space<vmem>> -> memref<40xi32, #tpu.memory_space<vmem>>
        %dma_wait3A_1158 = arith.constant 0 : i32
        %dma_wait3A_1159 = arith.constant 0 : i32
        %dma_wait3A_1160 = tpu.memref_slice %arg26[%dma_wait3A_1158, %dma_wait3A_1159] : memref<10240x128xf32, #tpu.memory_space<vmem_shared>> -> memref<10240x128xf32, #tpu.memory_space<vmem_shared>>
        tpu.wait_indirect_dma semaphore(%arg19 : memref<!tpu.dma_semaphore, #tpu.memory_space<semaphore_mem>>) src(%arg14 : memref<40x128xf32, #tpu.memory_space<vmem>>) dst(%dma_wait3A_1160 : memref<10240x128xf32, #tpu.memory_space<vmem_shared>>)
        %dma_wait3A_1161 = arith.constant 0 : i32
        %dma_wait3A_1162 = tpu.memref_slice %arg9[%add3A_1140, %dma_wait3A_1161] : memref<25x40xi32, #tpu.memory_space<vmem>> -> memref<1x40xi32, #tpu.memory_space<vmem>>
        %dma_wait3A_1163 = tpu.memref_squeeze %dma_wait3A_1162 : memref<1x40xi32, #tpu.memory_space<vmem>> -> memref<40xi32, #tpu.memory_space<vmem>>
        %dma_wait3A_1164 = arith.constant 0 : i32
        %dma_wait3A_1165 = arith.constant 0 : i32
        %dma_wait3A_1166 = tpu.memref_slice %arg26[%dma_wait3A_1164, %dma_wait3A_1165] : memref<10240x128xf32, #tpu.memory_space<vmem_shared>> -> memref<10240x128xf32, #tpu.memory_space<vmem_shared>>
        tpu.wait_indirect_dma semaphore(%arg19 : memref<!tpu.dma_semaphore, #tpu.memory_space<semaphore_mem>>) src(%arg15 : memref<40x128xf32, #tpu.memory_space<vmem>>) dst(%dma_wait3A_1166 : memref<10240x128xf32, #tpu.memory_space<vmem_shared>>)
        %dma_wait3A_1167 = arith.constant 0 : i32
        %dma_wait3A_1168 = tpu.memref_slice %arg9[%add3A_1148, %dma_wait3A_1167] : memref<25x40xi32, #tpu.memory_space<vmem>> -> memref<1x40xi32, #tpu.memory_space<vmem>>
        %dma_wait3A_1169 = tpu.memref_squeeze %dma_wait3A_1168 : memref<1x40xi32, #tpu.memory_space<vmem>> -> memref<40xi32, #tpu.memory_space<vmem>>
        %dma_wait3A_1170 = arith.constant 0 : i32
        %dma_wait3A_1171 = arith.constant 0 : i32
        %dma_wait3A_1172 = tpu.memref_slice %arg26[%dma_wait3A_1170, %dma_wait3A_1171] : memref<10240x128xf32, #tpu.memory_space<vmem_shared>> -> memref<10240x128xf32, #tpu.memory_space<vmem_shared>>
        tpu.wait_indirect_dma semaphore(%arg19 : memref<!tpu.dma_semaphore, #tpu.memory_space<semaphore_mem>>) src(%arg16 : memref<40x128xf32, #tpu.memory_space<vmem>>) dst(%dma_wait3A_1172 : memref<10240x128xf32, #tpu.memory_space<vmem_shared>>)
      }
      %scan3A_539 = arith.constant 3 : i32
      %dma_start3A_540 = arith.constant 18 : i32
      %dma_start3A_541 = arith.constant 0 : i32
      %dma_start3A_542 = tpu.memref_slice %arg7[%dma_start3A_540, %dma_start3A_541] : memref<25x40xi32, #tpu.memory_space<vmem>> -> memref<1x40xi32, #tpu.memory_space<vmem>>
      %dma_start3A_543 = tpu.memref_squeeze %dma_start3A_542 : memref<1x40xi32, #tpu.memory_space<vmem>> -> memref<40xi32, #tpu.memory_space<vmem>>
      %dma_start3A_544 = arith.constant 0 : i32
      %dma_start3A_545 = arith.constant 0 : i32
      %dma_start3A_546 = tpu.memref_slice %arg2[%dma_start3A_544, %dma_start3A_545] : memref<10000x128xf32, #tpu.memory_space<hbm>> -> memref<10000x128xf32, #tpu.memory_space<hbm>>
      tpu.enqueue_indirect_dma source(%dma_start3A_546 : memref<10000x128xf32, #tpu.memory_space<hbm>>) target(%arg11 : memref<40x128xf32, #tpu.memory_space<vmem>>) offsets(%dma_start3A_543 : memref<40xi32, #tpu.memory_space<vmem>>) semaphore(%arg20 : memref<!tpu.dma_semaphore, #tpu.memory_space<semaphore_mem>>)
      %dma_start3A_547 = arith.constant 19 : i32
      %dma_start3A_548 = arith.constant 0 : i32
      %dma_start3A_549 = tpu.memref_slice %arg7[%dma_start3A_547, %dma_start3A_548] : memref<25x40xi32, #tpu.memory_space<vmem>> -> memref<1x40xi32, #tpu.memory_space<vmem>>
      %dma_start3A_550 = tpu.memref_squeeze %dma_start3A_549 : memref<1x40xi32, #tpu.memory_space<vmem>> -> memref<40xi32, #tpu.memory_space<vmem>>
      %dma_start3A_551 = arith.constant 0 : i32
      %dma_start3A_552 = arith.constant 0 : i32
      %dma_start3A_553 = tpu.memref_slice %arg2[%dma_start3A_551, %dma_start3A_552] : memref<10000x128xf32, #tpu.memory_space<hbm>> -> memref<10000x128xf32, #tpu.memory_space<hbm>>
      tpu.enqueue_indirect_dma source(%dma_start3A_553 : memref<10000x128xf32, #tpu.memory_space<hbm>>) target(%arg12 : memref<40x128xf32, #tpu.memory_space<vmem>>) offsets(%dma_start3A_550 : memref<40xi32, #tpu.memory_space<vmem>>) semaphore(%arg21 : memref<!tpu.dma_semaphore, #tpu.memory_space<semaphore_mem>>)
      %dma_start3A_554 = arith.constant 20 : i32
      %dma_start3A_555 = arith.constant 0 : i32
      %dma_start3A_556 = tpu.memref_slice %arg7[%dma_start3A_554, %dma_start3A_555] : memref<25x40xi32, #tpu.memory_space<vmem>> -> memref<1x40xi32, #tpu.memory_space<vmem>>
      %dma_start3A_557 = tpu.memref_squeeze %dma_start3A_556 : memref<1x40xi32, #tpu.memory_space<vmem>> -> memref<40xi32, #tpu.memory_space<vmem>>
      %dma_start3A_558 = arith.constant 0 : i32
      %dma_start3A_559 = arith.constant 0 : i32
      %dma_start3A_560 = tpu.memref_slice %arg2[%dma_start3A_558, %dma_start3A_559] : memref<10000x128xf32, #tpu.memory_space<hbm>> -> memref<10000x128xf32, #tpu.memory_space<hbm>>
      tpu.enqueue_indirect_dma source(%dma_start3A_560 : memref<10000x128xf32, #tpu.memory_space<hbm>>) target(%arg13 : memref<40x128xf32, #tpu.memory_space<vmem>>) offsets(%dma_start3A_557 : memref<40xi32, #tpu.memory_space<vmem>>) semaphore(%arg22 : memref<!tpu.dma_semaphore, #tpu.memory_space<semaphore_mem>>)
      %dma_wait3A_561 = arith.constant 18 : i32
      %dma_wait3A_562 = arith.constant 0 : i32
      %dma_wait3A_563 = tpu.memref_slice %arg7[%dma_wait3A_561, %dma_wait3A_562] : memref<25x40xi32, #tpu.memory_space<vmem>> -> memref<1x40xi32, #tpu.memory_space<vmem>>
      %dma_wait3A_564 = tpu.memref_squeeze %dma_wait3A_563 : memref<1x40xi32, #tpu.memory_space<vmem>> -> memref<40xi32, #tpu.memory_space<vmem>>
      %dma_wait3A_565 = arith.constant 0 : i32
      %dma_wait3A_566 = arith.constant 0 : i32
      %dma_wait3A_567 = tpu.memref_slice %arg2[%dma_wait3A_565, %dma_wait3A_566] : memref<10000x128xf32, #tpu.memory_space<hbm>> -> memref<10000x128xf32, #tpu.memory_space<hbm>>
      tpu.wait_indirect_dma semaphore(%arg20 : memref<!tpu.dma_semaphore, #tpu.memory_space<semaphore_mem>>) src(%dma_wait3A_567 : memref<10000x128xf32, #tpu.memory_space<hbm>>) dst(%arg11 : memref<40x128xf32, #tpu.memory_space<vmem>>)
      %dma_start3A_568 = arith.constant 18 : i32
      %dma_start3A_569 = arith.constant 0 : i32
      %dma_start3A_570 = tpu.memref_slice %arg9[%dma_start3A_568, %dma_start3A_569] : memref<25x40xi32, #tpu.memory_space<vmem>> -> memref<1x40xi32, #tpu.memory_space<vmem>>
      %dma_start3A_571 = tpu.memref_squeeze %dma_start3A_570 : memref<1x40xi32, #tpu.memory_space<vmem>> -> memref<40xi32, #tpu.memory_space<vmem>>
      %dma_start3A_572 = arith.constant 0 : i32
      %dma_start3A_573 = arith.constant 0 : i32
      %dma_start3A_574 = tpu.memref_slice %arg26[%dma_start3A_572, %dma_start3A_573] : memref<10240x128xf32, #tpu.memory_space<vmem_shared>> -> memref<10240x128xf32, #tpu.memory_space<vmem_shared>>
      tpu.enqueue_indirect_dma source(%arg11 : memref<40x128xf32, #tpu.memory_space<vmem>>) target(%dma_start3A_574 : memref<10240x128xf32, #tpu.memory_space<vmem_shared>>) offsets(%dma_start3A_571 : memref<40xi32, #tpu.memory_space<vmem>>) semaphore(%arg19 : memref<!tpu.dma_semaphore, #tpu.memory_space<semaphore_mem>>) {add = true}
      %dma_wait3A_575 = arith.constant 19 : i32
      %dma_wait3A_576 = arith.constant 0 : i32
      %dma_wait3A_577 = tpu.memref_slice %arg7[%dma_wait3A_575, %dma_wait3A_576] : memref<25x40xi32, #tpu.memory_space<vmem>> -> memref<1x40xi32, #tpu.memory_space<vmem>>
      %dma_wait3A_578 = tpu.memref_squeeze %dma_wait3A_577 : memref<1x40xi32, #tpu.memory_space<vmem>> -> memref<40xi32, #tpu.memory_space<vmem>>
      %dma_wait3A_579 = arith.constant 0 : i32
      %dma_wait3A_580 = arith.constant 0 : i32
      %dma_wait3A_581 = tpu.memref_slice %arg2[%dma_wait3A_579, %dma_wait3A_580] : memref<10000x128xf32, #tpu.memory_space<hbm>> -> memref<10000x128xf32, #tpu.memory_space<hbm>>
      tpu.wait_indirect_dma semaphore(%arg21 : memref<!tpu.dma_semaphore, #tpu.memory_space<semaphore_mem>>) src(%dma_wait3A_581 : memref<10000x128xf32, #tpu.memory_space<hbm>>) dst(%arg12 : memref<40x128xf32, #tpu.memory_space<vmem>>)
      %dma_start3A_582 = arith.constant 19 : i32
      %dma_start3A_583 = arith.constant 0 : i32
      %dma_start3A_584 = tpu.memref_slice %arg9[%dma_start3A_582, %dma_start3A_583] : memref<25x40xi32, #tpu.memory_space<vmem>> -> memref<1x40xi32, #tpu.memory_space<vmem>>
      %dma_start3A_585 = tpu.memref_squeeze %dma_start3A_584 : memref<1x40xi32, #tpu.memory_space<vmem>> -> memref<40xi32, #tpu.memory_space<vmem>>
      %dma_start3A_586 = arith.constant 0 : i32
      %dma_start3A_587 = arith.constant 0 : i32
      %dma_start3A_588 = tpu.memref_slice %arg26[%dma_start3A_586, %dma_start3A_587] : memref<10240x128xf32, #tpu.memory_space<vmem_shared>> -> memref<10240x128xf32, #tpu.memory_space<vmem_shared>>
      tpu.enqueue_indirect_dma source(%arg12 : memref<40x128xf32, #tpu.memory_space<vmem>>) target(%dma_start3A_588 : memref<10240x128xf32, #tpu.memory_space<vmem_shared>>) offsets(%dma_start3A_585 : memref<40xi32, #tpu.memory_space<vmem>>) semaphore(%arg19 : memref<!tpu.dma_semaphore, #tpu.memory_space<semaphore_mem>>) {add = true}
      %dma_wait3A_589 = arith.constant 20 : i32
      %dma_wait3A_590 = arith.constant 0 : i32
      %dma_wait3A_591 = tpu.memref_slice %arg7[%dma_wait3A_589, %dma_wait3A_590] : memref<25x40xi32, #tpu.memory_space<vmem>> -> memref<1x40xi32, #tpu.memory_space<vmem>>
      %dma_wait3A_592 = tpu.memref_squeeze %dma_wait3A_591 : memref<1x40xi32, #tpu.memory_space<vmem>> -> memref<40xi32, #tpu.memory_space<vmem>>
      %dma_wait3A_593 = arith.constant 0 : i32
      %dma_wait3A_594 = arith.constant 0 : i32
      %dma_wait3A_595 = tpu.memref_slice %arg2[%dma_wait3A_593, %dma_wait3A_594] : memref<10000x128xf32, #tpu.memory_space<hbm>> -> memref<10000x128xf32, #tpu.memory_space<hbm>>
      tpu.wait_indirect_dma semaphore(%arg22 : memref<!tpu.dma_semaphore, #tpu.memory_space<semaphore_mem>>) src(%dma_wait3A_595 : memref<10000x128xf32, #tpu.memory_space<hbm>>) dst(%arg13 : memref<40x128xf32, #tpu.memory_space<vmem>>)
      %dma_start3A_596 = arith.constant 20 : i32
      %dma_start3A_597 = arith.constant 0 : i32
      %dma_start3A_598 = tpu.memref_slice %arg9[%dma_start3A_596, %dma_start3A_597] : memref<25x40xi32, #tpu.memory_space<vmem>> -> memref<1x40xi32, #tpu.memory_space<vmem>>
      %dma_start3A_599 = tpu.memref_squeeze %dma_start3A_598 : memref<1x40xi32, #tpu.memory_space<vmem>> -> memref<40xi32, #tpu.memory_space<vmem>>
      %dma_start3A_600 = arith.constant 0 : i32
      %dma_start3A_601 = arith.constant 0 : i32
      %dma_start3A_602 = tpu.memref_slice %arg26[%dma_start3A_600, %dma_start3A_601] : memref<10240x128xf32, #tpu.memory_space<vmem_shared>> -> memref<10240x128xf32, #tpu.memory_space<vmem_shared>>
      tpu.enqueue_indirect_dma source(%arg13 : memref<40x128xf32, #tpu.memory_space<vmem>>) target(%dma_start3A_602 : memref<10240x128xf32, #tpu.memory_space<vmem_shared>>) offsets(%dma_start3A_599 : memref<40xi32, #tpu.memory_space<vmem>>) semaphore(%arg19 : memref<!tpu.dma_semaphore, #tpu.memory_space<semaphore_mem>>) {add = true}
      %dma_wait3A_603 = arith.constant 18 : i32
      %dma_wait3A_604 = arith.constant 0 : i32
      %dma_wait3A_605 = tpu.memref_slice %arg9[%dma_wait3A_603, %dma_wait3A_604] : memref<25x40xi32, #tpu.memory_space<vmem>> -> memref<1x40xi32, #tpu.memory_space<vmem>>
      %dma_wait3A_606 = tpu.memref_squeeze %dma_wait3A_605 : memref<1x40xi32, #tpu.memory_space<vmem>> -> memref<40xi32, #tpu.memory_space<vmem>>
      %dma_wait3A_607 = arith.constant 0 : i32
      %dma_wait3A_608 = arith.constant 0 : i32
      %dma_wait3A_609 = tpu.memref_slice %arg26[%dma_wait3A_607, %dma_wait3A_608] : memref<10240x128xf32, #tpu.memory_space<vmem_shared>> -> memref<10240x128xf32, #tpu.memory_space<vmem_shared>>
      tpu.wait_indirect_dma semaphore(%arg19 : memref<!tpu.dma_semaphore, #tpu.memory_space<semaphore_mem>>) src(%arg11 : memref<40x128xf32, #tpu.memory_space<vmem>>) dst(%dma_wait3A_609 : memref<10240x128xf32, #tpu.memory_space<vmem_shared>>)
      %dma_wait3A_610 = arith.constant 19 : i32
      %dma_wait3A_611 = arith.constant 0 : i32
      %dma_wait3A_612 = tpu.memref_slice %arg9[%dma_wait3A_610, %dma_wait3A_611] : memref<25x40xi32, #tpu.memory_space<vmem>> -> memref<1x40xi32, #tpu.memory_space<vmem>>
      %dma_wait3A_613 = tpu.memref_squeeze %dma_wait3A_612 : memref<1x40xi32, #tpu.memory_space<vmem>> -> memref<40xi32, #tpu.memory_space<vmem>>
      %dma_wait3A_614 = arith.constant 0 : i32
      %dma_wait3A_615 = arith.constant 0 : i32
      %dma_wait3A_616 = tpu.memref_slice %arg26[%dma_wait3A_614, %dma_wait3A_615] : memref<10240x128xf32, #tpu.memory_space<vmem_shared>> -> memref<10240x128xf32, #tpu.memory_space<vmem_shared>>
      tpu.wait_indirect_dma semaphore(%arg19 : memref<!tpu.dma_semaphore, #tpu.memory_space<semaphore_mem>>) src(%arg12 : memref<40x128xf32, #tpu.memory_space<vmem>>) dst(%dma_wait3A_616 : memref<10240x128xf32, #tpu.memory_space<vmem_shared>>)
      %dma_wait3A_617 = arith.constant 20 : i32
      %dma_wait3A_618 = arith.constant 0 : i32
      %dma_wait3A_619 = tpu.memref_slice %arg9[%dma_wait3A_617, %dma_wait3A_618] : memref<25x40xi32, #tpu.memory_space<vmem>> -> memref<1x40xi32, #tpu.memory_space<vmem>>
      %dma_wait3A_620 = tpu.memref_squeeze %dma_wait3A_619 : memref<1x40xi32, #tpu.memory_space<vmem>> -> memref<40xi32, #tpu.memory_space<vmem>>
      %dma_wait3A_621 = arith.constant 0 : i32
      %dma_wait3A_622 = arith.constant 0 : i32
      %dma_wait3A_623 = tpu.memref_slice %arg26[%dma_wait3A_621, %dma_wait3A_622] : memref<10240x128xf32, #tpu.memory_space<vmem_shared>> -> memref<10240x128xf32, #tpu.memory_space<vmem_shared>>
      tpu.wait_indirect_dma semaphore(%arg19 : memref<!tpu.dma_semaphore, #tpu.memory_space<semaphore_mem>>) src(%arg13 : memref<40x128xf32, #tpu.memory_space<vmem>>) dst(%dma_wait3A_623 : memref<10240x128xf32, #tpu.memory_space<vmem_shared>>)
      %dma_start3A_624 = arith.constant 21 : i32
      %dma_start3A_625 = arith.constant 0 : i32
      %dma_start3A_626 = tpu.memref_slice %arg7[%dma_start3A_624, %dma_start3A_625] : memref<25x40xi32, #tpu.memory_space<vmem>> -> memref<1x40xi32, #tpu.memory_space<vmem>>
      %dma_start3A_627 = tpu.memref_squeeze %dma_start3A_626 : memref<1x40xi32, #tpu.memory_space<vmem>> -> memref<40xi32, #tpu.memory_space<vmem>>
      %dma_start3A_628 = arith.constant 0 : i32
      %dma_start3A_629 = arith.constant 0 : i32
      %dma_start3A_630 = tpu.memref_slice %arg2[%dma_start3A_628, %dma_start3A_629] : memref<10000x128xf32, #tpu.memory_space<hbm>> -> memref<10000x128xf32, #tpu.memory_space<hbm>>
      tpu.enqueue_indirect_dma source(%dma_start3A_630 : memref<10000x128xf32, #tpu.memory_space<hbm>>) target(%arg11 : memref<40x128xf32, #tpu.memory_space<vmem>>) offsets(%dma_start3A_627 : memref<40xi32, #tpu.memory_space<vmem>>) semaphore(%arg20 : memref<!tpu.dma_semaphore, #tpu.memory_space<semaphore_mem>>)
      %dma_start3A_631 = arith.constant 22 : i32
      %dma_start3A_632 = arith.constant 0 : i32
      %dma_start3A_633 = tpu.memref_slice %arg7[%dma_start3A_631, %dma_start3A_632] : memref<25x40xi32, #tpu.memory_space<vmem>> -> memref<1x40xi32, #tpu.memory_space<vmem>>
      %dma_start3A_634 = tpu.memref_squeeze %dma_start3A_633 : memref<1x40xi32, #tpu.memory_space<vmem>> -> memref<40xi32, #tpu.memory_space<vmem>>
      %dma_start3A_635 = arith.constant 0 : i32
      %dma_start3A_636 = arith.constant 0 : i32
      %dma_start3A_637 = tpu.memref_slice %arg2[%dma_start3A_635, %dma_start3A_636] : memref<10000x128xf32, #tpu.memory_space<hbm>> -> memref<10000x128xf32, #tpu.memory_space<hbm>>
      tpu.enqueue_indirect_dma source(%dma_start3A_637 : memref<10000x128xf32, #tpu.memory_space<hbm>>) target(%arg12 : memref<40x128xf32, #tpu.memory_space<vmem>>) offsets(%dma_start3A_634 : memref<40xi32, #tpu.memory_space<vmem>>) semaphore(%arg21 : memref<!tpu.dma_semaphore, #tpu.memory_space<semaphore_mem>>)
      %dma_start3A_638 = arith.constant 23 : i32
      %dma_start3A_639 = arith.constant 0 : i32
      %dma_start3A_640 = tpu.memref_slice %arg7[%dma_start3A_638, %dma_start3A_639] : memref<25x40xi32, #tpu.memory_space<vmem>> -> memref<1x40xi32, #tpu.memory_space<vmem>>
      %dma_start3A_641 = tpu.memref_squeeze %dma_start3A_640 : memref<1x40xi32, #tpu.memory_space<vmem>> -> memref<40xi32, #tpu.memory_space<vmem>>
      %dma_start3A_642 = arith.constant 0 : i32
      %dma_start3A_643 = arith.constant 0 : i32
      %dma_start3A_644 = tpu.memref_slice %arg2[%dma_start3A_642, %dma_start3A_643] : memref<10000x128xf32, #tpu.memory_space<hbm>> -> memref<10000x128xf32, #tpu.memory_space<hbm>>
      tpu.enqueue_indirect_dma source(%dma_start3A_644 : memref<10000x128xf32, #tpu.memory_space<hbm>>) target(%arg13 : memref<40x128xf32, #tpu.memory_space<vmem>>) offsets(%dma_start3A_641 : memref<40xi32, #tpu.memory_space<vmem>>) semaphore(%arg22 : memref<!tpu.dma_semaphore, #tpu.memory_space<semaphore_mem>>)
      %dma_wait3A_645 = arith.constant 21 : i32
      %dma_wait3A_646 = arith.constant 0 : i32
      %dma_wait3A_647 = tpu.memref_slice %arg7[%dma_wait3A_645, %dma_wait3A_646] : memref<25x40xi32, #tpu.memory_space<vmem>> -> memref<1x40xi32, #tpu.memory_space<vmem>>
      %dma_wait3A_648 = tpu.memref_squeeze %dma_wait3A_647 : memref<1x40xi32, #tpu.memory_space<vmem>> -> memref<40xi32, #tpu.memory_space<vmem>>
      %dma_wait3A_649 = arith.constant 0 : i32
      %dma_wait3A_650 = arith.constant 0 : i32
      %dma_wait3A_651 = tpu.memref_slice %arg2[%dma_wait3A_649, %dma_wait3A_650] : memref<10000x128xf32, #tpu.memory_space<hbm>> -> memref<10000x128xf32, #tpu.memory_space<hbm>>
      tpu.wait_indirect_dma semaphore(%arg20 : memref<!tpu.dma_semaphore, #tpu.memory_space<semaphore_mem>>) src(%dma_wait3A_651 : memref<10000x128xf32, #tpu.memory_space<hbm>>) dst(%arg11 : memref<40x128xf32, #tpu.memory_space<vmem>>)
      %dma_start3A_652 = arith.constant 21 : i32
      %dma_start3A_653 = arith.constant 0 : i32
      %dma_start3A_654 = tpu.memref_slice %arg9[%dma_start3A_652, %dma_start3A_653] : memref<25x40xi32, #tpu.memory_space<vmem>> -> memref<1x40xi32, #tpu.memory_space<vmem>>
      %dma_start3A_655 = tpu.memref_squeeze %dma_start3A_654 : memref<1x40xi32, #tpu.memory_space<vmem>> -> memref<40xi32, #tpu.memory_space<vmem>>
      %dma_start3A_656 = arith.constant 0 : i32
      %dma_start3A_657 = arith.constant 0 : i32
      %dma_start3A_658 = tpu.memref_slice %arg26[%dma_start3A_656, %dma_start3A_657] : memref<10240x128xf32, #tpu.memory_space<vmem_shared>> -> memref<10240x128xf32, #tpu.memory_space<vmem_shared>>
      tpu.enqueue_indirect_dma source(%arg11 : memref<40x128xf32, #tpu.memory_space<vmem>>) target(%dma_start3A_658 : memref<10240x128xf32, #tpu.memory_space<vmem_shared>>) offsets(%dma_start3A_655 : memref<40xi32, #tpu.memory_space<vmem>>) semaphore(%arg19 : memref<!tpu.dma_semaphore, #tpu.memory_space<semaphore_mem>>) {add = true}
      %dma_wait3A_659 = arith.constant 22 : i32
      %dma_wait3A_660 = arith.constant 0 : i32
      %dma_wait3A_661 = tpu.memref_slice %arg7[%dma_wait3A_659, %dma_wait3A_660] : memref<25x40xi32, #tpu.memory_space<vmem>> -> memref<1x40xi32, #tpu.memory_space<vmem>>
      %dma_wait3A_662 = tpu.memref_squeeze %dma_wait3A_661 : memref<1x40xi32, #tpu.memory_space<vmem>> -> memref<40xi32, #tpu.memory_space<vmem>>
      %dma_wait3A_663 = arith.constant 0 : i32
      %dma_wait3A_664 = arith.constant 0 : i32
      %dma_wait3A_665 = tpu.memref_slice %arg2[%dma_wait3A_663, %dma_wait3A_664] : memref<10000x128xf32, #tpu.memory_space<hbm>> -> memref<10000x128xf32, #tpu.memory_space<hbm>>
      tpu.wait_indirect_dma semaphore(%arg21 : memref<!tpu.dma_semaphore, #tpu.memory_space<semaphore_mem>>) src(%dma_wait3A_665 : memref<10000x128xf32, #tpu.memory_space<hbm>>) dst(%arg12 : memref<40x128xf32, #tpu.memory_space<vmem>>)
      %dma_start3A_666 = arith.constant 22 : i32
      %dma_start3A_667 = arith.constant 0 : i32
      %dma_start3A_668 = tpu.memref_slice %arg9[%dma_start3A_666, %dma_start3A_667] : memref<25x40xi32, #tpu.memory_space<vmem>> -> memref<1x40xi32, #tpu.memory_space<vmem>>
      %dma_start3A_669 = tpu.memref_squeeze %dma_start3A_668 : memref<1x40xi32, #tpu.memory_space<vmem>> -> memref<40xi32, #tpu.memory_space<vmem>>
      %dma_start3A_670 = arith.constant 0 : i32
      %dma_start3A_671 = arith.constant 0 : i32
      %dma_start3A_672 = tpu.memref_slice %arg26[%dma_start3A_670, %dma_start3A_671] : memref<10240x128xf32, #tpu.memory_space<vmem_shared>> -> memref<10240x128xf32, #tpu.memory_space<vmem_shared>>
      tpu.enqueue_indirect_dma source(%arg12 : memref<40x128xf32, #tpu.memory_space<vmem>>) target(%dma_start3A_672 : memref<10240x128xf32, #tpu.memory_space<vmem_shared>>) offsets(%dma_start3A_669 : memref<40xi32, #tpu.memory_space<vmem>>) semaphore(%arg19 : memref<!tpu.dma_semaphore, #tpu.memory_space<semaphore_mem>>) {add = true}
      %dma_wait3A_673 = arith.constant 23 : i32
      %dma_wait3A_674 = arith.constant 0 : i32
      %dma_wait3A_675 = tpu.memref_slice %arg7[%dma_wait3A_673, %dma_wait3A_674] : memref<25x40xi32, #tpu.memory_space<vmem>> -> memref<1x40xi32, #tpu.memory_space<vmem>>
      %dma_wait3A_676 = tpu.memref_squeeze %dma_wait3A_675 : memref<1x40xi32, #tpu.memory_space<vmem>> -> memref<40xi32, #tpu.memory_space<vmem>>
      %dma_wait3A_677 = arith.constant 0 : i32
      %dma_wait3A_678 = arith.constant 0 : i32
      %dma_wait3A_679 = tpu.memref_slice %arg2[%dma_wait3A_677, %dma_wait3A_678] : memref<10000x128xf32, #tpu.memory_space<hbm>> -> memref<10000x128xf32, #tpu.memory_space<hbm>>
      tpu.wait_indirect_dma semaphore(%arg22 : memref<!tpu.dma_semaphore, #tpu.memory_space<semaphore_mem>>) src(%dma_wait3A_679 : memref<10000x128xf32, #tpu.memory_space<hbm>>) dst(%arg13 : memref<40x128xf32, #tpu.memory_space<vmem>>)
      %dma_start3A_680 = arith.constant 23 : i32
      %dma_start3A_681 = arith.constant 0 : i32
      %dma_start3A_682 = tpu.memref_slice %arg9[%dma_start3A_680, %dma_start3A_681] : memref<25x40xi32, #tpu.memory_space<vmem>> -> memref<1x40xi32, #tpu.memory_space<vmem>>
      %dma_start3A_683 = tpu.memref_squeeze %dma_start3A_682 : memref<1x40xi32, #tpu.memory_space<vmem>> -> memref<40xi32, #tpu.memory_space<vmem>>
      %dma_start3A_684 = arith.constant 0 : i32
      %dma_start3A_685 = arith.constant 0 : i32
      %dma_start3A_686 = tpu.memref_slice %arg26[%dma_start3A_684, %dma_start3A_685] : memref<10240x128xf32, #tpu.memory_space<vmem_shared>> -> memref<10240x128xf32, #tpu.memory_space<vmem_shared>>
      tpu.enqueue_indirect_dma source(%arg13 : memref<40x128xf32, #tpu.memory_space<vmem>>) target(%dma_start3A_686 : memref<10240x128xf32, #tpu.memory_space<vmem_shared>>) offsets(%dma_start3A_683 : memref<40xi32, #tpu.memory_space<vmem>>) semaphore(%arg19 : memref<!tpu.dma_semaphore, #tpu.memory_space<semaphore_mem>>) {add = true}
      %dma_wait3A_687 = arith.constant 21 : i32
      %dma_wait3A_688 = arith.constant 0 : i32
      %dma_wait3A_689 = tpu.memref_slice %arg9[%dma_wait3A_687, %dma_wait3A_688] : memref<25x40xi32, #tpu.memory_space<vmem>> -> memref<1x40xi32, #tpu.memory_space<vmem>>
      %dma_wait3A_690 = tpu.memref_squeeze %dma_wait3A_689 : memref<1x40xi32, #tpu.memory_space<vmem>> -> memref<40xi32, #tpu.memory_space<vmem>>
      %dma_wait3A_691 = arith.constant 0 : i32
      %dma_wait3A_692 = arith.constant 0 : i32
      %dma_wait3A_693 = tpu.memref_slice %arg26[%dma_wait3A_691, %dma_wait3A_692] : memref<10240x128xf32, #tpu.memory_space<vmem_shared>> -> memref<10240x128xf32, #tpu.memory_space<vmem_shared>>
      tpu.wait_indirect_dma semaphore(%arg19 : memref<!tpu.dma_semaphore, #tpu.memory_space<semaphore_mem>>) src(%arg11 : memref<40x128xf32, #tpu.memory_space<vmem>>) dst(%dma_wait3A_693 : memref<10240x128xf32, #tpu.memory_space<vmem_shared>>)
      %dma_wait3A_694 = arith.constant 22 : i32
      %dma_wait3A_695 = arith.constant 0 : i32
      %dma_wait3A_696 = tpu.memref_slice %arg9[%dma_wait3A_694, %dma_wait3A_695] : memref<25x40xi32, #tpu.memory_space<vmem>> -> memref<1x40xi32, #tpu.memory_space<vmem>>
      %dma_wait3A_697 = tpu.memref_squeeze %dma_wait3A_696 : memref<1x40xi32, #tpu.memory_space<vmem>> -> memref<40xi32, #tpu.memory_space<vmem>>
      %dma_wait3A_698 = arith.constant 0 : i32
      %dma_wait3A_699 = arith.constant 0 : i32
      %dma_wait3A_700 = tpu.memref_slice %arg26[%dma_wait3A_698, %dma_wait3A_699] : memref<10240x128xf32, #tpu.memory_space<vmem_shared>> -> memref<10240x128xf32, #tpu.memory_space<vmem_shared>>
      tpu.wait_indirect_dma semaphore(%arg19 : memref<!tpu.dma_semaphore, #tpu.memory_space<semaphore_mem>>) src(%arg12 : memref<40x128xf32, #tpu.memory_space<vmem>>) dst(%dma_wait3A_700 : memref<10240x128xf32, #tpu.memory_space<vmem_shared>>)
      %dma_wait3A_701 = arith.constant 23 : i32
      %dma_wait3A_702 = arith.constant 0 : i32
      %dma_wait3A_703 = tpu.memref_slice %arg9[%dma_wait3A_701, %dma_wait3A_702] : memref<25x40xi32, #tpu.memory_space<vmem>> -> memref<1x40xi32, #tpu.memory_space<vmem>>
      %dma_wait3A_704 = tpu.memref_squeeze %dma_wait3A_703 : memref<1x40xi32, #tpu.memory_space<vmem>> -> memref<40xi32, #tpu.memory_space<vmem>>
      %dma_wait3A_705 = arith.constant 0 : i32
      %dma_wait3A_706 = arith.constant 0 : i32
      %dma_wait3A_707 = tpu.memref_slice %arg26[%dma_wait3A_705, %dma_wait3A_706] : memref<10240x128xf32, #tpu.memory_space<vmem_shared>> -> memref<10240x128xf32, #tpu.memory_space<vmem_shared>>
      tpu.wait_indirect_dma semaphore(%arg19 : memref<!tpu.dma_semaphore, #tpu.memory_space<semaphore_mem>>) src(%arg13 : memref<40x128xf32, #tpu.memory_space<vmem>>) dst(%dma_wait3A_707 : memref<10240x128xf32, #tpu.memory_space<vmem_shared>>)
      %dma_start3A_708 = arith.constant 24 : i32
      %dma_start3A_709 = arith.constant 0 : i32
      %dma_start3A_710 = tpu.memref_slice %arg7[%dma_start3A_708, %dma_start3A_709] : memref<25x40xi32, #tpu.memory_space<vmem>> -> memref<1x40xi32, #tpu.memory_space<vmem>>
      %dma_start3A_711 = tpu.memref_squeeze %dma_start3A_710 : memref<1x40xi32, #tpu.memory_space<vmem>> -> memref<40xi32, #tpu.memory_space<vmem>>
      %dma_start3A_712 = arith.constant 0 : i32
      %dma_start3A_713 = arith.constant 0 : i32
      %dma_start3A_714 = tpu.memref_slice %arg2[%dma_start3A_712, %dma_start3A_713] : memref<10000x128xf32, #tpu.memory_space<hbm>> -> memref<10000x128xf32, #tpu.memory_space<hbm>>
      tpu.enqueue_indirect_dma source(%dma_start3A_714 : memref<10000x128xf32, #tpu.memory_space<hbm>>) target(%arg11 : memref<40x128xf32, #tpu.memory_space<vmem>>) offsets(%dma_start3A_711 : memref<40xi32, #tpu.memory_space<vmem>>) semaphore(%arg20 : memref<!tpu.dma_semaphore, #tpu.memory_space<semaphore_mem>>)
      %dma_wait3A_715 = arith.constant 24 : i32
      %dma_wait3A_716 = arith.constant 0 : i32
      %dma_wait3A_717 = tpu.memref_slice %arg7[%dma_wait3A_715, %dma_wait3A_716] : memref<25x40xi32, #tpu.memory_space<vmem>> -> memref<1x40xi32, #tpu.memory_space<vmem>>
      %dma_wait3A_718 = tpu.memref_squeeze %dma_wait3A_717 : memref<1x40xi32, #tpu.memory_space<vmem>> -> memref<40xi32, #tpu.memory_space<vmem>>
      %dma_wait3A_719 = arith.constant 0 : i32
      %dma_wait3A_720 = arith.constant 0 : i32
      %dma_wait3A_721 = tpu.memref_slice %arg2[%dma_wait3A_719, %dma_wait3A_720] : memref<10000x128xf32, #tpu.memory_space<hbm>> -> memref<10000x128xf32, #tpu.memory_space<hbm>>
      tpu.wait_indirect_dma semaphore(%arg20 : memref<!tpu.dma_semaphore, #tpu.memory_space<semaphore_mem>>) src(%dma_wait3A_721 : memref<10000x128xf32, #tpu.memory_space<hbm>>) dst(%arg11 : memref<40x128xf32, #tpu.memory_space<vmem>>)
      %dma_start3A_722 = arith.constant 24 : i32
      %dma_start3A_723 = arith.constant 0 : i32
      %dma_start3A_724 = tpu.memref_slice %arg9[%dma_start3A_722, %dma_start3A_723] : memref<25x40xi32, #tpu.memory_space<vmem>> -> memref<1x40xi32, #tpu.memory_space<vmem>>
      %dma_start3A_725 = tpu.memref_squeeze %dma_start3A_724 : memref<1x40xi32, #tpu.memory_space<vmem>> -> memref<40xi32, #tpu.memory_space<vmem>>
      %dma_start3A_726 = arith.constant 0 : i32
      %dma_start3A_727 = arith.constant 0 : i32
      %dma_start3A_728 = tpu.memref_slice %arg26[%dma_start3A_726, %dma_start3A_727] : memref<10240x128xf32, #tpu.memory_space<vmem_shared>> -> memref<10240x128xf32, #tpu.memory_space<vmem_shared>>
      tpu.enqueue_indirect_dma source(%arg11 : memref<40x128xf32, #tpu.memory_space<vmem>>) target(%dma_start3A_728 : memref<10240x128xf32, #tpu.memory_space<vmem_shared>>) offsets(%dma_start3A_725 : memref<40xi32, #tpu.memory_space<vmem>>) semaphore(%arg19 : memref<!tpu.dma_semaphore, #tpu.memory_space<semaphore_mem>>) {add = true}
      %dma_wait3A_729 = arith.constant 24 : i32
      %dma_wait3A_730 = arith.constant 0 : i32
      %dma_wait3A_731 = tpu.memref_slice %arg9[%dma_wait3A_729, %dma_wait3A_730] : memref<25x40xi32, #tpu.memory_space<vmem>> -> memref<1x40xi32, #tpu.memory_space<vmem>>
      %dma_wait3A_732 = tpu.memref_squeeze %dma_wait3A_731 : memref<1x40xi32, #tpu.memory_space<vmem>> -> memref<40xi32, #tpu.memory_space<vmem>>
      %dma_wait3A_733 = arith.constant 0 : i32
      %dma_wait3A_734 = arith.constant 0 : i32
      %dma_wait3A_735 = tpu.memref_slice %arg26[%dma_wait3A_733, %dma_wait3A_734] : memref<10240x128xf32, #tpu.memory_space<vmem_shared>> -> memref<10240x128xf32, #tpu.memory_space<vmem_shared>>
      tpu.wait_indirect_dma semaphore(%arg19 : memref<!tpu.dma_semaphore, #tpu.memory_space<semaphore_mem>>) src(%arg11 : memref<40x128xf32, #tpu.memory_space<vmem>>) dst(%dma_wait3A_735 : memref<10240x128xf32, #tpu.memory_space<vmem_shared>>)
      %dma_wait3A_736 = arith.constant 0 : i32
      %dma_wait3A_737 = arith.constant 0 : i32
      %dma_wait3A_738 = tpu.memref_slice %arg3[%add3A, %add3A_497, %dma_wait3A_736, %dma_wait3A_737] : memref<32x10x25x40xi32, #tpu.memory_space<hbm>> -> memref<1x1x25x40xi32, #tpu.memory_space<hbm>>
      %dma_wait3A_739 = tpu.memref_squeeze %dma_wait3A_738 : memref<1x1x25x40xi32, #tpu.memory_space<hbm>> -> memref<25x40xi32, #tpu.memory_space<hbm>>
      %dma_wait3A_740 = arith.constant 0 : i32
      %dma_wait3A_741 = arith.constant 0 : i32
      %dma_wait3A_742 = tpu.memref_slice %arg3[%add3A, %add3A_497, %dma_wait3A_740, %dma_wait3A_741] : memref<32x10x25x40xi32, #tpu.memory_space<hbm>> -> memref<1x1x25x40xi32, #tpu.memory_space<hbm>>
      %dma_wait3A_743 = tpu.memref_squeeze %dma_wait3A_742 : memref<1x1x25x40xi32, #tpu.memory_space<hbm>> -> memref<25x40xi32, #tpu.memory_space<hbm>>
      tpu.wait_dma2 semaphore(%arg17 : memref<!tpu.dma_semaphore, #tpu.memory_space<semaphore_mem>>) src(%dma_wait3A_743 : memref<25x40xi32, #tpu.memory_space<hbm>>) dst(%arg8 : memref<25x40xi32, #tpu.memory_space<vmem>>)
      %dma_wait3A_744 = arith.constant 0 : i32
      %dma_wait3A_745 = arith.constant 0 : i32
      %dma_wait3A_746 = tpu.memref_slice %arg4[%add3A, %add3A_497, %dma_wait3A_744, %dma_wait3A_745] : memref<32x10x25x40xi32, #tpu.memory_space<hbm>> -> memref<1x1x25x40xi32, #tpu.memory_space<hbm>>
      %dma_wait3A_747 = tpu.memref_squeeze %dma_wait3A_746 : memref<1x1x25x40xi32, #tpu.memory_space<hbm>> -> memref<25x40xi32, #tpu.memory_space<hbm>>
      %dma_wait3A_748 = arith.constant 0 : i32
      %dma_wait3A_749 = arith.constant 0 : i32
      %dma_wait3A_750 = tpu.memref_slice %arg4[%add3A, %add3A_497, %dma_wait3A_748, %dma_wait3A_749] : memref<32x10x25x40xi32, #tpu.memory_space<hbm>> -> memref<1x1x25x40xi32, #tpu.memory_space<hbm>>
      %dma_wait3A_751 = tpu.memref_squeeze %dma_wait3A_750 : memref<1x1x25x40xi32, #tpu.memory_space<hbm>> -> memref<25x40xi32, #tpu.memory_space<hbm>>
      tpu.wait_dma2 semaphore(%arg18 : memref<!tpu.dma_semaphore, #tpu.memory_space<semaphore_mem>>) src(%dma_wait3A_751 : memref<25x40xi32, #tpu.memory_space<hbm>>) dst(%arg10 : memref<25x40xi32, #tpu.memory_space<vmem>>)
      %add3A_752 = arith.constant 1 : i32
      %add3A_753 = arith.addi %add3A_495, %add3A_752 : i32
      %add3A_754 = arith.constant 1 : i32
      %add3A_755 = arith.addi %add3A_753, %add3A_754 : i32
      %dma_start3A_756 = arith.constant 0 : i32
      %dma_start3A_757 = arith.constant 0 : i32
      %dma_start3A_758 = tpu.memref_slice %arg3[%add3A, %add3A_755, %dma_start3A_756, %dma_start3A_757] : memref<32x10x25x40xi32, #tpu.memory_space<hbm>> -> memref<1x1x25x40xi32, #tpu.memory_space<hbm>>
      %dma_start3A_759 = tpu.memref_squeeze %dma_start3A_758 : memref<1x1x25x40xi32, #tpu.memory_space<hbm>> -> memref<25x40xi32, #tpu.memory_space<hbm>>
      %dma_start3A_760 = arith.constant 0 : i32
      %dma_start3A_761 = arith.constant 0 : i32
      %dma_start3A_762 = tpu.memref_slice %arg3[%add3A, %add3A_755, %dma_start3A_760, %dma_start3A_761] : memref<32x10x25x40xi32, #tpu.memory_space<hbm>> -> memref<1x1x25x40xi32, #tpu.memory_space<hbm>>
      %dma_start3A_763 = tpu.memref_squeeze %dma_start3A_762 : memref<1x1x25x40xi32, #tpu.memory_space<hbm>> -> memref<25x40xi32, #tpu.memory_space<hbm>>
      tpu.enqueue_dma source(%dma_start3A_763 : memref<25x40xi32, #tpu.memory_space<hbm>>) target(%arg7 : memref<25x40xi32, #tpu.memory_space<vmem>>) target_semaphore(%arg17 : memref<!tpu.dma_semaphore, #tpu.memory_space<semaphore_mem>>)
      %dma_start3A_764 = arith.constant 0 : i32
      %dma_start3A_765 = arith.constant 0 : i32
      %dma_start3A_766 = tpu.memref_slice %arg4[%add3A, %add3A_755, %dma_start3A_764, %dma_start3A_765] : memref<32x10x25x40xi32, #tpu.memory_space<hbm>> -> memref<1x1x25x40xi32, #tpu.memory_space<hbm>>
      %dma_start3A_767 = tpu.memref_squeeze %dma_start3A_766 : memref<1x1x25x40xi32, #tpu.memory_space<hbm>> -> memref<25x40xi32, #tpu.memory_space<hbm>>
      %dma_start3A_768 = arith.constant 0 : i32
      %dma_start3A_769 = arith.constant 0 : i32
      %dma_start3A_770 = tpu.memref_slice %arg4[%add3A, %add3A_755, %dma_start3A_768, %dma_start3A_769] : memref<32x10x25x40xi32, #tpu.memory_space<hbm>> -> memref<1x1x25x40xi32, #tpu.memory_space<hbm>>
      %dma_start3A_771 = tpu.memref_squeeze %dma_start3A_770 : memref<1x1x25x40xi32, #tpu.memory_space<hbm>> -> memref<25x40xi32, #tpu.memory_space<hbm>>
      tpu.enqueue_dma source(%dma_start3A_771 : memref<25x40xi32, #tpu.memory_space<hbm>>) target(%arg9 : memref<25x40xi32, #tpu.memory_space<vmem>>) target_semaphore(%arg18 : memref<!tpu.dma_semaphore, #tpu.memory_space<semaphore_mem>>)
      %dma_start3A_772 = arith.constant 0 : i32
      %dma_start3A_773 = arith.constant 0 : i32
      %dma_start3A_774 = tpu.memref_slice %arg8[%dma_start3A_772, %dma_start3A_773] : memref<25x40xi32, #tpu.memory_space<vmem>> -> memref<1x40xi32, #tpu.memory_space<vmem>>
      %dma_start3A_775 = tpu.memref_squeeze %dma_start3A_774 : memref<1x40xi32, #tpu.memory_space<vmem>> -> memref<40xi32, #tpu.memory_space<vmem>>
      %dma_start3A_776 = arith.constant 0 : i32
      %dma_start3A_777 = arith.constant 0 : i32
      %dma_start3A_778 = tpu.memref_slice %arg2[%dma_start3A_776, %dma_start3A_777] : memref<10000x128xf32, #tpu.memory_space<hbm>> -> memref<10000x128xf32, #tpu.memory_space<hbm>>
      tpu.enqueue_indirect_dma source(%dma_start3A_778 : memref<10000x128xf32, #tpu.memory_space<hbm>>) target(%arg11 : memref<40x128xf32, #tpu.memory_space<vmem>>) offsets(%dma_start3A_775 : memref<40xi32, #tpu.memory_space<vmem>>) semaphore(%arg20 : memref<!tpu.dma_semaphore, #tpu.memory_space<semaphore_mem>>)
      %dma_start3A_779 = arith.constant 1 : i32
      %dma_start3A_780 = arith.constant 0 : i32
      %dma_start3A_781 = tpu.memref_slice %arg8[%dma_start3A_779, %dma_start3A_780] : memref<25x40xi32, #tpu.memory_space<vmem>> -> memref<1x40xi32, #tpu.memory_space<vmem>>
      %dma_start3A_782 = tpu.memref_squeeze %dma_start3A_781 : memref<1x40xi32, #tpu.memory_space<vmem>> -> memref<40xi32, #tpu.memory_space<vmem>>
      %dma_start3A_783 = arith.constant 0 : i32
      %dma_start3A_784 = arith.constant 0 : i32
      %dma_start3A_785 = tpu.memref_slice %arg2[%dma_start3A_783, %dma_start3A_784] : memref<10000x128xf32, #tpu.memory_space<hbm>> -> memref<10000x128xf32, #tpu.memory_space<hbm>>
      tpu.enqueue_indirect_dma source(%dma_start3A_785 : memref<10000x128xf32, #tpu.memory_space<hbm>>) target(%arg12 : memref<40x128xf32, #tpu.memory_space<vmem>>) offsets(%dma_start3A_782 : memref<40xi32, #tpu.memory_space<vmem>>) semaphore(%arg21 : memref<!tpu.dma_semaphore, #tpu.memory_space<semaphore_mem>>)
      %dma_start3A_786 = arith.constant 2 : i32
      %dma_start3A_787 = arith.constant 0 : i32
      %dma_start3A_788 = tpu.memref_slice %arg8[%dma_start3A_786, %dma_start3A_787] : memref<25x40xi32, #tpu.memory_space<vmem>> -> memref<1x40xi32, #tpu.memory_space<vmem>>
      %dma_start3A_789 = tpu.memref_squeeze %dma_start3A_788 : memref<1x40xi32, #tpu.memory_space<vmem>> -> memref<40xi32, #tpu.memory_space<vmem>>
      %dma_start3A_790 = arith.constant 0 : i32
      %dma_start3A_791 = arith.constant 0 : i32
      %dma_start3A_792 = tpu.memref_slice %arg2[%dma_start3A_790, %dma_start3A_791] : memref<10000x128xf32, #tpu.memory_space<hbm>> -> memref<10000x128xf32, #tpu.memory_space<hbm>>
      tpu.enqueue_indirect_dma source(%dma_start3A_792 : memref<10000x128xf32, #tpu.memory_space<hbm>>) target(%arg13 : memref<40x128xf32, #tpu.memory_space<vmem>>) offsets(%dma_start3A_789 : memref<40xi32, #tpu.memory_space<vmem>>) semaphore(%arg22 : memref<!tpu.dma_semaphore, #tpu.memory_space<semaphore_mem>>)
      %scan3A_793 = arith.constant 0 : i32
      %scan3A_794 = arith.constant 3 : i32
      %scan3A_795 = arith.addi %scan3A_793, %scan3A_794 : i32
      %scan3A_796 = arith.constant 1 : i32
      scf.for %scan3A_1010 = %scan3A_793 to %scan3A_795 step %scan3A_796  : i32 {
        %mul3A_1011 = arith.constant 6 : i32
        %mul3A_1012 = arith.muli %scan3A_1010, %mul3A_1011 : i32
        %add3A_1013 = arith.constant 0 : i32
        %add3A_1014 = arith.addi %add3A_1013, %mul3A_1012 : i32
        %add3A_1015 = arith.constant 3 : i32
        %add3A_1016 = arith.addi %add3A_1014, %add3A_1015 : i32
        %add3A_1017 = arith.constant 0 : i32
        %add3A_1018 = arith.addi %add3A_1016, %add3A_1017 : i32
        %dma_start3A_1019 = arith.constant 0 : i32
        %dma_start3A_1020 = tpu.memref_slice %arg8[%add3A_1018, %dma_start3A_1019] : memref<25x40xi32, #tpu.memory_space<vmem>> -> memref<1x40xi32, #tpu.memory_space<vmem>>
        %dma_start3A_1021 = tpu.memref_squeeze %dma_start3A_1020 : memref<1x40xi32, #tpu.memory_space<vmem>> -> memref<40xi32, #tpu.memory_space<vmem>>
        %dma_start3A_1022 = arith.constant 0 : i32
        %dma_start3A_1023 = arith.constant 0 : i32
        %dma_start3A_1024 = tpu.memref_slice %arg2[%dma_start3A_1022, %dma_start3A_1023] : memref<10000x128xf32, #tpu.memory_space<hbm>> -> memref<10000x128xf32, #tpu.memory_space<hbm>>
        tpu.enqueue_indirect_dma source(%dma_start3A_1024 : memref<10000x128xf32, #tpu.memory_space<hbm>>) target(%arg14 : memref<40x128xf32, #tpu.memory_space<vmem>>) offsets(%dma_start3A_1021 : memref<40xi32, #tpu.memory_space<vmem>>) semaphore(%arg23 : memref<!tpu.dma_semaphore, #tpu.memory_space<semaphore_mem>>)
        %add3A_1025 = arith.constant 1 : i32
        %add3A_1026 = arith.addi %add3A_1016, %add3A_1025 : i32
        %dma_start3A_1027 = arith.constant 0 : i32
        %dma_start3A_1028 = tpu.memref_slice %arg8[%add3A_1026, %dma_start3A_1027] : memref<25x40xi32, #tpu.memory_space<vmem>> -> memref<1x40xi32, #tpu.memory_space<vmem>>
        %dma_start3A_1029 = tpu.memref_squeeze %dma_start3A_1028 : memref<1x40xi32, #tpu.memory_space<vmem>> -> memref<40xi32, #tpu.memory_space<vmem>>
        %dma_start3A_1030 = arith.constant 0 : i32
        %dma_start3A_1031 = arith.constant 0 : i32
        %dma_start3A_1032 = tpu.memref_slice %arg2[%dma_start3A_1030, %dma_start3A_1031] : memref<10000x128xf32, #tpu.memory_space<hbm>> -> memref<10000x128xf32, #tpu.memory_space<hbm>>
        tpu.enqueue_indirect_dma source(%dma_start3A_1032 : memref<10000x128xf32, #tpu.memory_space<hbm>>) target(%arg15 : memref<40x128xf32, #tpu.memory_space<vmem>>) offsets(%dma_start3A_1029 : memref<40xi32, #tpu.memory_space<vmem>>) semaphore(%arg24 : memref<!tpu.dma_semaphore, #tpu.memory_space<semaphore_mem>>)
        %add3A_1033 = arith.constant 2 : i32
        %add3A_1034 = arith.addi %add3A_1016, %add3A_1033 : i32
        %dma_start3A_1035 = arith.constant 0 : i32
        %dma_start3A_1036 = tpu.memref_slice %arg8[%add3A_1034, %dma_start3A_1035] : memref<25x40xi32, #tpu.memory_space<vmem>> -> memref<1x40xi32, #tpu.memory_space<vmem>>
        %dma_start3A_1037 = tpu.memref_squeeze %dma_start3A_1036 : memref<1x40xi32, #tpu.memory_space<vmem>> -> memref<40xi32, #tpu.memory_space<vmem>>
        %dma_start3A_1038 = arith.constant 0 : i32
        %dma_start3A_1039 = arith.constant 0 : i32
        %dma_start3A_1040 = tpu.memref_slice %arg2[%dma_start3A_1038, %dma_start3A_1039] : memref<10000x128xf32, #tpu.memory_space<hbm>> -> memref<10000x128xf32, #tpu.memory_space<hbm>>
        tpu.enqueue_indirect_dma source(%dma_start3A_1040 : memref<10000x128xf32, #tpu.memory_space<hbm>>) target(%arg16 : memref<40x128xf32, #tpu.memory_space<vmem>>) offsets(%dma_start3A_1037 : memref<40xi32, #tpu.memory_space<vmem>>) semaphore(%arg25 : memref<!tpu.dma_semaphore, #tpu.memory_space<semaphore_mem>>)
        %add3A_1041 = arith.constant 0 : i32
        %add3A_1042 = arith.addi %add3A_1014, %add3A_1041 : i32
        %dma_wait3A_1043 = arith.constant 0 : i32
        %dma_wait3A_1044 = tpu.memref_slice %arg8[%add3A_1042, %dma_wait3A_1043] : memref<25x40xi32, #tpu.memory_space<vmem>> -> memref<1x40xi32, #tpu.memory_space<vmem>>
        %dma_wait3A_1045 = tpu.memref_squeeze %dma_wait3A_1044 : memref<1x40xi32, #tpu.memory_space<vmem>> -> memref<40xi32, #tpu.memory_space<vmem>>
        %dma_wait3A_1046 = arith.constant 0 : i32
        %dma_wait3A_1047 = arith.constant 0 : i32
        %dma_wait3A_1048 = tpu.memref_slice %arg2[%dma_wait3A_1046, %dma_wait3A_1047] : memref<10000x128xf32, #tpu.memory_space<hbm>> -> memref<10000x128xf32, #tpu.memory_space<hbm>>
        tpu.wait_indirect_dma semaphore(%arg20 : memref<!tpu.dma_semaphore, #tpu.memory_space<semaphore_mem>>) src(%dma_wait3A_1048 : memref<10000x128xf32, #tpu.memory_space<hbm>>) dst(%arg11 : memref<40x128xf32, #tpu.memory_space<vmem>>)
        %add3A_1049 = arith.constant 1 : i32
        %add3A_1050 = arith.addi %add3A_1014, %add3A_1049 : i32
        %dma_wait3A_1051 = arith.constant 0 : i32
        %dma_wait3A_1052 = tpu.memref_slice %arg8[%add3A_1050, %dma_wait3A_1051] : memref<25x40xi32, #tpu.memory_space<vmem>> -> memref<1x40xi32, #tpu.memory_space<vmem>>
        %dma_wait3A_1053 = tpu.memref_squeeze %dma_wait3A_1052 : memref<1x40xi32, #tpu.memory_space<vmem>> -> memref<40xi32, #tpu.memory_space<vmem>>
        %dma_wait3A_1054 = arith.constant 0 : i32
        %dma_wait3A_1055 = arith.constant 0 : i32
        %dma_wait3A_1056 = tpu.memref_slice %arg2[%dma_wait3A_1054, %dma_wait3A_1055] : memref<10000x128xf32, #tpu.memory_space<hbm>> -> memref<10000x128xf32, #tpu.memory_space<hbm>>
        tpu.wait_indirect_dma semaphore(%arg21 : memref<!tpu.dma_semaphore, #tpu.memory_space<semaphore_mem>>) src(%dma_wait3A_1056 : memref<10000x128xf32, #tpu.memory_space<hbm>>) dst(%arg12 : memref<40x128xf32, #tpu.memory_space<vmem>>)
        %add3A_1057 = arith.constant 2 : i32
        %add3A_1058 = arith.addi %add3A_1014, %add3A_1057 : i32
        %dma_wait3A_1059 = arith.constant 0 : i32
        %dma_wait3A_1060 = tpu.memref_slice %arg8[%add3A_1058, %dma_wait3A_1059] : memref<25x40xi32, #tpu.memory_space<vmem>> -> memref<1x40xi32, #tpu.memory_space<vmem>>
        %dma_wait3A_1061 = tpu.memref_squeeze %dma_wait3A_1060 : memref<1x40xi32, #tpu.memory_space<vmem>> -> memref<40xi32, #tpu.memory_space<vmem>>
        %dma_wait3A_1062 = arith.constant 0 : i32
        %dma_wait3A_1063 = arith.constant 0 : i32
        %dma_wait3A_1064 = tpu.memref_slice %arg2[%dma_wait3A_1062, %dma_wait3A_1063] : memref<10000x128xf32, #tpu.memory_space<hbm>> -> memref<10000x128xf32, #tpu.memory_space<hbm>>
        tpu.wait_indirect_dma semaphore(%arg22 : memref<!tpu.dma_semaphore, #tpu.memory_space<semaphore_mem>>) src(%dma_wait3A_1064 : memref<10000x128xf32, #tpu.memory_space<hbm>>) dst(%arg13 : memref<40x128xf32, #tpu.memory_space<vmem>>)
        %add3A_1065 = arith.constant 0 : i32
        %add3A_1066 = arith.addi %add3A_1014, %add3A_1065 : i32
        %dma_start3A_1067 = arith.constant 0 : i32
        %dma_start3A_1068 = tpu.memref_slice %arg10[%add3A_1066, %dma_start3A_1067] : memref<25x40xi32, #tpu.memory_space<vmem>> -> memref<1x40xi32, #tpu.memory_space<vmem>>
        %dma_start3A_1069 = tpu.memref_squeeze %dma_start3A_1068 : memref<1x40xi32, #tpu.memory_space<vmem>> -> memref<40xi32, #tpu.memory_space<vmem>>
        %dma_start3A_1070 = arith.constant 0 : i32
        %dma_start3A_1071 = arith.constant 0 : i32
        %dma_start3A_1072 = tpu.memref_slice %arg26[%dma_start3A_1070, %dma_start3A_1071] : memref<10240x128xf32, #tpu.memory_space<vmem_shared>> -> memref<10240x128xf32, #tpu.memory_space<vmem_shared>>
        tpu.enqueue_indirect_dma source(%arg11 : memref<40x128xf32, #tpu.memory_space<vmem>>) target(%dma_start3A_1072 : memref<10240x128xf32, #tpu.memory_space<vmem_shared>>) offsets(%dma_start3A_1069 : memref<40xi32, #tpu.memory_space<vmem>>) semaphore(%arg19 : memref<!tpu.dma_semaphore, #tpu.memory_space<semaphore_mem>>) {add = true}
        %add3A_1073 = arith.constant 1 : i32
        %add3A_1074 = arith.addi %add3A_1014, %add3A_1073 : i32
        %dma_start3A_1075 = arith.constant 0 : i32
        %dma_start3A_1076 = tpu.memref_slice %arg10[%add3A_1074, %dma_start3A_1075] : memref<25x40xi32, #tpu.memory_space<vmem>> -> memref<1x40xi32, #tpu.memory_space<vmem>>
        %dma_start3A_1077 = tpu.memref_squeeze %dma_start3A_1076 : memref<1x40xi32, #tpu.memory_space<vmem>> -> memref<40xi32, #tpu.memory_space<vmem>>
        %dma_start3A_1078 = arith.constant 0 : i32
        %dma_start3A_1079 = arith.constant 0 : i32
        %dma_start3A_1080 = tpu.memref_slice %arg26[%dma_start3A_1078, %dma_start3A_1079] : memref<10240x128xf32, #tpu.memory_space<vmem_shared>> -> memref<10240x128xf32, #tpu.memory_space<vmem_shared>>
        tpu.enqueue_indirect_dma source(%arg12 : memref<40x128xf32, #tpu.memory_space<vmem>>) target(%dma_start3A_1080 : memref<10240x128xf32, #tpu.memory_space<vmem_shared>>) offsets(%dma_start3A_1077 : memref<40xi32, #tpu.memory_space<vmem>>) semaphore(%arg19 : memref<!tpu.dma_semaphore, #tpu.memory_space<semaphore_mem>>) {add = true}
        %add3A_1081 = arith.constant 2 : i32
        %add3A_1082 = arith.addi %add3A_1014, %add3A_1081 : i32
        %dma_start3A_1083 = arith.constant 0 : i32
        %dma_start3A_1084 = tpu.memref_slice %arg10[%add3A_1082, %dma_start3A_1083] : memref<25x40xi32, #tpu.memory_space<vmem>> -> memref<1x40xi32, #tpu.memory_space<vmem>>
        %dma_start3A_1085 = tpu.memref_squeeze %dma_start3A_1084 : memref<1x40xi32, #tpu.memory_space<vmem>> -> memref<40xi32, #tpu.memory_space<vmem>>
        %dma_start3A_1086 = arith.constant 0 : i32
        %dma_start3A_1087 = arith.constant 0 : i32
        %dma_start3A_1088 = tpu.memref_slice %arg26[%dma_start3A_1086, %dma_start3A_1087] : memref<10240x128xf32, #tpu.memory_space<vmem_shared>> -> memref<10240x128xf32, #tpu.memory_space<vmem_shared>>
        tpu.enqueue_indirect_dma source(%arg13 : memref<40x128xf32, #tpu.memory_space<vmem>>) target(%dma_start3A_1088 : memref<10240x128xf32, #tpu.memory_space<vmem_shared>>) offsets(%dma_start3A_1085 : memref<40xi32, #tpu.memory_space<vmem>>) semaphore(%arg19 : memref<!tpu.dma_semaphore, #tpu.memory_space<semaphore_mem>>) {add = true}
        %dma_wait3A_1089 = arith.constant 0 : i32
        %dma_wait3A_1090 = tpu.memref_slice %arg10[%add3A_1066, %dma_wait3A_1089] : memref<25x40xi32, #tpu.memory_space<vmem>> -> memref<1x40xi32, #tpu.memory_space<vmem>>
        %dma_wait3A_1091 = tpu.memref_squeeze %dma_wait3A_1090 : memref<1x40xi32, #tpu.memory_space<vmem>> -> memref<40xi32, #tpu.memory_space<vmem>>
        %dma_wait3A_1092 = arith.constant 0 : i32
        %dma_wait3A_1093 = arith.constant 0 : i32
        %dma_wait3A_1094 = tpu.memref_slice %arg26[%dma_wait3A_1092, %dma_wait3A_1093] : memref<10240x128xf32, #tpu.memory_space<vmem_shared>> -> memref<10240x128xf32, #tpu.memory_space<vmem_shared>>
        tpu.wait_indirect_dma semaphore(%arg19 : memref<!tpu.dma_semaphore, #tpu.memory_space<semaphore_mem>>) src(%arg11 : memref<40x128xf32, #tpu.memory_space<vmem>>) dst(%dma_wait3A_1094 : memref<10240x128xf32, #tpu.memory_space<vmem_shared>>)
        %dma_wait3A_1095 = arith.constant 0 : i32
        %dma_wait3A_1096 = tpu.memref_slice %arg10[%add3A_1074, %dma_wait3A_1095] : memref<25x40xi32, #tpu.memory_space<vmem>> -> memref<1x40xi32, #tpu.memory_space<vmem>>
        %dma_wait3A_1097 = tpu.memref_squeeze %dma_wait3A_1096 : memref<1x40xi32, #tpu.memory_space<vmem>> -> memref<40xi32, #tpu.memory_space<vmem>>
        %dma_wait3A_1098 = arith.constant 0 : i32
        %dma_wait3A_1099 = arith.constant 0 : i32
        %dma_wait3A_1100 = tpu.memref_slice %arg26[%dma_wait3A_1098, %dma_wait3A_1099] : memref<10240x128xf32, #tpu.memory_space<vmem_shared>> -> memref<10240x128xf32, #tpu.memory_space<vmem_shared>>
        tpu.wait_indirect_dma semaphore(%arg19 : memref<!tpu.dma_semaphore, #tpu.memory_space<semaphore_mem>>) src(%arg12 : memref<40x128xf32, #tpu.memory_space<vmem>>) dst(%dma_wait3A_1100 : memref<10240x128xf32, #tpu.memory_space<vmem_shared>>)
        %dma_wait3A_1101 = arith.constant 0 : i32
        %dma_wait3A_1102 = tpu.memref_slice %arg10[%add3A_1082, %dma_wait3A_1101] : memref<25x40xi32, #tpu.memory_space<vmem>> -> memref<1x40xi32, #tpu.memory_space<vmem>>
        %dma_wait3A_1103 = tpu.memref_squeeze %dma_wait3A_1102 : memref<1x40xi32, #tpu.memory_space<vmem>> -> memref<40xi32, #tpu.memory_space<vmem>>
        %dma_wait3A_1104 = arith.constant 0 : i32
        %dma_wait3A_1105 = arith.constant 0 : i32
        %dma_wait3A_1106 = tpu.memref_slice %arg26[%dma_wait3A_1104, %dma_wait3A_1105] : memref<10240x128xf32, #tpu.memory_space<vmem_shared>> -> memref<10240x128xf32, #tpu.memory_space<vmem_shared>>
        tpu.wait_indirect_dma semaphore(%arg19 : memref<!tpu.dma_semaphore, #tpu.memory_space<semaphore_mem>>) src(%arg13 : memref<40x128xf32, #tpu.memory_space<vmem>>) dst(%dma_wait3A_1106 : memref<10240x128xf32, #tpu.memory_space<vmem_shared>>)
        %add3A_1107 = arith.constant 6 : i32
        %add3A_1108 = arith.addi %add3A_1014, %add3A_1107 : i32
        %lt3A = arith.constant 18 : i32
        %lt3A_1109 = arith.cmpi slt, %add3A_1108, %lt3A : i32
        %convert_element_type3A = arith.extui %lt3A_1109 : i1 to i32
        %cond3A = arith.constant 0 : i32
        %cond3A_1110 = arith.cmpi ne, %convert_element_type3A, %cond3A : i32
        scf.if %cond3A_1110 {
          %add3A_1173 = arith.constant 6 : i32
          %add3A_1174 = arith.addi %add3A_1014, %add3A_1173 : i32
          %add3A_1175 = arith.constant 0 : i32
          %add3A_1176 = arith.addi %add3A_1174, %add3A_1175 : i32
          %dma_start3A_1177 = arith.constant 0 : i32
          %dma_start3A_1178 = tpu.memref_slice %arg8[%add3A_1176, %dma_start3A_1177] : memref<25x40xi32, #tpu.memory_space<vmem>> -> memref<1x40xi32, #tpu.memory_space<vmem>>
          %dma_start3A_1179 = tpu.memref_squeeze %dma_start3A_1178 : memref<1x40xi32, #tpu.memory_space<vmem>> -> memref<40xi32, #tpu.memory_space<vmem>>
          %dma_start3A_1180 = arith.constant 0 : i32
          %dma_start3A_1181 = arith.constant 0 : i32
          %dma_start3A_1182 = tpu.memref_slice %arg2[%dma_start3A_1180, %dma_start3A_1181] : memref<10000x128xf32, #tpu.memory_space<hbm>> -> memref<10000x128xf32, #tpu.memory_space<hbm>>
          tpu.enqueue_indirect_dma source(%dma_start3A_1182 : memref<10000x128xf32, #tpu.memory_space<hbm>>) target(%arg11 : memref<40x128xf32, #tpu.memory_space<vmem>>) offsets(%dma_start3A_1179 : memref<40xi32, #tpu.memory_space<vmem>>) semaphore(%arg20 : memref<!tpu.dma_semaphore, #tpu.memory_space<semaphore_mem>>)
          %add3A_1183 = arith.constant 1 : i32
          %add3A_1184 = arith.addi %add3A_1174, %add3A_1183 : i32
          %dma_start3A_1185 = arith.constant 0 : i32
          %dma_start3A_1186 = tpu.memref_slice %arg8[%add3A_1184, %dma_start3A_1185] : memref<25x40xi32, #tpu.memory_space<vmem>> -> memref<1x40xi32, #tpu.memory_space<vmem>>
          %dma_start3A_1187 = tpu.memref_squeeze %dma_start3A_1186 : memref<1x40xi32, #tpu.memory_space<vmem>> -> memref<40xi32, #tpu.memory_space<vmem>>
          %dma_start3A_1188 = arith.constant 0 : i32
          %dma_start3A_1189 = arith.constant 0 : i32
          %dma_start3A_1190 = tpu.memref_slice %arg2[%dma_start3A_1188, %dma_start3A_1189] : memref<10000x128xf32, #tpu.memory_space<hbm>> -> memref<10000x128xf32, #tpu.memory_space<hbm>>
          tpu.enqueue_indirect_dma source(%dma_start3A_1190 : memref<10000x128xf32, #tpu.memory_space<hbm>>) target(%arg12 : memref<40x128xf32, #tpu.memory_space<vmem>>) offsets(%dma_start3A_1187 : memref<40xi32, #tpu.memory_space<vmem>>) semaphore(%arg21 : memref<!tpu.dma_semaphore, #tpu.memory_space<semaphore_mem>>)
          %add3A_1191 = arith.constant 2 : i32
          %add3A_1192 = arith.addi %add3A_1174, %add3A_1191 : i32
          %dma_start3A_1193 = arith.constant 0 : i32
          %dma_start3A_1194 = tpu.memref_slice %arg8[%add3A_1192, %dma_start3A_1193] : memref<25x40xi32, #tpu.memory_space<vmem>> -> memref<1x40xi32, #tpu.memory_space<vmem>>
          %dma_start3A_1195 = tpu.memref_squeeze %dma_start3A_1194 : memref<1x40xi32, #tpu.memory_space<vmem>> -> memref<40xi32, #tpu.memory_space<vmem>>
          %dma_start3A_1196 = arith.constant 0 : i32
          %dma_start3A_1197 = arith.constant 0 : i32
          %dma_start3A_1198 = tpu.memref_slice %arg2[%dma_start3A_1196, %dma_start3A_1197] : memref<10000x128xf32, #tpu.memory_space<hbm>> -> memref<10000x128xf32, #tpu.memory_space<hbm>>
          tpu.enqueue_indirect_dma source(%dma_start3A_1198 : memref<10000x128xf32, #tpu.memory_space<hbm>>) target(%arg13 : memref<40x128xf32, #tpu.memory_space<vmem>>) offsets(%dma_start3A_1195 : memref<40xi32, #tpu.memory_space<vmem>>) semaphore(%arg22 : memref<!tpu.dma_semaphore, #tpu.memory_space<semaphore_mem>>)
        } else {
        }
        %dma_wait3A_1111 = arith.constant 0 : i32
        %dma_wait3A_1112 = tpu.memref_slice %arg8[%add3A_1018, %dma_wait3A_1111] : memref<25x40xi32, #tpu.memory_space<vmem>> -> memref<1x40xi32, #tpu.memory_space<vmem>>
        %dma_wait3A_1113 = tpu.memref_squeeze %dma_wait3A_1112 : memref<1x40xi32, #tpu.memory_space<vmem>> -> memref<40xi32, #tpu.memory_space<vmem>>
        %dma_wait3A_1114 = arith.constant 0 : i32
        %dma_wait3A_1115 = arith.constant 0 : i32
        %dma_wait3A_1116 = tpu.memref_slice %arg2[%dma_wait3A_1114, %dma_wait3A_1115] : memref<10000x128xf32, #tpu.memory_space<hbm>> -> memref<10000x128xf32, #tpu.memory_space<hbm>>
        tpu.wait_indirect_dma semaphore(%arg23 : memref<!tpu.dma_semaphore, #tpu.memory_space<semaphore_mem>>) src(%dma_wait3A_1116 : memref<10000x128xf32, #tpu.memory_space<hbm>>) dst(%arg14 : memref<40x128xf32, #tpu.memory_space<vmem>>)
        %dma_wait3A_1117 = arith.constant 0 : i32
        %dma_wait3A_1118 = tpu.memref_slice %arg8[%add3A_1026, %dma_wait3A_1117] : memref<25x40xi32, #tpu.memory_space<vmem>> -> memref<1x40xi32, #tpu.memory_space<vmem>>
        %dma_wait3A_1119 = tpu.memref_squeeze %dma_wait3A_1118 : memref<1x40xi32, #tpu.memory_space<vmem>> -> memref<40xi32, #tpu.memory_space<vmem>>
        %dma_wait3A_1120 = arith.constant 0 : i32
        %dma_wait3A_1121 = arith.constant 0 : i32
        %dma_wait3A_1122 = tpu.memref_slice %arg2[%dma_wait3A_1120, %dma_wait3A_1121] : memref<10000x128xf32, #tpu.memory_space<hbm>> -> memref<10000x128xf32, #tpu.memory_space<hbm>>
        tpu.wait_indirect_dma semaphore(%arg24 : memref<!tpu.dma_semaphore, #tpu.memory_space<semaphore_mem>>) src(%dma_wait3A_1122 : memref<10000x128xf32, #tpu.memory_space<hbm>>) dst(%arg15 : memref<40x128xf32, #tpu.memory_space<vmem>>)
        %dma_wait3A_1123 = arith.constant 0 : i32
        %dma_wait3A_1124 = tpu.memref_slice %arg8[%add3A_1034, %dma_wait3A_1123] : memref<25x40xi32, #tpu.memory_space<vmem>> -> memref<1x40xi32, #tpu.memory_space<vmem>>
        %dma_wait3A_1125 = tpu.memref_squeeze %dma_wait3A_1124 : memref<1x40xi32, #tpu.memory_space<vmem>> -> memref<40xi32, #tpu.memory_space<vmem>>
        %dma_wait3A_1126 = arith.constant 0 : i32
        %dma_wait3A_1127 = arith.constant 0 : i32
        %dma_wait3A_1128 = tpu.memref_slice %arg2[%dma_wait3A_1126, %dma_wait3A_1127] : memref<10000x128xf32, #tpu.memory_space<hbm>> -> memref<10000x128xf32, #tpu.memory_space<hbm>>
        tpu.wait_indirect_dma semaphore(%arg25 : memref<!tpu.dma_semaphore, #tpu.memory_space<semaphore_mem>>) src(%dma_wait3A_1128 : memref<10000x128xf32, #tpu.memory_space<hbm>>) dst(%arg16 : memref<40x128xf32, #tpu.memory_space<vmem>>)
        %add3A_1129 = arith.constant 3 : i32
        %add3A_1130 = arith.addi %add3A_1014, %add3A_1129 : i32
        %add3A_1131 = arith.constant 0 : i32
        %add3A_1132 = arith.addi %add3A_1130, %add3A_1131 : i32
        %dma_start3A_1133 = arith.constant 0 : i32
        %dma_start3A_1134 = tpu.memref_slice %arg10[%add3A_1132, %dma_start3A_1133] : memref<25x40xi32, #tpu.memory_space<vmem>> -> memref<1x40xi32, #tpu.memory_space<vmem>>
        %dma_start3A_1135 = tpu.memref_squeeze %dma_start3A_1134 : memref<1x40xi32, #tpu.memory_space<vmem>> -> memref<40xi32, #tpu.memory_space<vmem>>
        %dma_start3A_1136 = arith.constant 0 : i32
        %dma_start3A_1137 = arith.constant 0 : i32
        %dma_start3A_1138 = tpu.memref_slice %arg26[%dma_start3A_1136, %dma_start3A_1137] : memref<10240x128xf32, #tpu.memory_space<vmem_shared>> -> memref<10240x128xf32, #tpu.memory_space<vmem_shared>>
        tpu.enqueue_indirect_dma source(%arg14 : memref<40x128xf32, #tpu.memory_space<vmem>>) target(%dma_start3A_1138 : memref<10240x128xf32, #tpu.memory_space<vmem_shared>>) offsets(%dma_start3A_1135 : memref<40xi32, #tpu.memory_space<vmem>>) semaphore(%arg19 : memref<!tpu.dma_semaphore, #tpu.memory_space<semaphore_mem>>) {add = true}
        %add3A_1139 = arith.constant 1 : i32
        %add3A_1140 = arith.addi %add3A_1130, %add3A_1139 : i32
        %dma_start3A_1141 = arith.constant 0 : i32
        %dma_start3A_1142 = tpu.memref_slice %arg10[%add3A_1140, %dma_start3A_1141] : memref<25x40xi32, #tpu.memory_space<vmem>> -> memref<1x40xi32, #tpu.memory_space<vmem>>
        %dma_start3A_1143 = tpu.memref_squeeze %dma_start3A_1142 : memref<1x40xi32, #tpu.memory_space<vmem>> -> memref<40xi32, #tpu.memory_space<vmem>>
        %dma_start3A_1144 = arith.constant 0 : i32
        %dma_start3A_1145 = arith.constant 0 : i32
        %dma_start3A_1146 = tpu.memref_slice %arg26[%dma_start3A_1144, %dma_start3A_1145] : memref<10240x128xf32, #tpu.memory_space<vmem_shared>> -> memref<10240x128xf32, #tpu.memory_space<vmem_shared>>
        tpu.enqueue_indirect_dma source(%arg15 : memref<40x128xf32, #tpu.memory_space<vmem>>) target(%dma_start3A_1146 : memref<10240x128xf32, #tpu.memory_space<vmem_shared>>) offsets(%dma_start3A_1143 : memref<40xi32, #tpu.memory_space<vmem>>) semaphore(%arg19 : memref<!tpu.dma_semaphore, #tpu.memory_space<semaphore_mem>>) {add = true}
        %add3A_1147 = arith.constant 2 : i32
        %add3A_1148 = arith.addi %add3A_1130, %add3A_1147 : i32
        %dma_start3A_1149 = arith.constant 0 : i32
        %dma_start3A_1150 = tpu.memref_slice %arg10[%add3A_1148, %dma_start3A_1149] : memref<25x40xi32, #tpu.memory_space<vmem>> -> memref<1x40xi32, #tpu.memory_space<vmem>>
        %dma_start3A_1151 = tpu.memref_squeeze %dma_start3A_1150 : memref<1x40xi32, #tpu.memory_space<vmem>> -> memref<40xi32, #tpu.memory_space<vmem>>
        %dma_start3A_1152 = arith.constant 0 : i32
        %dma_start3A_1153 = arith.constant 0 : i32
        %dma_start3A_1154 = tpu.memref_slice %arg26[%dma_start3A_1152, %dma_start3A_1153] : memref<10240x128xf32, #tpu.memory_space<vmem_shared>> -> memref<10240x128xf32, #tpu.memory_space<vmem_shared>>
        tpu.enqueue_indirect_dma source(%arg16 : memref<40x128xf32, #tpu.memory_space<vmem>>) target(%dma_start3A_1154 : memref<10240x128xf32, #tpu.memory_space<vmem_shared>>) offsets(%dma_start3A_1151 : memref<40xi32, #tpu.memory_space<vmem>>) semaphore(%arg19 : memref<!tpu.dma_semaphore, #tpu.memory_space<semaphore_mem>>) {add = true}
        %dma_wait3A_1155 = arith.constant 0 : i32
        %dma_wait3A_1156 = tpu.memref_slice %arg10[%add3A_1132, %dma_wait3A_1155] : memref<25x40xi32, #tpu.memory_space<vmem>> -> memref<1x40xi32, #tpu.memory_space<vmem>>
        %dma_wait3A_1157 = tpu.memref_squeeze %dma_wait3A_1156 : memref<1x40xi32, #tpu.memory_space<vmem>> -> memref<40xi32, #tpu.memory_space<vmem>>
        %dma_wait3A_1158 = arith.constant 0 : i32
        %dma_wait3A_1159 = arith.constant 0 : i32
        %dma_wait3A_1160 = tpu.memref_slice %arg26[%dma_wait3A_1158, %dma_wait3A_1159] : memref<10240x128xf32, #tpu.memory_space<vmem_shared>> -> memref<10240x128xf32, #tpu.memory_space<vmem_shared>>
        tpu.wait_indirect_dma semaphore(%arg19 : memref<!tpu.dma_semaphore, #tpu.memory_space<semaphore_mem>>) src(%arg14 : memref<40x128xf32, #tpu.memory_space<vmem>>) dst(%dma_wait3A_1160 : memref<10240x128xf32, #tpu.memory_space<vmem_shared>>)
        %dma_wait3A_1161 = arith.constant 0 : i32
        %dma_wait3A_1162 = tpu.memref_slice %arg10[%add3A_1140, %dma_wait3A_1161] : memref<25x40xi32, #tpu.memory_space<vmem>> -> memref<1x40xi32, #tpu.memory_space<vmem>>
        %dma_wait3A_1163 = tpu.memref_squeeze %dma_wait3A_1162 : memref<1x40xi32, #tpu.memory_space<vmem>> -> memref<40xi32, #tpu.memory_space<vmem>>
        %dma_wait3A_1164 = arith.constant 0 : i32
        %dma_wait3A_1165 = arith.constant 0 : i32
        %dma_wait3A_1166 = tpu.memref_slice %arg26[%dma_wait3A_1164, %dma_wait3A_1165] : memref<10240x128xf32, #tpu.memory_space<vmem_shared>> -> memref<10240x128xf32, #tpu.memory_space<vmem_shared>>
        tpu.wait_indirect_dma semaphore(%arg19 : memref<!tpu.dma_semaphore, #tpu.memory_space<semaphore_mem>>) src(%arg15 : memref<40x128xf32, #tpu.memory_space<vmem>>) dst(%dma_wait3A_1166 : memref<10240x128xf32, #tpu.memory_space<vmem_shared>>)
        %dma_wait3A_1167 = arith.constant 0 : i32
        %dma_wait3A_1168 = tpu.memref_slice %arg10[%add3A_1148, %dma_wait3A_1167] : memref<25x40xi32, #tpu.memory_space<vmem>> -> memref<1x40xi32, #tpu.memory_space<vmem>>
        %dma_wait3A_1169 = tpu.memref_squeeze %dma_wait3A_1168 : memref<1x40xi32, #tpu.memory_space<vmem>> -> memref<40xi32, #tpu.memory_space<vmem>>
        %dma_wait3A_1170 = arith.constant 0 : i32
        %dma_wait3A_1171 = arith.constant 0 : i32
        %dma_wait3A_1172 = tpu.memref_slice %arg26[%dma_wait3A_1170, %dma_wait3A_1171] : memref<10240x128xf32, #tpu.memory_space<vmem_shared>> -> memref<10240x128xf32, #tpu.memory_space<vmem_shared>>
        tpu.wait_indirect_dma semaphore(%arg19 : memref<!tpu.dma_semaphore, #tpu.memory_space<semaphore_mem>>) src(%arg16 : memref<40x128xf32, #tpu.memory_space<vmem>>) dst(%dma_wait3A_1172 : memref<10240x128xf32, #tpu.memory_space<vmem_shared>>)
      }
      %scan3A_797 = arith.constant 3 : i32
      %dma_start3A_798 = arith.constant 18 : i32
      %dma_start3A_799 = arith.constant 0 : i32
      %dma_start3A_800 = tpu.memref_slice %arg8[%dma_start3A_798, %dma_start3A_799] : memref<25x40xi32, #tpu.memory_space<vmem>> -> memref<1x40xi32, #tpu.memory_space<vmem>>
      %dma_start3A_801 = tpu.memref_squeeze %dma_start3A_800 : memref<1x40xi32, #tpu.memory_space<vmem>> -> memref<40xi32, #tpu.memory_space<vmem>>
      %dma_start3A_802 = arith.constant 0 : i32
      %dma_start3A_803 = arith.constant 0 : i32
      %dma_start3A_804 = tpu.memref_slice %arg2[%dma_start3A_802, %dma_start3A_803] : memref<10000x128xf32, #tpu.memory_space<hbm>> -> memref<10000x128xf32, #tpu.memory_space<hbm>>
      tpu.enqueue_indirect_dma source(%dma_start3A_804 : memref<10000x128xf32, #tpu.memory_space<hbm>>) target(%arg11 : memref<40x128xf32, #tpu.memory_space<vmem>>) offsets(%dma_start3A_801 : memref<40xi32, #tpu.memory_space<vmem>>) semaphore(%arg20 : memref<!tpu.dma_semaphore, #tpu.memory_space<semaphore_mem>>)
      %dma_start3A_805 = arith.constant 19 : i32
      %dma_start3A_806 = arith.constant 0 : i32
      %dma_start3A_807 = tpu.memref_slice %arg8[%dma_start3A_805, %dma_start3A_806] : memref<25x40xi32, #tpu.memory_space<vmem>> -> memref<1x40xi32, #tpu.memory_space<vmem>>
      %dma_start3A_808 = tpu.memref_squeeze %dma_start3A_807 : memref<1x40xi32, #tpu.memory_space<vmem>> -> memref<40xi32, #tpu.memory_space<vmem>>
      %dma_start3A_809 = arith.constant 0 : i32
      %dma_start3A_810 = arith.constant 0 : i32
      %dma_start3A_811 = tpu.memref_slice %arg2[%dma_start3A_809, %dma_start3A_810] : memref<10000x128xf32, #tpu.memory_space<hbm>> -> memref<10000x128xf32, #tpu.memory_space<hbm>>
      tpu.enqueue_indirect_dma source(%dma_start3A_811 : memref<10000x128xf32, #tpu.memory_space<hbm>>) target(%arg12 : memref<40x128xf32, #tpu.memory_space<vmem>>) offsets(%dma_start3A_808 : memref<40xi32, #tpu.memory_space<vmem>>) semaphore(%arg21 : memref<!tpu.dma_semaphore, #tpu.memory_space<semaphore_mem>>)
      %dma_start3A_812 = arith.constant 20 : i32
      %dma_start3A_813 = arith.constant 0 : i32
      %dma_start3A_814 = tpu.memref_slice %arg8[%dma_start3A_812, %dma_start3A_813] : memref<25x40xi32, #tpu.memory_space<vmem>> -> memref<1x40xi32, #tpu.memory_space<vmem>>
      %dma_start3A_815 = tpu.memref_squeeze %dma_start3A_814 : memref<1x40xi32, #tpu.memory_space<vmem>> -> memref<40xi32, #tpu.memory_space<vmem>>
      %dma_start3A_816 = arith.constant 0 : i32
      %dma_start3A_817 = arith.constant 0 : i32
      %dma_start3A_818 = tpu.memref_slice %arg2[%dma_start3A_816, %dma_start3A_817] : memref<10000x128xf32, #tpu.memory_space<hbm>> -> memref<10000x128xf32, #tpu.memory_space<hbm>>
      tpu.enqueue_indirect_dma source(%dma_start3A_818 : memref<10000x128xf32, #tpu.memory_space<hbm>>) target(%arg13 : memref<40x128xf32, #tpu.memory_space<vmem>>) offsets(%dma_start3A_815 : memref<40xi32, #tpu.memory_space<vmem>>) semaphore(%arg22 : memref<!tpu.dma_semaphore, #tpu.memory_space<semaphore_mem>>)
      %dma_wait3A_819 = arith.constant 18 : i32
      %dma_wait3A_820 = arith.constant 0 : i32
      %dma_wait3A_821 = tpu.memref_slice %arg8[%dma_wait3A_819, %dma_wait3A_820] : memref<25x40xi32, #tpu.memory_space<vmem>> -> memref<1x40xi32, #tpu.memory_space<vmem>>
      %dma_wait3A_822 = tpu.memref_squeeze %dma_wait3A_821 : memref<1x40xi32, #tpu.memory_space<vmem>> -> memref<40xi32, #tpu.memory_space<vmem>>
      %dma_wait3A_823 = arith.constant 0 : i32
      %dma_wait3A_824 = arith.constant 0 : i32
      %dma_wait3A_825 = tpu.memref_slice %arg2[%dma_wait3A_823, %dma_wait3A_824] : memref<10000x128xf32, #tpu.memory_space<hbm>> -> memref<10000x128xf32, #tpu.memory_space<hbm>>
      tpu.wait_indirect_dma semaphore(%arg20 : memref<!tpu.dma_semaphore, #tpu.memory_space<semaphore_mem>>) src(%dma_wait3A_825 : memref<10000x128xf32, #tpu.memory_space<hbm>>) dst(%arg11 : memref<40x128xf32, #tpu.memory_space<vmem>>)
      %dma_start3A_826 = arith.constant 18 : i32
      %dma_start3A_827 = arith.constant 0 : i32
      %dma_start3A_828 = tpu.memref_slice %arg10[%dma_start3A_826, %dma_start3A_827] : memref<25x40xi32, #tpu.memory_space<vmem>> -> memref<1x40xi32, #tpu.memory_space<vmem>>
      %dma_start3A_829 = tpu.memref_squeeze %dma_start3A_828 : memref<1x40xi32, #tpu.memory_space<vmem>> -> memref<40xi32, #tpu.memory_space<vmem>>
      %dma_start3A_830 = arith.constant 0 : i32
      %dma_start3A_831 = arith.constant 0 : i32
      %dma_start3A_832 = tpu.memref_slice %arg26[%dma_start3A_830, %dma_start3A_831] : memref<10240x128xf32, #tpu.memory_space<vmem_shared>> -> memref<10240x128xf32, #tpu.memory_space<vmem_shared>>
      tpu.enqueue_indirect_dma source(%arg11 : memref<40x128xf32, #tpu.memory_space<vmem>>) target(%dma_start3A_832 : memref<10240x128xf32, #tpu.memory_space<vmem_shared>>) offsets(%dma_start3A_829 : memref<40xi32, #tpu.memory_space<vmem>>) semaphore(%arg19 : memref<!tpu.dma_semaphore, #tpu.memory_space<semaphore_mem>>) {add = true}
      %dma_wait3A_833 = arith.constant 19 : i32
      %dma_wait3A_834 = arith.constant 0 : i32
      %dma_wait3A_835 = tpu.memref_slice %arg8[%dma_wait3A_833, %dma_wait3A_834] : memref<25x40xi32, #tpu.memory_space<vmem>> -> memref<1x40xi32, #tpu.memory_space<vmem>>
      %dma_wait3A_836 = tpu.memref_squeeze %dma_wait3A_835 : memref<1x40xi32, #tpu.memory_space<vmem>> -> memref<40xi32, #tpu.memory_space<vmem>>
      %dma_wait3A_837 = arith.constant 0 : i32
      %dma_wait3A_838 = arith.constant 0 : i32
      %dma_wait3A_839 = tpu.memref_slice %arg2[%dma_wait3A_837, %dma_wait3A_838] : memref<10000x128xf32, #tpu.memory_space<hbm>> -> memref<10000x128xf32, #tpu.memory_space<hbm>>
      tpu.wait_indirect_dma semaphore(%arg21 : memref<!tpu.dma_semaphore, #tpu.memory_space<semaphore_mem>>) src(%dma_wait3A_839 : memref<10000x128xf32, #tpu.memory_space<hbm>>) dst(%arg12 : memref<40x128xf32, #tpu.memory_space<vmem>>)
      %dma_start3A_840 = arith.constant 19 : i32
      %dma_start3A_841 = arith.constant 0 : i32
      %dma_start3A_842 = tpu.memref_slice %arg10[%dma_start3A_840, %dma_start3A_841] : memref<25x40xi32, #tpu.memory_space<vmem>> -> memref<1x40xi32, #tpu.memory_space<vmem>>
      %dma_start3A_843 = tpu.memref_squeeze %dma_start3A_842 : memref<1x40xi32, #tpu.memory_space<vmem>> -> memref<40xi32, #tpu.memory_space<vmem>>
      %dma_start3A_844 = arith.constant 0 : i32
      %dma_start3A_845 = arith.constant 0 : i32
      %dma_start3A_846 = tpu.memref_slice %arg26[%dma_start3A_844, %dma_start3A_845] : memref<10240x128xf32, #tpu.memory_space<vmem_shared>> -> memref<10240x128xf32, #tpu.memory_space<vmem_shared>>
      tpu.enqueue_indirect_dma source(%arg12 : memref<40x128xf32, #tpu.memory_space<vmem>>) target(%dma_start3A_846 : memref<10240x128xf32, #tpu.memory_space<vmem_shared>>) offsets(%dma_start3A_843 : memref<40xi32, #tpu.memory_space<vmem>>) semaphore(%arg19 : memref<!tpu.dma_semaphore, #tpu.memory_space<semaphore_mem>>) {add = true}
      %dma_wait3A_847 = arith.constant 20 : i32
      %dma_wait3A_848 = arith.constant 0 : i32
      %dma_wait3A_849 = tpu.memref_slice %arg8[%dma_wait3A_847, %dma_wait3A_848] : memref<25x40xi32, #tpu.memory_space<vmem>> -> memref<1x40xi32, #tpu.memory_space<vmem>>
      %dma_wait3A_850 = tpu.memref_squeeze %dma_wait3A_849 : memref<1x40xi32, #tpu.memory_space<vmem>> -> memref<40xi32, #tpu.memory_space<vmem>>
      %dma_wait3A_851 = arith.constant 0 : i32
      %dma_wait3A_852 = arith.constant 0 : i32
      %dma_wait3A_853 = tpu.memref_slice %arg2[%dma_wait3A_851, %dma_wait3A_852] : memref<10000x128xf32, #tpu.memory_space<hbm>> -> memref<10000x128xf32, #tpu.memory_space<hbm>>
      tpu.wait_indirect_dma semaphore(%arg22 : memref<!tpu.dma_semaphore, #tpu.memory_space<semaphore_mem>>) src(%dma_wait3A_853 : memref<10000x128xf32, #tpu.memory_space<hbm>>) dst(%arg13 : memref<40x128xf32, #tpu.memory_space<vmem>>)
      %dma_start3A_854 = arith.constant 20 : i32
      %dma_start3A_855 = arith.constant 0 : i32
      %dma_start3A_856 = tpu.memref_slice %arg10[%dma_start3A_854, %dma_start3A_855] : memref<25x40xi32, #tpu.memory_space<vmem>> -> memref<1x40xi32, #tpu.memory_space<vmem>>
      %dma_start3A_857 = tpu.memref_squeeze %dma_start3A_856 : memref<1x40xi32, #tpu.memory_space<vmem>> -> memref<40xi32, #tpu.memory_space<vmem>>
      %dma_start3A_858 = arith.constant 0 : i32
      %dma_start3A_859 = arith.constant 0 : i32
      %dma_start3A_860 = tpu.memref_slice %arg26[%dma_start3A_858, %dma_start3A_859] : memref<10240x128xf32, #tpu.memory_space<vmem_shared>> -> memref<10240x128xf32, #tpu.memory_space<vmem_shared>>
      tpu.enqueue_indirect_dma source(%arg13 : memref<40x128xf32, #tpu.memory_space<vmem>>) target(%dma_start3A_860 : memref<10240x128xf32, #tpu.memory_space<vmem_shared>>) offsets(%dma_start3A_857 : memref<40xi32, #tpu.memory_space<vmem>>) semaphore(%arg19 : memref<!tpu.dma_semaphore, #tpu.memory_space<semaphore_mem>>) {add = true}
      %dma_wait3A_861 = arith.constant 18 : i32
      %dma_wait3A_862 = arith.constant 0 : i32
      %dma_wait3A_863 = tpu.memref_slice %arg10[%dma_wait3A_861, %dma_wait3A_862] : memref<25x40xi32, #tpu.memory_space<vmem>> -> memref<1x40xi32, #tpu.memory_space<vmem>>
      %dma_wait3A_864 = tpu.memref_squeeze %dma_wait3A_863 : memref<1x40xi32, #tpu.memory_space<vmem>> -> memref<40xi32, #tpu.memory_space<vmem>>
      %dma_wait3A_865 = arith.constant 0 : i32
      %dma_wait3A_866 = arith.constant 0 : i32
      %dma_wait3A_867 = tpu.memref_slice %arg26[%dma_wait3A_865, %dma_wait3A_866] : memref<10240x128xf32, #tpu.memory_space<vmem_shared>> -> memref<10240x128xf32, #tpu.memory_space<vmem_shared>>
      tpu.wait_indirect_dma semaphore(%arg19 : memref<!tpu.dma_semaphore, #tpu.memory_space<semaphore_mem>>) src(%arg11 : memref<40x128xf32, #tpu.memory_space<vmem>>) dst(%dma_wait3A_867 : memref<10240x128xf32, #tpu.memory_space<vmem_shared>>)
      %dma_wait3A_868 = arith.constant 19 : i32
      %dma_wait3A_869 = arith.constant 0 : i32
      %dma_wait3A_870 = tpu.memref_slice %arg10[%dma_wait3A_868, %dma_wait3A_869] : memref<25x40xi32, #tpu.memory_space<vmem>> -> memref<1x40xi32, #tpu.memory_space<vmem>>
      %dma_wait3A_871 = tpu.memref_squeeze %dma_wait3A_870 : memref<1x40xi32, #tpu.memory_space<vmem>> -> memref<40xi32, #tpu.memory_space<vmem>>
      %dma_wait3A_872 = arith.constant 0 : i32
      %dma_wait3A_873 = arith.constant 0 : i32
      %dma_wait3A_874 = tpu.memref_slice %arg26[%dma_wait3A_872, %dma_wait3A_873] : memref<10240x128xf32, #tpu.memory_space<vmem_shared>> -> memref<10240x128xf32, #tpu.memory_space<vmem_shared>>
      tpu.wait_indirect_dma semaphore(%arg19 : memref<!tpu.dma_semaphore, #tpu.memory_space<semaphore_mem>>) src(%arg12 : memref<40x128xf32, #tpu.memory_space<vmem>>) dst(%dma_wait3A_874 : memref<10240x128xf32, #tpu.memory_space<vmem_shared>>)
      %dma_wait3A_875 = arith.constant 20 : i32
      %dma_wait3A_876 = arith.constant 0 : i32
      %dma_wait3A_877 = tpu.memref_slice %arg10[%dma_wait3A_875, %dma_wait3A_876] : memref<25x40xi32, #tpu.memory_space<vmem>> -> memref<1x40xi32, #tpu.memory_space<vmem>>
      %dma_wait3A_878 = tpu.memref_squeeze %dma_wait3A_877 : memref<1x40xi32, #tpu.memory_space<vmem>> -> memref<40xi32, #tpu.memory_space<vmem>>
      %dma_wait3A_879 = arith.constant 0 : i32
      %dma_wait3A_880 = arith.constant 0 : i32
      %dma_wait3A_881 = tpu.memref_slice %arg26[%dma_wait3A_879, %dma_wait3A_880] : memref<10240x128xf32, #tpu.memory_space<vmem_shared>> -> memref<10240x128xf32, #tpu.memory_space<vmem_shared>>
      tpu.wait_indirect_dma semaphore(%arg19 : memref<!tpu.dma_semaphore, #tpu.memory_space<semaphore_mem>>) src(%arg13 : memref<40x128xf32, #tpu.memory_space<vmem>>) dst(%dma_wait3A_881 : memref<10240x128xf32, #tpu.memory_space<vmem_shared>>)
      %dma_start3A_882 = arith.constant 21 : i32
      %dma_start3A_883 = arith.constant 0 : i32
      %dma_start3A_884 = tpu.memref_slice %arg8[%dma_start3A_882, %dma_start3A_883] : memref<25x40xi32, #tpu.memory_space<vmem>> -> memref<1x40xi32, #tpu.memory_space<vmem>>
      %dma_start3A_885 = tpu.memref_squeeze %dma_start3A_884 : memref<1x40xi32, #tpu.memory_space<vmem>> -> memref<40xi32, #tpu.memory_space<vmem>>
      %dma_start3A_886 = arith.constant 0 : i32
      %dma_start3A_887 = arith.constant 0 : i32
      %dma_start3A_888 = tpu.memref_slice %arg2[%dma_start3A_886, %dma_start3A_887] : memref<10000x128xf32, #tpu.memory_space<hbm>> -> memref<10000x128xf32, #tpu.memory_space<hbm>>
      tpu.enqueue_indirect_dma source(%dma_start3A_888 : memref<10000x128xf32, #tpu.memory_space<hbm>>) target(%arg11 : memref<40x128xf32, #tpu.memory_space<vmem>>) offsets(%dma_start3A_885 : memref<40xi32, #tpu.memory_space<vmem>>) semaphore(%arg20 : memref<!tpu.dma_semaphore, #tpu.memory_space<semaphore_mem>>)
      %dma_start3A_889 = arith.constant 22 : i32
      %dma_start3A_890 = arith.constant 0 : i32
      %dma_start3A_891 = tpu.memref_slice %arg8[%dma_start3A_889, %dma_start3A_890] : memref<25x40xi32, #tpu.memory_space<vmem>> -> memref<1x40xi32, #tpu.memory_space<vmem>>
      %dma_start3A_892 = tpu.memref_squeeze %dma_start3A_891 : memref<1x40xi32, #tpu.memory_space<vmem>> -> memref<40xi32, #tpu.memory_space<vmem>>
      %dma_start3A_893 = arith.constant 0 : i32
      %dma_start3A_894 = arith.constant 0 : i32
      %dma_start3A_895 = tpu.memref_slice %arg2[%dma_start3A_893, %dma_start3A_894] : memref<10000x128xf32, #tpu.memory_space<hbm>> -> memref<10000x128xf32, #tpu.memory_space<hbm>>
      tpu.enqueue_indirect_dma source(%dma_start3A_895 : memref<10000x128xf32, #tpu.memory_space<hbm>>) target(%arg12 : memref<40x128xf32, #tpu.memory_space<vmem>>) offsets(%dma_start3A_892 : memref<40xi32, #tpu.memory_space<vmem>>) semaphore(%arg21 : memref<!tpu.dma_semaphore, #tpu.memory_space<semaphore_mem>>)
      %dma_start3A_896 = arith.constant 23 : i32
      %dma_start3A_897 = arith.constant 0 : i32
      %dma_start3A_898 = tpu.memref_slice %arg8[%dma_start3A_896, %dma_start3A_897] : memref<25x40xi32, #tpu.memory_space<vmem>> -> memref<1x40xi32, #tpu.memory_space<vmem>>
      %dma_start3A_899 = tpu.memref_squeeze %dma_start3A_898 : memref<1x40xi32, #tpu.memory_space<vmem>> -> memref<40xi32, #tpu.memory_space<vmem>>
      %dma_start3A_900 = arith.constant 0 : i32
      %dma_start3A_901 = arith.constant 0 : i32
      %dma_start3A_902 = tpu.memref_slice %arg2[%dma_start3A_900, %dma_start3A_901] : memref<10000x128xf32, #tpu.memory_space<hbm>> -> memref<10000x128xf32, #tpu.memory_space<hbm>>
      tpu.enqueue_indirect_dma source(%dma_start3A_902 : memref<10000x128xf32, #tpu.memory_space<hbm>>) target(%arg13 : memref<40x128xf32, #tpu.memory_space<vmem>>) offsets(%dma_start3A_899 : memref<40xi32, #tpu.memory_space<vmem>>) semaphore(%arg22 : memref<!tpu.dma_semaphore, #tpu.memory_space<semaphore_mem>>)
      %dma_wait3A_903 = arith.constant 21 : i32
      %dma_wait3A_904 = arith.constant 0 : i32
      %dma_wait3A_905 = tpu.memref_slice %arg8[%dma_wait3A_903, %dma_wait3A_904] : memref<25x40xi32, #tpu.memory_space<vmem>> -> memref<1x40xi32, #tpu.memory_space<vmem>>
      %dma_wait3A_906 = tpu.memref_squeeze %dma_wait3A_905 : memref<1x40xi32, #tpu.memory_space<vmem>> -> memref<40xi32, #tpu.memory_space<vmem>>
      %dma_wait3A_907 = arith.constant 0 : i32
      %dma_wait3A_908 = arith.constant 0 : i32
      %dma_wait3A_909 = tpu.memref_slice %arg2[%dma_wait3A_907, %dma_wait3A_908] : memref<10000x128xf32, #tpu.memory_space<hbm>> -> memref<10000x128xf32, #tpu.memory_space<hbm>>
      tpu.wait_indirect_dma semaphore(%arg20 : memref<!tpu.dma_semaphore, #tpu.memory_space<semaphore_mem>>) src(%dma_wait3A_909 : memref<10000x128xf32, #tpu.memory_space<hbm>>) dst(%arg11 : memref<40x128xf32, #tpu.memory_space<vmem>>)
      %dma_start3A_910 = arith.constant 21 : i32
      %dma_start3A_911 = arith.constant 0 : i32
      %dma_start3A_912 = tpu.memref_slice %arg10[%dma_start3A_910, %dma_start3A_911] : memref<25x40xi32, #tpu.memory_space<vmem>> -> memref<1x40xi32, #tpu.memory_space<vmem>>
      %dma_start3A_913 = tpu.memref_squeeze %dma_start3A_912 : memref<1x40xi32, #tpu.memory_space<vmem>> -> memref<40xi32, #tpu.memory_space<vmem>>
      %dma_start3A_914 = arith.constant 0 : i32
      %dma_start3A_915 = arith.constant 0 : i32
      %dma_start3A_916 = tpu.memref_slice %arg26[%dma_start3A_914, %dma_start3A_915] : memref<10240x128xf32, #tpu.memory_space<vmem_shared>> -> memref<10240x128xf32, #tpu.memory_space<vmem_shared>>
      tpu.enqueue_indirect_dma source(%arg11 : memref<40x128xf32, #tpu.memory_space<vmem>>) target(%dma_start3A_916 : memref<10240x128xf32, #tpu.memory_space<vmem_shared>>) offsets(%dma_start3A_913 : memref<40xi32, #tpu.memory_space<vmem>>) semaphore(%arg19 : memref<!tpu.dma_semaphore, #tpu.memory_space<semaphore_mem>>) {add = true}
      %dma_wait3A_917 = arith.constant 22 : i32
      %dma_wait3A_918 = arith.constant 0 : i32
      %dma_wait3A_919 = tpu.memref_slice %arg8[%dma_wait3A_917, %dma_wait3A_918] : memref<25x40xi32, #tpu.memory_space<vmem>> -> memref<1x40xi32, #tpu.memory_space<vmem>>
      %dma_wait3A_920 = tpu.memref_squeeze %dma_wait3A_919 : memref<1x40xi32, #tpu.memory_space<vmem>> -> memref<40xi32, #tpu.memory_space<vmem>>
      %dma_wait3A_921 = arith.constant 0 : i32
      %dma_wait3A_922 = arith.constant 0 : i32
      %dma_wait3A_923 = tpu.memref_slice %arg2[%dma_wait3A_921, %dma_wait3A_922] : memref<10000x128xf32, #tpu.memory_space<hbm>> -> memref<10000x128xf32, #tpu.memory_space<hbm>>
      tpu.wait_indirect_dma semaphore(%arg21 : memref<!tpu.dma_semaphore, #tpu.memory_space<semaphore_mem>>) src(%dma_wait3A_923 : memref<10000x128xf32, #tpu.memory_space<hbm>>) dst(%arg12 : memref<40x128xf32, #tpu.memory_space<vmem>>)
      %dma_start3A_924 = arith.constant 22 : i32
      %dma_start3A_925 = arith.constant 0 : i32
      %dma_start3A_926 = tpu.memref_slice %arg10[%dma_start3A_924, %dma_start3A_925] : memref<25x40xi32, #tpu.memory_space<vmem>> -> memref<1x40xi32, #tpu.memory_space<vmem>>
      %dma_start3A_927 = tpu.memref_squeeze %dma_start3A_926 : memref<1x40xi32, #tpu.memory_space<vmem>> -> memref<40xi32, #tpu.memory_space<vmem>>
      %dma_start3A_928 = arith.constant 0 : i32
      %dma_start3A_929 = arith.constant 0 : i32
      %dma_start3A_930 = tpu.memref_slice %arg26[%dma_start3A_928, %dma_start3A_929] : memref<10240x128xf32, #tpu.memory_space<vmem_shared>> -> memref<10240x128xf32, #tpu.memory_space<vmem_shared>>
      tpu.enqueue_indirect_dma source(%arg12 : memref<40x128xf32, #tpu.memory_space<vmem>>) target(%dma_start3A_930 : memref<10240x128xf32, #tpu.memory_space<vmem_shared>>) offsets(%dma_start3A_927 : memref<40xi32, #tpu.memory_space<vmem>>) semaphore(%arg19 : memref<!tpu.dma_semaphore, #tpu.memory_space<semaphore_mem>>) {add = true}
      %dma_wait3A_931 = arith.constant 23 : i32
      %dma_wait3A_932 = arith.constant 0 : i32
      %dma_wait3A_933 = tpu.memref_slice %arg8[%dma_wait3A_931, %dma_wait3A_932] : memref<25x40xi32, #tpu.memory_space<vmem>> -> memref<1x40xi32, #tpu.memory_space<vmem>>
      %dma_wait3A_934 = tpu.memref_squeeze %dma_wait3A_933 : memref<1x40xi32, #tpu.memory_space<vmem>> -> memref<40xi32, #tpu.memory_space<vmem>>
      %dma_wait3A_935 = arith.constant 0 : i32
      %dma_wait3A_936 = arith.constant 0 : i32
      %dma_wait3A_937 = tpu.memref_slice %arg2[%dma_wait3A_935, %dma_wait3A_936] : memref<10000x128xf32, #tpu.memory_space<hbm>> -> memref<10000x128xf32, #tpu.memory_space<hbm>>
      tpu.wait_indirect_dma semaphore(%arg22 : memref<!tpu.dma_semaphore, #tpu.memory_space<semaphore_mem>>) src(%dma_wait3A_937 : memref<10000x128xf32, #tpu.memory_space<hbm>>) dst(%arg13 : memref<40x128xf32, #tpu.memory_space<vmem>>)
      %dma_start3A_938 = arith.constant 23 : i32
      %dma_start3A_939 = arith.constant 0 : i32
      %dma_start3A_940 = tpu.memref_slice %arg10[%dma_start3A_938, %dma_start3A_939] : memref<25x40xi32, #tpu.memory_space<vmem>> -> memref<1x40xi32, #tpu.memory_space<vmem>>
      %dma_start3A_941 = tpu.memref_squeeze %dma_start3A_940 : memref<1x40xi32, #tpu.memory_space<vmem>> -> memref<40xi32, #tpu.memory_space<vmem>>
      %dma_start3A_942 = arith.constant 0 : i32
      %dma_start3A_943 = arith.constant 0 : i32
      %dma_start3A_944 = tpu.memref_slice %arg26[%dma_start3A_942, %dma_start3A_943] : memref<10240x128xf32, #tpu.memory_space<vmem_shared>> -> memref<10240x128xf32, #tpu.memory_space<vmem_shared>>
      tpu.enqueue_indirect_dma source(%arg13 : memref<40x128xf32, #tpu.memory_space<vmem>>) target(%dma_start3A_944 : memref<10240x128xf32, #tpu.memory_space<vmem_shared>>) offsets(%dma_start3A_941 : memref<40xi32, #tpu.memory_space<vmem>>) semaphore(%arg19 : memref<!tpu.dma_semaphore, #tpu.memory_space<semaphore_mem>>) {add = true}
      %dma_wait3A_945 = arith.constant 21 : i32
      %dma_wait3A_946 = arith.constant 0 : i32
      %dma_wait3A_947 = tpu.memref_slice %arg10[%dma_wait3A_945, %dma_wait3A_946] : memref<25x40xi32, #tpu.memory_space<vmem>> -> memref<1x40xi32, #tpu.memory_space<vmem>>
      %dma_wait3A_948 = tpu.memref_squeeze %dma_wait3A_947 : memref<1x40xi32, #tpu.memory_space<vmem>> -> memref<40xi32, #tpu.memory_space<vmem>>
      %dma_wait3A_949 = arith.constant 0 : i32
      %dma_wait3A_950 = arith.constant 0 : i32
      %dma_wait3A_951 = tpu.memref_slice %arg26[%dma_wait3A_949, %dma_wait3A_950] : memref<10240x128xf32, #tpu.memory_space<vmem_shared>> -> memref<10240x128xf32, #tpu.memory_space<vmem_shared>>
      tpu.wait_indirect_dma semaphore(%arg19 : memref<!tpu.dma_semaphore, #tpu.memory_space<semaphore_mem>>) src(%arg11 : memref<40x128xf32, #tpu.memory_space<vmem>>) dst(%dma_wait3A_951 : memref<10240x128xf32, #tpu.memory_space<vmem_shared>>)
      %dma_wait3A_952 = arith.constant 22 : i32
      %dma_wait3A_953 = arith.constant 0 : i32
      %dma_wait3A_954 = tpu.memref_slice %arg10[%dma_wait3A_952, %dma_wait3A_953] : memref<25x40xi32, #tpu.memory_space<vmem>> -> memref<1x40xi32, #tpu.memory_space<vmem>>
      %dma_wait3A_955 = tpu.memref_squeeze %dma_wait3A_954 : memref<1x40xi32, #tpu.memory_space<vmem>> -> memref<40xi32, #tpu.memory_space<vmem>>
      %dma_wait3A_956 = arith.constant 0 : i32
      %dma_wait3A_957 = arith.constant 0 : i32
      %dma_wait3A_958 = tpu.memref_slice %arg26[%dma_wait3A_956, %dma_wait3A_957] : memref<10240x128xf32, #tpu.memory_space<vmem_shared>> -> memref<10240x128xf32, #tpu.memory_space<vmem_shared>>
      tpu.wait_indirect_dma semaphore(%arg19 : memref<!tpu.dma_semaphore, #tpu.memory_space<semaphore_mem>>) src(%arg12 : memref<40x128xf32, #tpu.memory_space<vmem>>) dst(%dma_wait3A_958 : memref<10240x128xf32, #tpu.memory_space<vmem_shared>>)
      %dma_wait3A_959 = arith.constant 23 : i32
      %dma_wait3A_960 = arith.constant 0 : i32
      %dma_wait3A_961 = tpu.memref_slice %arg10[%dma_wait3A_959, %dma_wait3A_960] : memref<25x40xi32, #tpu.memory_space<vmem>> -> memref<1x40xi32, #tpu.memory_space<vmem>>
      %dma_wait3A_962 = tpu.memref_squeeze %dma_wait3A_961 : memref<1x40xi32, #tpu.memory_space<vmem>> -> memref<40xi32, #tpu.memory_space<vmem>>
      %dma_wait3A_963 = arith.constant 0 : i32
      %dma_wait3A_964 = arith.constant 0 : i32
      %dma_wait3A_965 = tpu.memref_slice %arg26[%dma_wait3A_963, %dma_wait3A_964] : memref<10240x128xf32, #tpu.memory_space<vmem_shared>> -> memref<10240x128xf32, #tpu.memory_space<vmem_shared>>
      tpu.wait_indirect_dma semaphore(%arg19 : memref<!tpu.dma_semaphore, #tpu.memory_space<semaphore_mem>>) src(%arg13 : memref<40x128xf32, #tpu.memory_space<vmem>>) dst(%dma_wait3A_965 : memref<10240x128xf32, #tpu.memory_space<vmem_shared>>)
      %dma_start3A_966 = arith.constant 24 : i32
      %dma_start3A_967 = arith.constant 0 : i32
      %dma_start3A_968 = tpu.memref_slice %arg8[%dma_start3A_966, %dma_start3A_967] : memref<25x40xi32, #tpu.memory_space<vmem>> -> memref<1x40xi32, #tpu.memory_space<vmem>>
      %dma_start3A_969 = tpu.memref_squeeze %dma_start3A_968 : memref<1x40xi32, #tpu.memory_space<vmem>> -> memref<40xi32, #tpu.memory_space<vmem>>
      %dma_start3A_970 = arith.constant 0 : i32
      %dma_start3A_971 = arith.constant 0 : i32
      %dma_start3A_972 = tpu.memref_slice %arg2[%dma_start3A_970, %dma_start3A_971] : memref<10000x128xf32, #tpu.memory_space<hbm>> -> memref<10000x128xf32, #tpu.memory_space<hbm>>
      tpu.enqueue_indirect_dma source(%dma_start3A_972 : memref<10000x128xf32, #tpu.memory_space<hbm>>) target(%arg11 : memref<40x128xf32, #tpu.memory_space<vmem>>) offsets(%dma_start3A_969 : memref<40xi32, #tpu.memory_space<vmem>>) semaphore(%arg20 : memref<!tpu.dma_semaphore, #tpu.memory_space<semaphore_mem>>)
      %dma_wait3A_973 = arith.constant 24 : i32
      %dma_wait3A_974 = arith.constant 0 : i32
      %dma_wait3A_975 = tpu.memref_slice %arg8[%dma_wait3A_973, %dma_wait3A_974] : memref<25x40xi32, #tpu.memory_space<vmem>> -> memref<1x40xi32, #tpu.memory_space<vmem>>
      %dma_wait3A_976 = tpu.memref_squeeze %dma_wait3A_975 : memref<1x40xi32, #tpu.memory_space<vmem>> -> memref<40xi32, #tpu.memory_space<vmem>>
      %dma_wait3A_977 = arith.constant 0 : i32
      %dma_wait3A_978 = arith.constant 0 : i32
      %dma_wait3A_979 = tpu.memref_slice %arg2[%dma_wait3A_977, %dma_wait3A_978] : memref<10000x128xf32, #tpu.memory_space<hbm>> -> memref<10000x128xf32, #tpu.memory_space<hbm>>
      tpu.wait_indirect_dma semaphore(%arg20 : memref<!tpu.dma_semaphore, #tpu.memory_space<semaphore_mem>>) src(%dma_wait3A_979 : memref<10000x128xf32, #tpu.memory_space<hbm>>) dst(%arg11 : memref<40x128xf32, #tpu.memory_space<vmem>>)
      %dma_start3A_980 = arith.constant 24 : i32
      %dma_start3A_981 = arith.constant 0 : i32
      %dma_start3A_982 = tpu.memref_slice %arg10[%dma_start3A_980, %dma_start3A_981] : memref<25x40xi32, #tpu.memory_space<vmem>> -> memref<1x40xi32, #tpu.memory_space<vmem>>
      %dma_start3A_983 = tpu.memref_squeeze %dma_start3A_982 : memref<1x40xi32, #tpu.memory_space<vmem>> -> memref<40xi32, #tpu.memory_space<vmem>>
      %dma_start3A_984 = arith.constant 0 : i32
      %dma_start3A_985 = arith.constant 0 : i32
      %dma_start3A_986 = tpu.memref_slice %arg26[%dma_start3A_984, %dma_start3A_985] : memref<10240x128xf32, #tpu.memory_space<vmem_shared>> -> memref<10240x128xf32, #tpu.memory_space<vmem_shared>>
      tpu.enqueue_indirect_dma source(%arg11 : memref<40x128xf32, #tpu.memory_space<vmem>>) target(%dma_start3A_986 : memref<10240x128xf32, #tpu.memory_space<vmem_shared>>) offsets(%dma_start3A_983 : memref<40xi32, #tpu.memory_space<vmem>>) semaphore(%arg19 : memref<!tpu.dma_semaphore, #tpu.memory_space<semaphore_mem>>) {add = true}
      %dma_wait3A_987 = arith.constant 24 : i32
      %dma_wait3A_988 = arith.constant 0 : i32
      %dma_wait3A_989 = tpu.memref_slice %arg10[%dma_wait3A_987, %dma_wait3A_988] : memref<25x40xi32, #tpu.memory_space<vmem>> -> memref<1x40xi32, #tpu.memory_space<vmem>>
      %dma_wait3A_990 = tpu.memref_squeeze %dma_wait3A_989 : memref<1x40xi32, #tpu.memory_space<vmem>> -> memref<40xi32, #tpu.memory_space<vmem>>
      %dma_wait3A_991 = arith.constant 0 : i32
      %dma_wait3A_992 = arith.constant 0 : i32
      %dma_wait3A_993 = tpu.memref_slice %arg26[%dma_wait3A_991, %dma_wait3A_992] : memref<10240x128xf32, #tpu.memory_space<vmem_shared>> -> memref<10240x128xf32, #tpu.memory_space<vmem_shared>>
      tpu.wait_indirect_dma semaphore(%arg19 : memref<!tpu.dma_semaphore, #tpu.memory_space<semaphore_mem>>) src(%arg11 : memref<40x128xf32, #tpu.memory_space<vmem>>) dst(%dma_wait3A_993 : memref<10240x128xf32, #tpu.memory_space<vmem_shared>>)
      %dma_wait3A_994 = arith.constant 0 : i32
      %dma_wait3A_995 = arith.constant 0 : i32
      %dma_wait3A_996 = tpu.memref_slice %arg3[%add3A, %add3A_755, %dma_wait3A_994, %dma_wait3A_995] : memref<32x10x25x40xi32, #tpu.memory_space<hbm>> -> memref<1x1x25x40xi32, #tpu.memory_space<hbm>>
      %dma_wait3A_997 = tpu.memref_squeeze %dma_wait3A_996 : memref<1x1x25x40xi32, #tpu.memory_space<hbm>> -> memref<25x40xi32, #tpu.memory_space<hbm>>
      %dma_wait3A_998 = arith.constant 0 : i32
      %dma_wait3A_999 = arith.constant 0 : i32
      %dma_wait3A_1000 = tpu.memref_slice %arg3[%add3A, %add3A_755, %dma_wait3A_998, %dma_wait3A_999] : memref<32x10x25x40xi32, #tpu.memory_space<hbm>> -> memref<1x1x25x40xi32, #tpu.memory_space<hbm>>
      %dma_wait3A_1001 = tpu.memref_squeeze %dma_wait3A_1000 : memref<1x1x25x40xi32, #tpu.memory_space<hbm>> -> memref<25x40xi32, #tpu.memory_space<hbm>>
      tpu.wait_dma2 semaphore(%arg17 : memref<!tpu.dma_semaphore, #tpu.memory_space<semaphore_mem>>) src(%dma_wait3A_1001 : memref<25x40xi32, #tpu.memory_space<hbm>>) dst(%arg7 : memref<25x40xi32, #tpu.memory_space<vmem>>)
      %dma_wait3A_1002 = arith.constant 0 : i32
      %dma_wait3A_1003 = arith.constant 0 : i32
      %dma_wait3A_1004 = tpu.memref_slice %arg4[%add3A, %add3A_755, %dma_wait3A_1002, %dma_wait3A_1003] : memref<32x10x25x40xi32, #tpu.memory_space<hbm>> -> memref<1x1x25x40xi32, #tpu.memory_space<hbm>>
      %dma_wait3A_1005 = tpu.memref_squeeze %dma_wait3A_1004 : memref<1x1x25x40xi32, #tpu.memory_space<hbm>> -> memref<25x40xi32, #tpu.memory_space<hbm>>
      %dma_wait3A_1006 = arith.constant 0 : i32
      %dma_wait3A_1007 = arith.constant 0 : i32
      %dma_wait3A_1008 = tpu.memref_slice %arg4[%add3A, %add3A_755, %dma_wait3A_1006, %dma_wait3A_1007] : memref<32x10x25x40xi32, #tpu.memory_space<hbm>> -> memref<1x1x25x40xi32, #tpu.memory_space<hbm>>
      %dma_wait3A_1009 = tpu.memref_squeeze %dma_wait3A_1008 : memref<1x1x25x40xi32, #tpu.memory_space<hbm>> -> memref<25x40xi32, #tpu.memory_space<hbm>>
      tpu.wait_dma2 semaphore(%arg18 : memref<!tpu.dma_semaphore, #tpu.memory_space<semaphore_mem>>) src(%dma_wait3A_1009 : memref<25x40xi32, #tpu.memory_space<hbm>>) dst(%arg9 : memref<25x40xi32, #tpu.memory_space<vmem>>)
    }
    %scan3A_7 = arith.constant 4 : i32
    %dma_start3A = arith.constant 9 : i32
    %dma_start3A_8 = arith.constant 0 : i32
    %dma_start3A_9 = arith.constant 0 : i32
    %dma_start3A_10 = tpu.memref_slice %arg3[%add3A, %dma_start3A, %dma_start3A_8, %dma_start3A_9] : memref<32x10x25x40xi32, #tpu.memory_space<hbm>> -> memref<1x1x25x40xi32, #tpu.memory_space<hbm>>
    %dma_start3A_11 = tpu.memref_squeeze %dma_start3A_10 : memref<1x1x25x40xi32, #tpu.memory_space<hbm>> -> memref<25x40xi32, #tpu.memory_space<hbm>>
    %dma_start3A_12 = arith.constant 0 : i32
    %dma_start3A_13 = arith.constant 0 : i32
    %dma_start3A_14 = tpu.memref_slice %arg3[%add3A, %dma_start3A, %dma_start3A_12, %dma_start3A_13] : memref<32x10x25x40xi32, #tpu.memory_space<hbm>> -> memref<1x1x25x40xi32, #tpu.memory_space<hbm>>
    %dma_start3A_15 = tpu.memref_squeeze %dma_start3A_14 : memref<1x1x25x40xi32, #tpu.memory_space<hbm>> -> memref<25x40xi32, #tpu.memory_space<hbm>>
    tpu.enqueue_dma source(%dma_start3A_15 : memref<25x40xi32, #tpu.memory_space<hbm>>) target(%arg8 : memref<25x40xi32, #tpu.memory_space<vmem>>) target_semaphore(%arg17 : memref<!tpu.dma_semaphore, #tpu.memory_space<semaphore_mem>>)
    %dma_start3A_16 = arith.constant 9 : i32
    %dma_start3A_17 = arith.constant 0 : i32
    %dma_start3A_18 = arith.constant 0 : i32
    %dma_start3A_19 = tpu.memref_slice %arg4[%add3A, %dma_start3A_16, %dma_start3A_17, %dma_start3A_18] : memref<32x10x25x40xi32, #tpu.memory_space<hbm>> -> memref<1x1x25x40xi32, #tpu.memory_space<hbm>>
    %dma_start3A_20 = tpu.memref_squeeze %dma_start3A_19 : memref<1x1x25x40xi32, #tpu.memory_space<hbm>> -> memref<25x40xi32, #tpu.memory_space<hbm>>
    %dma_start3A_21 = arith.constant 0 : i32
    %dma_start3A_22 = arith.constant 0 : i32
    %dma_start3A_23 = tpu.memref_slice %arg4[%add3A, %dma_start3A_16, %dma_start3A_21, %dma_start3A_22] : memref<32x10x25x40xi32, #tpu.memory_space<hbm>> -> memref<1x1x25x40xi32, #tpu.memory_space<hbm>>
    %dma_start3A_24 = tpu.memref_squeeze %dma_start3A_23 : memref<1x1x25x40xi32, #tpu.memory_space<hbm>> -> memref<25x40xi32, #tpu.memory_space<hbm>>
    tpu.enqueue_dma source(%dma_start3A_24 : memref<25x40xi32, #tpu.memory_space<hbm>>) target(%arg10 : memref<25x40xi32, #tpu.memory_space<vmem>>) target_semaphore(%arg18 : memref<!tpu.dma_semaphore, #tpu.memory_space<semaphore_mem>>)
    %dma_start3A_25 = arith.constant 0 : i32
    %dma_start3A_26 = arith.constant 0 : i32
    %dma_start3A_27 = tpu.memref_slice %arg7[%dma_start3A_25, %dma_start3A_26] : memref<25x40xi32, #tpu.memory_space<vmem>> -> memref<1x40xi32, #tpu.memory_space<vmem>>
    %dma_start3A_28 = tpu.memref_squeeze %dma_start3A_27 : memref<1x40xi32, #tpu.memory_space<vmem>> -> memref<40xi32, #tpu.memory_space<vmem>>
    %dma_start3A_29 = arith.constant 0 : i32
    %dma_start3A_30 = arith.constant 0 : i32
    %dma_start3A_31 = tpu.memref_slice %arg2[%dma_start3A_29, %dma_start3A_30] : memref<10000x128xf32, #tpu.memory_space<hbm>> -> memref<10000x128xf32, #tpu.memory_space<hbm>>
    tpu.enqueue_indirect_dma source(%dma_start3A_31 : memref<10000x128xf32, #tpu.memory_space<hbm>>) target(%arg11 : memref<40x128xf32, #tpu.memory_space<vmem>>) offsets(%dma_start3A_28 : memref<40xi32, #tpu.memory_space<vmem>>) semaphore(%arg20 : memref<!tpu.dma_semaphore, #tpu.memory_space<semaphore_mem>>)
    %dma_start3A_32 = arith.constant 1 : i32
    %dma_start3A_33 = arith.constant 0 : i32
    %dma_start3A_34 = tpu.memref_slice %arg7[%dma_start3A_32, %dma_start3A_33] : memref<25x40xi32, #tpu.memory_space<vmem>> -> memref<1x40xi32, #tpu.memory_space<vmem>>
    %dma_start3A_35 = tpu.memref_squeeze %dma_start3A_34 : memref<1x40xi32, #tpu.memory_space<vmem>> -> memref<40xi32, #tpu.memory_space<vmem>>
    %dma_start3A_36 = arith.constant 0 : i32
    %dma_start3A_37 = arith.constant 0 : i32
    %dma_start3A_38 = tpu.memref_slice %arg2[%dma_start3A_36, %dma_start3A_37] : memref<10000x128xf32, #tpu.memory_space<hbm>> -> memref<10000x128xf32, #tpu.memory_space<hbm>>
    tpu.enqueue_indirect_dma source(%dma_start3A_38 : memref<10000x128xf32, #tpu.memory_space<hbm>>) target(%arg12 : memref<40x128xf32, #tpu.memory_space<vmem>>) offsets(%dma_start3A_35 : memref<40xi32, #tpu.memory_space<vmem>>) semaphore(%arg21 : memref<!tpu.dma_semaphore, #tpu.memory_space<semaphore_mem>>)
    %dma_start3A_39 = arith.constant 2 : i32
    %dma_start3A_40 = arith.constant 0 : i32
    %dma_start3A_41 = tpu.memref_slice %arg7[%dma_start3A_39, %dma_start3A_40] : memref<25x40xi32, #tpu.memory_space<vmem>> -> memref<1x40xi32, #tpu.memory_space<vmem>>
    %dma_start3A_42 = tpu.memref_squeeze %dma_start3A_41 : memref<1x40xi32, #tpu.memory_space<vmem>> -> memref<40xi32, #tpu.memory_space<vmem>>
    %dma_start3A_43 = arith.constant 0 : i32
    %dma_start3A_44 = arith.constant 0 : i32
    %dma_start3A_45 = tpu.memref_slice %arg2[%dma_start3A_43, %dma_start3A_44] : memref<10000x128xf32, #tpu.memory_space<hbm>> -> memref<10000x128xf32, #tpu.memory_space<hbm>>
    tpu.enqueue_indirect_dma source(%dma_start3A_45 : memref<10000x128xf32, #tpu.memory_space<hbm>>) target(%arg13 : memref<40x128xf32, #tpu.memory_space<vmem>>) offsets(%dma_start3A_42 : memref<40xi32, #tpu.memory_space<vmem>>) semaphore(%arg22 : memref<!tpu.dma_semaphore, #tpu.memory_space<semaphore_mem>>)
    %scan3A_46 = arith.constant 0 : i32
    %scan3A_47 = arith.constant 3 : i32
    %scan3A_48 = arith.addi %scan3A_46, %scan3A_47 : i32
    %scan3A_49 = arith.constant 1 : i32
    scf.for %scan3A_491 = %scan3A_46 to %scan3A_48 step %scan3A_49  : i32 {
      %mul3A_492 = arith.constant 6 : i32
      %mul3A_493 = arith.muli %scan3A_491, %mul3A_492 : i32
      %add3A_494 = arith.constant 0 : i32
      %add3A_495 = arith.addi %add3A_494, %mul3A_493 : i32
      %add3A_496 = arith.constant 3 : i32
      %add3A_497 = arith.addi %add3A_495, %add3A_496 : i32
      %add3A_498 = arith.constant 0 : i32
      %add3A_499 = arith.addi %add3A_497, %add3A_498 : i32
      %dma_start3A_500 = arith.constant 0 : i32
      %dma_start3A_501 = tpu.memref_slice %arg7[%add3A_499, %dma_start3A_500] : memref<25x40xi32, #tpu.memory_space<vmem>> -> memref<1x40xi32, #tpu.memory_space<vmem>>
      %dma_start3A_502 = tpu.memref_squeeze %dma_start3A_501 : memref<1x40xi32, #tpu.memory_space<vmem>> -> memref<40xi32, #tpu.memory_space<vmem>>
      %dma_start3A_503 = arith.constant 0 : i32
      %dma_start3A_504 = arith.constant 0 : i32
      %dma_start3A_505 = tpu.memref_slice %arg2[%dma_start3A_503, %dma_start3A_504] : memref<10000x128xf32, #tpu.memory_space<hbm>> -> memref<10000x128xf32, #tpu.memory_space<hbm>>
      tpu.enqueue_indirect_dma source(%dma_start3A_505 : memref<10000x128xf32, #tpu.memory_space<hbm>>) target(%arg14 : memref<40x128xf32, #tpu.memory_space<vmem>>) offsets(%dma_start3A_502 : memref<40xi32, #tpu.memory_space<vmem>>) semaphore(%arg23 : memref<!tpu.dma_semaphore, #tpu.memory_space<semaphore_mem>>)
      %add3A_506 = arith.constant 1 : i32
      %add3A_507 = arith.addi %add3A_497, %add3A_506 : i32
      %dma_start3A_508 = arith.constant 0 : i32
      %dma_start3A_509 = tpu.memref_slice %arg7[%add3A_507, %dma_start3A_508] : memref<25x40xi32, #tpu.memory_space<vmem>> -> memref<1x40xi32, #tpu.memory_space<vmem>>
      %dma_start3A_510 = tpu.memref_squeeze %dma_start3A_509 : memref<1x40xi32, #tpu.memory_space<vmem>> -> memref<40xi32, #tpu.memory_space<vmem>>
      %dma_start3A_511 = arith.constant 0 : i32
      %dma_start3A_512 = arith.constant 0 : i32
      %dma_start3A_513 = tpu.memref_slice %arg2[%dma_start3A_511, %dma_start3A_512] : memref<10000x128xf32, #tpu.memory_space<hbm>> -> memref<10000x128xf32, #tpu.memory_space<hbm>>
      tpu.enqueue_indirect_dma source(%dma_start3A_513 : memref<10000x128xf32, #tpu.memory_space<hbm>>) target(%arg15 : memref<40x128xf32, #tpu.memory_space<vmem>>) offsets(%dma_start3A_510 : memref<40xi32, #tpu.memory_space<vmem>>) semaphore(%arg24 : memref<!tpu.dma_semaphore, #tpu.memory_space<semaphore_mem>>)
      %add3A_514 = arith.constant 2 : i32
      %add3A_515 = arith.addi %add3A_497, %add3A_514 : i32
      %dma_start3A_516 = arith.constant 0 : i32
      %dma_start3A_517 = tpu.memref_slice %arg7[%add3A_515, %dma_start3A_516] : memref<25x40xi32, #tpu.memory_space<vmem>> -> memref<1x40xi32, #tpu.memory_space<vmem>>
      %dma_start3A_518 = tpu.memref_squeeze %dma_start3A_517 : memref<1x40xi32, #tpu.memory_space<vmem>> -> memref<40xi32, #tpu.memory_space<vmem>>
      %dma_start3A_519 = arith.constant 0 : i32
      %dma_start3A_520 = arith.constant 0 : i32
      %dma_start3A_521 = tpu.memref_slice %arg2[%dma_start3A_519, %dma_start3A_520] : memref<10000x128xf32, #tpu.memory_space<hbm>> -> memref<10000x128xf32, #tpu.memory_space<hbm>>
      tpu.enqueue_indirect_dma source(%dma_start3A_521 : memref<10000x128xf32, #tpu.memory_space<hbm>>) target(%arg16 : memref<40x128xf32, #tpu.memory_space<vmem>>) offsets(%dma_start3A_518 : memref<40xi32, #tpu.memory_space<vmem>>) semaphore(%arg25 : memref<!tpu.dma_semaphore, #tpu.memory_space<semaphore_mem>>)
      %add3A_522 = arith.constant 0 : i32
      %add3A_523 = arith.addi %add3A_495, %add3A_522 : i32
      %dma_wait3A_524 = arith.constant 0 : i32
      %dma_wait3A_525 = tpu.memref_slice %arg7[%add3A_523, %dma_wait3A_524] : memref<25x40xi32, #tpu.memory_space<vmem>> -> memref<1x40xi32, #tpu.memory_space<vmem>>
      %dma_wait3A_526 = tpu.memref_squeeze %dma_wait3A_525 : memref<1x40xi32, #tpu.memory_space<vmem>> -> memref<40xi32, #tpu.memory_space<vmem>>
      %dma_wait3A_527 = arith.constant 0 : i32
      %dma_wait3A_528 = arith.constant 0 : i32
      %dma_wait3A_529 = tpu.memref_slice %arg2[%dma_wait3A_527, %dma_wait3A_528] : memref<10000x128xf32, #tpu.memory_space<hbm>> -> memref<10000x128xf32, #tpu.memory_space<hbm>>
      tpu.wait_indirect_dma semaphore(%arg20 : memref<!tpu.dma_semaphore, #tpu.memory_space<semaphore_mem>>) src(%dma_wait3A_529 : memref<10000x128xf32, #tpu.memory_space<hbm>>) dst(%arg11 : memref<40x128xf32, #tpu.memory_space<vmem>>)
      %add3A_530 = arith.constant 1 : i32
      %add3A_531 = arith.addi %add3A_495, %add3A_530 : i32
      %dma_wait3A_532 = arith.constant 0 : i32
      %dma_wait3A_533 = tpu.memref_slice %arg7[%add3A_531, %dma_wait3A_532] : memref<25x40xi32, #tpu.memory_space<vmem>> -> memref<1x40xi32, #tpu.memory_space<vmem>>
      %dma_wait3A_534 = tpu.memref_squeeze %dma_wait3A_533 : memref<1x40xi32, #tpu.memory_space<vmem>> -> memref<40xi32, #tpu.memory_space<vmem>>
      %dma_wait3A_535 = arith.constant 0 : i32
      %dma_wait3A_536 = arith.constant 0 : i32
      %dma_wait3A_537 = tpu.memref_slice %arg2[%dma_wait3A_535, %dma_wait3A_536] : memref<10000x128xf32, #tpu.memory_space<hbm>> -> memref<10000x128xf32, #tpu.memory_space<hbm>>
      tpu.wait_indirect_dma semaphore(%arg21 : memref<!tpu.dma_semaphore, #tpu.memory_space<semaphore_mem>>) src(%dma_wait3A_537 : memref<10000x128xf32, #tpu.memory_space<hbm>>) dst(%arg12 : memref<40x128xf32, #tpu.memory_space<vmem>>)
      %add3A_538 = arith.constant 2 : i32
      %add3A_539 = arith.addi %add3A_495, %add3A_538 : i32
      %dma_wait3A_540 = arith.constant 0 : i32
      %dma_wait3A_541 = tpu.memref_slice %arg7[%add3A_539, %dma_wait3A_540] : memref<25x40xi32, #tpu.memory_space<vmem>> -> memref<1x40xi32, #tpu.memory_space<vmem>>
      %dma_wait3A_542 = tpu.memref_squeeze %dma_wait3A_541 : memref<1x40xi32, #tpu.memory_space<vmem>> -> memref<40xi32, #tpu.memory_space<vmem>>
      %dma_wait3A_543 = arith.constant 0 : i32
      %dma_wait3A_544 = arith.constant 0 : i32
      %dma_wait3A_545 = tpu.memref_slice %arg2[%dma_wait3A_543, %dma_wait3A_544] : memref<10000x128xf32, #tpu.memory_space<hbm>> -> memref<10000x128xf32, #tpu.memory_space<hbm>>
      tpu.wait_indirect_dma semaphore(%arg22 : memref<!tpu.dma_semaphore, #tpu.memory_space<semaphore_mem>>) src(%dma_wait3A_545 : memref<10000x128xf32, #tpu.memory_space<hbm>>) dst(%arg13 : memref<40x128xf32, #tpu.memory_space<vmem>>)
      %add3A_546 = arith.constant 0 : i32
      %add3A_547 = arith.addi %add3A_495, %add3A_546 : i32
      %dma_start3A_548 = arith.constant 0 : i32
      %dma_start3A_549 = tpu.memref_slice %arg9[%add3A_547, %dma_start3A_548] : memref<25x40xi32, #tpu.memory_space<vmem>> -> memref<1x40xi32, #tpu.memory_space<vmem>>
      %dma_start3A_550 = tpu.memref_squeeze %dma_start3A_549 : memref<1x40xi32, #tpu.memory_space<vmem>> -> memref<40xi32, #tpu.memory_space<vmem>>
      %dma_start3A_551 = arith.constant 0 : i32
      %dma_start3A_552 = arith.constant 0 : i32
      %dma_start3A_553 = tpu.memref_slice %arg26[%dma_start3A_551, %dma_start3A_552] : memref<10240x128xf32, #tpu.memory_space<vmem_shared>> -> memref<10240x128xf32, #tpu.memory_space<vmem_shared>>
      tpu.enqueue_indirect_dma source(%arg11 : memref<40x128xf32, #tpu.memory_space<vmem>>) target(%dma_start3A_553 : memref<10240x128xf32, #tpu.memory_space<vmem_shared>>) offsets(%dma_start3A_550 : memref<40xi32, #tpu.memory_space<vmem>>) semaphore(%arg19 : memref<!tpu.dma_semaphore, #tpu.memory_space<semaphore_mem>>) {add = true}
      %add3A_554 = arith.constant 1 : i32
      %add3A_555 = arith.addi %add3A_495, %add3A_554 : i32
      %dma_start3A_556 = arith.constant 0 : i32
      %dma_start3A_557 = tpu.memref_slice %arg9[%add3A_555, %dma_start3A_556] : memref<25x40xi32, #tpu.memory_space<vmem>> -> memref<1x40xi32, #tpu.memory_space<vmem>>
      %dma_start3A_558 = tpu.memref_squeeze %dma_start3A_557 : memref<1x40xi32, #tpu.memory_space<vmem>> -> memref<40xi32, #tpu.memory_space<vmem>>
      %dma_start3A_559 = arith.constant 0 : i32
      %dma_start3A_560 = arith.constant 0 : i32
      %dma_start3A_561 = tpu.memref_slice %arg26[%dma_start3A_559, %dma_start3A_560] : memref<10240x128xf32, #tpu.memory_space<vmem_shared>> -> memref<10240x128xf32, #tpu.memory_space<vmem_shared>>
      tpu.enqueue_indirect_dma source(%arg12 : memref<40x128xf32, #tpu.memory_space<vmem>>) target(%dma_start3A_561 : memref<10240x128xf32, #tpu.memory_space<vmem_shared>>) offsets(%dma_start3A_558 : memref<40xi32, #tpu.memory_space<vmem>>) semaphore(%arg19 : memref<!tpu.dma_semaphore, #tpu.memory_space<semaphore_mem>>) {add = true}
      %add3A_562 = arith.constant 2 : i32
      %add3A_563 = arith.addi %add3A_495, %add3A_562 : i32
      %dma_start3A_564 = arith.constant 0 : i32
      %dma_start3A_565 = tpu.memref_slice %arg9[%add3A_563, %dma_start3A_564] : memref<25x40xi32, #tpu.memory_space<vmem>> -> memref<1x40xi32, #tpu.memory_space<vmem>>
      %dma_start3A_566 = tpu.memref_squeeze %dma_start3A_565 : memref<1x40xi32, #tpu.memory_space<vmem>> -> memref<40xi32, #tpu.memory_space<vmem>>
      %dma_start3A_567 = arith.constant 0 : i32
      %dma_start3A_568 = arith.constant 0 : i32
      %dma_start3A_569 = tpu.memref_slice %arg26[%dma_start3A_567, %dma_start3A_568] : memref<10240x128xf32, #tpu.memory_space<vmem_shared>> -> memref<10240x128xf32, #tpu.memory_space<vmem_shared>>
      tpu.enqueue_indirect_dma source(%arg13 : memref<40x128xf32, #tpu.memory_space<vmem>>) target(%dma_start3A_569 : memref<10240x128xf32, #tpu.memory_space<vmem_shared>>) offsets(%dma_start3A_566 : memref<40xi32, #tpu.memory_space<vmem>>) semaphore(%arg19 : memref<!tpu.dma_semaphore, #tpu.memory_space<semaphore_mem>>) {add = true}
      %dma_wait3A_570 = arith.constant 0 : i32
      %dma_wait3A_571 = tpu.memref_slice %arg9[%add3A_547, %dma_wait3A_570] : memref<25x40xi32, #tpu.memory_space<vmem>> -> memref<1x40xi32, #tpu.memory_space<vmem>>
      %dma_wait3A_572 = tpu.memref_squeeze %dma_wait3A_571 : memref<1x40xi32, #tpu.memory_space<vmem>> -> memref<40xi32, #tpu.memory_space<vmem>>
      %dma_wait3A_573 = arith.constant 0 : i32
      %dma_wait3A_574 = arith.constant 0 : i32
      %dma_wait3A_575 = tpu.memref_slice %arg26[%dma_wait3A_573, %dma_wait3A_574] : memref<10240x128xf32, #tpu.memory_space<vmem_shared>> -> memref<10240x128xf32, #tpu.memory_space<vmem_shared>>
      tpu.wait_indirect_dma semaphore(%arg19 : memref<!tpu.dma_semaphore, #tpu.memory_space<semaphore_mem>>) src(%arg11 : memref<40x128xf32, #tpu.memory_space<vmem>>) dst(%dma_wait3A_575 : memref<10240x128xf32, #tpu.memory_space<vmem_shared>>)
      %dma_wait3A_576 = arith.constant 0 : i32
      %dma_wait3A_577 = tpu.memref_slice %arg9[%add3A_555, %dma_wait3A_576] : memref<25x40xi32, #tpu.memory_space<vmem>> -> memref<1x40xi32, #tpu.memory_space<vmem>>
      %dma_wait3A_578 = tpu.memref_squeeze %dma_wait3A_577 : memref<1x40xi32, #tpu.memory_space<vmem>> -> memref<40xi32, #tpu.memory_space<vmem>>
      %dma_wait3A_579 = arith.constant 0 : i32
      %dma_wait3A_580 = arith.constant 0 : i32
      %dma_wait3A_581 = tpu.memref_slice %arg26[%dma_wait3A_579, %dma_wait3A_580] : memref<10240x128xf32, #tpu.memory_space<vmem_shared>> -> memref<10240x128xf32, #tpu.memory_space<vmem_shared>>
      tpu.wait_indirect_dma semaphore(%arg19 : memref<!tpu.dma_semaphore, #tpu.memory_space<semaphore_mem>>) src(%arg12 : memref<40x128xf32, #tpu.memory_space<vmem>>) dst(%dma_wait3A_581 : memref<10240x128xf32, #tpu.memory_space<vmem_shared>>)
      %dma_wait3A_582 = arith.constant 0 : i32
      %dma_wait3A_583 = tpu.memref_slice %arg9[%add3A_563, %dma_wait3A_582] : memref<25x40xi32, #tpu.memory_space<vmem>> -> memref<1x40xi32, #tpu.memory_space<vmem>>
      %dma_wait3A_584 = tpu.memref_squeeze %dma_wait3A_583 : memref<1x40xi32, #tpu.memory_space<vmem>> -> memref<40xi32, #tpu.memory_space<vmem>>
      %dma_wait3A_585 = arith.constant 0 : i32
      %dma_wait3A_586 = arith.constant 0 : i32
      %dma_wait3A_587 = tpu.memref_slice %arg26[%dma_wait3A_585, %dma_wait3A_586] : memref<10240x128xf32, #tpu.memory_space<vmem_shared>> -> memref<10240x128xf32, #tpu.memory_space<vmem_shared>>
      tpu.wait_indirect_dma semaphore(%arg19 : memref<!tpu.dma_semaphore, #tpu.memory_space<semaphore_mem>>) src(%arg13 : memref<40x128xf32, #tpu.memory_space<vmem>>) dst(%dma_wait3A_587 : memref<10240x128xf32, #tpu.memory_space<vmem_shared>>)
      %add3A_588 = arith.constant 6 : i32
      %add3A_589 = arith.addi %add3A_495, %add3A_588 : i32
      %lt3A = arith.constant 18 : i32
      %lt3A_590 = arith.cmpi slt, %add3A_589, %lt3A : i32
      %convert_element_type3A = arith.extui %lt3A_590 : i1 to i32
      %cond3A = arith.constant 0 : i32
      %cond3A_591 = arith.cmpi ne, %convert_element_type3A, %cond3A : i32
      scf.if %cond3A_591 {
        %add3A_654 = arith.constant 6 : i32
        %add3A_655 = arith.addi %add3A_495, %add3A_654 : i32
        %add3A_656 = arith.constant 0 : i32
        %add3A_657 = arith.addi %add3A_655, %add3A_656 : i32
        %dma_start3A_658 = arith.constant 0 : i32
        %dma_start3A_659 = tpu.memref_slice %arg7[%add3A_657, %dma_start3A_658] : memref<25x40xi32, #tpu.memory_space<vmem>> -> memref<1x40xi32, #tpu.memory_space<vmem>>
        %dma_start3A_660 = tpu.memref_squeeze %dma_start3A_659 : memref<1x40xi32, #tpu.memory_space<vmem>> -> memref<40xi32, #tpu.memory_space<vmem>>
        %dma_start3A_661 = arith.constant 0 : i32
        %dma_start3A_662 = arith.constant 0 : i32
        %dma_start3A_663 = tpu.memref_slice %arg2[%dma_start3A_661, %dma_start3A_662] : memref<10000x128xf32, #tpu.memory_space<hbm>> -> memref<10000x128xf32, #tpu.memory_space<hbm>>
        tpu.enqueue_indirect_dma source(%dma_start3A_663 : memref<10000x128xf32, #tpu.memory_space<hbm>>) target(%arg11 : memref<40x128xf32, #tpu.memory_space<vmem>>) offsets(%dma_start3A_660 : memref<40xi32, #tpu.memory_space<vmem>>) semaphore(%arg20 : memref<!tpu.dma_semaphore, #tpu.memory_space<semaphore_mem>>)
        %add3A_664 = arith.constant 1 : i32
        %add3A_665 = arith.addi %add3A_655, %add3A_664 : i32
        %dma_start3A_666 = arith.constant 0 : i32
        %dma_start3A_667 = tpu.memref_slice %arg7[%add3A_665, %dma_start3A_666] : memref<25x40xi32, #tpu.memory_space<vmem>> -> memref<1x40xi32, #tpu.memory_space<vmem>>
        %dma_start3A_668 = tpu.memref_squeeze %dma_start3A_667 : memref<1x40xi32, #tpu.memory_space<vmem>> -> memref<40xi32, #tpu.memory_space<vmem>>
        %dma_start3A_669 = arith.constant 0 : i32
        %dma_start3A_670 = arith.constant 0 : i32
        %dma_start3A_671 = tpu.memref_slice %arg2[%dma_start3A_669, %dma_start3A_670] : memref<10000x128xf32, #tpu.memory_space<hbm>> -> memref<10000x128xf32, #tpu.memory_space<hbm>>
        tpu.enqueue_indirect_dma source(%dma_start3A_671 : memref<10000x128xf32, #tpu.memory_space<hbm>>) target(%arg12 : memref<40x128xf32, #tpu.memory_space<vmem>>) offsets(%dma_start3A_668 : memref<40xi32, #tpu.memory_space<vmem>>) semaphore(%arg21 : memref<!tpu.dma_semaphore, #tpu.memory_space<semaphore_mem>>)
        %add3A_672 = arith.constant 2 : i32
        %add3A_673 = arith.addi %add3A_655, %add3A_672 : i32
        %dma_start3A_674 = arith.constant 0 : i32
        %dma_start3A_675 = tpu.memref_slice %arg7[%add3A_673, %dma_start3A_674] : memref<25x40xi32, #tpu.memory_space<vmem>> -> memref<1x40xi32, #tpu.memory_space<vmem>>
        %dma_start3A_676 = tpu.memref_squeeze %dma_start3A_675 : memref<1x40xi32, #tpu.memory_space<vmem>> -> memref<40xi32, #tpu.memory_space<vmem>>
        %dma_start3A_677 = arith.constant 0 : i32
        %dma_start3A_678 = arith.constant 0 : i32
        %dma_start3A_679 = tpu.memref_slice %arg2[%dma_start3A_677, %dma_start3A_678] : memref<10000x128xf32, #tpu.memory_space<hbm>> -> memref<10000x128xf32, #tpu.memory_space<hbm>>
        tpu.enqueue_indirect_dma source(%dma_start3A_679 : memref<10000x128xf32, #tpu.memory_space<hbm>>) target(%arg13 : memref<40x128xf32, #tpu.memory_space<vmem>>) offsets(%dma_start3A_676 : memref<40xi32, #tpu.memory_space<vmem>>) semaphore(%arg22 : memref<!tpu.dma_semaphore, #tpu.memory_space<semaphore_mem>>)
      } else {
      }
      %dma_wait3A_592 = arith.constant 0 : i32
      %dma_wait3A_593 = tpu.memref_slice %arg7[%add3A_499, %dma_wait3A_592] : memref<25x40xi32, #tpu.memory_space<vmem>> -> memref<1x40xi32, #tpu.memory_space<vmem>>
      %dma_wait3A_594 = tpu.memref_squeeze %dma_wait3A_593 : memref<1x40xi32, #tpu.memory_space<vmem>> -> memref<40xi32, #tpu.memory_space<vmem>>
      %dma_wait3A_595 = arith.constant 0 : i32
      %dma_wait3A_596 = arith.constant 0 : i32
      %dma_wait3A_597 = tpu.memref_slice %arg2[%dma_wait3A_595, %dma_wait3A_596] : memref<10000x128xf32, #tpu.memory_space<hbm>> -> memref<10000x128xf32, #tpu.memory_space<hbm>>
      tpu.wait_indirect_dma semaphore(%arg23 : memref<!tpu.dma_semaphore, #tpu.memory_space<semaphore_mem>>) src(%dma_wait3A_597 : memref<10000x128xf32, #tpu.memory_space<hbm>>) dst(%arg14 : memref<40x128xf32, #tpu.memory_space<vmem>>)
      %dma_wait3A_598 = arith.constant 0 : i32
      %dma_wait3A_599 = tpu.memref_slice %arg7[%add3A_507, %dma_wait3A_598] : memref<25x40xi32, #tpu.memory_space<vmem>> -> memref<1x40xi32, #tpu.memory_space<vmem>>
      %dma_wait3A_600 = tpu.memref_squeeze %dma_wait3A_599 : memref<1x40xi32, #tpu.memory_space<vmem>> -> memref<40xi32, #tpu.memory_space<vmem>>
      %dma_wait3A_601 = arith.constant 0 : i32
      %dma_wait3A_602 = arith.constant 0 : i32
      %dma_wait3A_603 = tpu.memref_slice %arg2[%dma_wait3A_601, %dma_wait3A_602] : memref<10000x128xf32, #tpu.memory_space<hbm>> -> memref<10000x128xf32, #tpu.memory_space<hbm>>
      tpu.wait_indirect_dma semaphore(%arg24 : memref<!tpu.dma_semaphore, #tpu.memory_space<semaphore_mem>>) src(%dma_wait3A_603 : memref<10000x128xf32, #tpu.memory_space<hbm>>) dst(%arg15 : memref<40x128xf32, #tpu.memory_space<vmem>>)
      %dma_wait3A_604 = arith.constant 0 : i32
      %dma_wait3A_605 = tpu.memref_slice %arg7[%add3A_515, %dma_wait3A_604] : memref<25x40xi32, #tpu.memory_space<vmem>> -> memref<1x40xi32, #tpu.memory_space<vmem>>
      %dma_wait3A_606 = tpu.memref_squeeze %dma_wait3A_605 : memref<1x40xi32, #tpu.memory_space<vmem>> -> memref<40xi32, #tpu.memory_space<vmem>>
      %dma_wait3A_607 = arith.constant 0 : i32
      %dma_wait3A_608 = arith.constant 0 : i32
      %dma_wait3A_609 = tpu.memref_slice %arg2[%dma_wait3A_607, %dma_wait3A_608] : memref<10000x128xf32, #tpu.memory_space<hbm>> -> memref<10000x128xf32, #tpu.memory_space<hbm>>
      tpu.wait_indirect_dma semaphore(%arg25 : memref<!tpu.dma_semaphore, #tpu.memory_space<semaphore_mem>>) src(%dma_wait3A_609 : memref<10000x128xf32, #tpu.memory_space<hbm>>) dst(%arg16 : memref<40x128xf32, #tpu.memory_space<vmem>>)
      %add3A_610 = arith.constant 3 : i32
      %add3A_611 = arith.addi %add3A_495, %add3A_610 : i32
      %add3A_612 = arith.constant 0 : i32
      %add3A_613 = arith.addi %add3A_611, %add3A_612 : i32
      %dma_start3A_614 = arith.constant 0 : i32
      %dma_start3A_615 = tpu.memref_slice %arg9[%add3A_613, %dma_start3A_614] : memref<25x40xi32, #tpu.memory_space<vmem>> -> memref<1x40xi32, #tpu.memory_space<vmem>>
      %dma_start3A_616 = tpu.memref_squeeze %dma_start3A_615 : memref<1x40xi32, #tpu.memory_space<vmem>> -> memref<40xi32, #tpu.memory_space<vmem>>
      %dma_start3A_617 = arith.constant 0 : i32
      %dma_start3A_618 = arith.constant 0 : i32
      %dma_start3A_619 = tpu.memref_slice %arg26[%dma_start3A_617, %dma_start3A_618] : memref<10240x128xf32, #tpu.memory_space<vmem_shared>> -> memref<10240x128xf32, #tpu.memory_space<vmem_shared>>
      tpu.enqueue_indirect_dma source(%arg14 : memref<40x128xf32, #tpu.memory_space<vmem>>) target(%dma_start3A_619 : memref<10240x128xf32, #tpu.memory_space<vmem_shared>>) offsets(%dma_start3A_616 : memref<40xi32, #tpu.memory_space<vmem>>) semaphore(%arg19 : memref<!tpu.dma_semaphore, #tpu.memory_space<semaphore_mem>>) {add = true}
      %add3A_620 = arith.constant 1 : i32
      %add3A_621 = arith.addi %add3A_611, %add3A_620 : i32
      %dma_start3A_622 = arith.constant 0 : i32
      %dma_start3A_623 = tpu.memref_slice %arg9[%add3A_621, %dma_start3A_622] : memref<25x40xi32, #tpu.memory_space<vmem>> -> memref<1x40xi32, #tpu.memory_space<vmem>>
      %dma_start3A_624 = tpu.memref_squeeze %dma_start3A_623 : memref<1x40xi32, #tpu.memory_space<vmem>> -> memref<40xi32, #tpu.memory_space<vmem>>
      %dma_start3A_625 = arith.constant 0 : i32
      %dma_start3A_626 = arith.constant 0 : i32
      %dma_start3A_627 = tpu.memref_slice %arg26[%dma_start3A_625, %dma_start3A_626] : memref<10240x128xf32, #tpu.memory_space<vmem_shared>> -> memref<10240x128xf32, #tpu.memory_space<vmem_shared>>
      tpu.enqueue_indirect_dma source(%arg15 : memref<40x128xf32, #tpu.memory_space<vmem>>) target(%dma_start3A_627 : memref<10240x128xf32, #tpu.memory_space<vmem_shared>>) offsets(%dma_start3A_624 : memref<40xi32, #tpu.memory_space<vmem>>) semaphore(%arg19 : memref<!tpu.dma_semaphore, #tpu.memory_space<semaphore_mem>>) {add = true}
      %add3A_628 = arith.constant 2 : i32
      %add3A_629 = arith.addi %add3A_611, %add3A_628 : i32
      %dma_start3A_630 = arith.constant 0 : i32
      %dma_start3A_631 = tpu.memref_slice %arg9[%add3A_629, %dma_start3A_630] : memref<25x40xi32, #tpu.memory_space<vmem>> -> memref<1x40xi32, #tpu.memory_space<vmem>>
      %dma_start3A_632 = tpu.memref_squeeze %dma_start3A_631 : memref<1x40xi32, #tpu.memory_space<vmem>> -> memref<40xi32, #tpu.memory_space<vmem>>
      %dma_start3A_633 = arith.constant 0 : i32
      %dma_start3A_634 = arith.constant 0 : i32
      %dma_start3A_635 = tpu.memref_slice %arg26[%dma_start3A_633, %dma_start3A_634] : memref<10240x128xf32, #tpu.memory_space<vmem_shared>> -> memref<10240x128xf32, #tpu.memory_space<vmem_shared>>
      tpu.enqueue_indirect_dma source(%arg16 : memref<40x128xf32, #tpu.memory_space<vmem>>) target(%dma_start3A_635 : memref<10240x128xf32, #tpu.memory_space<vmem_shared>>) offsets(%dma_start3A_632 : memref<40xi32, #tpu.memory_space<vmem>>) semaphore(%arg19 : memref<!tpu.dma_semaphore, #tpu.memory_space<semaphore_mem>>) {add = true}
      %dma_wait3A_636 = arith.constant 0 : i32
      %dma_wait3A_637 = tpu.memref_slice %arg9[%add3A_613, %dma_wait3A_636] : memref<25x40xi32, #tpu.memory_space<vmem>> -> memref<1x40xi32, #tpu.memory_space<vmem>>
      %dma_wait3A_638 = tpu.memref_squeeze %dma_wait3A_637 : memref<1x40xi32, #tpu.memory_space<vmem>> -> memref<40xi32, #tpu.memory_space<vmem>>
      %dma_wait3A_639 = arith.constant 0 : i32
      %dma_wait3A_640 = arith.constant 0 : i32
      %dma_wait3A_641 = tpu.memref_slice %arg26[%dma_wait3A_639, %dma_wait3A_640] : memref<10240x128xf32, #tpu.memory_space<vmem_shared>> -> memref<10240x128xf32, #tpu.memory_space<vmem_shared>>
      tpu.wait_indirect_dma semaphore(%arg19 : memref<!tpu.dma_semaphore, #tpu.memory_space<semaphore_mem>>) src(%arg14 : memref<40x128xf32, #tpu.memory_space<vmem>>) dst(%dma_wait3A_641 : memref<10240x128xf32, #tpu.memory_space<vmem_shared>>)
      %dma_wait3A_642 = arith.constant 0 : i32
      %dma_wait3A_643 = tpu.memref_slice %arg9[%add3A_621, %dma_wait3A_642] : memref<25x40xi32, #tpu.memory_space<vmem>> -> memref<1x40xi32, #tpu.memory_space<vmem>>
      %dma_wait3A_644 = tpu.memref_squeeze %dma_wait3A_643 : memref<1x40xi32, #tpu.memory_space<vmem>> -> memref<40xi32, #tpu.memory_space<vmem>>
      %dma_wait3A_645 = arith.constant 0 : i32
      %dma_wait3A_646 = arith.constant 0 : i32
      %dma_wait3A_647 = tpu.memref_slice %arg26[%dma_wait3A_645, %dma_wait3A_646] : memref<10240x128xf32, #tpu.memory_space<vmem_shared>> -> memref<10240x128xf32, #tpu.memory_space<vmem_shared>>
      tpu.wait_indirect_dma semaphore(%arg19 : memref<!tpu.dma_semaphore, #tpu.memory_space<semaphore_mem>>) src(%arg15 : memref<40x128xf32, #tpu.memory_space<vmem>>) dst(%dma_wait3A_647 : memref<10240x128xf32, #tpu.memory_space<vmem_shared>>)
      %dma_wait3A_648 = arith.constant 0 : i32
      %dma_wait3A_649 = tpu.memref_slice %arg9[%add3A_629, %dma_wait3A_648] : memref<25x40xi32, #tpu.memory_space<vmem>> -> memref<1x40xi32, #tpu.memory_space<vmem>>
      %dma_wait3A_650 = tpu.memref_squeeze %dma_wait3A_649 : memref<1x40xi32, #tpu.memory_space<vmem>> -> memref<40xi32, #tpu.memory_space<vmem>>
      %dma_wait3A_651 = arith.constant 0 : i32
      %dma_wait3A_652 = arith.constant 0 : i32
      %dma_wait3A_653 = tpu.memref_slice %arg26[%dma_wait3A_651, %dma_wait3A_652] : memref<10240x128xf32, #tpu.memory_space<vmem_shared>> -> memref<10240x128xf32, #tpu.memory_space<vmem_shared>>
      tpu.wait_indirect_dma semaphore(%arg19 : memref<!tpu.dma_semaphore, #tpu.memory_space<semaphore_mem>>) src(%arg16 : memref<40x128xf32, #tpu.memory_space<vmem>>) dst(%dma_wait3A_653 : memref<10240x128xf32, #tpu.memory_space<vmem_shared>>)
    }
    %scan3A_50 = arith.constant 3 : i32
    %dma_start3A_51 = arith.constant 18 : i32
    %dma_start3A_52 = arith.constant 0 : i32
    %dma_start3A_53 = tpu.memref_slice %arg7[%dma_start3A_51, %dma_start3A_52] : memref<25x40xi32, #tpu.memory_space<vmem>> -> memref<1x40xi32, #tpu.memory_space<vmem>>
    %dma_start3A_54 = tpu.memref_squeeze %dma_start3A_53 : memref<1x40xi32, #tpu.memory_space<vmem>> -> memref<40xi32, #tpu.memory_space<vmem>>
    %dma_start3A_55 = arith.constant 0 : i32
    %dma_start3A_56 = arith.constant 0 : i32
    %dma_start3A_57 = tpu.memref_slice %arg2[%dma_start3A_55, %dma_start3A_56] : memref<10000x128xf32, #tpu.memory_space<hbm>> -> memref<10000x128xf32, #tpu.memory_space<hbm>>
    tpu.enqueue_indirect_dma source(%dma_start3A_57 : memref<10000x128xf32, #tpu.memory_space<hbm>>) target(%arg11 : memref<40x128xf32, #tpu.memory_space<vmem>>) offsets(%dma_start3A_54 : memref<40xi32, #tpu.memory_space<vmem>>) semaphore(%arg20 : memref<!tpu.dma_semaphore, #tpu.memory_space<semaphore_mem>>)
    %dma_start3A_58 = arith.constant 19 : i32
    %dma_start3A_59 = arith.constant 0 : i32
    %dma_start3A_60 = tpu.memref_slice %arg7[%dma_start3A_58, %dma_start3A_59] : memref<25x40xi32, #tpu.memory_space<vmem>> -> memref<1x40xi32, #tpu.memory_space<vmem>>
    %dma_start3A_61 = tpu.memref_squeeze %dma_start3A_60 : memref<1x40xi32, #tpu.memory_space<vmem>> -> memref<40xi32, #tpu.memory_space<vmem>>
    %dma_start3A_62 = arith.constant 0 : i32
    %dma_start3A_63 = arith.constant 0 : i32
    %dma_start3A_64 = tpu.memref_slice %arg2[%dma_start3A_62, %dma_start3A_63] : memref<10000x128xf32, #tpu.memory_space<hbm>> -> memref<10000x128xf32, #tpu.memory_space<hbm>>
    tpu.enqueue_indirect_dma source(%dma_start3A_64 : memref<10000x128xf32, #tpu.memory_space<hbm>>) target(%arg12 : memref<40x128xf32, #tpu.memory_space<vmem>>) offsets(%dma_start3A_61 : memref<40xi32, #tpu.memory_space<vmem>>) semaphore(%arg21 : memref<!tpu.dma_semaphore, #tpu.memory_space<semaphore_mem>>)
    %dma_start3A_65 = arith.constant 20 : i32
    %dma_start3A_66 = arith.constant 0 : i32
    %dma_start3A_67 = tpu.memref_slice %arg7[%dma_start3A_65, %dma_start3A_66] : memref<25x40xi32, #tpu.memory_space<vmem>> -> memref<1x40xi32, #tpu.memory_space<vmem>>
    %dma_start3A_68 = tpu.memref_squeeze %dma_start3A_67 : memref<1x40xi32, #tpu.memory_space<vmem>> -> memref<40xi32, #tpu.memory_space<vmem>>
    %dma_start3A_69 = arith.constant 0 : i32
    %dma_start3A_70 = arith.constant 0 : i32
    %dma_start3A_71 = tpu.memref_slice %arg2[%dma_start3A_69, %dma_start3A_70] : memref<10000x128xf32, #tpu.memory_space<hbm>> -> memref<10000x128xf32, #tpu.memory_space<hbm>>
    tpu.enqueue_indirect_dma source(%dma_start3A_71 : memref<10000x128xf32, #tpu.memory_space<hbm>>) target(%arg13 : memref<40x128xf32, #tpu.memory_space<vmem>>) offsets(%dma_start3A_68 : memref<40xi32, #tpu.memory_space<vmem>>) semaphore(%arg22 : memref<!tpu.dma_semaphore, #tpu.memory_space<semaphore_mem>>)
    %dma_wait3A = arith.constant 18 : i32
    %dma_wait3A_72 = arith.constant 0 : i32
    %dma_wait3A_73 = tpu.memref_slice %arg7[%dma_wait3A, %dma_wait3A_72] : memref<25x40xi32, #tpu.memory_space<vmem>> -> memref<1x40xi32, #tpu.memory_space<vmem>>
    %dma_wait3A_74 = tpu.memref_squeeze %dma_wait3A_73 : memref<1x40xi32, #tpu.memory_space<vmem>> -> memref<40xi32, #tpu.memory_space<vmem>>
    %dma_wait3A_75 = arith.constant 0 : i32
    %dma_wait3A_76 = arith.constant 0 : i32
    %dma_wait3A_77 = tpu.memref_slice %arg2[%dma_wait3A_75, %dma_wait3A_76] : memref<10000x128xf32, #tpu.memory_space<hbm>> -> memref<10000x128xf32, #tpu.memory_space<hbm>>
    tpu.wait_indirect_dma semaphore(%arg20 : memref<!tpu.dma_semaphore, #tpu.memory_space<semaphore_mem>>) src(%dma_wait3A_77 : memref<10000x128xf32, #tpu.memory_space<hbm>>) dst(%arg11 : memref<40x128xf32, #tpu.memory_space<vmem>>)
    %dma_start3A_78 = arith.constant 18 : i32
    %dma_start3A_79 = arith.constant 0 : i32
    %dma_start3A_80 = tpu.memref_slice %arg9[%dma_start3A_78, %dma_start3A_79] : memref<25x40xi32, #tpu.memory_space<vmem>> -> memref<1x40xi32, #tpu.memory_space<vmem>>
    %dma_start3A_81 = tpu.memref_squeeze %dma_start3A_80 : memref<1x40xi32, #tpu.memory_space<vmem>> -> memref<40xi32, #tpu.memory_space<vmem>>
    %dma_start3A_82 = arith.constant 0 : i32
    %dma_start3A_83 = arith.constant 0 : i32
    %dma_start3A_84 = tpu.memref_slice %arg26[%dma_start3A_82, %dma_start3A_83] : memref<10240x128xf32, #tpu.memory_space<vmem_shared>> -> memref<10240x128xf32, #tpu.memory_space<vmem_shared>>
    tpu.enqueue_indirect_dma source(%arg11 : memref<40x128xf32, #tpu.memory_space<vmem>>) target(%dma_start3A_84 : memref<10240x128xf32, #tpu.memory_space<vmem_shared>>) offsets(%dma_start3A_81 : memref<40xi32, #tpu.memory_space<vmem>>) semaphore(%arg19 : memref<!tpu.dma_semaphore, #tpu.memory_space<semaphore_mem>>) {add = true}
    %dma_wait3A_85 = arith.constant 19 : i32
    %dma_wait3A_86 = arith.constant 0 : i32
    %dma_wait3A_87 = tpu.memref_slice %arg7[%dma_wait3A_85, %dma_wait3A_86] : memref<25x40xi32, #tpu.memory_space<vmem>> -> memref<1x40xi32, #tpu.memory_space<vmem>>
    %dma_wait3A_88 = tpu.memref_squeeze %dma_wait3A_87 : memref<1x40xi32, #tpu.memory_space<vmem>> -> memref<40xi32, #tpu.memory_space<vmem>>
    %dma_wait3A_89 = arith.constant 0 : i32
    %dma_wait3A_90 = arith.constant 0 : i32
    %dma_wait3A_91 = tpu.memref_slice %arg2[%dma_wait3A_89, %dma_wait3A_90] : memref<10000x128xf32, #tpu.memory_space<hbm>> -> memref<10000x128xf32, #tpu.memory_space<hbm>>
    tpu.wait_indirect_dma semaphore(%arg21 : memref<!tpu.dma_semaphore, #tpu.memory_space<semaphore_mem>>) src(%dma_wait3A_91 : memref<10000x128xf32, #tpu.memory_space<hbm>>) dst(%arg12 : memref<40x128xf32, #tpu.memory_space<vmem>>)
    %dma_start3A_92 = arith.constant 19 : i32
    %dma_start3A_93 = arith.constant 0 : i32
    %dma_start3A_94 = tpu.memref_slice %arg9[%dma_start3A_92, %dma_start3A_93] : memref<25x40xi32, #tpu.memory_space<vmem>> -> memref<1x40xi32, #tpu.memory_space<vmem>>
    %dma_start3A_95 = tpu.memref_squeeze %dma_start3A_94 : memref<1x40xi32, #tpu.memory_space<vmem>> -> memref<40xi32, #tpu.memory_space<vmem>>
    %dma_start3A_96 = arith.constant 0 : i32
    %dma_start3A_97 = arith.constant 0 : i32
    %dma_start3A_98 = tpu.memref_slice %arg26[%dma_start3A_96, %dma_start3A_97] : memref<10240x128xf32, #tpu.memory_space<vmem_shared>> -> memref<10240x128xf32, #tpu.memory_space<vmem_shared>>
    tpu.enqueue_indirect_dma source(%arg12 : memref<40x128xf32, #tpu.memory_space<vmem>>) target(%dma_start3A_98 : memref<10240x128xf32, #tpu.memory_space<vmem_shared>>) offsets(%dma_start3A_95 : memref<40xi32, #tpu.memory_space<vmem>>) semaphore(%arg19 : memref<!tpu.dma_semaphore, #tpu.memory_space<semaphore_mem>>) {add = true}
    %dma_wait3A_99 = arith.constant 20 : i32
    %dma_wait3A_100 = arith.constant 0 : i32
    %dma_wait3A_101 = tpu.memref_slice %arg7[%dma_wait3A_99, %dma_wait3A_100] : memref<25x40xi32, #tpu.memory_space<vmem>> -> memref<1x40xi32, #tpu.memory_space<vmem>>
    %dma_wait3A_102 = tpu.memref_squeeze %dma_wait3A_101 : memref<1x40xi32, #tpu.memory_space<vmem>> -> memref<40xi32, #tpu.memory_space<vmem>>
    %dma_wait3A_103 = arith.constant 0 : i32
    %dma_wait3A_104 = arith.constant 0 : i32
    %dma_wait3A_105 = tpu.memref_slice %arg2[%dma_wait3A_103, %dma_wait3A_104] : memref<10000x128xf32, #tpu.memory_space<hbm>> -> memref<10000x128xf32, #tpu.memory_space<hbm>>
    tpu.wait_indirect_dma semaphore(%arg22 : memref<!tpu.dma_semaphore, #tpu.memory_space<semaphore_mem>>) src(%dma_wait3A_105 : memref<10000x128xf32, #tpu.memory_space<hbm>>) dst(%arg13 : memref<40x128xf32, #tpu.memory_space<vmem>>)
    %dma_start3A_106 = arith.constant 20 : i32
    %dma_start3A_107 = arith.constant 0 : i32
    %dma_start3A_108 = tpu.memref_slice %arg9[%dma_start3A_106, %dma_start3A_107] : memref<25x40xi32, #tpu.memory_space<vmem>> -> memref<1x40xi32, #tpu.memory_space<vmem>>
    %dma_start3A_109 = tpu.memref_squeeze %dma_start3A_108 : memref<1x40xi32, #tpu.memory_space<vmem>> -> memref<40xi32, #tpu.memory_space<vmem>>
    %dma_start3A_110 = arith.constant 0 : i32
    %dma_start3A_111 = arith.constant 0 : i32
    %dma_start3A_112 = tpu.memref_slice %arg26[%dma_start3A_110, %dma_start3A_111] : memref<10240x128xf32, #tpu.memory_space<vmem_shared>> -> memref<10240x128xf32, #tpu.memory_space<vmem_shared>>
    tpu.enqueue_indirect_dma source(%arg13 : memref<40x128xf32, #tpu.memory_space<vmem>>) target(%dma_start3A_112 : memref<10240x128xf32, #tpu.memory_space<vmem_shared>>) offsets(%dma_start3A_109 : memref<40xi32, #tpu.memory_space<vmem>>) semaphore(%arg19 : memref<!tpu.dma_semaphore, #tpu.memory_space<semaphore_mem>>) {add = true}
    %dma_wait3A_113 = arith.constant 18 : i32
    %dma_wait3A_114 = arith.constant 0 : i32
    %dma_wait3A_115 = tpu.memref_slice %arg9[%dma_wait3A_113, %dma_wait3A_114] : memref<25x40xi32, #tpu.memory_space<vmem>> -> memref<1x40xi32, #tpu.memory_space<vmem>>
    %dma_wait3A_116 = tpu.memref_squeeze %dma_wait3A_115 : memref<1x40xi32, #tpu.memory_space<vmem>> -> memref<40xi32, #tpu.memory_space<vmem>>
    %dma_wait3A_117 = arith.constant 0 : i32
    %dma_wait3A_118 = arith.constant 0 : i32
    %dma_wait3A_119 = tpu.memref_slice %arg26[%dma_wait3A_117, %dma_wait3A_118] : memref<10240x128xf32, #tpu.memory_space<vmem_shared>> -> memref<10240x128xf32, #tpu.memory_space<vmem_shared>>
    tpu.wait_indirect_dma semaphore(%arg19 : memref<!tpu.dma_semaphore, #tpu.memory_space<semaphore_mem>>) src(%arg11 : memref<40x128xf32, #tpu.memory_space<vmem>>) dst(%dma_wait3A_119 : memref<10240x128xf32, #tpu.memory_space<vmem_shared>>)
    %dma_wait3A_120 = arith.constant 19 : i32
    %dma_wait3A_121 = arith.constant 0 : i32
    %dma_wait3A_122 = tpu.memref_slice %arg9[%dma_wait3A_120, %dma_wait3A_121] : memref<25x40xi32, #tpu.memory_space<vmem>> -> memref<1x40xi32, #tpu.memory_space<vmem>>
    %dma_wait3A_123 = tpu.memref_squeeze %dma_wait3A_122 : memref<1x40xi32, #tpu.memory_space<vmem>> -> memref<40xi32, #tpu.memory_space<vmem>>
    %dma_wait3A_124 = arith.constant 0 : i32
    %dma_wait3A_125 = arith.constant 0 : i32
    %dma_wait3A_126 = tpu.memref_slice %arg26[%dma_wait3A_124, %dma_wait3A_125] : memref<10240x128xf32, #tpu.memory_space<vmem_shared>> -> memref<10240x128xf32, #tpu.memory_space<vmem_shared>>
    tpu.wait_indirect_dma semaphore(%arg19 : memref<!tpu.dma_semaphore, #tpu.memory_space<semaphore_mem>>) src(%arg12 : memref<40x128xf32, #tpu.memory_space<vmem>>) dst(%dma_wait3A_126 : memref<10240x128xf32, #tpu.memory_space<vmem_shared>>)
    %dma_wait3A_127 = arith.constant 20 : i32
    %dma_wait3A_128 = arith.constant 0 : i32
    %dma_wait3A_129 = tpu.memref_slice %arg9[%dma_wait3A_127, %dma_wait3A_128] : memref<25x40xi32, #tpu.memory_space<vmem>> -> memref<1x40xi32, #tpu.memory_space<vmem>>
    %dma_wait3A_130 = tpu.memref_squeeze %dma_wait3A_129 : memref<1x40xi32, #tpu.memory_space<vmem>> -> memref<40xi32, #tpu.memory_space<vmem>>
    %dma_wait3A_131 = arith.constant 0 : i32
    %dma_wait3A_132 = arith.constant 0 : i32
    %dma_wait3A_133 = tpu.memref_slice %arg26[%dma_wait3A_131, %dma_wait3A_132] : memref<10240x128xf32, #tpu.memory_space<vmem_shared>> -> memref<10240x128xf32, #tpu.memory_space<vmem_shared>>
    tpu.wait_indirect_dma semaphore(%arg19 : memref<!tpu.dma_semaphore, #tpu.memory_space<semaphore_mem>>) src(%arg13 : memref<40x128xf32, #tpu.memory_space<vmem>>) dst(%dma_wait3A_133 : memref<10240x128xf32, #tpu.memory_space<vmem_shared>>)
    %dma_start3A_134 = arith.constant 21 : i32
    %dma_start3A_135 = arith.constant 0 : i32
    %dma_start3A_136 = tpu.memref_slice %arg7[%dma_start3A_134, %dma_start3A_135] : memref<25x40xi32, #tpu.memory_space<vmem>> -> memref<1x40xi32, #tpu.memory_space<vmem>>
    %dma_start3A_137 = tpu.memref_squeeze %dma_start3A_136 : memref<1x40xi32, #tpu.memory_space<vmem>> -> memref<40xi32, #tpu.memory_space<vmem>>
    %dma_start3A_138 = arith.constant 0 : i32
    %dma_start3A_139 = arith.constant 0 : i32
    %dma_start3A_140 = tpu.memref_slice %arg2[%dma_start3A_138, %dma_start3A_139] : memref<10000x128xf32, #tpu.memory_space<hbm>> -> memref<10000x128xf32, #tpu.memory_space<hbm>>
    tpu.enqueue_indirect_dma source(%dma_start3A_140 : memref<10000x128xf32, #tpu.memory_space<hbm>>) target(%arg11 : memref<40x128xf32, #tpu.memory_space<vmem>>) offsets(%dma_start3A_137 : memref<40xi32, #tpu.memory_space<vmem>>) semaphore(%arg20 : memref<!tpu.dma_semaphore, #tpu.memory_space<semaphore_mem>>)
    %dma_start3A_141 = arith.constant 22 : i32
    %dma_start3A_142 = arith.constant 0 : i32
    %dma_start3A_143 = tpu.memref_slice %arg7[%dma_start3A_141, %dma_start3A_142] : memref<25x40xi32, #tpu.memory_space<vmem>> -> memref<1x40xi32, #tpu.memory_space<vmem>>
    %dma_start3A_144 = tpu.memref_squeeze %dma_start3A_143 : memref<1x40xi32, #tpu.memory_space<vmem>> -> memref<40xi32, #tpu.memory_space<vmem>>
    %dma_start3A_145 = arith.constant 0 : i32
    %dma_start3A_146 = arith.constant 0 : i32
    %dma_start3A_147 = tpu.memref_slice %arg2[%dma_start3A_145, %dma_start3A_146] : memref<10000x128xf32, #tpu.memory_space<hbm>> -> memref<10000x128xf32, #tpu.memory_space<hbm>>
    tpu.enqueue_indirect_dma source(%dma_start3A_147 : memref<10000x128xf32, #tpu.memory_space<hbm>>) target(%arg12 : memref<40x128xf32, #tpu.memory_space<vmem>>) offsets(%dma_start3A_144 : memref<40xi32, #tpu.memory_space<vmem>>) semaphore(%arg21 : memref<!tpu.dma_semaphore, #tpu.memory_space<semaphore_mem>>)
    %dma_start3A_148 = arith.constant 23 : i32
    %dma_start3A_149 = arith.constant 0 : i32
    %dma_start3A_150 = tpu.memref_slice %arg7[%dma_start3A_148, %dma_start3A_149] : memref<25x40xi32, #tpu.memory_space<vmem>> -> memref<1x40xi32, #tpu.memory_space<vmem>>
    %dma_start3A_151 = tpu.memref_squeeze %dma_start3A_150 : memref<1x40xi32, #tpu.memory_space<vmem>> -> memref<40xi32, #tpu.memory_space<vmem>>
    %dma_start3A_152 = arith.constant 0 : i32
    %dma_start3A_153 = arith.constant 0 : i32
    %dma_start3A_154 = tpu.memref_slice %arg2[%dma_start3A_152, %dma_start3A_153] : memref<10000x128xf32, #tpu.memory_space<hbm>> -> memref<10000x128xf32, #tpu.memory_space<hbm>>
    tpu.enqueue_indirect_dma source(%dma_start3A_154 : memref<10000x128xf32, #tpu.memory_space<hbm>>) target(%arg13 : memref<40x128xf32, #tpu.memory_space<vmem>>) offsets(%dma_start3A_151 : memref<40xi32, #tpu.memory_space<vmem>>) semaphore(%arg22 : memref<!tpu.dma_semaphore, #tpu.memory_space<semaphore_mem>>)
    %dma_wait3A_155 = arith.constant 21 : i32
    %dma_wait3A_156 = arith.constant 0 : i32
    %dma_wait3A_157 = tpu.memref_slice %arg7[%dma_wait3A_155, %dma_wait3A_156] : memref<25x40xi32, #tpu.memory_space<vmem>> -> memref<1x40xi32, #tpu.memory_space<vmem>>
    %dma_wait3A_158 = tpu.memref_squeeze %dma_wait3A_157 : memref<1x40xi32, #tpu.memory_space<vmem>> -> memref<40xi32, #tpu.memory_space<vmem>>
    %dma_wait3A_159 = arith.constant 0 : i32
    %dma_wait3A_160 = arith.constant 0 : i32
    %dma_wait3A_161 = tpu.memref_slice %arg2[%dma_wait3A_159, %dma_wait3A_160] : memref<10000x128xf32, #tpu.memory_space<hbm>> -> memref<10000x128xf32, #tpu.memory_space<hbm>>
    tpu.wait_indirect_dma semaphore(%arg20 : memref<!tpu.dma_semaphore, #tpu.memory_space<semaphore_mem>>) src(%dma_wait3A_161 : memref<10000x128xf32, #tpu.memory_space<hbm>>) dst(%arg11 : memref<40x128xf32, #tpu.memory_space<vmem>>)
    %dma_start3A_162 = arith.constant 21 : i32
    %dma_start3A_163 = arith.constant 0 : i32
    %dma_start3A_164 = tpu.memref_slice %arg9[%dma_start3A_162, %dma_start3A_163] : memref<25x40xi32, #tpu.memory_space<vmem>> -> memref<1x40xi32, #tpu.memory_space<vmem>>
    %dma_start3A_165 = tpu.memref_squeeze %dma_start3A_164 : memref<1x40xi32, #tpu.memory_space<vmem>> -> memref<40xi32, #tpu.memory_space<vmem>>
    %dma_start3A_166 = arith.constant 0 : i32
    %dma_start3A_167 = arith.constant 0 : i32
    %dma_start3A_168 = tpu.memref_slice %arg26[%dma_start3A_166, %dma_start3A_167] : memref<10240x128xf32, #tpu.memory_space<vmem_shared>> -> memref<10240x128xf32, #tpu.memory_space<vmem_shared>>
    tpu.enqueue_indirect_dma source(%arg11 : memref<40x128xf32, #tpu.memory_space<vmem>>) target(%dma_start3A_168 : memref<10240x128xf32, #tpu.memory_space<vmem_shared>>) offsets(%dma_start3A_165 : memref<40xi32, #tpu.memory_space<vmem>>) semaphore(%arg19 : memref<!tpu.dma_semaphore, #tpu.memory_space<semaphore_mem>>) {add = true}
    %dma_wait3A_169 = arith.constant 22 : i32
    %dma_wait3A_170 = arith.constant 0 : i32
    %dma_wait3A_171 = tpu.memref_slice %arg7[%dma_wait3A_169, %dma_wait3A_170] : memref<25x40xi32, #tpu.memory_space<vmem>> -> memref<1x40xi32, #tpu.memory_space<vmem>>
    %dma_wait3A_172 = tpu.memref_squeeze %dma_wait3A_171 : memref<1x40xi32, #tpu.memory_space<vmem>> -> memref<40xi32, #tpu.memory_space<vmem>>
    %dma_wait3A_173 = arith.constant 0 : i32
    %dma_wait3A_174 = arith.constant 0 : i32
    %dma_wait3A_175 = tpu.memref_slice %arg2[%dma_wait3A_173, %dma_wait3A_174] : memref<10000x128xf32, #tpu.memory_space<hbm>> -> memref<10000x128xf32, #tpu.memory_space<hbm>>
    tpu.wait_indirect_dma semaphore(%arg21 : memref<!tpu.dma_semaphore, #tpu.memory_space<semaphore_mem>>) src(%dma_wait3A_175 : memref<10000x128xf32, #tpu.memory_space<hbm>>) dst(%arg12 : memref<40x128xf32, #tpu.memory_space<vmem>>)
    %dma_start3A_176 = arith.constant 22 : i32
    %dma_start3A_177 = arith.constant 0 : i32
    %dma_start3A_178 = tpu.memref_slice %arg9[%dma_start3A_176, %dma_start3A_177] : memref<25x40xi32, #tpu.memory_space<vmem>> -> memref<1x40xi32, #tpu.memory_space<vmem>>
    %dma_start3A_179 = tpu.memref_squeeze %dma_start3A_178 : memref<1x40xi32, #tpu.memory_space<vmem>> -> memref<40xi32, #tpu.memory_space<vmem>>
    %dma_start3A_180 = arith.constant 0 : i32
    %dma_start3A_181 = arith.constant 0 : i32
    %dma_start3A_182 = tpu.memref_slice %arg26[%dma_start3A_180, %dma_start3A_181] : memref<10240x128xf32, #tpu.memory_space<vmem_shared>> -> memref<10240x128xf32, #tpu.memory_space<vmem_shared>>
    tpu.enqueue_indirect_dma source(%arg12 : memref<40x128xf32, #tpu.memory_space<vmem>>) target(%dma_start3A_182 : memref<10240x128xf32, #tpu.memory_space<vmem_shared>>) offsets(%dma_start3A_179 : memref<40xi32, #tpu.memory_space<vmem>>) semaphore(%arg19 : memref<!tpu.dma_semaphore, #tpu.memory_space<semaphore_mem>>) {add = true}
    %dma_wait3A_183 = arith.constant 23 : i32
    %dma_wait3A_184 = arith.constant 0 : i32
    %dma_wait3A_185 = tpu.memref_slice %arg7[%dma_wait3A_183, %dma_wait3A_184] : memref<25x40xi32, #tpu.memory_space<vmem>> -> memref<1x40xi32, #tpu.memory_space<vmem>>
    %dma_wait3A_186 = tpu.memref_squeeze %dma_wait3A_185 : memref<1x40xi32, #tpu.memory_space<vmem>> -> memref<40xi32, #tpu.memory_space<vmem>>
    %dma_wait3A_187 = arith.constant 0 : i32
    %dma_wait3A_188 = arith.constant 0 : i32
    %dma_wait3A_189 = tpu.memref_slice %arg2[%dma_wait3A_187, %dma_wait3A_188] : memref<10000x128xf32, #tpu.memory_space<hbm>> -> memref<10000x128xf32, #tpu.memory_space<hbm>>
    tpu.wait_indirect_dma semaphore(%arg22 : memref<!tpu.dma_semaphore, #tpu.memory_space<semaphore_mem>>) src(%dma_wait3A_189 : memref<10000x128xf32, #tpu.memory_space<hbm>>) dst(%arg13 : memref<40x128xf32, #tpu.memory_space<vmem>>)
    %dma_start3A_190 = arith.constant 23 : i32
    %dma_start3A_191 = arith.constant 0 : i32
    %dma_start3A_192 = tpu.memref_slice %arg9[%dma_start3A_190, %dma_start3A_191] : memref<25x40xi32, #tpu.memory_space<vmem>> -> memref<1x40xi32, #tpu.memory_space<vmem>>
    %dma_start3A_193 = tpu.memref_squeeze %dma_start3A_192 : memref<1x40xi32, #tpu.memory_space<vmem>> -> memref<40xi32, #tpu.memory_space<vmem>>
    %dma_start3A_194 = arith.constant 0 : i32
    %dma_start3A_195 = arith.constant 0 : i32
    %dma_start3A_196 = tpu.memref_slice %arg26[%dma_start3A_194, %dma_start3A_195] : memref<10240x128xf32, #tpu.memory_space<vmem_shared>> -> memref<10240x128xf32, #tpu.memory_space<vmem_shared>>
    tpu.enqueue_indirect_dma source(%arg13 : memref<40x128xf32, #tpu.memory_space<vmem>>) target(%dma_start3A_196 : memref<10240x128xf32, #tpu.memory_space<vmem_shared>>) offsets(%dma_start3A_193 : memref<40xi32, #tpu.memory_space<vmem>>) semaphore(%arg19 : memref<!tpu.dma_semaphore, #tpu.memory_space<semaphore_mem>>) {add = true}
    %dma_wait3A_197 = arith.constant 21 : i32
    %dma_wait3A_198 = arith.constant 0 : i32
    %dma_wait3A_199 = tpu.memref_slice %arg9[%dma_wait3A_197, %dma_wait3A_198] : memref<25x40xi32, #tpu.memory_space<vmem>> -> memref<1x40xi32, #tpu.memory_space<vmem>>
    %dma_wait3A_200 = tpu.memref_squeeze %dma_wait3A_199 : memref<1x40xi32, #tpu.memory_space<vmem>> -> memref<40xi32, #tpu.memory_space<vmem>>
    %dma_wait3A_201 = arith.constant 0 : i32
    %dma_wait3A_202 = arith.constant 0 : i32
    %dma_wait3A_203 = tpu.memref_slice %arg26[%dma_wait3A_201, %dma_wait3A_202] : memref<10240x128xf32, #tpu.memory_space<vmem_shared>> -> memref<10240x128xf32, #tpu.memory_space<vmem_shared>>
    tpu.wait_indirect_dma semaphore(%arg19 : memref<!tpu.dma_semaphore, #tpu.memory_space<semaphore_mem>>) src(%arg11 : memref<40x128xf32, #tpu.memory_space<vmem>>) dst(%dma_wait3A_203 : memref<10240x128xf32, #tpu.memory_space<vmem_shared>>)
    %dma_wait3A_204 = arith.constant 22 : i32
    %dma_wait3A_205 = arith.constant 0 : i32
    %dma_wait3A_206 = tpu.memref_slice %arg9[%dma_wait3A_204, %dma_wait3A_205] : memref<25x40xi32, #tpu.memory_space<vmem>> -> memref<1x40xi32, #tpu.memory_space<vmem>>
    %dma_wait3A_207 = tpu.memref_squeeze %dma_wait3A_206 : memref<1x40xi32, #tpu.memory_space<vmem>> -> memref<40xi32, #tpu.memory_space<vmem>>
    %dma_wait3A_208 = arith.constant 0 : i32
    %dma_wait3A_209 = arith.constant 0 : i32
    %dma_wait3A_210 = tpu.memref_slice %arg26[%dma_wait3A_208, %dma_wait3A_209] : memref<10240x128xf32, #tpu.memory_space<vmem_shared>> -> memref<10240x128xf32, #tpu.memory_space<vmem_shared>>
    tpu.wait_indirect_dma semaphore(%arg19 : memref<!tpu.dma_semaphore, #tpu.memory_space<semaphore_mem>>) src(%arg12 : memref<40x128xf32, #tpu.memory_space<vmem>>) dst(%dma_wait3A_210 : memref<10240x128xf32, #tpu.memory_space<vmem_shared>>)
    %dma_wait3A_211 = arith.constant 23 : i32
    %dma_wait3A_212 = arith.constant 0 : i32
    %dma_wait3A_213 = tpu.memref_slice %arg9[%dma_wait3A_211, %dma_wait3A_212] : memref<25x40xi32, #tpu.memory_space<vmem>> -> memref<1x40xi32, #tpu.memory_space<vmem>>
    %dma_wait3A_214 = tpu.memref_squeeze %dma_wait3A_213 : memref<1x40xi32, #tpu.memory_space<vmem>> -> memref<40xi32, #tpu.memory_space<vmem>>
    %dma_wait3A_215 = arith.constant 0 : i32
    %dma_wait3A_216 = arith.constant 0 : i32
    %dma_wait3A_217 = tpu.memref_slice %arg26[%dma_wait3A_215, %dma_wait3A_216] : memref<10240x128xf32, #tpu.memory_space<vmem_shared>> -> memref<10240x128xf32, #tpu.memory_space<vmem_shared>>
    tpu.wait_indirect_dma semaphore(%arg19 : memref<!tpu.dma_semaphore, #tpu.memory_space<semaphore_mem>>) src(%arg13 : memref<40x128xf32, #tpu.memory_space<vmem>>) dst(%dma_wait3A_217 : memref<10240x128xf32, #tpu.memory_space<vmem_shared>>)
    %dma_start3A_218 = arith.constant 24 : i32
    %dma_start3A_219 = arith.constant 0 : i32
    %dma_start3A_220 = tpu.memref_slice %arg7[%dma_start3A_218, %dma_start3A_219] : memref<25x40xi32, #tpu.memory_space<vmem>> -> memref<1x40xi32, #tpu.memory_space<vmem>>
    %dma_start3A_221 = tpu.memref_squeeze %dma_start3A_220 : memref<1x40xi32, #tpu.memory_space<vmem>> -> memref<40xi32, #tpu.memory_space<vmem>>
    %dma_start3A_222 = arith.constant 0 : i32
    %dma_start3A_223 = arith.constant 0 : i32
    %dma_start3A_224 = tpu.memref_slice %arg2[%dma_start3A_222, %dma_start3A_223] : memref<10000x128xf32, #tpu.memory_space<hbm>> -> memref<10000x128xf32, #tpu.memory_space<hbm>>
    tpu.enqueue_indirect_dma source(%dma_start3A_224 : memref<10000x128xf32, #tpu.memory_space<hbm>>) target(%arg11 : memref<40x128xf32, #tpu.memory_space<vmem>>) offsets(%dma_start3A_221 : memref<40xi32, #tpu.memory_space<vmem>>) semaphore(%arg20 : memref<!tpu.dma_semaphore, #tpu.memory_space<semaphore_mem>>)
    %dma_wait3A_225 = arith.constant 24 : i32
    %dma_wait3A_226 = arith.constant 0 : i32
    %dma_wait3A_227 = tpu.memref_slice %arg7[%dma_wait3A_225, %dma_wait3A_226] : memref<25x40xi32, #tpu.memory_space<vmem>> -> memref<1x40xi32, #tpu.memory_space<vmem>>
    %dma_wait3A_228 = tpu.memref_squeeze %dma_wait3A_227 : memref<1x40xi32, #tpu.memory_space<vmem>> -> memref<40xi32, #tpu.memory_space<vmem>>
    %dma_wait3A_229 = arith.constant 0 : i32
    %dma_wait3A_230 = arith.constant 0 : i32
    %dma_wait3A_231 = tpu.memref_slice %arg2[%dma_wait3A_229, %dma_wait3A_230] : memref<10000x128xf32, #tpu.memory_space<hbm>> -> memref<10000x128xf32, #tpu.memory_space<hbm>>
    tpu.wait_indirect_dma semaphore(%arg20 : memref<!tpu.dma_semaphore, #tpu.memory_space<semaphore_mem>>) src(%dma_wait3A_231 : memref<10000x128xf32, #tpu.memory_space<hbm>>) dst(%arg11 : memref<40x128xf32, #tpu.memory_space<vmem>>)
    %dma_start3A_232 = arith.constant 24 : i32
    %dma_start3A_233 = arith.constant 0 : i32
    %dma_start3A_234 = tpu.memref_slice %arg9[%dma_start3A_232, %dma_start3A_233] : memref<25x40xi32, #tpu.memory_space<vmem>> -> memref<1x40xi32, #tpu.memory_space<vmem>>
    %dma_start3A_235 = tpu.memref_squeeze %dma_start3A_234 : memref<1x40xi32, #tpu.memory_space<vmem>> -> memref<40xi32, #tpu.memory_space<vmem>>
    %dma_start3A_236 = arith.constant 0 : i32
    %dma_start3A_237 = arith.constant 0 : i32
    %dma_start3A_238 = tpu.memref_slice %arg26[%dma_start3A_236, %dma_start3A_237] : memref<10240x128xf32, #tpu.memory_space<vmem_shared>> -> memref<10240x128xf32, #tpu.memory_space<vmem_shared>>
    tpu.enqueue_indirect_dma source(%arg11 : memref<40x128xf32, #tpu.memory_space<vmem>>) target(%dma_start3A_238 : memref<10240x128xf32, #tpu.memory_space<vmem_shared>>) offsets(%dma_start3A_235 : memref<40xi32, #tpu.memory_space<vmem>>) semaphore(%arg19 : memref<!tpu.dma_semaphore, #tpu.memory_space<semaphore_mem>>) {add = true}
    %dma_wait3A_239 = arith.constant 24 : i32
    %dma_wait3A_240 = arith.constant 0 : i32
    %dma_wait3A_241 = tpu.memref_slice %arg9[%dma_wait3A_239, %dma_wait3A_240] : memref<25x40xi32, #tpu.memory_space<vmem>> -> memref<1x40xi32, #tpu.memory_space<vmem>>
    %dma_wait3A_242 = tpu.memref_squeeze %dma_wait3A_241 : memref<1x40xi32, #tpu.memory_space<vmem>> -> memref<40xi32, #tpu.memory_space<vmem>>
    %dma_wait3A_243 = arith.constant 0 : i32
    %dma_wait3A_244 = arith.constant 0 : i32
    %dma_wait3A_245 = tpu.memref_slice %arg26[%dma_wait3A_243, %dma_wait3A_244] : memref<10240x128xf32, #tpu.memory_space<vmem_shared>> -> memref<10240x128xf32, #tpu.memory_space<vmem_shared>>
    tpu.wait_indirect_dma semaphore(%arg19 : memref<!tpu.dma_semaphore, #tpu.memory_space<semaphore_mem>>) src(%arg11 : memref<40x128xf32, #tpu.memory_space<vmem>>) dst(%dma_wait3A_245 : memref<10240x128xf32, #tpu.memory_space<vmem_shared>>)
    %dma_wait3A_246 = arith.constant 9 : i32
    %dma_wait3A_247 = arith.constant 0 : i32
    %dma_wait3A_248 = arith.constant 0 : i32
    %dma_wait3A_249 = tpu.memref_slice %arg3[%add3A, %dma_wait3A_246, %dma_wait3A_247, %dma_wait3A_248] : memref<32x10x25x40xi32, #tpu.memory_space<hbm>> -> memref<1x1x25x40xi32, #tpu.memory_space<hbm>>
    %dma_wait3A_250 = tpu.memref_squeeze %dma_wait3A_249 : memref<1x1x25x40xi32, #tpu.memory_space<hbm>> -> memref<25x40xi32, #tpu.memory_space<hbm>>
    %dma_wait3A_251 = arith.constant 0 : i32
    %dma_wait3A_252 = arith.constant 0 : i32
    %dma_wait3A_253 = tpu.memref_slice %arg3[%add3A, %dma_wait3A_246, %dma_wait3A_251, %dma_wait3A_252] : memref<32x10x25x40xi32, #tpu.memory_space<hbm>> -> memref<1x1x25x40xi32, #tpu.memory_space<hbm>>
    %dma_wait3A_254 = tpu.memref_squeeze %dma_wait3A_253 : memref<1x1x25x40xi32, #tpu.memory_space<hbm>> -> memref<25x40xi32, #tpu.memory_space<hbm>>
    tpu.wait_dma2 semaphore(%arg17 : memref<!tpu.dma_semaphore, #tpu.memory_space<semaphore_mem>>) src(%dma_wait3A_254 : memref<25x40xi32, #tpu.memory_space<hbm>>) dst(%arg8 : memref<25x40xi32, #tpu.memory_space<vmem>>)
    %dma_wait3A_255 = arith.constant 9 : i32
    %dma_wait3A_256 = arith.constant 0 : i32
    %dma_wait3A_257 = arith.constant 0 : i32
    %dma_wait3A_258 = tpu.memref_slice %arg4[%add3A, %dma_wait3A_255, %dma_wait3A_256, %dma_wait3A_257] : memref<32x10x25x40xi32, #tpu.memory_space<hbm>> -> memref<1x1x25x40xi32, #tpu.memory_space<hbm>>
    %dma_wait3A_259 = tpu.memref_squeeze %dma_wait3A_258 : memref<1x1x25x40xi32, #tpu.memory_space<hbm>> -> memref<25x40xi32, #tpu.memory_space<hbm>>
    %dma_wait3A_260 = arith.constant 0 : i32
    %dma_wait3A_261 = arith.constant 0 : i32
    %dma_wait3A_262 = tpu.memref_slice %arg4[%add3A, %dma_wait3A_255, %dma_wait3A_260, %dma_wait3A_261] : memref<32x10x25x40xi32, #tpu.memory_space<hbm>> -> memref<1x1x25x40xi32, #tpu.memory_space<hbm>>
    %dma_wait3A_263 = tpu.memref_squeeze %dma_wait3A_262 : memref<1x1x25x40xi32, #tpu.memory_space<hbm>> -> memref<25x40xi32, #tpu.memory_space<hbm>>
    tpu.wait_dma2 semaphore(%arg18 : memref<!tpu.dma_semaphore, #tpu.memory_space<semaphore_mem>>) src(%dma_wait3A_263 : memref<25x40xi32, #tpu.memory_space<hbm>>) dst(%arg10 : memref<25x40xi32, #tpu.memory_space<vmem>>)
    %dma_start3A_264 = arith.constant 0 : i32
    %dma_start3A_265 = arith.constant 0 : i32
    %dma_start3A_266 = tpu.memref_slice %arg8[%dma_start3A_264, %dma_start3A_265] : memref<25x40xi32, #tpu.memory_space<vmem>> -> memref<1x40xi32, #tpu.memory_space<vmem>>
    %dma_start3A_267 = tpu.memref_squeeze %dma_start3A_266 : memref<1x40xi32, #tpu.memory_space<vmem>> -> memref<40xi32, #tpu.memory_space<vmem>>
    %dma_start3A_268 = arith.constant 0 : i32
    %dma_start3A_269 = arith.constant 0 : i32
    %dma_start3A_270 = tpu.memref_slice %arg2[%dma_start3A_268, %dma_start3A_269] : memref<10000x128xf32, #tpu.memory_space<hbm>> -> memref<10000x128xf32, #tpu.memory_space<hbm>>
    tpu.enqueue_indirect_dma source(%dma_start3A_270 : memref<10000x128xf32, #tpu.memory_space<hbm>>) target(%arg11 : memref<40x128xf32, #tpu.memory_space<vmem>>) offsets(%dma_start3A_267 : memref<40xi32, #tpu.memory_space<vmem>>) semaphore(%arg20 : memref<!tpu.dma_semaphore, #tpu.memory_space<semaphore_mem>>)
    %dma_start3A_271 = arith.constant 1 : i32
    %dma_start3A_272 = arith.constant 0 : i32
    %dma_start3A_273 = tpu.memref_slice %arg8[%dma_start3A_271, %dma_start3A_272] : memref<25x40xi32, #tpu.memory_space<vmem>> -> memref<1x40xi32, #tpu.memory_space<vmem>>
    %dma_start3A_274 = tpu.memref_squeeze %dma_start3A_273 : memref<1x40xi32, #tpu.memory_space<vmem>> -> memref<40xi32, #tpu.memory_space<vmem>>
    %dma_start3A_275 = arith.constant 0 : i32
    %dma_start3A_276 = arith.constant 0 : i32
    %dma_start3A_277 = tpu.memref_slice %arg2[%dma_start3A_275, %dma_start3A_276] : memref<10000x128xf32, #tpu.memory_space<hbm>> -> memref<10000x128xf32, #tpu.memory_space<hbm>>
    tpu.enqueue_indirect_dma source(%dma_start3A_277 : memref<10000x128xf32, #tpu.memory_space<hbm>>) target(%arg12 : memref<40x128xf32, #tpu.memory_space<vmem>>) offsets(%dma_start3A_274 : memref<40xi32, #tpu.memory_space<vmem>>) semaphore(%arg21 : memref<!tpu.dma_semaphore, #tpu.memory_space<semaphore_mem>>)
    %dma_start3A_278 = arith.constant 2 : i32
    %dma_start3A_279 = arith.constant 0 : i32
    %dma_start3A_280 = tpu.memref_slice %arg8[%dma_start3A_278, %dma_start3A_279] : memref<25x40xi32, #tpu.memory_space<vmem>> -> memref<1x40xi32, #tpu.memory_space<vmem>>
    %dma_start3A_281 = tpu.memref_squeeze %dma_start3A_280 : memref<1x40xi32, #tpu.memory_space<vmem>> -> memref<40xi32, #tpu.memory_space<vmem>>
    %dma_start3A_282 = arith.constant 0 : i32
    %dma_start3A_283 = arith.constant 0 : i32
    %dma_start3A_284 = tpu.memref_slice %arg2[%dma_start3A_282, %dma_start3A_283] : memref<10000x128xf32, #tpu.memory_space<hbm>> -> memref<10000x128xf32, #tpu.memory_space<hbm>>
    tpu.enqueue_indirect_dma source(%dma_start3A_284 : memref<10000x128xf32, #tpu.memory_space<hbm>>) target(%arg13 : memref<40x128xf32, #tpu.memory_space<vmem>>) offsets(%dma_start3A_281 : memref<40xi32, #tpu.memory_space<vmem>>) semaphore(%arg22 : memref<!tpu.dma_semaphore, #tpu.memory_space<semaphore_mem>>)
    %scan3A_285 = arith.constant 0 : i32
    %scan3A_286 = arith.constant 3 : i32
    %scan3A_287 = arith.addi %scan3A_285, %scan3A_286 : i32
    %scan3A_288 = arith.constant 1 : i32
    scf.for %scan3A_491 = %scan3A_285 to %scan3A_287 step %scan3A_288  : i32 {
      %mul3A_492 = arith.constant 6 : i32
      %mul3A_493 = arith.muli %scan3A_491, %mul3A_492 : i32
      %add3A_494 = arith.constant 0 : i32
      %add3A_495 = arith.addi %add3A_494, %mul3A_493 : i32
      %add3A_496 = arith.constant 3 : i32
      %add3A_497 = arith.addi %add3A_495, %add3A_496 : i32
      %add3A_498 = arith.constant 0 : i32
      %add3A_499 = arith.addi %add3A_497, %add3A_498 : i32
      %dma_start3A_500 = arith.constant 0 : i32
      %dma_start3A_501 = tpu.memref_slice %arg8[%add3A_499, %dma_start3A_500] : memref<25x40xi32, #tpu.memory_space<vmem>> -> memref<1x40xi32, #tpu.memory_space<vmem>>
      %dma_start3A_502 = tpu.memref_squeeze %dma_start3A_501 : memref<1x40xi32, #tpu.memory_space<vmem>> -> memref<40xi32, #tpu.memory_space<vmem>>
      %dma_start3A_503 = arith.constant 0 : i32
      %dma_start3A_504 = arith.constant 0 : i32
      %dma_start3A_505 = tpu.memref_slice %arg2[%dma_start3A_503, %dma_start3A_504] : memref<10000x128xf32, #tpu.memory_space<hbm>> -> memref<10000x128xf32, #tpu.memory_space<hbm>>
      tpu.enqueue_indirect_dma source(%dma_start3A_505 : memref<10000x128xf32, #tpu.memory_space<hbm>>) target(%arg14 : memref<40x128xf32, #tpu.memory_space<vmem>>) offsets(%dma_start3A_502 : memref<40xi32, #tpu.memory_space<vmem>>) semaphore(%arg23 : memref<!tpu.dma_semaphore, #tpu.memory_space<semaphore_mem>>)
      %add3A_506 = arith.constant 1 : i32
      %add3A_507 = arith.addi %add3A_497, %add3A_506 : i32
      %dma_start3A_508 = arith.constant 0 : i32
      %dma_start3A_509 = tpu.memref_slice %arg8[%add3A_507, %dma_start3A_508] : memref<25x40xi32, #tpu.memory_space<vmem>> -> memref<1x40xi32, #tpu.memory_space<vmem>>
      %dma_start3A_510 = tpu.memref_squeeze %dma_start3A_509 : memref<1x40xi32, #tpu.memory_space<vmem>> -> memref<40xi32, #tpu.memory_space<vmem>>
      %dma_start3A_511 = arith.constant 0 : i32
      %dma_start3A_512 = arith.constant 0 : i32
      %dma_start3A_513 = tpu.memref_slice %arg2[%dma_start3A_511, %dma_start3A_512] : memref<10000x128xf32, #tpu.memory_space<hbm>> -> memref<10000x128xf32, #tpu.memory_space<hbm>>
      tpu.enqueue_indirect_dma source(%dma_start3A_513 : memref<10000x128xf32, #tpu.memory_space<hbm>>) target(%arg15 : memref<40x128xf32, #tpu.memory_space<vmem>>) offsets(%dma_start3A_510 : memref<40xi32, #tpu.memory_space<vmem>>) semaphore(%arg24 : memref<!tpu.dma_semaphore, #tpu.memory_space<semaphore_mem>>)
      %add3A_514 = arith.constant 2 : i32
      %add3A_515 = arith.addi %add3A_497, %add3A_514 : i32
      %dma_start3A_516 = arith.constant 0 : i32
      %dma_start3A_517 = tpu.memref_slice %arg8[%add3A_515, %dma_start3A_516] : memref<25x40xi32, #tpu.memory_space<vmem>> -> memref<1x40xi32, #tpu.memory_space<vmem>>
      %dma_start3A_518 = tpu.memref_squeeze %dma_start3A_517 : memref<1x40xi32, #tpu.memory_space<vmem>> -> memref<40xi32, #tpu.memory_space<vmem>>
      %dma_start3A_519 = arith.constant 0 : i32
      %dma_start3A_520 = arith.constant 0 : i32
      %dma_start3A_521 = tpu.memref_slice %arg2[%dma_start3A_519, %dma_start3A_520] : memref<10000x128xf32, #tpu.memory_space<hbm>> -> memref<10000x128xf32, #tpu.memory_space<hbm>>
      tpu.enqueue_indirect_dma source(%dma_start3A_521 : memref<10000x128xf32, #tpu.memory_space<hbm>>) target(%arg16 : memref<40x128xf32, #tpu.memory_space<vmem>>) offsets(%dma_start3A_518 : memref<40xi32, #tpu.memory_space<vmem>>) semaphore(%arg25 : memref<!tpu.dma_semaphore, #tpu.memory_space<semaphore_mem>>)
      %add3A_522 = arith.constant 0 : i32
      %add3A_523 = arith.addi %add3A_495, %add3A_522 : i32
      %dma_wait3A_524 = arith.constant 0 : i32
      %dma_wait3A_525 = tpu.memref_slice %arg8[%add3A_523, %dma_wait3A_524] : memref<25x40xi32, #tpu.memory_space<vmem>> -> memref<1x40xi32, #tpu.memory_space<vmem>>
      %dma_wait3A_526 = tpu.memref_squeeze %dma_wait3A_525 : memref<1x40xi32, #tpu.memory_space<vmem>> -> memref<40xi32, #tpu.memory_space<vmem>>
      %dma_wait3A_527 = arith.constant 0 : i32
      %dma_wait3A_528 = arith.constant 0 : i32
      %dma_wait3A_529 = tpu.memref_slice %arg2[%dma_wait3A_527, %dma_wait3A_528] : memref<10000x128xf32, #tpu.memory_space<hbm>> -> memref<10000x128xf32, #tpu.memory_space<hbm>>
      tpu.wait_indirect_dma semaphore(%arg20 : memref<!tpu.dma_semaphore, #tpu.memory_space<semaphore_mem>>) src(%dma_wait3A_529 : memref<10000x128xf32, #tpu.memory_space<hbm>>) dst(%arg11 : memref<40x128xf32, #tpu.memory_space<vmem>>)
      %add3A_530 = arith.constant 1 : i32
      %add3A_531 = arith.addi %add3A_495, %add3A_530 : i32
      %dma_wait3A_532 = arith.constant 0 : i32
      %dma_wait3A_533 = tpu.memref_slice %arg8[%add3A_531, %dma_wait3A_532] : memref<25x40xi32, #tpu.memory_space<vmem>> -> memref<1x40xi32, #tpu.memory_space<vmem>>
      %dma_wait3A_534 = tpu.memref_squeeze %dma_wait3A_533 : memref<1x40xi32, #tpu.memory_space<vmem>> -> memref<40xi32, #tpu.memory_space<vmem>>
      %dma_wait3A_535 = arith.constant 0 : i32
      %dma_wait3A_536 = arith.constant 0 : i32
      %dma_wait3A_537 = tpu.memref_slice %arg2[%dma_wait3A_535, %dma_wait3A_536] : memref<10000x128xf32, #tpu.memory_space<hbm>> -> memref<10000x128xf32, #tpu.memory_space<hbm>>
      tpu.wait_indirect_dma semaphore(%arg21 : memref<!tpu.dma_semaphore, #tpu.memory_space<semaphore_mem>>) src(%dma_wait3A_537 : memref<10000x128xf32, #tpu.memory_space<hbm>>) dst(%arg12 : memref<40x128xf32, #tpu.memory_space<vmem>>)
      %add3A_538 = arith.constant 2 : i32
      %add3A_539 = arith.addi %add3A_495, %add3A_538 : i32
      %dma_wait3A_540 = arith.constant 0 : i32
      %dma_wait3A_541 = tpu.memref_slice %arg8[%add3A_539, %dma_wait3A_540] : memref<25x40xi32, #tpu.memory_space<vmem>> -> memref<1x40xi32, #tpu.memory_space<vmem>>
      %dma_wait3A_542 = tpu.memref_squeeze %dma_wait3A_541 : memref<1x40xi32, #tpu.memory_space<vmem>> -> memref<40xi32, #tpu.memory_space<vmem>>
      %dma_wait3A_543 = arith.constant 0 : i32
      %dma_wait3A_544 = arith.constant 0 : i32
      %dma_wait3A_545 = tpu.memref_slice %arg2[%dma_wait3A_543, %dma_wait3A_544] : memref<10000x128xf32, #tpu.memory_space<hbm>> -> memref<10000x128xf32, #tpu.memory_space<hbm>>
      tpu.wait_indirect_dma semaphore(%arg22 : memref<!tpu.dma_semaphore, #tpu.memory_space<semaphore_mem>>) src(%dma_wait3A_545 : memref<10000x128xf32, #tpu.memory_space<hbm>>) dst(%arg13 : memref<40x128xf32, #tpu.memory_space<vmem>>)
      %add3A_546 = arith.constant 0 : i32
      %add3A_547 = arith.addi %add3A_495, %add3A_546 : i32
      %dma_start3A_548 = arith.constant 0 : i32
      %dma_start3A_549 = tpu.memref_slice %arg10[%add3A_547, %dma_start3A_548] : memref<25x40xi32, #tpu.memory_space<vmem>> -> memref<1x40xi32, #tpu.memory_space<vmem>>
      %dma_start3A_550 = tpu.memref_squeeze %dma_start3A_549 : memref<1x40xi32, #tpu.memory_space<vmem>> -> memref<40xi32, #tpu.memory_space<vmem>>
      %dma_start3A_551 = arith.constant 0 : i32
      %dma_start3A_552 = arith.constant 0 : i32
      %dma_start3A_553 = tpu.memref_slice %arg26[%dma_start3A_551, %dma_start3A_552] : memref<10240x128xf32, #tpu.memory_space<vmem_shared>> -> memref<10240x128xf32, #tpu.memory_space<vmem_shared>>
      tpu.enqueue_indirect_dma source(%arg11 : memref<40x128xf32, #tpu.memory_space<vmem>>) target(%dma_start3A_553 : memref<10240x128xf32, #tpu.memory_space<vmem_shared>>) offsets(%dma_start3A_550 : memref<40xi32, #tpu.memory_space<vmem>>) semaphore(%arg19 : memref<!tpu.dma_semaphore, #tpu.memory_space<semaphore_mem>>) {add = true}
      %add3A_554 = arith.constant 1 : i32
      %add3A_555 = arith.addi %add3A_495, %add3A_554 : i32
      %dma_start3A_556 = arith.constant 0 : i32
      %dma_start3A_557 = tpu.memref_slice %arg10[%add3A_555, %dma_start3A_556] : memref<25x40xi32, #tpu.memory_space<vmem>> -> memref<1x40xi32, #tpu.memory_space<vmem>>
      %dma_start3A_558 = tpu.memref_squeeze %dma_start3A_557 : memref<1x40xi32, #tpu.memory_space<vmem>> -> memref<40xi32, #tpu.memory_space<vmem>>
      %dma_start3A_559 = arith.constant 0 : i32
      %dma_start3A_560 = arith.constant 0 : i32
      %dma_start3A_561 = tpu.memref_slice %arg26[%dma_start3A_559, %dma_start3A_560] : memref<10240x128xf32, #tpu.memory_space<vmem_shared>> -> memref<10240x128xf32, #tpu.memory_space<vmem_shared>>
      tpu.enqueue_indirect_dma source(%arg12 : memref<40x128xf32, #tpu.memory_space<vmem>>) target(%dma_start3A_561 : memref<10240x128xf32, #tpu.memory_space<vmem_shared>>) offsets(%dma_start3A_558 : memref<40xi32, #tpu.memory_space<vmem>>) semaphore(%arg19 : memref<!tpu.dma_semaphore, #tpu.memory_space<semaphore_mem>>) {add = true}
      %add3A_562 = arith.constant 2 : i32
      %add3A_563 = arith.addi %add3A_495, %add3A_562 : i32
      %dma_start3A_564 = arith.constant 0 : i32
      %dma_start3A_565 = tpu.memref_slice %arg10[%add3A_563, %dma_start3A_564] : memref<25x40xi32, #tpu.memory_space<vmem>> -> memref<1x40xi32, #tpu.memory_space<vmem>>
      %dma_start3A_566 = tpu.memref_squeeze %dma_start3A_565 : memref<1x40xi32, #tpu.memory_space<vmem>> -> memref<40xi32, #tpu.memory_space<vmem>>
      %dma_start3A_567 = arith.constant 0 : i32
      %dma_start3A_568 = arith.constant 0 : i32
      %dma_start3A_569 = tpu.memref_slice %arg26[%dma_start3A_567, %dma_start3A_568] : memref<10240x128xf32, #tpu.memory_space<vmem_shared>> -> memref<10240x128xf32, #tpu.memory_space<vmem_shared>>
      tpu.enqueue_indirect_dma source(%arg13 : memref<40x128xf32, #tpu.memory_space<vmem>>) target(%dma_start3A_569 : memref<10240x128xf32, #tpu.memory_space<vmem_shared>>) offsets(%dma_start3A_566 : memref<40xi32, #tpu.memory_space<vmem>>) semaphore(%arg19 : memref<!tpu.dma_semaphore, #tpu.memory_space<semaphore_mem>>) {add = true}
      %dma_wait3A_570 = arith.constant 0 : i32
      %dma_wait3A_571 = tpu.memref_slice %arg10[%add3A_547, %dma_wait3A_570] : memref<25x40xi32, #tpu.memory_space<vmem>> -> memref<1x40xi32, #tpu.memory_space<vmem>>
      %dma_wait3A_572 = tpu.memref_squeeze %dma_wait3A_571 : memref<1x40xi32, #tpu.memory_space<vmem>> -> memref<40xi32, #tpu.memory_space<vmem>>
      %dma_wait3A_573 = arith.constant 0 : i32
      %dma_wait3A_574 = arith.constant 0 : i32
      %dma_wait3A_575 = tpu.memref_slice %arg26[%dma_wait3A_573, %dma_wait3A_574] : memref<10240x128xf32, #tpu.memory_space<vmem_shared>> -> memref<10240x128xf32, #tpu.memory_space<vmem_shared>>
      tpu.wait_indirect_dma semaphore(%arg19 : memref<!tpu.dma_semaphore, #tpu.memory_space<semaphore_mem>>) src(%arg11 : memref<40x128xf32, #tpu.memory_space<vmem>>) dst(%dma_wait3A_575 : memref<10240x128xf32, #tpu.memory_space<vmem_shared>>)
      %dma_wait3A_576 = arith.constant 0 : i32
      %dma_wait3A_577 = tpu.memref_slice %arg10[%add3A_555, %dma_wait3A_576] : memref<25x40xi32, #tpu.memory_space<vmem>> -> memref<1x40xi32, #tpu.memory_space<vmem>>
      %dma_wait3A_578 = tpu.memref_squeeze %dma_wait3A_577 : memref<1x40xi32, #tpu.memory_space<vmem>> -> memref<40xi32, #tpu.memory_space<vmem>>
      %dma_wait3A_579 = arith.constant 0 : i32
      %dma_wait3A_580 = arith.constant 0 : i32
      %dma_wait3A_581 = tpu.memref_slice %arg26[%dma_wait3A_579, %dma_wait3A_580] : memref<10240x128xf32, #tpu.memory_space<vmem_shared>> -> memref<10240x128xf32, #tpu.memory_space<vmem_shared>>
      tpu.wait_indirect_dma semaphore(%arg19 : memref<!tpu.dma_semaphore, #tpu.memory_space<semaphore_mem>>) src(%arg12 : memref<40x128xf32, #tpu.memory_space<vmem>>) dst(%dma_wait3A_581 : memref<10240x128xf32, #tpu.memory_space<vmem_shared>>)
      %dma_wait3A_582 = arith.constant 0 : i32
      %dma_wait3A_583 = tpu.memref_slice %arg10[%add3A_563, %dma_wait3A_582] : memref<25x40xi32, #tpu.memory_space<vmem>> -> memref<1x40xi32, #tpu.memory_space<vmem>>
      %dma_wait3A_584 = tpu.memref_squeeze %dma_wait3A_583 : memref<1x40xi32, #tpu.memory_space<vmem>> -> memref<40xi32, #tpu.memory_space<vmem>>
      %dma_wait3A_585 = arith.constant 0 : i32
      %dma_wait3A_586 = arith.constant 0 : i32
      %dma_wait3A_587 = tpu.memref_slice %arg26[%dma_wait3A_585, %dma_wait3A_586] : memref<10240x128xf32, #tpu.memory_space<vmem_shared>> -> memref<10240x128xf32, #tpu.memory_space<vmem_shared>>
      tpu.wait_indirect_dma semaphore(%arg19 : memref<!tpu.dma_semaphore, #tpu.memory_space<semaphore_mem>>) src(%arg13 : memref<40x128xf32, #tpu.memory_space<vmem>>) dst(%dma_wait3A_587 : memref<10240x128xf32, #tpu.memory_space<vmem_shared>>)
      %add3A_588 = arith.constant 6 : i32
      %add3A_589 = arith.addi %add3A_495, %add3A_588 : i32
      %lt3A = arith.constant 18 : i32
      %lt3A_590 = arith.cmpi slt, %add3A_589, %lt3A : i32
      %convert_element_type3A = arith.extui %lt3A_590 : i1 to i32
      %cond3A = arith.constant 0 : i32
      %cond3A_591 = arith.cmpi ne, %convert_element_type3A, %cond3A : i32
      scf.if %cond3A_591 {
        %add3A_654 = arith.constant 6 : i32
        %add3A_655 = arith.addi %add3A_495, %add3A_654 : i32
        %add3A_656 = arith.constant 0 : i32
        %add3A_657 = arith.addi %add3A_655, %add3A_656 : i32
        %dma_start3A_658 = arith.constant 0 : i32
        %dma_start3A_659 = tpu.memref_slice %arg8[%add3A_657, %dma_start3A_658] : memref<25x40xi32, #tpu.memory_space<vmem>> -> memref<1x40xi32, #tpu.memory_space<vmem>>
        %dma_start3A_660 = tpu.memref_squeeze %dma_start3A_659 : memref<1x40xi32, #tpu.memory_space<vmem>> -> memref<40xi32, #tpu.memory_space<vmem>>
        %dma_start3A_661 = arith.constant 0 : i32
        %dma_start3A_662 = arith.constant 0 : i32
        %dma_start3A_663 = tpu.memref_slice %arg2[%dma_start3A_661, %dma_start3A_662] : memref<10000x128xf32, #tpu.memory_space<hbm>> -> memref<10000x128xf32, #tpu.memory_space<hbm>>
        tpu.enqueue_indirect_dma source(%dma_start3A_663 : memref<10000x128xf32, #tpu.memory_space<hbm>>) target(%arg11 : memref<40x128xf32, #tpu.memory_space<vmem>>) offsets(%dma_start3A_660 : memref<40xi32, #tpu.memory_space<vmem>>) semaphore(%arg20 : memref<!tpu.dma_semaphore, #tpu.memory_space<semaphore_mem>>)
        %add3A_664 = arith.constant 1 : i32
        %add3A_665 = arith.addi %add3A_655, %add3A_664 : i32
        %dma_start3A_666 = arith.constant 0 : i32
        %dma_start3A_667 = tpu.memref_slice %arg8[%add3A_665, %dma_start3A_666] : memref<25x40xi32, #tpu.memory_space<vmem>> -> memref<1x40xi32, #tpu.memory_space<vmem>>
        %dma_start3A_668 = tpu.memref_squeeze %dma_start3A_667 : memref<1x40xi32, #tpu.memory_space<vmem>> -> memref<40xi32, #tpu.memory_space<vmem>>
        %dma_start3A_669 = arith.constant 0 : i32
        %dma_start3A_670 = arith.constant 0 : i32
        %dma_start3A_671 = tpu.memref_slice %arg2[%dma_start3A_669, %dma_start3A_670] : memref<10000x128xf32, #tpu.memory_space<hbm>> -> memref<10000x128xf32, #tpu.memory_space<hbm>>
        tpu.enqueue_indirect_dma source(%dma_start3A_671 : memref<10000x128xf32, #tpu.memory_space<hbm>>) target(%arg12 : memref<40x128xf32, #tpu.memory_space<vmem>>) offsets(%dma_start3A_668 : memref<40xi32, #tpu.memory_space<vmem>>) semaphore(%arg21 : memref<!tpu.dma_semaphore, #tpu.memory_space<semaphore_mem>>)
        %add3A_672 = arith.constant 2 : i32
        %add3A_673 = arith.addi %add3A_655, %add3A_672 : i32
        %dma_start3A_674 = arith.constant 0 : i32
        %dma_start3A_675 = tpu.memref_slice %arg8[%add3A_673, %dma_start3A_674] : memref<25x40xi32, #tpu.memory_space<vmem>> -> memref<1x40xi32, #tpu.memory_space<vmem>>
        %dma_start3A_676 = tpu.memref_squeeze %dma_start3A_675 : memref<1x40xi32, #tpu.memory_space<vmem>> -> memref<40xi32, #tpu.memory_space<vmem>>
        %dma_start3A_677 = arith.constant 0 : i32
        %dma_start3A_678 = arith.constant 0 : i32
        %dma_start3A_679 = tpu.memref_slice %arg2[%dma_start3A_677, %dma_start3A_678] : memref<10000x128xf32, #tpu.memory_space<hbm>> -> memref<10000x128xf32, #tpu.memory_space<hbm>>
        tpu.enqueue_indirect_dma source(%dma_start3A_679 : memref<10000x128xf32, #tpu.memory_space<hbm>>) target(%arg13 : memref<40x128xf32, #tpu.memory_space<vmem>>) offsets(%dma_start3A_676 : memref<40xi32, #tpu.memory_space<vmem>>) semaphore(%arg22 : memref<!tpu.dma_semaphore, #tpu.memory_space<semaphore_mem>>)
      } else {
      }
      %dma_wait3A_592 = arith.constant 0 : i32
      %dma_wait3A_593 = tpu.memref_slice %arg8[%add3A_499, %dma_wait3A_592] : memref<25x40xi32, #tpu.memory_space<vmem>> -> memref<1x40xi32, #tpu.memory_space<vmem>>
      %dma_wait3A_594 = tpu.memref_squeeze %dma_wait3A_593 : memref<1x40xi32, #tpu.memory_space<vmem>> -> memref<40xi32, #tpu.memory_space<vmem>>
      %dma_wait3A_595 = arith.constant 0 : i32
      %dma_wait3A_596 = arith.constant 0 : i32
      %dma_wait3A_597 = tpu.memref_slice %arg2[%dma_wait3A_595, %dma_wait3A_596] : memref<10000x128xf32, #tpu.memory_space<hbm>> -> memref<10000x128xf32, #tpu.memory_space<hbm>>
      tpu.wait_indirect_dma semaphore(%arg23 : memref<!tpu.dma_semaphore, #tpu.memory_space<semaphore_mem>>) src(%dma_wait3A_597 : memref<10000x128xf32, #tpu.memory_space<hbm>>) dst(%arg14 : memref<40x128xf32, #tpu.memory_space<vmem>>)
      %dma_wait3A_598 = arith.constant 0 : i32
      %dma_wait3A_599 = tpu.memref_slice %arg8[%add3A_507, %dma_wait3A_598] : memref<25x40xi32, #tpu.memory_space<vmem>> -> memref<1x40xi32, #tpu.memory_space<vmem>>
      %dma_wait3A_600 = tpu.memref_squeeze %dma_wait3A_599 : memref<1x40xi32, #tpu.memory_space<vmem>> -> memref<40xi32, #tpu.memory_space<vmem>>
      %dma_wait3A_601 = arith.constant 0 : i32
      %dma_wait3A_602 = arith.constant 0 : i32
      %dma_wait3A_603 = tpu.memref_slice %arg2[%dma_wait3A_601, %dma_wait3A_602] : memref<10000x128xf32, #tpu.memory_space<hbm>> -> memref<10000x128xf32, #tpu.memory_space<hbm>>
      tpu.wait_indirect_dma semaphore(%arg24 : memref<!tpu.dma_semaphore, #tpu.memory_space<semaphore_mem>>) src(%dma_wait3A_603 : memref<10000x128xf32, #tpu.memory_space<hbm>>) dst(%arg15 : memref<40x128xf32, #tpu.memory_space<vmem>>)
      %dma_wait3A_604 = arith.constant 0 : i32
      %dma_wait3A_605 = tpu.memref_slice %arg8[%add3A_515, %dma_wait3A_604] : memref<25x40xi32, #tpu.memory_space<vmem>> -> memref<1x40xi32, #tpu.memory_space<vmem>>
      %dma_wait3A_606 = tpu.memref_squeeze %dma_wait3A_605 : memref<1x40xi32, #tpu.memory_space<vmem>> -> memref<40xi32, #tpu.memory_space<vmem>>
      %dma_wait3A_607 = arith.constant 0 : i32
      %dma_wait3A_608 = arith.constant 0 : i32
      %dma_wait3A_609 = tpu.memref_slice %arg2[%dma_wait3A_607, %dma_wait3A_608] : memref<10000x128xf32, #tpu.memory_space<hbm>> -> memref<10000x128xf32, #tpu.memory_space<hbm>>
      tpu.wait_indirect_dma semaphore(%arg25 : memref<!tpu.dma_semaphore, #tpu.memory_space<semaphore_mem>>) src(%dma_wait3A_609 : memref<10000x128xf32, #tpu.memory_space<hbm>>) dst(%arg16 : memref<40x128xf32, #tpu.memory_space<vmem>>)
      %add3A_610 = arith.constant 3 : i32
      %add3A_611 = arith.addi %add3A_495, %add3A_610 : i32
      %add3A_612 = arith.constant 0 : i32
      %add3A_613 = arith.addi %add3A_611, %add3A_612 : i32
      %dma_start3A_614 = arith.constant 0 : i32
      %dma_start3A_615 = tpu.memref_slice %arg10[%add3A_613, %dma_start3A_614] : memref<25x40xi32, #tpu.memory_space<vmem>> -> memref<1x40xi32, #tpu.memory_space<vmem>>
      %dma_start3A_616 = tpu.memref_squeeze %dma_start3A_615 : memref<1x40xi32, #tpu.memory_space<vmem>> -> memref<40xi32, #tpu.memory_space<vmem>>
      %dma_start3A_617 = arith.constant 0 : i32
      %dma_start3A_618 = arith.constant 0 : i32
      %dma_start3A_619 = tpu.memref_slice %arg26[%dma_start3A_617, %dma_start3A_618] : memref<10240x128xf32, #tpu.memory_space<vmem_shared>> -> memref<10240x128xf32, #tpu.memory_space<vmem_shared>>
      tpu.enqueue_indirect_dma source(%arg14 : memref<40x128xf32, #tpu.memory_space<vmem>>) target(%dma_start3A_619 : memref<10240x128xf32, #tpu.memory_space<vmem_shared>>) offsets(%dma_start3A_616 : memref<40xi32, #tpu.memory_space<vmem>>) semaphore(%arg19 : memref<!tpu.dma_semaphore, #tpu.memory_space<semaphore_mem>>) {add = true}
      %add3A_620 = arith.constant 1 : i32
      %add3A_621 = arith.addi %add3A_611, %add3A_620 : i32
      %dma_start3A_622 = arith.constant 0 : i32
      %dma_start3A_623 = tpu.memref_slice %arg10[%add3A_621, %dma_start3A_622] : memref<25x40xi32, #tpu.memory_space<vmem>> -> memref<1x40xi32, #tpu.memory_space<vmem>>
      %dma_start3A_624 = tpu.memref_squeeze %dma_start3A_623 : memref<1x40xi32, #tpu.memory_space<vmem>> -> memref<40xi32, #tpu.memory_space<vmem>>
      %dma_start3A_625 = arith.constant 0 : i32
      %dma_start3A_626 = arith.constant 0 : i32
      %dma_start3A_627 = tpu.memref_slice %arg26[%dma_start3A_625, %dma_start3A_626] : memref<10240x128xf32, #tpu.memory_space<vmem_shared>> -> memref<10240x128xf32, #tpu.memory_space<vmem_shared>>
      tpu.enqueue_indirect_dma source(%arg15 : memref<40x128xf32, #tpu.memory_space<vmem>>) target(%dma_start3A_627 : memref<10240x128xf32, #tpu.memory_space<vmem_shared>>) offsets(%dma_start3A_624 : memref<40xi32, #tpu.memory_space<vmem>>) semaphore(%arg19 : memref<!tpu.dma_semaphore, #tpu.memory_space<semaphore_mem>>) {add = true}
      %add3A_628 = arith.constant 2 : i32
      %add3A_629 = arith.addi %add3A_611, %add3A_628 : i32
      %dma_start3A_630 = arith.constant 0 : i32
      %dma_start3A_631 = tpu.memref_slice %arg10[%add3A_629, %dma_start3A_630] : memref<25x40xi32, #tpu.memory_space<vmem>> -> memref<1x40xi32, #tpu.memory_space<vmem>>
      %dma_start3A_632 = tpu.memref_squeeze %dma_start3A_631 : memref<1x40xi32, #tpu.memory_space<vmem>> -> memref<40xi32, #tpu.memory_space<vmem>>
      %dma_start3A_633 = arith.constant 0 : i32
      %dma_start3A_634 = arith.constant 0 : i32
      %dma_start3A_635 = tpu.memref_slice %arg26[%dma_start3A_633, %dma_start3A_634] : memref<10240x128xf32, #tpu.memory_space<vmem_shared>> -> memref<10240x128xf32, #tpu.memory_space<vmem_shared>>
      tpu.enqueue_indirect_dma source(%arg16 : memref<40x128xf32, #tpu.memory_space<vmem>>) target(%dma_start3A_635 : memref<10240x128xf32, #tpu.memory_space<vmem_shared>>) offsets(%dma_start3A_632 : memref<40xi32, #tpu.memory_space<vmem>>) semaphore(%arg19 : memref<!tpu.dma_semaphore, #tpu.memory_space<semaphore_mem>>) {add = true}
      %dma_wait3A_636 = arith.constant 0 : i32
      %dma_wait3A_637 = tpu.memref_slice %arg10[%add3A_613, %dma_wait3A_636] : memref<25x40xi32, #tpu.memory_space<vmem>> -> memref<1x40xi32, #tpu.memory_space<vmem>>
      %dma_wait3A_638 = tpu.memref_squeeze %dma_wait3A_637 : memref<1x40xi32, #tpu.memory_space<vmem>> -> memref<40xi32, #tpu.memory_space<vmem>>
      %dma_wait3A_639 = arith.constant 0 : i32
      %dma_wait3A_640 = arith.constant 0 : i32
      %dma_wait3A_641 = tpu.memref_slice %arg26[%dma_wait3A_639, %dma_wait3A_640] : memref<10240x128xf32, #tpu.memory_space<vmem_shared>> -> memref<10240x128xf32, #tpu.memory_space<vmem_shared>>
      tpu.wait_indirect_dma semaphore(%arg19 : memref<!tpu.dma_semaphore, #tpu.memory_space<semaphore_mem>>) src(%arg14 : memref<40x128xf32, #tpu.memory_space<vmem>>) dst(%dma_wait3A_641 : memref<10240x128xf32, #tpu.memory_space<vmem_shared>>)
      %dma_wait3A_642 = arith.constant 0 : i32
      %dma_wait3A_643 = tpu.memref_slice %arg10[%add3A_621, %dma_wait3A_642] : memref<25x40xi32, #tpu.memory_space<vmem>> -> memref<1x40xi32, #tpu.memory_space<vmem>>
      %dma_wait3A_644 = tpu.memref_squeeze %dma_wait3A_643 : memref<1x40xi32, #tpu.memory_space<vmem>> -> memref<40xi32, #tpu.memory_space<vmem>>
      %dma_wait3A_645 = arith.constant 0 : i32
      %dma_wait3A_646 = arith.constant 0 : i32
      %dma_wait3A_647 = tpu.memref_slice %arg26[%dma_wait3A_645, %dma_wait3A_646] : memref<10240x128xf32, #tpu.memory_space<vmem_shared>> -> memref<10240x128xf32, #tpu.memory_space<vmem_shared>>
      tpu.wait_indirect_dma semaphore(%arg19 : memref<!tpu.dma_semaphore, #tpu.memory_space<semaphore_mem>>) src(%arg15 : memref<40x128xf32, #tpu.memory_space<vmem>>) dst(%dma_wait3A_647 : memref<10240x128xf32, #tpu.memory_space<vmem_shared>>)
      %dma_wait3A_648 = arith.constant 0 : i32
      %dma_wait3A_649 = tpu.memref_slice %arg10[%add3A_629, %dma_wait3A_648] : memref<25x40xi32, #tpu.memory_space<vmem>> -> memref<1x40xi32, #tpu.memory_space<vmem>>
      %dma_wait3A_650 = tpu.memref_squeeze %dma_wait3A_649 : memref<1x40xi32, #tpu.memory_space<vmem>> -> memref<40xi32, #tpu.memory_space<vmem>>
      %dma_wait3A_651 = arith.constant 0 : i32
      %dma_wait3A_652 = arith.constant 0 : i32
      %dma_wait3A_653 = tpu.memref_slice %arg26[%dma_wait3A_651, %dma_wait3A_652] : memref<10240x128xf32, #tpu.memory_space<vmem_shared>> -> memref<10240x128xf32, #tpu.memory_space<vmem_shared>>
      tpu.wait_indirect_dma semaphore(%arg19 : memref<!tpu.dma_semaphore, #tpu.memory_space<semaphore_mem>>) src(%arg16 : memref<40x128xf32, #tpu.memory_space<vmem>>) dst(%dma_wait3A_653 : memref<10240x128xf32, #tpu.memory_space<vmem_shared>>)
    }
    %scan3A_289 = arith.constant 3 : i32
    %dma_start3A_290 = arith.constant 18 : i32
    %dma_start3A_291 = arith.constant 0 : i32
    %dma_start3A_292 = tpu.memref_slice %arg8[%dma_start3A_290, %dma_start3A_291] : memref<25x40xi32, #tpu.memory_space<vmem>> -> memref<1x40xi32, #tpu.memory_space<vmem>>
    %dma_start3A_293 = tpu.memref_squeeze %dma_start3A_292 : memref<1x40xi32, #tpu.memory_space<vmem>> -> memref<40xi32, #tpu.memory_space<vmem>>
    %dma_start3A_294 = arith.constant 0 : i32
    %dma_start3A_295 = arith.constant 0 : i32
    %dma_start3A_296 = tpu.memref_slice %arg2[%dma_start3A_294, %dma_start3A_295] : memref<10000x128xf32, #tpu.memory_space<hbm>> -> memref<10000x128xf32, #tpu.memory_space<hbm>>
    tpu.enqueue_indirect_dma source(%dma_start3A_296 : memref<10000x128xf32, #tpu.memory_space<hbm>>) target(%arg11 : memref<40x128xf32, #tpu.memory_space<vmem>>) offsets(%dma_start3A_293 : memref<40xi32, #tpu.memory_space<vmem>>) semaphore(%arg20 : memref<!tpu.dma_semaphore, #tpu.memory_space<semaphore_mem>>)
    %dma_start3A_297 = arith.constant 19 : i32
    %dma_start3A_298 = arith.constant 0 : i32
    %dma_start3A_299 = tpu.memref_slice %arg8[%dma_start3A_297, %dma_start3A_298] : memref<25x40xi32, #tpu.memory_space<vmem>> -> memref<1x40xi32, #tpu.memory_space<vmem>>
    %dma_start3A_300 = tpu.memref_squeeze %dma_start3A_299 : memref<1x40xi32, #tpu.memory_space<vmem>> -> memref<40xi32, #tpu.memory_space<vmem>>
    %dma_start3A_301 = arith.constant 0 : i32
    %dma_start3A_302 = arith.constant 0 : i32
    %dma_start3A_303 = tpu.memref_slice %arg2[%dma_start3A_301, %dma_start3A_302] : memref<10000x128xf32, #tpu.memory_space<hbm>> -> memref<10000x128xf32, #tpu.memory_space<hbm>>
    tpu.enqueue_indirect_dma source(%dma_start3A_303 : memref<10000x128xf32, #tpu.memory_space<hbm>>) target(%arg12 : memref<40x128xf32, #tpu.memory_space<vmem>>) offsets(%dma_start3A_300 : memref<40xi32, #tpu.memory_space<vmem>>) semaphore(%arg21 : memref<!tpu.dma_semaphore, #tpu.memory_space<semaphore_mem>>)
    %dma_start3A_304 = arith.constant 20 : i32
    %dma_start3A_305 = arith.constant 0 : i32
    %dma_start3A_306 = tpu.memref_slice %arg8[%dma_start3A_304, %dma_start3A_305] : memref<25x40xi32, #tpu.memory_space<vmem>> -> memref<1x40xi32, #tpu.memory_space<vmem>>
    %dma_start3A_307 = tpu.memref_squeeze %dma_start3A_306 : memref<1x40xi32, #tpu.memory_space<vmem>> -> memref<40xi32, #tpu.memory_space<vmem>>
    %dma_start3A_308 = arith.constant 0 : i32
    %dma_start3A_309 = arith.constant 0 : i32
    %dma_start3A_310 = tpu.memref_slice %arg2[%dma_start3A_308, %dma_start3A_309] : memref<10000x128xf32, #tpu.memory_space<hbm>> -> memref<10000x128xf32, #tpu.memory_space<hbm>>
    tpu.enqueue_indirect_dma source(%dma_start3A_310 : memref<10000x128xf32, #tpu.memory_space<hbm>>) target(%arg13 : memref<40x128xf32, #tpu.memory_space<vmem>>) offsets(%dma_start3A_307 : memref<40xi32, #tpu.memory_space<vmem>>) semaphore(%arg22 : memref<!tpu.dma_semaphore, #tpu.memory_space<semaphore_mem>>)
    %dma_wait3A_311 = arith.constant 18 : i32
    %dma_wait3A_312 = arith.constant 0 : i32
    %dma_wait3A_313 = tpu.memref_slice %arg8[%dma_wait3A_311, %dma_wait3A_312] : memref<25x40xi32, #tpu.memory_space<vmem>> -> memref<1x40xi32, #tpu.memory_space<vmem>>
    %dma_wait3A_314 = tpu.memref_squeeze %dma_wait3A_313 : memref<1x40xi32, #tpu.memory_space<vmem>> -> memref<40xi32, #tpu.memory_space<vmem>>
    %dma_wait3A_315 = arith.constant 0 : i32
    %dma_wait3A_316 = arith.constant 0 : i32
    %dma_wait3A_317 = tpu.memref_slice %arg2[%dma_wait3A_315, %dma_wait3A_316] : memref<10000x128xf32, #tpu.memory_space<hbm>> -> memref<10000x128xf32, #tpu.memory_space<hbm>>
    tpu.wait_indirect_dma semaphore(%arg20 : memref<!tpu.dma_semaphore, #tpu.memory_space<semaphore_mem>>) src(%dma_wait3A_317 : memref<10000x128xf32, #tpu.memory_space<hbm>>) dst(%arg11 : memref<40x128xf32, #tpu.memory_space<vmem>>)
    %dma_start3A_318 = arith.constant 18 : i32
    %dma_start3A_319 = arith.constant 0 : i32
    %dma_start3A_320 = tpu.memref_slice %arg10[%dma_start3A_318, %dma_start3A_319] : memref<25x40xi32, #tpu.memory_space<vmem>> -> memref<1x40xi32, #tpu.memory_space<vmem>>
    %dma_start3A_321 = tpu.memref_squeeze %dma_start3A_320 : memref<1x40xi32, #tpu.memory_space<vmem>> -> memref<40xi32, #tpu.memory_space<vmem>>
    %dma_start3A_322 = arith.constant 0 : i32
    %dma_start3A_323 = arith.constant 0 : i32
    %dma_start3A_324 = tpu.memref_slice %arg26[%dma_start3A_322, %dma_start3A_323] : memref<10240x128xf32, #tpu.memory_space<vmem_shared>> -> memref<10240x128xf32, #tpu.memory_space<vmem_shared>>
    tpu.enqueue_indirect_dma source(%arg11 : memref<40x128xf32, #tpu.memory_space<vmem>>) target(%dma_start3A_324 : memref<10240x128xf32, #tpu.memory_space<vmem_shared>>) offsets(%dma_start3A_321 : memref<40xi32, #tpu.memory_space<vmem>>) semaphore(%arg19 : memref<!tpu.dma_semaphore, #tpu.memory_space<semaphore_mem>>) {add = true}
    %dma_wait3A_325 = arith.constant 19 : i32
    %dma_wait3A_326 = arith.constant 0 : i32
    %dma_wait3A_327 = tpu.memref_slice %arg8[%dma_wait3A_325, %dma_wait3A_326] : memref<25x40xi32, #tpu.memory_space<vmem>> -> memref<1x40xi32, #tpu.memory_space<vmem>>
    %dma_wait3A_328 = tpu.memref_squeeze %dma_wait3A_327 : memref<1x40xi32, #tpu.memory_space<vmem>> -> memref<40xi32, #tpu.memory_space<vmem>>
    %dma_wait3A_329 = arith.constant 0 : i32
    %dma_wait3A_330 = arith.constant 0 : i32
    %dma_wait3A_331 = tpu.memref_slice %arg2[%dma_wait3A_329, %dma_wait3A_330] : memref<10000x128xf32, #tpu.memory_space<hbm>> -> memref<10000x128xf32, #tpu.memory_space<hbm>>
    tpu.wait_indirect_dma semaphore(%arg21 : memref<!tpu.dma_semaphore, #tpu.memory_space<semaphore_mem>>) src(%dma_wait3A_331 : memref<10000x128xf32, #tpu.memory_space<hbm>>) dst(%arg12 : memref<40x128xf32, #tpu.memory_space<vmem>>)
    %dma_start3A_332 = arith.constant 19 : i32
    %dma_start3A_333 = arith.constant 0 : i32
    %dma_start3A_334 = tpu.memref_slice %arg10[%dma_start3A_332, %dma_start3A_333] : memref<25x40xi32, #tpu.memory_space<vmem>> -> memref<1x40xi32, #tpu.memory_space<vmem>>
    %dma_start3A_335 = tpu.memref_squeeze %dma_start3A_334 : memref<1x40xi32, #tpu.memory_space<vmem>> -> memref<40xi32, #tpu.memory_space<vmem>>
    %dma_start3A_336 = arith.constant 0 : i32
    %dma_start3A_337 = arith.constant 0 : i32
    %dma_start3A_338 = tpu.memref_slice %arg26[%dma_start3A_336, %dma_start3A_337] : memref<10240x128xf32, #tpu.memory_space<vmem_shared>> -> memref<10240x128xf32, #tpu.memory_space<vmem_shared>>
    tpu.enqueue_indirect_dma source(%arg12 : memref<40x128xf32, #tpu.memory_space<vmem>>) target(%dma_start3A_338 : memref<10240x128xf32, #tpu.memory_space<vmem_shared>>) offsets(%dma_start3A_335 : memref<40xi32, #tpu.memory_space<vmem>>) semaphore(%arg19 : memref<!tpu.dma_semaphore, #tpu.memory_space<semaphore_mem>>) {add = true}
    %dma_wait3A_339 = arith.constant 20 : i32
    %dma_wait3A_340 = arith.constant 0 : i32
    %dma_wait3A_341 = tpu.memref_slice %arg8[%dma_wait3A_339, %dma_wait3A_340] : memref<25x40xi32, #tpu.memory_space<vmem>> -> memref<1x40xi32, #tpu.memory_space<vmem>>
    %dma_wait3A_342 = tpu.memref_squeeze %dma_wait3A_341 : memref<1x40xi32, #tpu.memory_space<vmem>> -> memref<40xi32, #tpu.memory_space<vmem>>
    %dma_wait3A_343 = arith.constant 0 : i32
    %dma_wait3A_344 = arith.constant 0 : i32
    %dma_wait3A_345 = tpu.memref_slice %arg2[%dma_wait3A_343, %dma_wait3A_344] : memref<10000x128xf32, #tpu.memory_space<hbm>> -> memref<10000x128xf32, #tpu.memory_space<hbm>>
    tpu.wait_indirect_dma semaphore(%arg22 : memref<!tpu.dma_semaphore, #tpu.memory_space<semaphore_mem>>) src(%dma_wait3A_345 : memref<10000x128xf32, #tpu.memory_space<hbm>>) dst(%arg13 : memref<40x128xf32, #tpu.memory_space<vmem>>)
    %dma_start3A_346 = arith.constant 20 : i32
    %dma_start3A_347 = arith.constant 0 : i32
    %dma_start3A_348 = tpu.memref_slice %arg10[%dma_start3A_346, %dma_start3A_347] : memref<25x40xi32, #tpu.memory_space<vmem>> -> memref<1x40xi32, #tpu.memory_space<vmem>>
    %dma_start3A_349 = tpu.memref_squeeze %dma_start3A_348 : memref<1x40xi32, #tpu.memory_space<vmem>> -> memref<40xi32, #tpu.memory_space<vmem>>
    %dma_start3A_350 = arith.constant 0 : i32
    %dma_start3A_351 = arith.constant 0 : i32
    %dma_start3A_352 = tpu.memref_slice %arg26[%dma_start3A_350, %dma_start3A_351] : memref<10240x128xf32, #tpu.memory_space<vmem_shared>> -> memref<10240x128xf32, #tpu.memory_space<vmem_shared>>
    tpu.enqueue_indirect_dma source(%arg13 : memref<40x128xf32, #tpu.memory_space<vmem>>) target(%dma_start3A_352 : memref<10240x128xf32, #tpu.memory_space<vmem_shared>>) offsets(%dma_start3A_349 : memref<40xi32, #tpu.memory_space<vmem>>) semaphore(%arg19 : memref<!tpu.dma_semaphore, #tpu.memory_space<semaphore_mem>>) {add = true}
    %dma_wait3A_353 = arith.constant 18 : i32
    %dma_wait3A_354 = arith.constant 0 : i32
    %dma_wait3A_355 = tpu.memref_slice %arg10[%dma_wait3A_353, %dma_wait3A_354] : memref<25x40xi32, #tpu.memory_space<vmem>> -> memref<1x40xi32, #tpu.memory_space<vmem>>
    %dma_wait3A_356 = tpu.memref_squeeze %dma_wait3A_355 : memref<1x40xi32, #tpu.memory_space<vmem>> -> memref<40xi32, #tpu.memory_space<vmem>>
    %dma_wait3A_357 = arith.constant 0 : i32
    %dma_wait3A_358 = arith.constant 0 : i32
    %dma_wait3A_359 = tpu.memref_slice %arg26[%dma_wait3A_357, %dma_wait3A_358] : memref<10240x128xf32, #tpu.memory_space<vmem_shared>> -> memref<10240x128xf32, #tpu.memory_space<vmem_shared>>
    tpu.wait_indirect_dma semaphore(%arg19 : memref<!tpu.dma_semaphore, #tpu.memory_space<semaphore_mem>>) src(%arg11 : memref<40x128xf32, #tpu.memory_space<vmem>>) dst(%dma_wait3A_359 : memref<10240x128xf32, #tpu.memory_space<vmem_shared>>)
    %dma_wait3A_360 = arith.constant 19 : i32
    %dma_wait3A_361 = arith.constant 0 : i32
    %dma_wait3A_362 = tpu.memref_slice %arg10[%dma_wait3A_360, %dma_wait3A_361] : memref<25x40xi32, #tpu.memory_space<vmem>> -> memref<1x40xi32, #tpu.memory_space<vmem>>
    %dma_wait3A_363 = tpu.memref_squeeze %dma_wait3A_362 : memref<1x40xi32, #tpu.memory_space<vmem>> -> memref<40xi32, #tpu.memory_space<vmem>>
    %dma_wait3A_364 = arith.constant 0 : i32
    %dma_wait3A_365 = arith.constant 0 : i32
    %dma_wait3A_366 = tpu.memref_slice %arg26[%dma_wait3A_364, %dma_wait3A_365] : memref<10240x128xf32, #tpu.memory_space<vmem_shared>> -> memref<10240x128xf32, #tpu.memory_space<vmem_shared>>
    tpu.wait_indirect_dma semaphore(%arg19 : memref<!tpu.dma_semaphore, #tpu.memory_space<semaphore_mem>>) src(%arg12 : memref<40x128xf32, #tpu.memory_space<vmem>>) dst(%dma_wait3A_366 : memref<10240x128xf32, #tpu.memory_space<vmem_shared>>)
    %dma_wait3A_367 = arith.constant 20 : i32
    %dma_wait3A_368 = arith.constant 0 : i32
    %dma_wait3A_369 = tpu.memref_slice %arg10[%dma_wait3A_367, %dma_wait3A_368] : memref<25x40xi32, #tpu.memory_space<vmem>> -> memref<1x40xi32, #tpu.memory_space<vmem>>
    %dma_wait3A_370 = tpu.memref_squeeze %dma_wait3A_369 : memref<1x40xi32, #tpu.memory_space<vmem>> -> memref<40xi32, #tpu.memory_space<vmem>>
    %dma_wait3A_371 = arith.constant 0 : i32
    %dma_wait3A_372 = arith.constant 0 : i32
    %dma_wait3A_373 = tpu.memref_slice %arg26[%dma_wait3A_371, %dma_wait3A_372] : memref<10240x128xf32, #tpu.memory_space<vmem_shared>> -> memref<10240x128xf32, #tpu.memory_space<vmem_shared>>
    tpu.wait_indirect_dma semaphore(%arg19 : memref<!tpu.dma_semaphore, #tpu.memory_space<semaphore_mem>>) src(%arg13 : memref<40x128xf32, #tpu.memory_space<vmem>>) dst(%dma_wait3A_373 : memref<10240x128xf32, #tpu.memory_space<vmem_shared>>)
    %dma_start3A_374 = arith.constant 21 : i32
    %dma_start3A_375 = arith.constant 0 : i32
    %dma_start3A_376 = tpu.memref_slice %arg8[%dma_start3A_374, %dma_start3A_375] : memref<25x40xi32, #tpu.memory_space<vmem>> -> memref<1x40xi32, #tpu.memory_space<vmem>>
    %dma_start3A_377 = tpu.memref_squeeze %dma_start3A_376 : memref<1x40xi32, #tpu.memory_space<vmem>> -> memref<40xi32, #tpu.memory_space<vmem>>
    %dma_start3A_378 = arith.constant 0 : i32
    %dma_start3A_379 = arith.constant 0 : i32
    %dma_start3A_380 = tpu.memref_slice %arg2[%dma_start3A_378, %dma_start3A_379] : memref<10000x128xf32, #tpu.memory_space<hbm>> -> memref<10000x128xf32, #tpu.memory_space<hbm>>
    tpu.enqueue_indirect_dma source(%dma_start3A_380 : memref<10000x128xf32, #tpu.memory_space<hbm>>) target(%arg11 : memref<40x128xf32, #tpu.memory_space<vmem>>) offsets(%dma_start3A_377 : memref<40xi32, #tpu.memory_space<vmem>>) semaphore(%arg20 : memref<!tpu.dma_semaphore, #tpu.memory_space<semaphore_mem>>)
    %dma_start3A_381 = arith.constant 22 : i32
    %dma_start3A_382 = arith.constant 0 : i32
    %dma_start3A_383 = tpu.memref_slice %arg8[%dma_start3A_381, %dma_start3A_382] : memref<25x40xi32, #tpu.memory_space<vmem>> -> memref<1x40xi32, #tpu.memory_space<vmem>>
    %dma_start3A_384 = tpu.memref_squeeze %dma_start3A_383 : memref<1x40xi32, #tpu.memory_space<vmem>> -> memref<40xi32, #tpu.memory_space<vmem>>
    %dma_start3A_385 = arith.constant 0 : i32
    %dma_start3A_386 = arith.constant 0 : i32
    %dma_start3A_387 = tpu.memref_slice %arg2[%dma_start3A_385, %dma_start3A_386] : memref<10000x128xf32, #tpu.memory_space<hbm>> -> memref<10000x128xf32, #tpu.memory_space<hbm>>
    tpu.enqueue_indirect_dma source(%dma_start3A_387 : memref<10000x128xf32, #tpu.memory_space<hbm>>) target(%arg12 : memref<40x128xf32, #tpu.memory_space<vmem>>) offsets(%dma_start3A_384 : memref<40xi32, #tpu.memory_space<vmem>>) semaphore(%arg21 : memref<!tpu.dma_semaphore, #tpu.memory_space<semaphore_mem>>)
    %dma_start3A_388 = arith.constant 23 : i32
    %dma_start3A_389 = arith.constant 0 : i32
    %dma_start3A_390 = tpu.memref_slice %arg8[%dma_start3A_388, %dma_start3A_389] : memref<25x40xi32, #tpu.memory_space<vmem>> -> memref<1x40xi32, #tpu.memory_space<vmem>>
    %dma_start3A_391 = tpu.memref_squeeze %dma_start3A_390 : memref<1x40xi32, #tpu.memory_space<vmem>> -> memref<40xi32, #tpu.memory_space<vmem>>
    %dma_start3A_392 = arith.constant 0 : i32
    %dma_start3A_393 = arith.constant 0 : i32
    %dma_start3A_394 = tpu.memref_slice %arg2[%dma_start3A_392, %dma_start3A_393] : memref<10000x128xf32, #tpu.memory_space<hbm>> -> memref<10000x128xf32, #tpu.memory_space<hbm>>
    tpu.enqueue_indirect_dma source(%dma_start3A_394 : memref<10000x128xf32, #tpu.memory_space<hbm>>) target(%arg13 : memref<40x128xf32, #tpu.memory_space<vmem>>) offsets(%dma_start3A_391 : memref<40xi32, #tpu.memory_space<vmem>>) semaphore(%arg22 : memref<!tpu.dma_semaphore, #tpu.memory_space<semaphore_mem>>)
    %dma_wait3A_395 = arith.constant 21 : i32
    %dma_wait3A_396 = arith.constant 0 : i32
    %dma_wait3A_397 = tpu.memref_slice %arg8[%dma_wait3A_395, %dma_wait3A_396] : memref<25x40xi32, #tpu.memory_space<vmem>> -> memref<1x40xi32, #tpu.memory_space<vmem>>
    %dma_wait3A_398 = tpu.memref_squeeze %dma_wait3A_397 : memref<1x40xi32, #tpu.memory_space<vmem>> -> memref<40xi32, #tpu.memory_space<vmem>>
    %dma_wait3A_399 = arith.constant 0 : i32
    %dma_wait3A_400 = arith.constant 0 : i32
    %dma_wait3A_401 = tpu.memref_slice %arg2[%dma_wait3A_399, %dma_wait3A_400] : memref<10000x128xf32, #tpu.memory_space<hbm>> -> memref<10000x128xf32, #tpu.memory_space<hbm>>
    tpu.wait_indirect_dma semaphore(%arg20 : memref<!tpu.dma_semaphore, #tpu.memory_space<semaphore_mem>>) src(%dma_wait3A_401 : memref<10000x128xf32, #tpu.memory_space<hbm>>) dst(%arg11 : memref<40x128xf32, #tpu.memory_space<vmem>>)
    %dma_start3A_402 = arith.constant 21 : i32
    %dma_start3A_403 = arith.constant 0 : i32
    %dma_start3A_404 = tpu.memref_slice %arg10[%dma_start3A_402, %dma_start3A_403] : memref<25x40xi32, #tpu.memory_space<vmem>> -> memref<1x40xi32, #tpu.memory_space<vmem>>
    %dma_start3A_405 = tpu.memref_squeeze %dma_start3A_404 : memref<1x40xi32, #tpu.memory_space<vmem>> -> memref<40xi32, #tpu.memory_space<vmem>>
    %dma_start3A_406 = arith.constant 0 : i32
    %dma_start3A_407 = arith.constant 0 : i32
    %dma_start3A_408 = tpu.memref_slice %arg26[%dma_start3A_406, %dma_start3A_407] : memref<10240x128xf32, #tpu.memory_space<vmem_shared>> -> memref<10240x128xf32, #tpu.memory_space<vmem_shared>>
    tpu.enqueue_indirect_dma source(%arg11 : memref<40x128xf32, #tpu.memory_space<vmem>>) target(%dma_start3A_408 : memref<10240x128xf32, #tpu.memory_space<vmem_shared>>) offsets(%dma_start3A_405 : memref<40xi32, #tpu.memory_space<vmem>>) semaphore(%arg19 : memref<!tpu.dma_semaphore, #tpu.memory_space<semaphore_mem>>) {add = true}
    %dma_wait3A_409 = arith.constant 22 : i32
    %dma_wait3A_410 = arith.constant 0 : i32
    %dma_wait3A_411 = tpu.memref_slice %arg8[%dma_wait3A_409, %dma_wait3A_410] : memref<25x40xi32, #tpu.memory_space<vmem>> -> memref<1x40xi32, #tpu.memory_space<vmem>>
    %dma_wait3A_412 = tpu.memref_squeeze %dma_wait3A_411 : memref<1x40xi32, #tpu.memory_space<vmem>> -> memref<40xi32, #tpu.memory_space<vmem>>
    %dma_wait3A_413 = arith.constant 0 : i32
    %dma_wait3A_414 = arith.constant 0 : i32
    %dma_wait3A_415 = tpu.memref_slice %arg2[%dma_wait3A_413, %dma_wait3A_414] : memref<10000x128xf32, #tpu.memory_space<hbm>> -> memref<10000x128xf32, #tpu.memory_space<hbm>>
    tpu.wait_indirect_dma semaphore(%arg21 : memref<!tpu.dma_semaphore, #tpu.memory_space<semaphore_mem>>) src(%dma_wait3A_415 : memref<10000x128xf32, #tpu.memory_space<hbm>>) dst(%arg12 : memref<40x128xf32, #tpu.memory_space<vmem>>)
    %dma_start3A_416 = arith.constant 22 : i32
    %dma_start3A_417 = arith.constant 0 : i32
    %dma_start3A_418 = tpu.memref_slice %arg10[%dma_start3A_416, %dma_start3A_417] : memref<25x40xi32, #tpu.memory_space<vmem>> -> memref<1x40xi32, #tpu.memory_space<vmem>>
    %dma_start3A_419 = tpu.memref_squeeze %dma_start3A_418 : memref<1x40xi32, #tpu.memory_space<vmem>> -> memref<40xi32, #tpu.memory_space<vmem>>
    %dma_start3A_420 = arith.constant 0 : i32
    %dma_start3A_421 = arith.constant 0 : i32
    %dma_start3A_422 = tpu.memref_slice %arg26[%dma_start3A_420, %dma_start3A_421] : memref<10240x128xf32, #tpu.memory_space<vmem_shared>> -> memref<10240x128xf32, #tpu.memory_space<vmem_shared>>
    tpu.enqueue_indirect_dma source(%arg12 : memref<40x128xf32, #tpu.memory_space<vmem>>) target(%dma_start3A_422 : memref<10240x128xf32, #tpu.memory_space<vmem_shared>>) offsets(%dma_start3A_419 : memref<40xi32, #tpu.memory_space<vmem>>) semaphore(%arg19 : memref<!tpu.dma_semaphore, #tpu.memory_space<semaphore_mem>>) {add = true}
    %dma_wait3A_423 = arith.constant 23 : i32
    %dma_wait3A_424 = arith.constant 0 : i32
    %dma_wait3A_425 = tpu.memref_slice %arg8[%dma_wait3A_423, %dma_wait3A_424] : memref<25x40xi32, #tpu.memory_space<vmem>> -> memref<1x40xi32, #tpu.memory_space<vmem>>
    %dma_wait3A_426 = tpu.memref_squeeze %dma_wait3A_425 : memref<1x40xi32, #tpu.memory_space<vmem>> -> memref<40xi32, #tpu.memory_space<vmem>>
    %dma_wait3A_427 = arith.constant 0 : i32
    %dma_wait3A_428 = arith.constant 0 : i32
    %dma_wait3A_429 = tpu.memref_slice %arg2[%dma_wait3A_427, %dma_wait3A_428] : memref<10000x128xf32, #tpu.memory_space<hbm>> -> memref<10000x128xf32, #tpu.memory_space<hbm>>
    tpu.wait_indirect_dma semaphore(%arg22 : memref<!tpu.dma_semaphore, #tpu.memory_space<semaphore_mem>>) src(%dma_wait3A_429 : memref<10000x128xf32, #tpu.memory_space<hbm>>) dst(%arg13 : memref<40x128xf32, #tpu.memory_space<vmem>>)
    %dma_start3A_430 = arith.constant 23 : i32
    %dma_start3A_431 = arith.constant 0 : i32
    %dma_start3A_432 = tpu.memref_slice %arg10[%dma_start3A_430, %dma_start3A_431] : memref<25x40xi32, #tpu.memory_space<vmem>> -> memref<1x40xi32, #tpu.memory_space<vmem>>
    %dma_start3A_433 = tpu.memref_squeeze %dma_start3A_432 : memref<1x40xi32, #tpu.memory_space<vmem>> -> memref<40xi32, #tpu.memory_space<vmem>>
    %dma_start3A_434 = arith.constant 0 : i32
    %dma_start3A_435 = arith.constant 0 : i32
    %dma_start3A_436 = tpu.memref_slice %arg26[%dma_start3A_434, %dma_start3A_435] : memref<10240x128xf32, #tpu.memory_space<vmem_shared>> -> memref<10240x128xf32, #tpu.memory_space<vmem_shared>>
    tpu.enqueue_indirect_dma source(%arg13 : memref<40x128xf32, #tpu.memory_space<vmem>>) target(%dma_start3A_436 : memref<10240x128xf32, #tpu.memory_space<vmem_shared>>) offsets(%dma_start3A_433 : memref<40xi32, #tpu.memory_space<vmem>>) semaphore(%arg19 : memref<!tpu.dma_semaphore, #tpu.memory_space<semaphore_mem>>) {add = true}
    %dma_wait3A_437 = arith.constant 21 : i32
    %dma_wait3A_438 = arith.constant 0 : i32
    %dma_wait3A_439 = tpu.memref_slice %arg10[%dma_wait3A_437, %dma_wait3A_438] : memref<25x40xi32, #tpu.memory_space<vmem>> -> memref<1x40xi32, #tpu.memory_space<vmem>>
    %dma_wait3A_440 = tpu.memref_squeeze %dma_wait3A_439 : memref<1x40xi32, #tpu.memory_space<vmem>> -> memref<40xi32, #tpu.memory_space<vmem>>
    %dma_wait3A_441 = arith.constant 0 : i32
    %dma_wait3A_442 = arith.constant 0 : i32
    %dma_wait3A_443 = tpu.memref_slice %arg26[%dma_wait3A_441, %dma_wait3A_442] : memref<10240x128xf32, #tpu.memory_space<vmem_shared>> -> memref<10240x128xf32, #tpu.memory_space<vmem_shared>>
    tpu.wait_indirect_dma semaphore(%arg19 : memref<!tpu.dma_semaphore, #tpu.memory_space<semaphore_mem>>) src(%arg11 : memref<40x128xf32, #tpu.memory_space<vmem>>) dst(%dma_wait3A_443 : memref<10240x128xf32, #tpu.memory_space<vmem_shared>>)
    %dma_wait3A_444 = arith.constant 22 : i32
    %dma_wait3A_445 = arith.constant 0 : i32
    %dma_wait3A_446 = tpu.memref_slice %arg10[%dma_wait3A_444, %dma_wait3A_445] : memref<25x40xi32, #tpu.memory_space<vmem>> -> memref<1x40xi32, #tpu.memory_space<vmem>>
    %dma_wait3A_447 = tpu.memref_squeeze %dma_wait3A_446 : memref<1x40xi32, #tpu.memory_space<vmem>> -> memref<40xi32, #tpu.memory_space<vmem>>
    %dma_wait3A_448 = arith.constant 0 : i32
    %dma_wait3A_449 = arith.constant 0 : i32
    %dma_wait3A_450 = tpu.memref_slice %arg26[%dma_wait3A_448, %dma_wait3A_449] : memref<10240x128xf32, #tpu.memory_space<vmem_shared>> -> memref<10240x128xf32, #tpu.memory_space<vmem_shared>>
    tpu.wait_indirect_dma semaphore(%arg19 : memref<!tpu.dma_semaphore, #tpu.memory_space<semaphore_mem>>) src(%arg12 : memref<40x128xf32, #tpu.memory_space<vmem>>) dst(%dma_wait3A_450 : memref<10240x128xf32, #tpu.memory_space<vmem_shared>>)
    %dma_wait3A_451 = arith.constant 23 : i32
    %dma_wait3A_452 = arith.constant 0 : i32
    %dma_wait3A_453 = tpu.memref_slice %arg10[%dma_wait3A_451, %dma_wait3A_452] : memref<25x40xi32, #tpu.memory_space<vmem>> -> memref<1x40xi32, #tpu.memory_space<vmem>>
    %dma_wait3A_454 = tpu.memref_squeeze %dma_wait3A_453 : memref<1x40xi32, #tpu.memory_space<vmem>> -> memref<40xi32, #tpu.memory_space<vmem>>
    %dma_wait3A_455 = arith.constant 0 : i32
    %dma_wait3A_456 = arith.constant 0 : i32
    %dma_wait3A_457 = tpu.memref_slice %arg26[%dma_wait3A_455, %dma_wait3A_456] : memref<10240x128xf32, #tpu.memory_space<vmem_shared>> -> memref<10240x128xf32, #tpu.memory_space<vmem_shared>>
    tpu.wait_indirect_dma semaphore(%arg19 : memref<!tpu.dma_semaphore, #tpu.memory_space<semaphore_mem>>) src(%arg13 : memref<40x128xf32, #tpu.memory_space<vmem>>) dst(%dma_wait3A_457 : memref<10240x128xf32, #tpu.memory_space<vmem_shared>>)
    %dma_start3A_458 = arith.constant 24 : i32
    %dma_start3A_459 = arith.constant 0 : i32
    %dma_start3A_460 = tpu.memref_slice %arg8[%dma_start3A_458, %dma_start3A_459] : memref<25x40xi32, #tpu.memory_space<vmem>> -> memref<1x40xi32, #tpu.memory_space<vmem>>
    %dma_start3A_461 = tpu.memref_squeeze %dma_start3A_460 : memref<1x40xi32, #tpu.memory_space<vmem>> -> memref<40xi32, #tpu.memory_space<vmem>>
    %dma_start3A_462 = arith.constant 0 : i32
    %dma_start3A_463 = arith.constant 0 : i32
    %dma_start3A_464 = tpu.memref_slice %arg2[%dma_start3A_462, %dma_start3A_463] : memref<10000x128xf32, #tpu.memory_space<hbm>> -> memref<10000x128xf32, #tpu.memory_space<hbm>>
    tpu.enqueue_indirect_dma source(%dma_start3A_464 : memref<10000x128xf32, #tpu.memory_space<hbm>>) target(%arg11 : memref<40x128xf32, #tpu.memory_space<vmem>>) offsets(%dma_start3A_461 : memref<40xi32, #tpu.memory_space<vmem>>) semaphore(%arg20 : memref<!tpu.dma_semaphore, #tpu.memory_space<semaphore_mem>>)
    %dma_wait3A_465 = arith.constant 24 : i32
    %dma_wait3A_466 = arith.constant 0 : i32
    %dma_wait3A_467 = tpu.memref_slice %arg8[%dma_wait3A_465, %dma_wait3A_466] : memref<25x40xi32, #tpu.memory_space<vmem>> -> memref<1x40xi32, #tpu.memory_space<vmem>>
    %dma_wait3A_468 = tpu.memref_squeeze %dma_wait3A_467 : memref<1x40xi32, #tpu.memory_space<vmem>> -> memref<40xi32, #tpu.memory_space<vmem>>
    %dma_wait3A_469 = arith.constant 0 : i32
    %dma_wait3A_470 = arith.constant 0 : i32
    %dma_wait3A_471 = tpu.memref_slice %arg2[%dma_wait3A_469, %dma_wait3A_470] : memref<10000x128xf32, #tpu.memory_space<hbm>> -> memref<10000x128xf32, #tpu.memory_space<hbm>>
    tpu.wait_indirect_dma semaphore(%arg20 : memref<!tpu.dma_semaphore, #tpu.memory_space<semaphore_mem>>) src(%dma_wait3A_471 : memref<10000x128xf32, #tpu.memory_space<hbm>>) dst(%arg11 : memref<40x128xf32, #tpu.memory_space<vmem>>)
    %dma_start3A_472 = arith.constant 24 : i32
    %dma_start3A_473 = arith.constant 0 : i32
    %dma_start3A_474 = tpu.memref_slice %arg10[%dma_start3A_472, %dma_start3A_473] : memref<25x40xi32, #tpu.memory_space<vmem>> -> memref<1x40xi32, #tpu.memory_space<vmem>>
    %dma_start3A_475 = tpu.memref_squeeze %dma_start3A_474 : memref<1x40xi32, #tpu.memory_space<vmem>> -> memref<40xi32, #tpu.memory_space<vmem>>
    %dma_start3A_476 = arith.constant 0 : i32
    %dma_start3A_477 = arith.constant 0 : i32
    %dma_start3A_478 = tpu.memref_slice %arg26[%dma_start3A_476, %dma_start3A_477] : memref<10240x128xf32, #tpu.memory_space<vmem_shared>> -> memref<10240x128xf32, #tpu.memory_space<vmem_shared>>
    tpu.enqueue_indirect_dma source(%arg11 : memref<40x128xf32, #tpu.memory_space<vmem>>) target(%dma_start3A_478 : memref<10240x128xf32, #tpu.memory_space<vmem_shared>>) offsets(%dma_start3A_475 : memref<40xi32, #tpu.memory_space<vmem>>) semaphore(%arg19 : memref<!tpu.dma_semaphore, #tpu.memory_space<semaphore_mem>>) {add = true}
    %dma_wait3A_479 = arith.constant 24 : i32
    %dma_wait3A_480 = arith.constant 0 : i32
    %dma_wait3A_481 = tpu.memref_slice %arg10[%dma_wait3A_479, %dma_wait3A_480] : memref<25x40xi32, #tpu.memory_space<vmem>> -> memref<1x40xi32, #tpu.memory_space<vmem>>
    %dma_wait3A_482 = tpu.memref_squeeze %dma_wait3A_481 : memref<1x40xi32, #tpu.memory_space<vmem>> -> memref<40xi32, #tpu.memory_space<vmem>>
    %dma_wait3A_483 = arith.constant 0 : i32
    %dma_wait3A_484 = arith.constant 0 : i32
    %dma_wait3A_485 = tpu.memref_slice %arg26[%dma_wait3A_483, %dma_wait3A_484] : memref<10240x128xf32, #tpu.memory_space<vmem_shared>> -> memref<10240x128xf32, #tpu.memory_space<vmem_shared>>
    tpu.wait_indirect_dma semaphore(%arg19 : memref<!tpu.dma_semaphore, #tpu.memory_space<semaphore_mem>>) src(%arg11 : memref<40x128xf32, #tpu.memory_space<vmem>>) dst(%dma_wait3A_485 : memref<10240x128xf32, #tpu.memory_space<vmem_shared>>)
    %barrier3A_486 = arith.constant 0 : index
    tpu.barrier barrier_id(%barrier3A_486)
    %mul3A_487 = arith.constant 640 : i32
    %mul3A_488 = arith.muli %arg1, %mul3A_487 : i32
    %mul3A_489 = arith.constant 640 : i32
    %mul3A_490 = arith.muli %arg1, %mul3A_489 : i32
    "tpu.region"() ({
      %run_scoped3A_491 = tpu.sem_alloc : memref<!tpu.dma_semaphore, #tpu.memory_space<semaphore_mem>>
      %dma_start3A_492 = arith.constant 0 : i32
      %dma_start3A_493 = tpu.memref_slice %arg6[%arg0, %mul3A_490, %dma_start3A_492] : memref<2x10240x128xf32, #tpu.memory_space<hbm>> -> memref<1x640x128xf32, #tpu.memory_space<hbm>>
      %dma_start3A_494 = tpu.memref_squeeze %dma_start3A_493 : memref<1x640x128xf32, #tpu.memory_space<hbm>> -> memref<640x128xf32, #tpu.memory_space<hbm>>
      %dma_start3A_495 = arith.constant 0 : i32
      %dma_start3A_496 = tpu.memref_slice %arg26[%mul3A_488, %dma_start3A_495] : memref<10240x128xf32, #tpu.memory_space<vmem_shared>> -> memref<640x128xf32, #tpu.memory_space<vmem_shared>>
      tpu.enqueue_dma source(%dma_start3A_496 : memref<640x128xf32, #tpu.memory_space<vmem_shared>>) target(%dma_start3A_494 : memref<640x128xf32, #tpu.memory_space<hbm>>) target_semaphore(%run_scoped3A_491 : memref<!tpu.dma_semaphore, #tpu.memory_space<semaphore_mem>>)
      %dma_wait3A_497 = arith.constant 0 : i32
      %dma_wait3A_498 = tpu.memref_slice %arg6[%arg0, %mul3A_490, %dma_wait3A_497] : memref<2x10240x128xf32, #tpu.memory_space<hbm>> -> memref<1x640x128xf32, #tpu.memory_space<hbm>>
      %dma_wait3A_499 = tpu.memref_squeeze %dma_wait3A_498 : memref<1x640x128xf32, #tpu.memory_space<hbm>> -> memref<640x128xf32, #tpu.memory_space<hbm>>
      %dma_wait3A_500 = arith.constant 0 : i32
      %dma_wait3A_501 = tpu.memref_slice %arg26[%mul3A_488, %dma_wait3A_500] : memref<10240x128xf32, #tpu.memory_space<vmem_shared>> -> memref<640x128xf32, #tpu.memory_space<vmem_shared>>
      tpu.wait_dma2 semaphore(%run_scoped3A_491 : memref<!tpu.dma_semaphore, #tpu.memory_space<semaphore_mem>>) src(%dma_wait3A_501 : memref<640x128xf32, #tpu.memory_space<vmem_shared>>) dst(%dma_wait3A_499 : memref<640x128xf32, #tpu.memory_space<hbm>>)
      tpu.yield
    }) : () -> ()
    return
  }
}

#map = affine_map<(d0, d1) -> (0, 0)>
#map1 = affine_map<(d0, d1) -> (0, 0, 0)>
module attributes {stable_mosaic.version = 14 : i64} {
  func.func @_degree_body(%arg0: i32, %arg1: i32, %arg2: memref<32x10000xi32, #tpu.memory_space<hbm>>, %arg3: memref<2x1x10240xf32, #tpu.memory_space<hbm>>, %arg4: memref<10000xi32, #tpu.memory_space<vmem>>, %arg5: memref<10240xf32, #tpu.memory_space<vmem>>, %arg6: memref<16x640xf32, #tpu.memory_space<vmem>>, %arg7: memref<640xf32, #tpu.memory_space<vmem>>, %arg8: memref<16x16x640xf32, #tpu.memory_space<vmem_shared>>) attributes {dimension_semantics = [#tpu.dimension_semantics<core_parallel>, #tpu.dimension_semantics<subcore_parallel>], iteration_bounds = array<i64: 2, 16>, scalar_prefetch = 0 : i64, scratch_operands = 5 : i64, tpu.core_type = #tpu.core_type<sc_vector_subcore>, window_params = [{transform_indices = #map}, {transform_indices = #map1}]} {
    %mul3A = arith.constant 2 : i32
    %mul3A_0 = arith.muli %arg1, %mul3A : i32
    %add3A = arith.addi %mul3A_0, %arg0 : i32
    %broadcast_in_dim3A = arith.constant 0.000000e+00 : f32
    %broadcast_in_dim3A_1 = vector.broadcast %broadcast_in_dim3A : f32 to vector<16xf32>
    %scan3A = arith.constant 0 : i32
    %scan3A_2 = arith.constant 640 : i32
    %scan3A_3 = arith.addi %scan3A, %scan3A_2 : i32
    %scan3A_4 = arith.constant 1 : i32
    scf.for %scan3A_36 = %scan3A to %scan3A_3 step %scan3A_4  : i32 {
      %mul3A_37 = arith.constant 16 : i32
      %mul3A_38 = arith.muli %scan3A_36, %mul3A_37 : i32
      %add3A_39 = arith.constant 0 : i32
      %add3A_40 = arith.addi %add3A_39, %mul3A_38 : i32
      %swap3A = arith.index_cast %add3A_40 : i32 to index
      %swap3A_41 = tpu.vector_load %arg5[%swap3A] {strides = array<i32>} : memref<10240xf32, #tpu.memory_space<vmem>>, vector<16xf32>,
      tpu.vector_store %arg5[%swap3A], %broadcast_in_dim3A_1 {strides = array<i32>} : memref<10240xf32, #tpu.memory_space<vmem>>, vector<16xf32>,
    }
    %scan3A_5 = arith.constant 640 : i32
    "tpu.region"() ({
      %run_scoped3A_36 = tpu.sem_alloc : memref<!tpu.dma_semaphore, #tpu.memory_space<semaphore_mem>>
      %dma_start3A = arith.constant 0 : i32
      %dma_start3A_37 = tpu.memref_slice %arg2[%add3A, %dma_start3A] : memref<32x10000xi32, #tpu.memory_space<hbm>> -> memref<1x10000xi32, #tpu.memory_space<hbm>>
      %dma_start3A_38 = tpu.memref_squeeze %dma_start3A_37 : memref<1x10000xi32, #tpu.memory_space<hbm>> -> memref<10000xi32, #tpu.memory_space<hbm>>
      %dma_start3A_39 = arith.constant 0 : i32
      %dma_start3A_40 = tpu.memref_slice %arg2[%add3A, %dma_start3A_39] : memref<32x10000xi32, #tpu.memory_space<hbm>> -> memref<1x10000xi32, #tpu.memory_space<hbm>>
      %dma_start3A_41 = tpu.memref_squeeze %dma_start3A_40 : memref<1x10000xi32, #tpu.memory_space<hbm>> -> memref<10000xi32, #tpu.memory_space<hbm>>
      tpu.enqueue_dma source(%dma_start3A_41 : memref<10000xi32, #tpu.memory_space<hbm>>) target(%arg4 : memref<10000xi32, #tpu.memory_space<vmem>>) target_semaphore(%run_scoped3A_36 : memref<!tpu.dma_semaphore, #tpu.memory_space<semaphore_mem>>)
      %dma_wait3A = arith.constant 0 : i32
      %dma_wait3A_42 = tpu.memref_slice %arg2[%add3A, %dma_wait3A] : memref<32x10000xi32, #tpu.memory_space<hbm>> -> memref<1x10000xi32, #tpu.memory_space<hbm>>
      %dma_wait3A_43 = tpu.memref_squeeze %dma_wait3A_42 : memref<1x10000xi32, #tpu.memory_space<hbm>> -> memref<10000xi32, #tpu.memory_space<hbm>>
      %dma_wait3A_44 = arith.constant 0 : i32
      %dma_wait3A_45 = tpu.memref_slice %arg2[%add3A, %dma_wait3A_44] : memref<32x10000xi32, #tpu.memory_space<hbm>> -> memref<1x10000xi32, #tpu.memory_space<hbm>>
      %dma_wait3A_46 = tpu.memref_squeeze %dma_wait3A_45 : memref<1x10000xi32, #tpu.memory_space<hbm>> -> memref<10000xi32, #tpu.memory_space<hbm>>
      tpu.wait_dma2 semaphore(%run_scoped3A_36 : memref<!tpu.dma_semaphore, #tpu.memory_space<semaphore_mem>>) src(%dma_wait3A_46 : memref<10000xi32, #tpu.memory_space<hbm>>) dst(%arg4 : memref<10000xi32, #tpu.memory_space<vmem>>)
      tpu.yield
    }) : () -> ()
    %broadcast_in_dim3A_6 = arith.constant 1.000000e+00 : f32
    %broadcast_in_dim3A_7 = vector.broadcast %broadcast_in_dim3A_6 : f32 to vector<16xf32>
    %scan3A_8 = arith.constant 0 : i32
    %scan3A_9 = arith.constant 625 : i32
    %scan3A_10 = arith.addi %scan3A_8, %scan3A_9 : i32
    %scan3A_11 = arith.constant 1 : i32
    scf.for %scan3A_36 = %scan3A_8 to %scan3A_10 step %scan3A_11  : i32 {
      %mul3A_37 = arith.constant 16 : i32
      %mul3A_38 = arith.muli %scan3A_36, %mul3A_37 : i32
      %add3A_39 = arith.constant 0 : i32
      %add3A_40 = arith.addi %add3A_39, %mul3A_38 : i32
      %get3A = arith.index_cast %add3A_40 : i32 to index
      %get3A_41 = tpu.vector_load %arg4[%get3A] {strides = array<i32>} : memref<10000xi32, #tpu.memory_space<vmem>>, vector<16xi32>,
      tpu.vector_store_idx %arg5[%get3A_41], %broadcast_in_dim3A_7 {add = true} : memref<10240xf32, #tpu.memory_space<vmem>>[vector<16xi32>], vector<16xf32>,
    }
    %scan3A_12 = arith.constant 625 : i32
    %run_scoped3A = arith.constant 0 : i32
    "tpu.region"() ({
      %run_scoped3A_36 = tpu.sem_alloc : memref<!tpu.dma_semaphore, #tpu.memory_space<semaphore_mem>>
      %dma_start3A = arith.constant 0 : i32
      %dma_start3A_37 = tpu.memref_slice %arg5[%dma_start3A] : memref<10240xf32, #tpu.memory_space<vmem>> -> memref<640xf32, #tpu.memory_space<vmem>>
      %dma_start3A_38 = arith.constant 0 : i32
      %dma_start3A_39 = tpu.memref_slice %arg8[%run_scoped3A, %arg1, %dma_start3A_38] : memref<16x16x640xf32, #tpu.memory_space<vmem_shared>> -> memref<1x1x640xf32, #tpu.memory_space<vmem_shared>>
      %dma_start3A_40 = tpu.memref_squeeze %dma_start3A_39 : memref<1x1x640xf32, #tpu.memory_space<vmem_shared>> -> memref<640xf32, #tpu.memory_space<vmem_shared>>
      %dma_start3A_41 = arith.constant 0 : i32
      %dma_start3A_42 = tpu.memref_slice %arg8[%run_scoped3A, %arg1, %dma_start3A_41] : memref<16x16x640xf32, #tpu.memory_space<vmem_shared>> -> memref<1x1x640xf32, #tpu.memory_space<vmem_shared>>
      %dma_start3A_43 = tpu.memref_squeeze %dma_start3A_42 : memref<1x1x640xf32, #tpu.memory_space<vmem_shared>> -> memref<640xf32, #tpu.memory_space<vmem_shared>>
      %dma_start3A_44 = arith.constant 0 : i32
      %dma_start3A_45 = tpu.memref_slice %arg5[%dma_start3A_44] : memref<10240xf32, #tpu.memory_space<vmem>> -> memref<640xf32, #tpu.memory_space<vmem>>
      tpu.enqueue_dma source(%dma_start3A_45 : memref<640xf32, #tpu.memory_space<vmem>>) target(%dma_start3A_43 : memref<640xf32, #tpu.memory_space<vmem_shared>>) target_semaphore(%run_scoped3A_36 : memref<!tpu.dma_semaphore, #tpu.memory_space<semaphore_mem>>)
      %dma_wait3A = arith.constant 0 : i32
      %dma_wait3A_46 = tpu.memref_slice %arg5[%dma_wait3A] : memref<10240xf32, #tpu.memory_space<vmem>> -> memref<640xf32, #tpu.memory_space<vmem>>
      %dma_wait3A_47 = arith.constant 0 : i32
      %dma_wait3A_48 = tpu.memref_slice %arg8[%run_scoped3A, %arg1, %dma_wait3A_47] : memref<16x16x640xf32, #tpu.memory_space<vmem_shared>> -> memref<1x1x640xf32, #tpu.memory_space<vmem_shared>>
      %dma_wait3A_49 = tpu.memref_squeeze %dma_wait3A_48 : memref<1x1x640xf32, #tpu.memory_space<vmem_shared>> -> memref<640xf32, #tpu.memory_space<vmem_shared>>
      %dma_wait3A_50 = arith.constant 0 : i32
      %dma_wait3A_51 = tpu.memref_slice %arg8[%run_scoped3A, %arg1, %dma_wait3A_50] : memref<16x16x640xf32, #tpu.memory_space<vmem_shared>> -> memref<1x1x640xf32, #tpu.memory_space<vmem_shared>>
      %dma_wait3A_52 = tpu.memref_squeeze %dma_wait3A_51 : memref<1x1x640xf32, #tpu.memory_space<vmem_shared>> -> memref<640xf32, #tpu.memory_space<vmem_shared>>
      %dma_wait3A_53 = arith.constant 0 : i32
      %dma_wait3A_54 = tpu.memref_slice %arg5[%dma_wait3A_53] : memref<10240xf32, #tpu.memory_space<vmem>> -> memref<640xf32, #tpu.memory_space<vmem>>
      tpu.wait_dma2 semaphore(%run_scoped3A_36 : memref<!tpu.dma_semaphore, #tpu.memory_space<semaphore_mem>>) src(%dma_wait3A_54 : memref<640xf32, #tpu.memory_space<vmem>>) dst(%dma_wait3A_52 : memref<640xf32, #tpu.memory_space<vmem_shared>>)
      tpu.yield
    }) : () -> ()
    %run_scoped3A_13 = arith.constant 1 : i32
    "tpu.region"() ({
      %run_scoped3A_36 = tpu.sem_alloc : memref<!tpu.dma_semaphore, #tpu.memory_space<semaphore_mem>>
      %dma_start3A = arith.constant 640 : i32
      %dma_start3A_37 = tpu.memref_slice %arg5[%dma_start3A] : memref<10240xf32, #tpu.memory_space<vmem>> -> memref<640xf32, #tpu.memory_space<vmem>>
      %dma_start3A_38 = arith.constant 0 : i32
      %dma_start3A_39 = tpu.memref_slice %arg8[%run_scoped3A_13, %arg1, %dma_start3A_38] : memref<16x16x640xf32, #tpu.memory_space<vmem_shared>> -> memref<1x1x640xf32, #tpu.memory_space<vmem_shared>>
      %dma_start3A_40 = tpu.memref_squeeze %dma_start3A_39 : memref<1x1x640xf32, #tpu.memory_space<vmem_shared>> -> memref<640xf32, #tpu.memory_space<vmem_shared>>
      %dma_start3A_41 = arith.constant 0 : i32
      %dma_start3A_42 = tpu.memref_slice %arg8[%run_scoped3A_13, %arg1, %dma_start3A_41] : memref<16x16x640xf32, #tpu.memory_space<vmem_shared>> -> memref<1x1x640xf32, #tpu.memory_space<vmem_shared>>
      %dma_start3A_43 = tpu.memref_squeeze %dma_start3A_42 : memref<1x1x640xf32, #tpu.memory_space<vmem_shared>> -> memref<640xf32, #tpu.memory_space<vmem_shared>>
      %dma_start3A_44 = arith.constant 640 : i32
      %dma_start3A_45 = tpu.memref_slice %arg5[%dma_start3A_44] : memref<10240xf32, #tpu.memory_space<vmem>> -> memref<640xf32, #tpu.memory_space<vmem>>
      tpu.enqueue_dma source(%dma_start3A_45 : memref<640xf32, #tpu.memory_space<vmem>>) target(%dma_start3A_43 : memref<640xf32, #tpu.memory_space<vmem_shared>>) target_semaphore(%run_scoped3A_36 : memref<!tpu.dma_semaphore, #tpu.memory_space<semaphore_mem>>)
      %dma_wait3A = arith.constant 640 : i32
      %dma_wait3A_46 = tpu.memref_slice %arg5[%dma_wait3A] : memref<10240xf32, #tpu.memory_space<vmem>> -> memref<640xf32, #tpu.memory_space<vmem>>
      %dma_wait3A_47 = arith.constant 0 : i32
      %dma_wait3A_48 = tpu.memref_slice %arg8[%run_scoped3A_13, %arg1, %dma_wait3A_47] : memref<16x16x640xf32, #tpu.memory_space<vmem_shared>> -> memref<1x1x640xf32, #tpu.memory_space<vmem_shared>>
      %dma_wait3A_49 = tpu.memref_squeeze %dma_wait3A_48 : memref<1x1x640xf32, #tpu.memory_space<vmem_shared>> -> memref<640xf32, #tpu.memory_space<vmem_shared>>
      %dma_wait3A_50 = arith.constant 0 : i32
      %dma_wait3A_51 = tpu.memref_slice %arg8[%run_scoped3A_13, %arg1, %dma_wait3A_50] : memref<16x16x640xf32, #tpu.memory_space<vmem_shared>> -> memref<1x1x640xf32, #tpu.memory_space<vmem_shared>>
      %dma_wait3A_52 = tpu.memref_squeeze %dma_wait3A_51 : memref<1x1x640xf32, #tpu.memory_space<vmem_shared>> -> memref<640xf32, #tpu.memory_space<vmem_shared>>
      %dma_wait3A_53 = arith.constant 640 : i32
      %dma_wait3A_54 = tpu.memref_slice %arg5[%dma_wait3A_53] : memref<10240xf32, #tpu.memory_space<vmem>> -> memref<640xf32, #tpu.memory_space<vmem>>
      tpu.wait_dma2 semaphore(%run_scoped3A_36 : memref<!tpu.dma_semaphore, #tpu.memory_space<semaphore_mem>>) src(%dma_wait3A_54 : memref<640xf32, #tpu.memory_space<vmem>>) dst(%dma_wait3A_52 : memref<640xf32, #tpu.memory_space<vmem_shared>>)
      tpu.yield
    }) : () -> ()
    %run_scoped3A_14 = arith.constant 2 : i32
    "tpu.region"() ({
      %run_scoped3A_36 = tpu.sem_alloc : memref<!tpu.dma_semaphore, #tpu.memory_space<semaphore_mem>>
      %dma_start3A = arith.constant 1280 : i32
      %dma_start3A_37 = tpu.memref_slice %arg5[%dma_start3A] : memref<10240xf32, #tpu.memory_space<vmem>> -> memref<640xf32, #tpu.memory_space<vmem>>
      %dma_start3A_38 = arith.constant 0 : i32
      %dma_start3A_39 = tpu.memref_slice %arg8[%run_scoped3A_14, %arg1, %dma_start3A_38] : memref<16x16x640xf32, #tpu.memory_space<vmem_shared>> -> memref<1x1x640xf32, #tpu.memory_space<vmem_shared>>
      %dma_start3A_40 = tpu.memref_squeeze %dma_start3A_39 : memref<1x1x640xf32, #tpu.memory_space<vmem_shared>> -> memref<640xf32, #tpu.memory_space<vmem_shared>>
      %dma_start3A_41 = arith.constant 0 : i32
      %dma_start3A_42 = tpu.memref_slice %arg8[%run_scoped3A_14, %arg1, %dma_start3A_41] : memref<16x16x640xf32, #tpu.memory_space<vmem_shared>> -> memref<1x1x640xf32, #tpu.memory_space<vmem_shared>>
      %dma_start3A_43 = tpu.memref_squeeze %dma_start3A_42 : memref<1x1x640xf32, #tpu.memory_space<vmem_shared>> -> memref<640xf32, #tpu.memory_space<vmem_shared>>
      %dma_start3A_44 = arith.constant 1280 : i32
      %dma_start3A_45 = tpu.memref_slice %arg5[%dma_start3A_44] : memref<10240xf32, #tpu.memory_space<vmem>> -> memref<640xf32, #tpu.memory_space<vmem>>
      tpu.enqueue_dma source(%dma_start3A_45 : memref<640xf32, #tpu.memory_space<vmem>>) target(%dma_start3A_43 : memref<640xf32, #tpu.memory_space<vmem_shared>>) target_semaphore(%run_scoped3A_36 : memref<!tpu.dma_semaphore, #tpu.memory_space<semaphore_mem>>)
      %dma_wait3A = arith.constant 1280 : i32
      %dma_wait3A_46 = tpu.memref_slice %arg5[%dma_wait3A] : memref<10240xf32, #tpu.memory_space<vmem>> -> memref<640xf32, #tpu.memory_space<vmem>>
      %dma_wait3A_47 = arith.constant 0 : i32
      %dma_wait3A_48 = tpu.memref_slice %arg8[%run_scoped3A_14, %arg1, %dma_wait3A_47] : memref<16x16x640xf32, #tpu.memory_space<vmem_shared>> -> memref<1x1x640xf32, #tpu.memory_space<vmem_shared>>
      %dma_wait3A_49 = tpu.memref_squeeze %dma_wait3A_48 : memref<1x1x640xf32, #tpu.memory_space<vmem_shared>> -> memref<640xf32, #tpu.memory_space<vmem_shared>>
      %dma_wait3A_50 = arith.constant 0 : i32
      %dma_wait3A_51 = tpu.memref_slice %arg8[%run_scoped3A_14, %arg1, %dma_wait3A_50] : memref<16x16x640xf32, #tpu.memory_space<vmem_shared>> -> memref<1x1x640xf32, #tpu.memory_space<vmem_shared>>
      %dma_wait3A_52 = tpu.memref_squeeze %dma_wait3A_51 : memref<1x1x640xf32, #tpu.memory_space<vmem_shared>> -> memref<640xf32, #tpu.memory_space<vmem_shared>>
      %dma_wait3A_53 = arith.constant 1280 : i32
      %dma_wait3A_54 = tpu.memref_slice %arg5[%dma_wait3A_53] : memref<10240xf32, #tpu.memory_space<vmem>> -> memref<640xf32, #tpu.memory_space<vmem>>
      tpu.wait_dma2 semaphore(%run_scoped3A_36 : memref<!tpu.dma_semaphore, #tpu.memory_space<semaphore_mem>>) src(%dma_wait3A_54 : memref<640xf32, #tpu.memory_space<vmem>>) dst(%dma_wait3A_52 : memref<640xf32, #tpu.memory_space<vmem_shared>>)
      tpu.yield
    }) : () -> ()
    %run_scoped3A_15 = arith.constant 3 : i32
    "tpu.region"() ({
      %run_scoped3A_36 = tpu.sem_alloc : memref<!tpu.dma_semaphore, #tpu.memory_space<semaphore_mem>>
      %dma_start3A = arith.constant 1920 : i32
      %dma_start3A_37 = tpu.memref_slice %arg5[%dma_start3A] : memref<10240xf32, #tpu.memory_space<vmem>> -> memref<640xf32, #tpu.memory_space<vmem>>
      %dma_start3A_38 = arith.constant 0 : i32
      %dma_start3A_39 = tpu.memref_slice %arg8[%run_scoped3A_15, %arg1, %dma_start3A_38] : memref<16x16x640xf32, #tpu.memory_space<vmem_shared>> -> memref<1x1x640xf32, #tpu.memory_space<vmem_shared>>
      %dma_start3A_40 = tpu.memref_squeeze %dma_start3A_39 : memref<1x1x640xf32, #tpu.memory_space<vmem_shared>> -> memref<640xf32, #tpu.memory_space<vmem_shared>>
      %dma_start3A_41 = arith.constant 0 : i32
      %dma_start3A_42 = tpu.memref_slice %arg8[%run_scoped3A_15, %arg1, %dma_start3A_41] : memref<16x16x640xf32, #tpu.memory_space<vmem_shared>> -> memref<1x1x640xf32, #tpu.memory_space<vmem_shared>>
      %dma_start3A_43 = tpu.memref_squeeze %dma_start3A_42 : memref<1x1x640xf32, #tpu.memory_space<vmem_shared>> -> memref<640xf32, #tpu.memory_space<vmem_shared>>
      %dma_start3A_44 = arith.constant 1920 : i32
      %dma_start3A_45 = tpu.memref_slice %arg5[%dma_start3A_44] : memref<10240xf32, #tpu.memory_space<vmem>> -> memref<640xf32, #tpu.memory_space<vmem>>
      tpu.enqueue_dma source(%dma_start3A_45 : memref<640xf32, #tpu.memory_space<vmem>>) target(%dma_start3A_43 : memref<640xf32, #tpu.memory_space<vmem_shared>>) target_semaphore(%run_scoped3A_36 : memref<!tpu.dma_semaphore, #tpu.memory_space<semaphore_mem>>)
      %dma_wait3A = arith.constant 1920 : i32
      %dma_wait3A_46 = tpu.memref_slice %arg5[%dma_wait3A] : memref<10240xf32, #tpu.memory_space<vmem>> -> memref<640xf32, #tpu.memory_space<vmem>>
      %dma_wait3A_47 = arith.constant 0 : i32
      %dma_wait3A_48 = tpu.memref_slice %arg8[%run_scoped3A_15, %arg1, %dma_wait3A_47] : memref<16x16x640xf32, #tpu.memory_space<vmem_shared>> -> memref<1x1x640xf32, #tpu.memory_space<vmem_shared>>
      %dma_wait3A_49 = tpu.memref_squeeze %dma_wait3A_48 : memref<1x1x640xf32, #tpu.memory_space<vmem_shared>> -> memref<640xf32, #tpu.memory_space<vmem_shared>>
      %dma_wait3A_50 = arith.constant 0 : i32
      %dma_wait3A_51 = tpu.memref_slice %arg8[%run_scoped3A_15, %arg1, %dma_wait3A_50] : memref<16x16x640xf32, #tpu.memory_space<vmem_shared>> -> memref<1x1x640xf32, #tpu.memory_space<vmem_shared>>
      %dma_wait3A_52 = tpu.memref_squeeze %dma_wait3A_51 : memref<1x1x640xf32, #tpu.memory_space<vmem_shared>> -> memref<640xf32, #tpu.memory_space<vmem_shared>>
      %dma_wait3A_53 = arith.constant 1920 : i32
      %dma_wait3A_54 = tpu.memref_slice %arg5[%dma_wait3A_53] : memref<10240xf32, #tpu.memory_space<vmem>> -> memref<640xf32, #tpu.memory_space<vmem>>
      tpu.wait_dma2 semaphore(%run_scoped3A_36 : memref<!tpu.dma_semaphore, #tpu.memory_space<semaphore_mem>>) src(%dma_wait3A_54 : memref<640xf32, #tpu.memory_space<vmem>>) dst(%dma_wait3A_52 : memref<640xf32, #tpu.memory_space<vmem_shared>>)
      tpu.yield
    }) : () -> ()
    %run_scoped3A_16 = arith.constant 4 : i32
    "tpu.region"() ({
      %run_scoped3A_36 = tpu.sem_alloc : memref<!tpu.dma_semaphore, #tpu.memory_space<semaphore_mem>>
      %dma_start3A = arith.constant 2560 : i32
      %dma_start3A_37 = tpu.memref_slice %arg5[%dma_start3A] : memref<10240xf32, #tpu.memory_space<vmem>> -> memref<640xf32, #tpu.memory_space<vmem>>
      %dma_start3A_38 = arith.constant 0 : i32
      %dma_start3A_39 = tpu.memref_slice %arg8[%run_scoped3A_16, %arg1, %dma_start3A_38] : memref<16x16x640xf32, #tpu.memory_space<vmem_shared>> -> memref<1x1x640xf32, #tpu.memory_space<vmem_shared>>
      %dma_start3A_40 = tpu.memref_squeeze %dma_start3A_39 : memref<1x1x640xf32, #tpu.memory_space<vmem_shared>> -> memref<640xf32, #tpu.memory_space<vmem_shared>>
      %dma_start3A_41 = arith.constant 0 : i32
      %dma_start3A_42 = tpu.memref_slice %arg8[%run_scoped3A_16, %arg1, %dma_start3A_41] : memref<16x16x640xf32, #tpu.memory_space<vmem_shared>> -> memref<1x1x640xf32, #tpu.memory_space<vmem_shared>>
      %dma_start3A_43 = tpu.memref_squeeze %dma_start3A_42 : memref<1x1x640xf32, #tpu.memory_space<vmem_shared>> -> memref<640xf32, #tpu.memory_space<vmem_shared>>
      %dma_start3A_44 = arith.constant 2560 : i32
      %dma_start3A_45 = tpu.memref_slice %arg5[%dma_start3A_44] : memref<10240xf32, #tpu.memory_space<vmem>> -> memref<640xf32, #tpu.memory_space<vmem>>
      tpu.enqueue_dma source(%dma_start3A_45 : memref<640xf32, #tpu.memory_space<vmem>>) target(%dma_start3A_43 : memref<640xf32, #tpu.memory_space<vmem_shared>>) target_semaphore(%run_scoped3A_36 : memref<!tpu.dma_semaphore, #tpu.memory_space<semaphore_mem>>)
      %dma_wait3A = arith.constant 2560 : i32
      %dma_wait3A_46 = tpu.memref_slice %arg5[%dma_wait3A] : memref<10240xf32, #tpu.memory_space<vmem>> -> memref<640xf32, #tpu.memory_space<vmem>>
      %dma_wait3A_47 = arith.constant 0 : i32
      %dma_wait3A_48 = tpu.memref_slice %arg8[%run_scoped3A_16, %arg1, %dma_wait3A_47] : memref<16x16x640xf32, #tpu.memory_space<vmem_shared>> -> memref<1x1x640xf32, #tpu.memory_space<vmem_shared>>
      %dma_wait3A_49 = tpu.memref_squeeze %dma_wait3A_48 : memref<1x1x640xf32, #tpu.memory_space<vmem_shared>> -> memref<640xf32, #tpu.memory_space<vmem_shared>>
      %dma_wait3A_50 = arith.constant 0 : i32
      %dma_wait3A_51 = tpu.memref_slice %arg8[%run_scoped3A_16, %arg1, %dma_wait3A_50] : memref<16x16x640xf32, #tpu.memory_space<vmem_shared>> -> memref<1x1x640xf32, #tpu.memory_space<vmem_shared>>
      %dma_wait3A_52 = tpu.memref_squeeze %dma_wait3A_51 : memref<1x1x640xf32, #tpu.memory_space<vmem_shared>> -> memref<640xf32, #tpu.memory_space<vmem_shared>>
      %dma_wait3A_53 = arith.constant 2560 : i32
      %dma_wait3A_54 = tpu.memref_slice %arg5[%dma_wait3A_53] : memref<10240xf32, #tpu.memory_space<vmem>> -> memref<640xf32, #tpu.memory_space<vmem>>
      tpu.wait_dma2 semaphore(%run_scoped3A_36 : memref<!tpu.dma_semaphore, #tpu.memory_space<semaphore_mem>>) src(%dma_wait3A_54 : memref<640xf32, #tpu.memory_space<vmem>>) dst(%dma_wait3A_52 : memref<640xf32, #tpu.memory_space<vmem_shared>>)
      tpu.yield
    }) : () -> ()
    %run_scoped3A_17 = arith.constant 5 : i32
    "tpu.region"() ({
      %run_scoped3A_36 = tpu.sem_alloc : memref<!tpu.dma_semaphore, #tpu.memory_space<semaphore_mem>>
      %dma_start3A = arith.constant 3200 : i32
      %dma_start3A_37 = tpu.memref_slice %arg5[%dma_start3A] : memref<10240xf32, #tpu.memory_space<vmem>> -> memref<640xf32, #tpu.memory_space<vmem>>
      %dma_start3A_38 = arith.constant 0 : i32
      %dma_start3A_39 = tpu.memref_slice %arg8[%run_scoped3A_17, %arg1, %dma_start3A_38] : memref<16x16x640xf32, #tpu.memory_space<vmem_shared>> -> memref<1x1x640xf32, #tpu.memory_space<vmem_shared>>
      %dma_start3A_40 = tpu.memref_squeeze %dma_start3A_39 : memref<1x1x640xf32, #tpu.memory_space<vmem_shared>> -> memref<640xf32, #tpu.memory_space<vmem_shared>>
      %dma_start3A_41 = arith.constant 0 : i32
      %dma_start3A_42 = tpu.memref_slice %arg8[%run_scoped3A_17, %arg1, %dma_start3A_41] : memref<16x16x640xf32, #tpu.memory_space<vmem_shared>> -> memref<1x1x640xf32, #tpu.memory_space<vmem_shared>>
      %dma_start3A_43 = tpu.memref_squeeze %dma_start3A_42 : memref<1x1x640xf32, #tpu.memory_space<vmem_shared>> -> memref<640xf32, #tpu.memory_space<vmem_shared>>
      %dma_start3A_44 = arith.constant 3200 : i32
      %dma_start3A_45 = tpu.memref_slice %arg5[%dma_start3A_44] : memref<10240xf32, #tpu.memory_space<vmem>> -> memref<640xf32, #tpu.memory_space<vmem>>
      tpu.enqueue_dma source(%dma_start3A_45 : memref<640xf32, #tpu.memory_space<vmem>>) target(%dma_start3A_43 : memref<640xf32, #tpu.memory_space<vmem_shared>>) target_semaphore(%run_scoped3A_36 : memref<!tpu.dma_semaphore, #tpu.memory_space<semaphore_mem>>)
      %dma_wait3A = arith.constant 3200 : i32
      %dma_wait3A_46 = tpu.memref_slice %arg5[%dma_wait3A] : memref<10240xf32, #tpu.memory_space<vmem>> -> memref<640xf32, #tpu.memory_space<vmem>>
      %dma_wait3A_47 = arith.constant 0 : i32
      %dma_wait3A_48 = tpu.memref_slice %arg8[%run_scoped3A_17, %arg1, %dma_wait3A_47] : memref<16x16x640xf32, #tpu.memory_space<vmem_shared>> -> memref<1x1x640xf32, #tpu.memory_space<vmem_shared>>
      %dma_wait3A_49 = tpu.memref_squeeze %dma_wait3A_48 : memref<1x1x640xf32, #tpu.memory_space<vmem_shared>> -> memref<640xf32, #tpu.memory_space<vmem_shared>>
      %dma_wait3A_50 = arith.constant 0 : i32
      %dma_wait3A_51 = tpu.memref_slice %arg8[%run_scoped3A_17, %arg1, %dma_wait3A_50] : memref<16x16x640xf32, #tpu.memory_space<vmem_shared>> -> memref<1x1x640xf32, #tpu.memory_space<vmem_shared>>
      %dma_wait3A_52 = tpu.memref_squeeze %dma_wait3A_51 : memref<1x1x640xf32, #tpu.memory_space<vmem_shared>> -> memref<640xf32, #tpu.memory_space<vmem_shared>>
      %dma_wait3A_53 = arith.constant 3200 : i32
      %dma_wait3A_54 = tpu.memref_slice %arg5[%dma_wait3A_53] : memref<10240xf32, #tpu.memory_space<vmem>> -> memref<640xf32, #tpu.memory_space<vmem>>
      tpu.wait_dma2 semaphore(%run_scoped3A_36 : memref<!tpu.dma_semaphore, #tpu.memory_space<semaphore_mem>>) src(%dma_wait3A_54 : memref<640xf32, #tpu.memory_space<vmem>>) dst(%dma_wait3A_52 : memref<640xf32, #tpu.memory_space<vmem_shared>>)
      tpu.yield
    }) : () -> ()
    %run_scoped3A_18 = arith.constant 6 : i32
    "tpu.region"() ({
      %run_scoped3A_36 = tpu.sem_alloc : memref<!tpu.dma_semaphore, #tpu.memory_space<semaphore_mem>>
      %dma_start3A = arith.constant 3840 : i32
      %dma_start3A_37 = tpu.memref_slice %arg5[%dma_start3A] : memref<10240xf32, #tpu.memory_space<vmem>> -> memref<640xf32, #tpu.memory_space<vmem>>
      %dma_start3A_38 = arith.constant 0 : i32
      %dma_start3A_39 = tpu.memref_slice %arg8[%run_scoped3A_18, %arg1, %dma_start3A_38] : memref<16x16x640xf32, #tpu.memory_space<vmem_shared>> -> memref<1x1x640xf32, #tpu.memory_space<vmem_shared>>
      %dma_start3A_40 = tpu.memref_squeeze %dma_start3A_39 : memref<1x1x640xf32, #tpu.memory_space<vmem_shared>> -> memref<640xf32, #tpu.memory_space<vmem_shared>>
      %dma_start3A_41 = arith.constant 0 : i32
      %dma_start3A_42 = tpu.memref_slice %arg8[%run_scoped3A_18, %arg1, %dma_start3A_41] : memref<16x16x640xf32, #tpu.memory_space<vmem_shared>> -> memref<1x1x640xf32, #tpu.memory_space<vmem_shared>>
      %dma_start3A_43 = tpu.memref_squeeze %dma_start3A_42 : memref<1x1x640xf32, #tpu.memory_space<vmem_shared>> -> memref<640xf32, #tpu.memory_space<vmem_shared>>
      %dma_start3A_44 = arith.constant 3840 : i32
      %dma_start3A_45 = tpu.memref_slice %arg5[%dma_start3A_44] : memref<10240xf32, #tpu.memory_space<vmem>> -> memref<640xf32, #tpu.memory_space<vmem>>
      tpu.enqueue_dma source(%dma_start3A_45 : memref<640xf32, #tpu.memory_space<vmem>>) target(%dma_start3A_43 : memref<640xf32, #tpu.memory_space<vmem_shared>>) target_semaphore(%run_scoped3A_36 : memref<!tpu.dma_semaphore, #tpu.memory_space<semaphore_mem>>)
      %dma_wait3A = arith.constant 3840 : i32
      %dma_wait3A_46 = tpu.memref_slice %arg5[%dma_wait3A] : memref<10240xf32, #tpu.memory_space<vmem>> -> memref<640xf32, #tpu.memory_space<vmem>>
      %dma_wait3A_47 = arith.constant 0 : i32
      %dma_wait3A_48 = tpu.memref_slice %arg8[%run_scoped3A_18, %arg1, %dma_wait3A_47] : memref<16x16x640xf32, #tpu.memory_space<vmem_shared>> -> memref<1x1x640xf32, #tpu.memory_space<vmem_shared>>
      %dma_wait3A_49 = tpu.memref_squeeze %dma_wait3A_48 : memref<1x1x640xf32, #tpu.memory_space<vmem_shared>> -> memref<640xf32, #tpu.memory_space<vmem_shared>>
      %dma_wait3A_50 = arith.constant 0 : i32
      %dma_wait3A_51 = tpu.memref_slice %arg8[%run_scoped3A_18, %arg1, %dma_wait3A_50] : memref<16x16x640xf32, #tpu.memory_space<vmem_shared>> -> memref<1x1x640xf32, #tpu.memory_space<vmem_shared>>
      %dma_wait3A_52 = tpu.memref_squeeze %dma_wait3A_51 : memref<1x1x640xf32, #tpu.memory_space<vmem_shared>> -> memref<640xf32, #tpu.memory_space<vmem_shared>>
      %dma_wait3A_53 = arith.constant 3840 : i32
      %dma_wait3A_54 = tpu.memref_slice %arg5[%dma_wait3A_53] : memref<10240xf32, #tpu.memory_space<vmem>> -> memref<640xf32, #tpu.memory_space<vmem>>
      tpu.wait_dma2 semaphore(%run_scoped3A_36 : memref<!tpu.dma_semaphore, #tpu.memory_space<semaphore_mem>>) src(%dma_wait3A_54 : memref<640xf32, #tpu.memory_space<vmem>>) dst(%dma_wait3A_52 : memref<640xf32, #tpu.memory_space<vmem_shared>>)
      tpu.yield
    }) : () -> ()
    %run_scoped3A_19 = arith.constant 7 : i32
    "tpu.region"() ({
      %run_scoped3A_36 = tpu.sem_alloc : memref<!tpu.dma_semaphore, #tpu.memory_space<semaphore_mem>>
      %dma_start3A = arith.constant 4480 : i32
      %dma_start3A_37 = tpu.memref_slice %arg5[%dma_start3A] : memref<10240xf32, #tpu.memory_space<vmem>> -> memref<640xf32, #tpu.memory_space<vmem>>
      %dma_start3A_38 = arith.constant 0 : i32
      %dma_start3A_39 = tpu.memref_slice %arg8[%run_scoped3A_19, %arg1, %dma_start3A_38] : memref<16x16x640xf32, #tpu.memory_space<vmem_shared>> -> memref<1x1x640xf32, #tpu.memory_space<vmem_shared>>
      %dma_start3A_40 = tpu.memref_squeeze %dma_start3A_39 : memref<1x1x640xf32, #tpu.memory_space<vmem_shared>> -> memref<640xf32, #tpu.memory_space<vmem_shared>>
      %dma_start3A_41 = arith.constant 0 : i32
      %dma_start3A_42 = tpu.memref_slice %arg8[%run_scoped3A_19, %arg1, %dma_start3A_41] : memref<16x16x640xf32, #tpu.memory_space<vmem_shared>> -> memref<1x1x640xf32, #tpu.memory_space<vmem_shared>>
      %dma_start3A_43 = tpu.memref_squeeze %dma_start3A_42 : memref<1x1x640xf32, #tpu.memory_space<vmem_shared>> -> memref<640xf32, #tpu.memory_space<vmem_shared>>
      %dma_start3A_44 = arith.constant 4480 : i32
      %dma_start3A_45 = tpu.memref_slice %arg5[%dma_start3A_44] : memref<10240xf32, #tpu.memory_space<vmem>> -> memref<640xf32, #tpu.memory_space<vmem>>
      tpu.enqueue_dma source(%dma_start3A_45 : memref<640xf32, #tpu.memory_space<vmem>>) target(%dma_start3A_43 : memref<640xf32, #tpu.memory_space<vmem_shared>>) target_semaphore(%run_scoped3A_36 : memref<!tpu.dma_semaphore, #tpu.memory_space<semaphore_mem>>)
      %dma_wait3A = arith.constant 4480 : i32
      %dma_wait3A_46 = tpu.memref_slice %arg5[%dma_wait3A] : memref<10240xf32, #tpu.memory_space<vmem>> -> memref<640xf32, #tpu.memory_space<vmem>>
      %dma_wait3A_47 = arith.constant 0 : i32
      %dma_wait3A_48 = tpu.memref_slice %arg8[%run_scoped3A_19, %arg1, %dma_wait3A_47] : memref<16x16x640xf32, #tpu.memory_space<vmem_shared>> -> memref<1x1x640xf32, #tpu.memory_space<vmem_shared>>
      %dma_wait3A_49 = tpu.memref_squeeze %dma_wait3A_48 : memref<1x1x640xf32, #tpu.memory_space<vmem_shared>> -> memref<640xf32, #tpu.memory_space<vmem_shared>>
      %dma_wait3A_50 = arith.constant 0 : i32
      %dma_wait3A_51 = tpu.memref_slice %arg8[%run_scoped3A_19, %arg1, %dma_wait3A_50] : memref<16x16x640xf32, #tpu.memory_space<vmem_shared>> -> memref<1x1x640xf32, #tpu.memory_space<vmem_shared>>
      %dma_wait3A_52 = tpu.memref_squeeze %dma_wait3A_51 : memref<1x1x640xf32, #tpu.memory_space<vmem_shared>> -> memref<640xf32, #tpu.memory_space<vmem_shared>>
      %dma_wait3A_53 = arith.constant 4480 : i32
      %dma_wait3A_54 = tpu.memref_slice %arg5[%dma_wait3A_53] : memref<10240xf32, #tpu.memory_space<vmem>> -> memref<640xf32, #tpu.memory_space<vmem>>
      tpu.wait_dma2 semaphore(%run_scoped3A_36 : memref<!tpu.dma_semaphore, #tpu.memory_space<semaphore_mem>>) src(%dma_wait3A_54 : memref<640xf32, #tpu.memory_space<vmem>>) dst(%dma_wait3A_52 : memref<640xf32, #tpu.memory_space<vmem_shared>>)
      tpu.yield
    }) : () -> ()
    %run_scoped3A_20 = arith.constant 8 : i32
    "tpu.region"() ({
      %run_scoped3A_36 = tpu.sem_alloc : memref<!tpu.dma_semaphore, #tpu.memory_space<semaphore_mem>>
      %dma_start3A = arith.constant 5120 : i32
      %dma_start3A_37 = tpu.memref_slice %arg5[%dma_start3A] : memref<10240xf32, #tpu.memory_space<vmem>> -> memref<640xf32, #tpu.memory_space<vmem>>
      %dma_start3A_38 = arith.constant 0 : i32
      %dma_start3A_39 = tpu.memref_slice %arg8[%run_scoped3A_20, %arg1, %dma_start3A_38] : memref<16x16x640xf32, #tpu.memory_space<vmem_shared>> -> memref<1x1x640xf32, #tpu.memory_space<vmem_shared>>
      %dma_start3A_40 = tpu.memref_squeeze %dma_start3A_39 : memref<1x1x640xf32, #tpu.memory_space<vmem_shared>> -> memref<640xf32, #tpu.memory_space<vmem_shared>>
      %dma_start3A_41 = arith.constant 0 : i32
      %dma_start3A_42 = tpu.memref_slice %arg8[%run_scoped3A_20, %arg1, %dma_start3A_41] : memref<16x16x640xf32, #tpu.memory_space<vmem_shared>> -> memref<1x1x640xf32, #tpu.memory_space<vmem_shared>>
      %dma_start3A_43 = tpu.memref_squeeze %dma_start3A_42 : memref<1x1x640xf32, #tpu.memory_space<vmem_shared>> -> memref<640xf32, #tpu.memory_space<vmem_shared>>
      %dma_start3A_44 = arith.constant 5120 : i32
      %dma_start3A_45 = tpu.memref_slice %arg5[%dma_start3A_44] : memref<10240xf32, #tpu.memory_space<vmem>> -> memref<640xf32, #tpu.memory_space<vmem>>
      tpu.enqueue_dma source(%dma_start3A_45 : memref<640xf32, #tpu.memory_space<vmem>>) target(%dma_start3A_43 : memref<640xf32, #tpu.memory_space<vmem_shared>>) target_semaphore(%run_scoped3A_36 : memref<!tpu.dma_semaphore, #tpu.memory_space<semaphore_mem>>)
      %dma_wait3A = arith.constant 5120 : i32
      %dma_wait3A_46 = tpu.memref_slice %arg5[%dma_wait3A] : memref<10240xf32, #tpu.memory_space<vmem>> -> memref<640xf32, #tpu.memory_space<vmem>>
      %dma_wait3A_47 = arith.constant 0 : i32
      %dma_wait3A_48 = tpu.memref_slice %arg8[%run_scoped3A_20, %arg1, %dma_wait3A_47] : memref<16x16x640xf32, #tpu.memory_space<vmem_shared>> -> memref<1x1x640xf32, #tpu.memory_space<vmem_shared>>
      %dma_wait3A_49 = tpu.memref_squeeze %dma_wait3A_48 : memref<1x1x640xf32, #tpu.memory_space<vmem_shared>> -> memref<640xf32, #tpu.memory_space<vmem_shared>>
      %dma_wait3A_50 = arith.constant 0 : i32
      %dma_wait3A_51 = tpu.memref_slice %arg8[%run_scoped3A_20, %arg1, %dma_wait3A_50] : memref<16x16x640xf32, #tpu.memory_space<vmem_shared>> -> memref<1x1x640xf32, #tpu.memory_space<vmem_shared>>
      %dma_wait3A_52 = tpu.memref_squeeze %dma_wait3A_51 : memref<1x1x640xf32, #tpu.memory_space<vmem_shared>> -> memref<640xf32, #tpu.memory_space<vmem_shared>>
      %dma_wait3A_53 = arith.constant 5120 : i32
      %dma_wait3A_54 = tpu.memref_slice %arg5[%dma_wait3A_53] : memref<10240xf32, #tpu.memory_space<vmem>> -> memref<640xf32, #tpu.memory_space<vmem>>
      tpu.wait_dma2 semaphore(%run_scoped3A_36 : memref<!tpu.dma_semaphore, #tpu.memory_space<semaphore_mem>>) src(%dma_wait3A_54 : memref<640xf32, #tpu.memory_space<vmem>>) dst(%dma_wait3A_52 : memref<640xf32, #tpu.memory_space<vmem_shared>>)
      tpu.yield
    }) : () -> ()
    %run_scoped3A_21 = arith.constant 9 : i32
    "tpu.region"() ({
      %run_scoped3A_36 = tpu.sem_alloc : memref<!tpu.dma_semaphore, #tpu.memory_space<semaphore_mem>>
      %dma_start3A = arith.constant 5760 : i32
      %dma_start3A_37 = tpu.memref_slice %arg5[%dma_start3A] : memref<10240xf32, #tpu.memory_space<vmem>> -> memref<640xf32, #tpu.memory_space<vmem>>
      %dma_start3A_38 = arith.constant 0 : i32
      %dma_start3A_39 = tpu.memref_slice %arg8[%run_scoped3A_21, %arg1, %dma_start3A_38] : memref<16x16x640xf32, #tpu.memory_space<vmem_shared>> -> memref<1x1x640xf32, #tpu.memory_space<vmem_shared>>
      %dma_start3A_40 = tpu.memref_squeeze %dma_start3A_39 : memref<1x1x640xf32, #tpu.memory_space<vmem_shared>> -> memref<640xf32, #tpu.memory_space<vmem_shared>>
      %dma_start3A_41 = arith.constant 0 : i32
      %dma_start3A_42 = tpu.memref_slice %arg8[%run_scoped3A_21, %arg1, %dma_start3A_41] : memref<16x16x640xf32, #tpu.memory_space<vmem_shared>> -> memref<1x1x640xf32, #tpu.memory_space<vmem_shared>>
      %dma_start3A_43 = tpu.memref_squeeze %dma_start3A_42 : memref<1x1x640xf32, #tpu.memory_space<vmem_shared>> -> memref<640xf32, #tpu.memory_space<vmem_shared>>
      %dma_start3A_44 = arith.constant 5760 : i32
      %dma_start3A_45 = tpu.memref_slice %arg5[%dma_start3A_44] : memref<10240xf32, #tpu.memory_space<vmem>> -> memref<640xf32, #tpu.memory_space<vmem>>
      tpu.enqueue_dma source(%dma_start3A_45 : memref<640xf32, #tpu.memory_space<vmem>>) target(%dma_start3A_43 : memref<640xf32, #tpu.memory_space<vmem_shared>>) target_semaphore(%run_scoped3A_36 : memref<!tpu.dma_semaphore, #tpu.memory_space<semaphore_mem>>)
      %dma_wait3A = arith.constant 5760 : i32
      %dma_wait3A_46 = tpu.memref_slice %arg5[%dma_wait3A] : memref<10240xf32, #tpu.memory_space<vmem>> -> memref<640xf32, #tpu.memory_space<vmem>>
      %dma_wait3A_47 = arith.constant 0 : i32
      %dma_wait3A_48 = tpu.memref_slice %arg8[%run_scoped3A_21, %arg1, %dma_wait3A_47] : memref<16x16x640xf32, #tpu.memory_space<vmem_shared>> -> memref<1x1x640xf32, #tpu.memory_space<vmem_shared>>
      %dma_wait3A_49 = tpu.memref_squeeze %dma_wait3A_48 : memref<1x1x640xf32, #tpu.memory_space<vmem_shared>> -> memref<640xf32, #tpu.memory_space<vmem_shared>>
      %dma_wait3A_50 = arith.constant 0 : i32
      %dma_wait3A_51 = tpu.memref_slice %arg8[%run_scoped3A_21, %arg1, %dma_wait3A_50] : memref<16x16x640xf32, #tpu.memory_space<vmem_shared>> -> memref<1x1x640xf32, #tpu.memory_space<vmem_shared>>
      %dma_wait3A_52 = tpu.memref_squeeze %dma_wait3A_51 : memref<1x1x640xf32, #tpu.memory_space<vmem_shared>> -> memref<640xf32, #tpu.memory_space<vmem_shared>>
      %dma_wait3A_53 = arith.constant 5760 : i32
      %dma_wait3A_54 = tpu.memref_slice %arg5[%dma_wait3A_53] : memref<10240xf32, #tpu.memory_space<vmem>> -> memref<640xf32, #tpu.memory_space<vmem>>
      tpu.wait_dma2 semaphore(%run_scoped3A_36 : memref<!tpu.dma_semaphore, #tpu.memory_space<semaphore_mem>>) src(%dma_wait3A_54 : memref<640xf32, #tpu.memory_space<vmem>>) dst(%dma_wait3A_52 : memref<640xf32, #tpu.memory_space<vmem_shared>>)
      tpu.yield
    }) : () -> ()
    %run_scoped3A_22 = arith.constant 10 : i32
    "tpu.region"() ({
      %run_scoped3A_36 = tpu.sem_alloc : memref<!tpu.dma_semaphore, #tpu.memory_space<semaphore_mem>>
      %dma_start3A = arith.constant 6400 : i32
      %dma_start3A_37 = tpu.memref_slice %arg5[%dma_start3A] : memref<10240xf32, #tpu.memory_space<vmem>> -> memref<640xf32, #tpu.memory_space<vmem>>
      %dma_start3A_38 = arith.constant 0 : i32
      %dma_start3A_39 = tpu.memref_slice %arg8[%run_scoped3A_22, %arg1, %dma_start3A_38] : memref<16x16x640xf32, #tpu.memory_space<vmem_shared>> -> memref<1x1x640xf32, #tpu.memory_space<vmem_shared>>
      %dma_start3A_40 = tpu.memref_squeeze %dma_start3A_39 : memref<1x1x640xf32, #tpu.memory_space<vmem_shared>> -> memref<640xf32, #tpu.memory_space<vmem_shared>>
      %dma_start3A_41 = arith.constant 0 : i32
      %dma_start3A_42 = tpu.memref_slice %arg8[%run_scoped3A_22, %arg1, %dma_start3A_41] : memref<16x16x640xf32, #tpu.memory_space<vmem_shared>> -> memref<1x1x640xf32, #tpu.memory_space<vmem_shared>>
      %dma_start3A_43 = tpu.memref_squeeze %dma_start3A_42 : memref<1x1x640xf32, #tpu.memory_space<vmem_shared>> -> memref<640xf32, #tpu.memory_space<vmem_shared>>
      %dma_start3A_44 = arith.constant 6400 : i32
      %dma_start3A_45 = tpu.memref_slice %arg5[%dma_start3A_44] : memref<10240xf32, #tpu.memory_space<vmem>> -> memref<640xf32, #tpu.memory_space<vmem>>
      tpu.enqueue_dma source(%dma_start3A_45 : memref<640xf32, #tpu.memory_space<vmem>>) target(%dma_start3A_43 : memref<640xf32, #tpu.memory_space<vmem_shared>>) target_semaphore(%run_scoped3A_36 : memref<!tpu.dma_semaphore, #tpu.memory_space<semaphore_mem>>)
      %dma_wait3A = arith.constant 6400 : i32
      %dma_wait3A_46 = tpu.memref_slice %arg5[%dma_wait3A] : memref<10240xf32, #tpu.memory_space<vmem>> -> memref<640xf32, #tpu.memory_space<vmem>>
      %dma_wait3A_47 = arith.constant 0 : i32
      %dma_wait3A_48 = tpu.memref_slice %arg8[%run_scoped3A_22, %arg1, %dma_wait3A_47] : memref<16x16x640xf32, #tpu.memory_space<vmem_shared>> -> memref<1x1x640xf32, #tpu.memory_space<vmem_shared>>
      %dma_wait3A_49 = tpu.memref_squeeze %dma_wait3A_48 : memref<1x1x640xf32, #tpu.memory_space<vmem_shared>> -> memref<640xf32, #tpu.memory_space<vmem_shared>>
      %dma_wait3A_50 = arith.constant 0 : i32
      %dma_wait3A_51 = tpu.memref_slice %arg8[%run_scoped3A_22, %arg1, %dma_wait3A_50] : memref<16x16x640xf32, #tpu.memory_space<vmem_shared>> -> memref<1x1x640xf32, #tpu.memory_space<vmem_shared>>
      %dma_wait3A_52 = tpu.memref_squeeze %dma_wait3A_51 : memref<1x1x640xf32, #tpu.memory_space<vmem_shared>> -> memref<640xf32, #tpu.memory_space<vmem_shared>>
      %dma_wait3A_53 = arith.constant 6400 : i32
      %dma_wait3A_54 = tpu.memref_slice %arg5[%dma_wait3A_53] : memref<10240xf32, #tpu.memory_space<vmem>> -> memref<640xf32, #tpu.memory_space<vmem>>
      tpu.wait_dma2 semaphore(%run_scoped3A_36 : memref<!tpu.dma_semaphore, #tpu.memory_space<semaphore_mem>>) src(%dma_wait3A_54 : memref<640xf32, #tpu.memory_space<vmem>>) dst(%dma_wait3A_52 : memref<640xf32, #tpu.memory_space<vmem_shared>>)
      tpu.yield
    }) : () -> ()
    %run_scoped3A_23 = arith.constant 11 : i32
    "tpu.region"() ({
      %run_scoped3A_36 = tpu.sem_alloc : memref<!tpu.dma_semaphore, #tpu.memory_space<semaphore_mem>>
      %dma_start3A = arith.constant 7040 : i32
      %dma_start3A_37 = tpu.memref_slice %arg5[%dma_start3A] : memref<10240xf32, #tpu.memory_space<vmem>> -> memref<640xf32, #tpu.memory_space<vmem>>
      %dma_start3A_38 = arith.constant 0 : i32
      %dma_start3A_39 = tpu.memref_slice %arg8[%run_scoped3A_23, %arg1, %dma_start3A_38] : memref<16x16x640xf32, #tpu.memory_space<vmem_shared>> -> memref<1x1x640xf32, #tpu.memory_space<vmem_shared>>
      %dma_start3A_40 = tpu.memref_squeeze %dma_start3A_39 : memref<1x1x640xf32, #tpu.memory_space<vmem_shared>> -> memref<640xf32, #tpu.memory_space<vmem_shared>>
      %dma_start3A_41 = arith.constant 0 : i32
      %dma_start3A_42 = tpu.memref_slice %arg8[%run_scoped3A_23, %arg1, %dma_start3A_41] : memref<16x16x640xf32, #tpu.memory_space<vmem_shared>> -> memref<1x1x640xf32, #tpu.memory_space<vmem_shared>>
      %dma_start3A_43 = tpu.memref_squeeze %dma_start3A_42 : memref<1x1x640xf32, #tpu.memory_space<vmem_shared>> -> memref<640xf32, #tpu.memory_space<vmem_shared>>
      %dma_start3A_44 = arith.constant 7040 : i32
      %dma_start3A_45 = tpu.memref_slice %arg5[%dma_start3A_44] : memref<10240xf32, #tpu.memory_space<vmem>> -> memref<640xf32, #tpu.memory_space<vmem>>
      tpu.enqueue_dma source(%dma_start3A_45 : memref<640xf32, #tpu.memory_space<vmem>>) target(%dma_start3A_43 : memref<640xf32, #tpu.memory_space<vmem_shared>>) target_semaphore(%run_scoped3A_36 : memref<!tpu.dma_semaphore, #tpu.memory_space<semaphore_mem>>)
      %dma_wait3A = arith.constant 7040 : i32
      %dma_wait3A_46 = tpu.memref_slice %arg5[%dma_wait3A] : memref<10240xf32, #tpu.memory_space<vmem>> -> memref<640xf32, #tpu.memory_space<vmem>>
      %dma_wait3A_47 = arith.constant 0 : i32
      %dma_wait3A_48 = tpu.memref_slice %arg8[%run_scoped3A_23, %arg1, %dma_wait3A_47] : memref<16x16x640xf32, #tpu.memory_space<vmem_shared>> -> memref<1x1x640xf32, #tpu.memory_space<vmem_shared>>
      %dma_wait3A_49 = tpu.memref_squeeze %dma_wait3A_48 : memref<1x1x640xf32, #tpu.memory_space<vmem_shared>> -> memref<640xf32, #tpu.memory_space<vmem_shared>>
      %dma_wait3A_50 = arith.constant 0 : i32
      %dma_wait3A_51 = tpu.memref_slice %arg8[%run_scoped3A_23, %arg1, %dma_wait3A_50] : memref<16x16x640xf32, #tpu.memory_space<vmem_shared>> -> memref<1x1x640xf32, #tpu.memory_space<vmem_shared>>
      %dma_wait3A_52 = tpu.memref_squeeze %dma_wait3A_51 : memref<1x1x640xf32, #tpu.memory_space<vmem_shared>> -> memref<640xf32, #tpu.memory_space<vmem_shared>>
      %dma_wait3A_53 = arith.constant 7040 : i32
      %dma_wait3A_54 = tpu.memref_slice %arg5[%dma_wait3A_53] : memref<10240xf32, #tpu.memory_space<vmem>> -> memref<640xf32, #tpu.memory_space<vmem>>
      tpu.wait_dma2 semaphore(%run_scoped3A_36 : memref<!tpu.dma_semaphore, #tpu.memory_space<semaphore_mem>>) src(%dma_wait3A_54 : memref<640xf32, #tpu.memory_space<vmem>>) dst(%dma_wait3A_52 : memref<640xf32, #tpu.memory_space<vmem_shared>>)
      tpu.yield
    }) : () -> ()
    %run_scoped3A_24 = arith.constant 12 : i32
    "tpu.region"() ({
      %run_scoped3A_36 = tpu.sem_alloc : memref<!tpu.dma_semaphore, #tpu.memory_space<semaphore_mem>>
      %dma_start3A = arith.constant 7680 : i32
      %dma_start3A_37 = tpu.memref_slice %arg5[%dma_start3A] : memref<10240xf32, #tpu.memory_space<vmem>> -> memref<640xf32, #tpu.memory_space<vmem>>
      %dma_start3A_38 = arith.constant 0 : i32
      %dma_start3A_39 = tpu.memref_slice %arg8[%run_scoped3A_24, %arg1, %dma_start3A_38] : memref<16x16x640xf32, #tpu.memory_space<vmem_shared>> -> memref<1x1x640xf32, #tpu.memory_space<vmem_shared>>
      %dma_start3A_40 = tpu.memref_squeeze %dma_start3A_39 : memref<1x1x640xf32, #tpu.memory_space<vmem_shared>> -> memref<640xf32, #tpu.memory_space<vmem_shared>>
      %dma_start3A_41 = arith.constant 0 : i32
      %dma_start3A_42 = tpu.memref_slice %arg8[%run_scoped3A_24, %arg1, %dma_start3A_41] : memref<16x16x640xf32, #tpu.memory_space<vmem_shared>> -> memref<1x1x640xf32, #tpu.memory_space<vmem_shared>>
      %dma_start3A_43 = tpu.memref_squeeze %dma_start3A_42 : memref<1x1x640xf32, #tpu.memory_space<vmem_shared>> -> memref<640xf32, #tpu.memory_space<vmem_shared>>
      %dma_start3A_44 = arith.constant 7680 : i32
      %dma_start3A_45 = tpu.memref_slice %arg5[%dma_start3A_44] : memref<10240xf32, #tpu.memory_space<vmem>> -> memref<640xf32, #tpu.memory_space<vmem>>
      tpu.enqueue_dma source(%dma_start3A_45 : memref<640xf32, #tpu.memory_space<vmem>>) target(%dma_start3A_43 : memref<640xf32, #tpu.memory_space<vmem_shared>>) target_semaphore(%run_scoped3A_36 : memref<!tpu.dma_semaphore, #tpu.memory_space<semaphore_mem>>)
      %dma_wait3A = arith.constant 7680 : i32
      %dma_wait3A_46 = tpu.memref_slice %arg5[%dma_wait3A] : memref<10240xf32, #tpu.memory_space<vmem>> -> memref<640xf32, #tpu.memory_space<vmem>>
      %dma_wait3A_47 = arith.constant 0 : i32
      %dma_wait3A_48 = tpu.memref_slice %arg8[%run_scoped3A_24, %arg1, %dma_wait3A_47] : memref<16x16x640xf32, #tpu.memory_space<vmem_shared>> -> memref<1x1x640xf32, #tpu.memory_space<vmem_shared>>
      %dma_wait3A_49 = tpu.memref_squeeze %dma_wait3A_48 : memref<1x1x640xf32, #tpu.memory_space<vmem_shared>> -> memref<640xf32, #tpu.memory_space<vmem_shared>>
      %dma_wait3A_50 = arith.constant 0 : i32
      %dma_wait3A_51 = tpu.memref_slice %arg8[%run_scoped3A_24, %arg1, %dma_wait3A_50] : memref<16x16x640xf32, #tpu.memory_space<vmem_shared>> -> memref<1x1x640xf32, #tpu.memory_space<vmem_shared>>
      %dma_wait3A_52 = tpu.memref_squeeze %dma_wait3A_51 : memref<1x1x640xf32, #tpu.memory_space<vmem_shared>> -> memref<640xf32, #tpu.memory_space<vmem_shared>>
      %dma_wait3A_53 = arith.constant 7680 : i32
      %dma_wait3A_54 = tpu.memref_slice %arg5[%dma_wait3A_53] : memref<10240xf32, #tpu.memory_space<vmem>> -> memref<640xf32, #tpu.memory_space<vmem>>
      tpu.wait_dma2 semaphore(%run_scoped3A_36 : memref<!tpu.dma_semaphore, #tpu.memory_space<semaphore_mem>>) src(%dma_wait3A_54 : memref<640xf32, #tpu.memory_space<vmem>>) dst(%dma_wait3A_52 : memref<640xf32, #tpu.memory_space<vmem_shared>>)
      tpu.yield
    }) : () -> ()
    %run_scoped3A_25 = arith.constant 13 : i32
    "tpu.region"() ({
      %run_scoped3A_36 = tpu.sem_alloc : memref<!tpu.dma_semaphore, #tpu.memory_space<semaphore_mem>>
      %dma_start3A = arith.constant 8320 : i32
      %dma_start3A_37 = tpu.memref_slice %arg5[%dma_start3A] : memref<10240xf32, #tpu.memory_space<vmem>> -> memref<640xf32, #tpu.memory_space<vmem>>
      %dma_start3A_38 = arith.constant 0 : i32
      %dma_start3A_39 = tpu.memref_slice %arg8[%run_scoped3A_25, %arg1, %dma_start3A_38] : memref<16x16x640xf32, #tpu.memory_space<vmem_shared>> -> memref<1x1x640xf32, #tpu.memory_space<vmem_shared>>
      %dma_start3A_40 = tpu.memref_squeeze %dma_start3A_39 : memref<1x1x640xf32, #tpu.memory_space<vmem_shared>> -> memref<640xf32, #tpu.memory_space<vmem_shared>>
      %dma_start3A_41 = arith.constant 0 : i32
      %dma_start3A_42 = tpu.memref_slice %arg8[%run_scoped3A_25, %arg1, %dma_start3A_41] : memref<16x16x640xf32, #tpu.memory_space<vmem_shared>> -> memref<1x1x640xf32, #tpu.memory_space<vmem_shared>>
      %dma_start3A_43 = tpu.memref_squeeze %dma_start3A_42 : memref<1x1x640xf32, #tpu.memory_space<vmem_shared>> -> memref<640xf32, #tpu.memory_space<vmem_shared>>
      %dma_start3A_44 = arith.constant 8320 : i32
      %dma_start3A_45 = tpu.memref_slice %arg5[%dma_start3A_44] : memref<10240xf32, #tpu.memory_space<vmem>> -> memref<640xf32, #tpu.memory_space<vmem>>
      tpu.enqueue_dma source(%dma_start3A_45 : memref<640xf32, #tpu.memory_space<vmem>>) target(%dma_start3A_43 : memref<640xf32, #tpu.memory_space<vmem_shared>>) target_semaphore(%run_scoped3A_36 : memref<!tpu.dma_semaphore, #tpu.memory_space<semaphore_mem>>)
      %dma_wait3A = arith.constant 8320 : i32
      %dma_wait3A_46 = tpu.memref_slice %arg5[%dma_wait3A] : memref<10240xf32, #tpu.memory_space<vmem>> -> memref<640xf32, #tpu.memory_space<vmem>>
      %dma_wait3A_47 = arith.constant 0 : i32
      %dma_wait3A_48 = tpu.memref_slice %arg8[%run_scoped3A_25, %arg1, %dma_wait3A_47] : memref<16x16x640xf32, #tpu.memory_space<vmem_shared>> -> memref<1x1x640xf32, #tpu.memory_space<vmem_shared>>
      %dma_wait3A_49 = tpu.memref_squeeze %dma_wait3A_48 : memref<1x1x640xf32, #tpu.memory_space<vmem_shared>> -> memref<640xf32, #tpu.memory_space<vmem_shared>>
      %dma_wait3A_50 = arith.constant 0 : i32
      %dma_wait3A_51 = tpu.memref_slice %arg8[%run_scoped3A_25, %arg1, %dma_wait3A_50] : memref<16x16x640xf32, #tpu.memory_space<vmem_shared>> -> memref<1x1x640xf32, #tpu.memory_space<vmem_shared>>
      %dma_wait3A_52 = tpu.memref_squeeze %dma_wait3A_51 : memref<1x1x640xf32, #tpu.memory_space<vmem_shared>> -> memref<640xf32, #tpu.memory_space<vmem_shared>>
      %dma_wait3A_53 = arith.constant 8320 : i32
      %dma_wait3A_54 = tpu.memref_slice %arg5[%dma_wait3A_53] : memref<10240xf32, #tpu.memory_space<vmem>> -> memref<640xf32, #tpu.memory_space<vmem>>
      tpu.wait_dma2 semaphore(%run_scoped3A_36 : memref<!tpu.dma_semaphore, #tpu.memory_space<semaphore_mem>>) src(%dma_wait3A_54 : memref<640xf32, #tpu.memory_space<vmem>>) dst(%dma_wait3A_52 : memref<640xf32, #tpu.memory_space<vmem_shared>>)
      tpu.yield
    }) : () -> ()
    %run_scoped3A_26 = arith.constant 14 : i32
    "tpu.region"() ({
      %run_scoped3A_36 = tpu.sem_alloc : memref<!tpu.dma_semaphore, #tpu.memory_space<semaphore_mem>>
      %dma_start3A = arith.constant 8960 : i32
      %dma_start3A_37 = tpu.memref_slice %arg5[%dma_start3A] : memref<10240xf32, #tpu.memory_space<vmem>> -> memref<640xf32, #tpu.memory_space<vmem>>
      %dma_start3A_38 = arith.constant 0 : i32
      %dma_start3A_39 = tpu.memref_slice %arg8[%run_scoped3A_26, %arg1, %dma_start3A_38] : memref<16x16x640xf32, #tpu.memory_space<vmem_shared>> -> memref<1x1x640xf32, #tpu.memory_space<vmem_shared>>
      %dma_start3A_40 = tpu.memref_squeeze %dma_start3A_39 : memref<1x1x640xf32, #tpu.memory_space<vmem_shared>> -> memref<640xf32, #tpu.memory_space<vmem_shared>>
      %dma_start3A_41 = arith.constant 0 : i32
      %dma_start3A_42 = tpu.memref_slice %arg8[%run_scoped3A_26, %arg1, %dma_start3A_41] : memref<16x16x640xf32, #tpu.memory_space<vmem_shared>> -> memref<1x1x640xf32, #tpu.memory_space<vmem_shared>>
      %dma_start3A_43 = tpu.memref_squeeze %dma_start3A_42 : memref<1x1x640xf32, #tpu.memory_space<vmem_shared>> -> memref<640xf32, #tpu.memory_space<vmem_shared>>
      %dma_start3A_44 = arith.constant 8960 : i32
      %dma_start3A_45 = tpu.memref_slice %arg5[%dma_start3A_44] : memref<10240xf32, #tpu.memory_space<vmem>> -> memref<640xf32, #tpu.memory_space<vmem>>
      tpu.enqueue_dma source(%dma_start3A_45 : memref<640xf32, #tpu.memory_space<vmem>>) target(%dma_start3A_43 : memref<640xf32, #tpu.memory_space<vmem_shared>>) target_semaphore(%run_scoped3A_36 : memref<!tpu.dma_semaphore, #tpu.memory_space<semaphore_mem>>)
      %dma_wait3A = arith.constant 8960 : i32
      %dma_wait3A_46 = tpu.memref_slice %arg5[%dma_wait3A] : memref<10240xf32, #tpu.memory_space<vmem>> -> memref<640xf32, #tpu.memory_space<vmem>>
      %dma_wait3A_47 = arith.constant 0 : i32
      %dma_wait3A_48 = tpu.memref_slice %arg8[%run_scoped3A_26, %arg1, %dma_wait3A_47] : memref<16x16x640xf32, #tpu.memory_space<vmem_shared>> -> memref<1x1x640xf32, #tpu.memory_space<vmem_shared>>
      %dma_wait3A_49 = tpu.memref_squeeze %dma_wait3A_48 : memref<1x1x640xf32, #tpu.memory_space<vmem_shared>> -> memref<640xf32, #tpu.memory_space<vmem_shared>>
      %dma_wait3A_50 = arith.constant 0 : i32
      %dma_wait3A_51 = tpu.memref_slice %arg8[%run_scoped3A_26, %arg1, %dma_wait3A_50] : memref<16x16x640xf32, #tpu.memory_space<vmem_shared>> -> memref<1x1x640xf32, #tpu.memory_space<vmem_shared>>
      %dma_wait3A_52 = tpu.memref_squeeze %dma_wait3A_51 : memref<1x1x640xf32, #tpu.memory_space<vmem_shared>> -> memref<640xf32, #tpu.memory_space<vmem_shared>>
      %dma_wait3A_53 = arith.constant 8960 : i32
      %dma_wait3A_54 = tpu.memref_slice %arg5[%dma_wait3A_53] : memref<10240xf32, #tpu.memory_space<vmem>> -> memref<640xf32, #tpu.memory_space<vmem>>
      tpu.wait_dma2 semaphore(%run_scoped3A_36 : memref<!tpu.dma_semaphore, #tpu.memory_space<semaphore_mem>>) src(%dma_wait3A_54 : memref<640xf32, #tpu.memory_space<vmem>>) dst(%dma_wait3A_52 : memref<640xf32, #tpu.memory_space<vmem_shared>>)
      tpu.yield
    }) : () -> ()
    %run_scoped3A_27 = arith.constant 15 : i32
    "tpu.region"() ({
      %run_scoped3A_36 = tpu.sem_alloc : memref<!tpu.dma_semaphore, #tpu.memory_space<semaphore_mem>>
      %dma_start3A = arith.constant 9600 : i32
      %dma_start3A_37 = tpu.memref_slice %arg5[%dma_start3A] : memref<10240xf32, #tpu.memory_space<vmem>> -> memref<640xf32, #tpu.memory_space<vmem>>
      %dma_start3A_38 = arith.constant 0 : i32
      %dma_start3A_39 = tpu.memref_slice %arg8[%run_scoped3A_27, %arg1, %dma_start3A_38] : memref<16x16x640xf32, #tpu.memory_space<vmem_shared>> -> memref<1x1x640xf32, #tpu.memory_space<vmem_shared>>
      %dma_start3A_40 = tpu.memref_squeeze %dma_start3A_39 : memref<1x1x640xf32, #tpu.memory_space<vmem_shared>> -> memref<640xf32, #tpu.memory_space<vmem_shared>>
      %dma_start3A_41 = arith.constant 0 : i32
      %dma_start3A_42 = tpu.memref_slice %arg8[%run_scoped3A_27, %arg1, %dma_start3A_41] : memref<16x16x640xf32, #tpu.memory_space<vmem_shared>> -> memref<1x1x640xf32, #tpu.memory_space<vmem_shared>>
      %dma_start3A_43 = tpu.memref_squeeze %dma_start3A_42 : memref<1x1x640xf32, #tpu.memory_space<vmem_shared>> -> memref<640xf32, #tpu.memory_space<vmem_shared>>
      %dma_start3A_44 = arith.constant 9600 : i32
      %dma_start3A_45 = tpu.memref_slice %arg5[%dma_start3A_44] : memref<10240xf32, #tpu.memory_space<vmem>> -> memref<640xf32, #tpu.memory_space<vmem>>
      tpu.enqueue_dma source(%dma_start3A_45 : memref<640xf32, #tpu.memory_space<vmem>>) target(%dma_start3A_43 : memref<640xf32, #tpu.memory_space<vmem_shared>>) target_semaphore(%run_scoped3A_36 : memref<!tpu.dma_semaphore, #tpu.memory_space<semaphore_mem>>)
      %dma_wait3A = arith.constant 9600 : i32
      %dma_wait3A_46 = tpu.memref_slice %arg5[%dma_wait3A] : memref<10240xf32, #tpu.memory_space<vmem>> -> memref<640xf32, #tpu.memory_space<vmem>>
      %dma_wait3A_47 = arith.constant 0 : i32
      %dma_wait3A_48 = tpu.memref_slice %arg8[%run_scoped3A_27, %arg1, %dma_wait3A_47] : memref<16x16x640xf32, #tpu.memory_space<vmem_shared>> -> memref<1x1x640xf32, #tpu.memory_space<vmem_shared>>
      %dma_wait3A_49 = tpu.memref_squeeze %dma_wait3A_48 : memref<1x1x640xf32, #tpu.memory_space<vmem_shared>> -> memref<640xf32, #tpu.memory_space<vmem_shared>>
      %dma_wait3A_50 = arith.constant 0 : i32
      %dma_wait3A_51 = tpu.memref_slice %arg8[%run_scoped3A_27, %arg1, %dma_wait3A_50] : memref<16x16x640xf32, #tpu.memory_space<vmem_shared>> -> memref<1x1x640xf32, #tpu.memory_space<vmem_shared>>
      %dma_wait3A_52 = tpu.memref_squeeze %dma_wait3A_51 : memref<1x1x640xf32, #tpu.memory_space<vmem_shared>> -> memref<640xf32, #tpu.memory_space<vmem_shared>>
      %dma_wait3A_53 = arith.constant 9600 : i32
      %dma_wait3A_54 = tpu.memref_slice %arg5[%dma_wait3A_53] : memref<10240xf32, #tpu.memory_space<vmem>> -> memref<640xf32, #tpu.memory_space<vmem>>
      tpu.wait_dma2 semaphore(%run_scoped3A_36 : memref<!tpu.dma_semaphore, #tpu.memory_space<semaphore_mem>>) src(%dma_wait3A_54 : memref<640xf32, #tpu.memory_space<vmem>>) dst(%dma_wait3A_52 : memref<640xf32, #tpu.memory_space<vmem_shared>>)
      tpu.yield
    }) : () -> ()
    %barrier3A = arith.constant 0 : index
    tpu.barrier barrier_id(%barrier3A)
    "tpu.region"() ({
      %run_scoped3A_36 = tpu.sem_alloc : memref<!tpu.dma_semaphore, #tpu.memory_space<semaphore_mem>>
      %dma_start3A = arith.constant 0 : i32
      %dma_start3A_37 = arith.constant 0 : i32
      %dma_start3A_38 = tpu.memref_slice %arg8[%arg1, %dma_start3A, %dma_start3A_37] : memref<16x16x640xf32, #tpu.memory_space<vmem_shared>> -> memref<1x16x640xf32, #tpu.memory_space<vmem_shared>>
      %dma_start3A_39 = tpu.memref_squeeze %dma_start3A_38 : memref<1x16x640xf32, #tpu.memory_space<vmem_shared>> -> memref<16x640xf32, #tpu.memory_space<vmem_shared>>
      %dma_start3A_40 = arith.constant 0 : i32
      %dma_start3A_41 = arith.constant 0 : i32
      %dma_start3A_42 = tpu.memref_slice %arg8[%arg1, %dma_start3A_40, %dma_start3A_41] : memref<16x16x640xf32, #tpu.memory_space<vmem_shared>> -> memref<1x16x640xf32, #tpu.memory_space<vmem_shared>>
      %dma_start3A_43 = tpu.memref_squeeze %dma_start3A_42 : memref<1x16x640xf32, #tpu.memory_space<vmem_shared>> -> memref<16x640xf32, #tpu.memory_space<vmem_shared>>
      tpu.enqueue_dma source(%dma_start3A_43 : memref<16x640xf32, #tpu.memory_space<vmem_shared>>) target(%arg6 : memref<16x640xf32, #tpu.memory_space<vmem>>) target_semaphore(%run_scoped3A_36 : memref<!tpu.dma_semaphore, #tpu.memory_space<semaphore_mem>>)
      %dma_wait3A = arith.constant 0 : i32
      %dma_wait3A_44 = arith.constant 0 : i32
      %dma_wait3A_45 = tpu.memref_slice %arg8[%arg1, %dma_wait3A, %dma_wait3A_44] : memref<16x16x640xf32, #tpu.memory_space<vmem_shared>> -> memref<1x16x640xf32, #tpu.memory_space<vmem_shared>>
      %dma_wait3A_46 = tpu.memref_squeeze %dma_wait3A_45 : memref<1x16x640xf32, #tpu.memory_space<vmem_shared>> -> memref<16x640xf32, #tpu.memory_space<vmem_shared>>
      %dma_wait3A_47 = arith.constant 0 : i32
      %dma_wait3A_48 = arith.constant 0 : i32
      %dma_wait3A_49 = tpu.memref_slice %arg8[%arg1, %dma_wait3A_47, %dma_wait3A_48] : memref<16x16x640xf32, #tpu.memory_space<vmem_shared>> -> memref<1x16x640xf32, #tpu.memory_space<vmem_shared>>
      %dma_wait3A_50 = tpu.memref_squeeze %dma_wait3A_49 : memref<1x16x640xf32, #tpu.memory_space<vmem_shared>> -> memref<16x640xf32, #tpu.memory_space<vmem_shared>>
      tpu.wait_dma2 semaphore(%run_scoped3A_36 : memref<!tpu.dma_semaphore, #tpu.memory_space<semaphore_mem>>) src(%dma_wait3A_50 : memref<16x640xf32, #tpu.memory_space<vmem_shared>>) dst(%arg6 : memref<16x640xf32, #tpu.memory_space<vmem>>)
      tpu.yield
    }) : () -> ()
    %scan3A_28 = arith.constant 0 : i32
    %scan3A_29 = arith.constant 40 : i32
    %scan3A_30 = arith.addi %scan3A_28, %scan3A_29 : i32
    %scan3A_31 = arith.constant 1 : i32
    scf.for %scan3A_36 = %scan3A_28 to %scan3A_30 step %scan3A_31  : i32 {
      %mul3A_37 = arith.constant 16 : i32
      %mul3A_38 = arith.muli %scan3A_36, %mul3A_37 : i32
      %add3A_39 = arith.constant 0 : i32
      %add3A_40 = arith.addi %add3A_39, %mul3A_38 : i32
      %get3A = arith.constant 0 : i32
      %get3A_41 = arith.index_cast %get3A : i32 to index
      %get3A_42 = arith.index_cast %add3A_40 : i32 to index
      %get3A_43 = tpu.vector_load %arg6[%get3A_41, %get3A_42] {strides = array<i32>} : memref<16x640xf32, #tpu.memory_space<vmem>>, vector<16xf32>,
      %get3A_44 = arith.constant 1 : i32
      %get3A_45 = arith.index_cast %get3A_44 : i32 to index
      %get3A_46 = arith.index_cast %add3A_40 : i32 to index
      %get3A_47 = tpu.vector_load %arg6[%get3A_45, %get3A_46] {strides = array<i32>} : memref<16x640xf32, #tpu.memory_space<vmem>>, vector<16xf32>,
      %add3A_48 = arith.addf %get3A_43, %get3A_47 : vector<16xf32>
      %get3A_49 = arith.constant 2 : i32
      %get3A_50 = arith.index_cast %get3A_49 : i32 to index
      %get3A_51 = arith.index_cast %add3A_40 : i32 to index
      %get3A_52 = tpu.vector_load %arg6[%get3A_50, %get3A_51] {strides = array<i32>} : memref<16x640xf32, #tpu.memory_space<vmem>>, vector<16xf32>,
      %add3A_53 = arith.addf %add3A_48, %get3A_52 : vector<16xf32>
      %get3A_54 = arith.constant 3 : i32
      %get3A_55 = arith.index_cast %get3A_54 : i32 to index
      %get3A_56 = arith.index_cast %add3A_40 : i32 to index
      %get3A_57 = tpu.vector_load %arg6[%get3A_55, %get3A_56] {strides = array<i32>} : memref<16x640xf32, #tpu.memory_space<vmem>>, vector<16xf32>,
      %add3A_58 = arith.addf %add3A_53, %get3A_57 : vector<16xf32>
      %get3A_59 = arith.constant 4 : i32
      %get3A_60 = arith.index_cast %get3A_59 : i32 to index
      %get3A_61 = arith.index_cast %add3A_40 : i32 to index
      %get3A_62 = tpu.vector_load %arg6[%get3A_60, %get3A_61] {strides = array<i32>} : memref<16x640xf32, #tpu.memory_space<vmem>>, vector<16xf32>,
      %add3A_63 = arith.addf %add3A_58, %get3A_62 : vector<16xf32>
      %get3A_64 = arith.constant 5 : i32
      %get3A_65 = arith.index_cast %get3A_64 : i32 to index
      %get3A_66 = arith.index_cast %add3A_40 : i32 to index
      %get3A_67 = tpu.vector_load %arg6[%get3A_65, %get3A_66] {strides = array<i32>} : memref<16x640xf32, #tpu.memory_space<vmem>>, vector<16xf32>,
      %add3A_68 = arith.addf %add3A_63, %get3A_67 : vector<16xf32>
      %get3A_69 = arith.constant 6 : i32
      %get3A_70 = arith.index_cast %get3A_69 : i32 to index
      %get3A_71 = arith.index_cast %add3A_40 : i32 to index
      %get3A_72 = tpu.vector_load %arg6[%get3A_70, %get3A_71] {strides = array<i32>} : memref<16x640xf32, #tpu.memory_space<vmem>>, vector<16xf32>,
      %add3A_73 = arith.addf %add3A_68, %get3A_72 : vector<16xf32>
      %get3A_74 = arith.constant 7 : i32
      %get3A_75 = arith.index_cast %get3A_74 : i32 to index
      %get3A_76 = arith.index_cast %add3A_40 : i32 to index
      %get3A_77 = tpu.vector_load %arg6[%get3A_75, %get3A_76] {strides = array<i32>} : memref<16x640xf32, #tpu.memory_space<vmem>>, vector<16xf32>,
      %add3A_78 = arith.addf %add3A_73, %get3A_77 : vector<16xf32>
      %get3A_79 = arith.constant 8 : i32
      %get3A_80 = arith.index_cast %get3A_79 : i32 to index
      %get3A_81 = arith.index_cast %add3A_40 : i32 to index
      %get3A_82 = tpu.vector_load %arg6[%get3A_80, %get3A_81] {strides = array<i32>} : memref<16x640xf32, #tpu.memory_space<vmem>>, vector<16xf32>,
      %add3A_83 = arith.addf %add3A_78, %get3A_82 : vector<16xf32>
      %get3A_84 = arith.constant 9 : i32
      %get3A_85 = arith.index_cast %get3A_84 : i32 to index
      %get3A_86 = arith.index_cast %add3A_40 : i32 to index
      %get3A_87 = tpu.vector_load %arg6[%get3A_85, %get3A_86] {strides = array<i32>} : memref<16x640xf32, #tpu.memory_space<vmem>>, vector<16xf32>,
      %add3A_88 = arith.addf %add3A_83, %get3A_87 : vector<16xf32>
      %get3A_89 = arith.constant 10 : i32
      %get3A_90 = arith.index_cast %get3A_89 : i32 to index
      %get3A_91 = arith.index_cast %add3A_40 : i32 to index
      %get3A_92 = tpu.vector_load %arg6[%get3A_90, %get3A_91] {strides = array<i32>} : memref<16x640xf32, #tpu.memory_space<vmem>>, vector<16xf32>,
      %add3A_93 = arith.addf %add3A_88, %get3A_92 : vector<16xf32>
      %get3A_94 = arith.constant 11 : i32
      %get3A_95 = arith.index_cast %get3A_94 : i32 to index
      %get3A_96 = arith.index_cast %add3A_40 : i32 to index
      %get3A_97 = tpu.vector_load %arg6[%get3A_95, %get3A_96] {strides = array<i32>} : memref<16x640xf32, #tpu.memory_space<vmem>>, vector<16xf32>,
      %add3A_98 = arith.addf %add3A_93, %get3A_97 : vector<16xf32>
      %get3A_99 = arith.constant 12 : i32
      %get3A_100 = arith.index_cast %get3A_99 : i32 to index
      %get3A_101 = arith.index_cast %add3A_40 : i32 to index
      %get3A_102 = tpu.vector_load %arg6[%get3A_100, %get3A_101] {strides = array<i32>} : memref<16x640xf32, #tpu.memory_space<vmem>>, vector<16xf32>,
      %add3A_103 = arith.addf %add3A_98, %get3A_102 : vector<16xf32>
      %get3A_104 = arith.constant 13 : i32
      %get3A_105 = arith.index_cast %get3A_104 : i32 to index
      %get3A_106 = arith.index_cast %add3A_40 : i32 to index
      %get3A_107 = tpu.vector_load %arg6[%get3A_105, %get3A_106] {strides = array<i32>} : memref<16x640xf32, #tpu.memory_space<vmem>>, vector<16xf32>,
      %add3A_108 = arith.addf %add3A_103, %get3A_107 : vector<16xf32>
      %get3A_109 = arith.constant 14 : i32
      %get3A_110 = arith.index_cast %get3A_109 : i32 to index
      %get3A_111 = arith.index_cast %add3A_40 : i32 to index
      %get3A_112 = tpu.vector_load %arg6[%get3A_110, %get3A_111] {strides = array<i32>} : memref<16x640xf32, #tpu.memory_space<vmem>>, vector<16xf32>,
      %add3A_113 = arith.addf %add3A_108, %get3A_112 : vector<16xf32>
      %get3A_114 = arith.constant 15 : i32
      %get3A_115 = arith.index_cast %get3A_114 : i32 to index
      %get3A_116 = arith.index_cast %add3A_40 : i32 to index
      %get3A_117 = tpu.vector_load %arg6[%get3A_115, %get3A_116] {strides = array<i32>} : memref<16x640xf32, #tpu.memory_space<vmem>>, vector<16xf32>,
      %add3A_118 = arith.addf %add3A_113, %get3A_117 : vector<16xf32>
      %swap3A = arith.index_cast %add3A_40 : i32 to index
      %swap3A_119 = tpu.vector_load %arg7[%swap3A] {strides = array<i32>} : memref<640xf32, #tpu.memory_space<vmem>>, vector<16xf32>,
      tpu.vector_store %arg7[%swap3A], %add3A_118 {strides = array<i32>} : memref<640xf32, #tpu.memory_space<vmem>>, vector<16xf32>,
    }
    %scan3A_32 = arith.constant 40 : i32
    %mul3A_33 = arith.constant 640 : i32
    %mul3A_34 = arith.muli %arg1, %mul3A_33 : i32
    %run_scoped3A_35 = arith.constant 0 : i32
    "tpu.region"() ({
      %run_scoped3A_36 = tpu.sem_alloc : memref<!tpu.dma_semaphore, #tpu.memory_space<semaphore_mem>>
      %dma_start3A = tpu.memref_slice %arg3[%arg0, %run_scoped3A_35, %mul3A_34] : memref<2x1x10240xf32, #tpu.memory_space<hbm>> -> memref<1x1x640xf32, #tpu.memory_space<hbm>>
      %dma_start3A_37 = tpu.memref_squeeze %dma_start3A : memref<1x1x640xf32, #tpu.memory_space<hbm>> -> memref<640xf32, #tpu.memory_space<hbm>>
      %dma_start3A_38 = tpu.memref_slice %arg3[%arg0, %run_scoped3A_35, %mul3A_34] : memref<2x1x10240xf32, #tpu.memory_space<hbm>> -> memref<1x1x640xf32, #tpu.memory_space<hbm>>
      %dma_start3A_39 = tpu.memref_squeeze %dma_start3A_38 : memref<1x1x640xf32, #tpu.memory_space<hbm>> -> memref<640xf32, #tpu.memory_space<hbm>>
      tpu.enqueue_dma source(%arg7 : memref<640xf32, #tpu.memory_space<vmem>>) target(%dma_start3A_39 : memref<640xf32, #tpu.memory_space<hbm>>) target_semaphore(%run_scoped3A_36 : memref<!tpu.dma_semaphore, #tpu.memory_space<semaphore_mem>>)
      %dma_wait3A = tpu.memref_slice %arg3[%arg0, %run_scoped3A_35, %mul3A_34] : memref<2x1x10240xf32, #tpu.memory_space<hbm>> -> memref<1x1x640xf32, #tpu.memory_space<hbm>>
      %dma_wait3A_40 = tpu.memref_squeeze %dma_wait3A : memref<1x1x640xf32, #tpu.memory_space<hbm>> -> memref<640xf32, #tpu.memory_space<hbm>>
      %dma_wait3A_41 = tpu.memref_slice %arg3[%arg0, %run_scoped3A_35, %mul3A_34] : memref<2x1x10240xf32, #tpu.memory_space<hbm>> -> memref<1x1x640xf32, #tpu.memory_space<hbm>>
      %dma_wait3A_42 = tpu.memref_squeeze %dma_wait3A_41 : memref<1x1x640xf32, #tpu.memory_space<hbm>> -> memref<640xf32, #tpu.memory_space<hbm>>
      tpu.wait_dma2 semaphore(%run_scoped3A_36 : memref<!tpu.dma_semaphore, #tpu.memory_space<semaphore_mem>>) src(%arg7 : memref<640xf32, #tpu.memory_space<vmem>>) dst(%dma_wait3A_42 : memref<640xf32, #tpu.memory_space<hbm>>)
      tpu.yield
    }) : () -> ()
    return
  }
}

module attributes {stable_mosaic.version = 14 : i64} {
  func.func @_matmul_scale_body(%arg0: i32, %arg1: memref<2000x2xf32, #tpu.memory_space<vmem>>, %arg2: memref<2000x128xf32, #tpu.memory_space<vmem>>, %arg3: memref<128x128xf32, #tpu.memory_space<vmem>>, %arg4: memref<2000x128xf32, #tpu.memory_space<vmem>>) attributes {dimension_semantics = [#tpu.dimension_semantics<arbitrary>], iteration_bounds = array<i64: 5>, scalar_prefetch = 0 : i64, scratch_operands = 0 : i64, tpu.core_type = #tpu.core_type<tc>, window_params = [{transform_indices = @transform_0, window_bounds = array<i64: 2000, 2>}, {transform_indices = @transform_1, window_bounds = array<i64: 2000, 128>}, {pipeline_mode = #tpu.pipeline_mode<synchronous>, transform_indices = @transform_2, window_bounds = array<i64: 128, 128>}, {transform_indices = @transform_3, window_bounds = array<i64: 2000, 128>}]} {
    %get3A = arith.constant 0 : index
    %get3A_0 = arith.constant 0 : index
    %get3A_1 = vector.load %arg2[%get3A, %get3A_0] : memref<2000x128xf32, #tpu.memory_space<vmem>>, vector<2000x128xf32>
    %get3A_2 = arith.constant 0 : index
    %get3A_3 = arith.constant 0 : index
    %get3A_4 = vector.load %arg3[%get3A_2, %get3A_3] : memref<128x128xf32, #tpu.memory_space<vmem>>, vector<128x128xf32>
    %dot_general3A = arith.constant dense<0.000000e+00> : vector<2000x128xf32>
    %dot_general3A_5 = tpu.matmul %get3A_1, %get3A_4, %dot_general3A {dimension_numbers = #tpu.dot_dimension_numbers<[1], [0], [0], [1], [0, 0, 1, 1], [], []>, transpose_lhs_hint = false} : vector<2000x128xf32>, vector<128x128xf32>, vector<2000x128xf32> -> vector<2000x128xf32>
    %get3A_6 = arith.constant 0 : index
    %get3A_7 = arith.constant 0 : index
    %get3A_8 = vector.load %arg1[%get3A_6, %get3A_7] : memref<2000x2xf32, #tpu.memory_space<vmem>>, vector<2000x2xf32>
    %slice3A = vector.extract_strided_slice %get3A_8 {offsets = [0, 0], sizes = [2000, 1], strides = [1, 1]} : vector<2000x2xf32> to vector<2000x1xf32>
    %slice3A_9 = vector.extract_strided_slice %get3A_8 {offsets = [0, 1], sizes = [2000, 1], strides = [1, 1]} : vector<2000x2xf32> to vector<2000x1xf32>
    %add3A = arith.addf %slice3A, %slice3A_9 : vector<2000x1xf32>
    %gt3A = arith.constant 0.000000e+00 : f32
    %gt3A_10 = vector.broadcast %gt3A : f32 to vector<2000x1xf32>
    %gt3A_11 = arith.cmpf ogt, %add3A, %gt3A_10 : vector<2000x1xf32>
    %rsqrt3A = math.rsqrt %add3A : vector<2000x1xf32>
    %jit3A = arith.constant 0.000000e+00 : f32
    %broadcast_in_dim3A = vector.broadcast %jit3A : f32 to vector<2000x1xf32>
    %select_n3A = arith.select %gt3A_11, %rsqrt3A, %broadcast_in_dim3A : vector<2000x1xi1>, vector<2000x1xf32>
    %mul3A = vector.broadcast %select_n3A : vector<2000x1xf32> to vector<2000x128xf32>
    %mul3A_12 = arith.mulf %mul3A, %dot_general3A_5 : vector<2000x128xf32>
    %swap3A = arith.constant 0 : index
    %swap3A_13 = arith.constant 0 : index
    %swap3A_14 = vector.load %arg4[%swap3A, %swap3A_13] : memref<2000x128xf32, #tpu.memory_space<vmem>>, vector<2000x128xf32>
    tpu.vector_store %arg4[%swap3A, %swap3A_13], %mul3A_12 {strides = array<i32>} : memref<2000x128xf32, #tpu.memory_space<vmem>>, vector<2000x128xf32>,
    return
  }
  func.func @transform_0(%arg0: i32) -> (i32, i32) {
    %c0_i32 = arith.constant 0 : i32
    %c0_i32_0 = arith.constant 0 : i32
    return %arg0, %c0_i32 : i32, i32
  }
  func.func @transform_1(%arg0: i32) -> (i32, i32) {
    %c0_i32 = arith.constant 0 : i32
    %c0_i32_0 = arith.constant 0 : i32
    return %arg0, %c0_i32 : i32, i32
  }
  func.func @transform_2(%arg0: i32) -> (i32, i32) {
    %c0_i32 = arith.constant 0 : i32
    %c0_i32_0 = arith.constant 0 : i32
    %c0_i32_1 = arith.constant 0 : i32
    return %c0_i32, %c0_i32_0 : i32, i32
  }
  func.func @transform_3(%arg0: i32) -> (i32, i32) {
    %c0_i32 = arith.constant 0 : i32
    %c0_i32_0 = arith.constant 0 : i32
    return %arg0, %c0_i32 : i32, i32
  }
}

module attributes {stable_mosaic.version = 14 : i64} {
  func.func @_final_body(%arg0: i32, %arg1: memref<2000x2xf32, #tpu.memory_space<vmem>>, %arg2: memref<2x2000x128xf32, #tpu.memory_space<vmem>>, %arg3: memref<1x128xf32, #tpu.memory_space<vmem>>, %arg4: memref<2000x128xf32, #tpu.memory_space<vmem>>) attributes {dimension_semantics = [#tpu.dimension_semantics<arbitrary>], iteration_bounds = array<i64: 5>, scalar_prefetch = 0 : i64, scratch_operands = 0 : i64, tpu.core_type = #tpu.core_type<tc>, window_params = [{transform_indices = @transform_0, window_bounds = array<i64: 2000, 2>}, {transform_indices = @transform_1, window_bounds = array<i64: 2, 2000, 128>}, {pipeline_mode = #tpu.pipeline_mode<synchronous>, transform_indices = @transform_2, window_bounds = array<i64: 1, 128>}, {transform_indices = @transform_3, window_bounds = array<i64: 2000, 128>}]} {
    %get3A = arith.constant 0 : index
    %get3A_0 = arith.constant 0 : index
    %get3A_1 = vector.load %arg1[%get3A, %get3A_0] : memref<2000x2xf32, #tpu.memory_space<vmem>>, vector<2000x2xf32>
    %slice3A = vector.extract_strided_slice %get3A_1 {offsets = [0, 0], sizes = [2000, 1], strides = [1, 1]} : vector<2000x2xf32> to vector<2000x1xf32>
    %slice3A_2 = vector.extract_strided_slice %get3A_1 {offsets = [0, 1], sizes = [2000, 1], strides = [1, 1]} : vector<2000x2xf32> to vector<2000x1xf32>
    %add3A = arith.addf %slice3A, %slice3A_2 : vector<2000x1xf32>
    %gt3A = arith.constant 0.000000e+00 : f32
    %gt3A_3 = vector.broadcast %gt3A : f32 to vector<2000x1xf32>
    %gt3A_4 = arith.cmpf ogt, %add3A, %gt3A_3 : vector<2000x1xf32>
    %rsqrt3A = math.rsqrt %add3A : vector<2000x1xf32>
    %jit3A = arith.constant 0.000000e+00 : f32
    %broadcast_in_dim3A = vector.broadcast %jit3A : f32 to vector<2000x1xf32>
    %select_n3A = arith.select %gt3A_4, %rsqrt3A, %broadcast_in_dim3A : vector<2000x1xi1>, vector<2000x1xf32>
    %get3A_5 = arith.constant 0 : index
    %get3A_6 = arith.constant 0 : index
    %get3A_7 = arith.constant 0 : index
    %get3A_8 = vector.load %arg2[%get3A_5, %get3A_6, %get3A_7] : memref<2x2000x128xf32, #tpu.memory_space<vmem>>, vector<1x2000x128xf32>
    %get3A_9 = vector.shape_cast %get3A_8 : vector<1x2000x128xf32> to vector<2000x128xf32>
    %get3A_10 = arith.constant 1 : index
    %get3A_11 = arith.constant 0 : index
    %get3A_12 = arith.constant 0 : index
    %get3A_13 = vector.load %arg2[%get3A_10, %get3A_11, %get3A_12] : memref<2x2000x128xf32, #tpu.memory_space<vmem>>, vector<1x2000x128xf32>
    %get3A_14 = vector.shape_cast %get3A_13 : vector<1x2000x128xf32> to vector<2000x128xf32>
    %add3A_15 = arith.addf %get3A_9, %get3A_14 : vector<2000x128xf32>
    %mul3A = vector.broadcast %select_n3A : vector<2000x1xf32> to vector<2000x128xf32>
    %mul3A_16 = arith.mulf %mul3A, %add3A_15 : vector<2000x128xf32>
    %get3A_17 = arith.constant 0 : index
    %get3A_18 = arith.constant 0 : index
    %get3A_19 = vector.load %arg3[%get3A_17, %get3A_18] : memref<1x128xf32, #tpu.memory_space<vmem>>, vector<1x128xf32>
    %add3A_20 = vector.broadcast %get3A_19 : vector<1x128xf32> to vector<2000x128xf32>
    %add3A_21 = arith.addf %mul3A_16, %add3A_20 : vector<2000x128xf32>
    %swap3A = arith.constant 0 : index
    %swap3A_22 = arith.constant 0 : index
    %swap3A_23 = vector.load %arg4[%swap3A, %swap3A_22] : memref<2000x128xf32, #tpu.memory_space<vmem>>, vector<2000x128xf32>
    tpu.vector_store %arg4[%swap3A, %swap3A_22], %add3A_21 {strides = array<i32>} : memref<2000x128xf32, #tpu.memory_space<vmem>>, vector<2000x128xf32>,
    return
  }
  func.func @transform_0(%arg0: i32) -> (i32, i32) {
    %c0_i32 = arith.constant 0 : i32
    %c0_i32_0 = arith.constant 0 : i32
    return %arg0, %c0_i32 : i32, i32
  }
  func.func @transform_1(%arg0: i32) -> (i32, i32, i32) {
    %c0_i32 = arith.constant 0 : i32
    %c0_i32_0 = arith.constant 0 : i32
    %c0_i32_1 = arith.constant 0 : i32
    return %c0_i32, %arg0, %c0_i32_0 : i32, i32, i32
  }
  func.func @transform_2(%arg0: i32) -> (i32, i32) {
    %c0_i32 = arith.constant 0 : i32
    %c0_i32_0 = arith.constant 0 : i32
    %c0_i32_1 = arith.constant 0 : i32
    return %c0_i32, %c0_i32_0 : i32, i32
  }
  func.func @transform_3(%arg0: i32) -> (i32, i32) {
    %c0_i32 = arith.constant 0 : i32
    %c0_i32_0 = arith.constant 0 : i32
    return %arg0, %c0_i32 : i32, i32
  }
}

</mosaic_0001>

<sc_bundles>
// kernel: kernel.6.cloned.1.call-start
scs
__scs_entry_jumppad:
0x0: {  	(pc) =	sbr.rel $0x88, $3  }
0x1: {  	(tag) =	ssettag $0x0;
	lr =	simm.s32 $0x1  }
0x2: {  	[smem:$0x3F9D] =	sst lr;
	_ =	strace $0xD0000000  }
0x3: {  	_ = 	snop  }
0x4: {  	_ = 	snop  }
0x5: {  	_ = 	snop  }
0x6: {  	_ = 	snop  }
0x7: {  	_ = 	snop  }
__scs_overlays_trampoline_lowered:
0x8: {  	[smem:$0x3FAC] =	sst s0  }
0x9: {  	[smem:$0x3FAD] =	sst s1  }
0xa: {  	[smem:$0x3FAE] =	sst s2  }
0xb: {  	[smem:$0x3FAF] =	sst s3  }
0xc: {  	[smem:$0x3FB0] =	sst s4  }
0xd: {  	[smem:$0x3FB1] =	sst s5  }
0xe: {  	[smem:$0x3FB2] =	sst s6  }
0xf: {  	[smem:$0x3FB3] =	sst s7  }
0x10: {  	[smem:$0x3FB4] =	sst s8  }
0x11: {  	[smem:$0x3FB5] =	sst s9;
	s0 =	simm.s32 @!p0 $0x0  }
0x12: {  	s1 =	sld [smem:$0x3F9B];
	s0 =	simm.s32 @p0 $0x1  }
0x13: {  	[smem:$0x3FB6] =	sst s0;
	s0 =	simm.s32 @!p1 $0x0  }
0x14: {  	s2 =	sld [smem:$0x3F9A];
	s0 =	simm.s32 @p1 $0x1  }
0x15: {  	[smem:$0x3FB7] =	sst s0;
	s0 =	simm.s32 @!p2 $0x0  }
0x16: {  	s3 =	sld [smem:$0x3FDB];
	s0 =	simm.s32 @p2 $0x1  }
0x17: {  	s4 =	simm.s32 $0x1BF5;
	[smem:$0x3FB9] =	sst s0  }
0x18: {  	s0 =	sld [smem:$0x3F9C];
	_ =	swait.ge [sflag:s4], $0x0  }
0x19: {  	s7 =	sld [smem:$0x3F9D]  }
0x1a: {  	s8 =	sadd.s32 $0xFFFFE003, lr  }
0x1b: {  	s9 =	sadd.s32 $0xFFFFFEF7, lr;
	s5 =	simm.s32 $0xFFFFFFFF;
	p2 =	slt.u32 s8, $0xFFFFF086  }
0x1c: {  	p1 =	slt.u32 s9, $0xF7A;
	s5 =	simm.s32 @!p2 $0x0  }
0x1d: {  	s5 =	simm.s32 @p1 $0x1;
	p0 =	seq.s32 s7, s2  }
0x1e: {  	s7 =	smul.u32 @!p0 $0xF7A, s2;
	p2 =	seq.s32 @!p0 s5, $0x0  }
0x1f: {  	s9 =	smul.u32 $0xF7A, s1;
	s8 =	simm.s32 @!p0 $0x1BF5;
	p2 =	por !p2, p0  }
0x20: {  	[sflag:s8] =	ssyncset.s32 @!p0 $0xFFFFF086;
	s6 =	sadd.s32 @!p0 s3, s7;
	s7 =	simm.s32 @!p0 $0x108  }
0x21: {  	s3 =	sadd.s32 s3, s9;
	s6 =	sadd.s32 @!p0 $0x88, s6;
	s7 =	simm.s32 @p2 $0x1082  }
0x22: {  	[simem:s7], [sflag:s8] =	dma.local @!p0 [hbm:s6], $0xF7A  }
0x23: {  	s9 =	sor.u32 $0xD0000000, s2;
	s6 =	simm.s32 $0x108;
	_ =	swait.ge @!p0 [sflag:s8], $0x0  }
0x24: {  	s3 =	sadd.s32 $0x88, s3;
	s6 =	simm.s32 @!p1 $0x1082;
	[sflag:s4] =	ssyncset.s32 $0xFFFFF086  }
0x25: {  	[simem:s6], [sflag:s4] =	dma.local [hbm:s3], $0xF7A  }
0x26: {  	[smem:$0x3F9D] =	sst s1;
	(tag) =	ssettag s2;
	_ =	strace s9  }
0x27: {  	s1 =	sld [smem:$0x3FAD]  }
0x28: {  	s2 =	sld [smem:$0x3FAE]  }
0x29: {  	s4 =	sld [smem:$0x3FB0]  }
0x2a: {  	p0 =	seq.s32 s5, $0x0;
	s5 =	sld [smem:$0x3FB1]  }
0x2b: {  	s6 =	sld [smem:$0x3FB2]  }
0x2c: {  	s7 =	sld [smem:$0x3FB3]  }
0x2d: {  	s3 =	simm.s32 $0x108;
	s8 =	sld [smem:$0x3FB4]  }
0x2e: {  	s3 =	simm.s32 @!p0 $0x1082;
	s9 =	sld [smem:$0x3FB5]  }
0x2f: {  	lr =	sadd.s32 s0, s3;
	s0 =	sld [smem:$0x3FAC]  }
0x30: {  	s3 =	sld [smem:$0x3FAF]  }
0x31: {  	[smem:$0x3FB8] =	sst s10  }
0x32: {  	s10 =	sld [smem:$0x3FB6];
	_ =	sdelay $0x3  }
0x33: {  	p0 =	seq.s32 s10, $0x1;
	s10 =	sld [smem:$0x3FB8];
	_ =	sdelay $0x3  }
0x34: {  	[smem:$0x3FB8] =	sst s10  }
0x35: {  	s10 =	sld [smem:$0x3FB7];
	_ =	sdelay $0x3  }
0x36: {  	p1 =	seq.s32 s10, $0x1;
	s10 =	sld [smem:$0x3FB8];
	_ =	sdelay $0x3  }
0x37: {  	[smem:$0x3FB8] =	sst s10  }
0x38: {  	s10 =	sld [smem:$0x3FB9]  }
0x39: {  	_ = 	snop;
	(pc) =	sbr.ind lr, $3  }
0x3a: {  	_ = 	snop  }
0x3b: {  	_ = 	snop  }
0x3c: {  	p2 =	seq.s32 s10, $0x1;
	s10 =	sld [smem:$0x3FB8]  }
0x3d: {  	_ =	shalt  }
0x3e: {  	_ =	shalt  }
0x3f: {  	_ =	shalt  }
0x40: {  	_ =	shalt  }
0x41: {  	_ =	shalt  }
0x42: {  	_ =	shalt  }
0x43: {  	_ =	shalt  }
0x44: {  	_ =	shalt  }
0x45: {  	_ =	shalt  }
0x46: {  	_ =	shalt  }
0x47: {  	_ =	shalt  }
0x48: {  	_ =	shalt  }
0x49: {  	_ =	shalt  }
0x4a: {  	_ =	shalt  }
0x4b: {  	_ =	shalt  }
0x4c: {  	_ =	shalt  }
0x4d: {  	_ =	shalt  }
0x4e: {  	_ =	shalt  }
0x4f: {  	_ =	shalt  }
0x50: {  	_ =	shalt  }
0x51: {  	_ =	shalt  }
0x52: {  	_ =	shalt  }
0x53: {  	_ =	shalt  }
0x54: {  	_ =	shalt  }
0x55: {  	_ =	shalt  }
0x56: {  	_ =	shalt  }
0x57: {  	_ =	shalt  }
0x58: {  	_ =	shalt  }
0x59: {  	_ =	shalt  }
0x5a: {  	_ =	shalt  }
0x5b: {  	_ =	shalt  }
0x5c: {  	_ =	shalt  }
0x5d: {  	_ =	shalt  }
0x5e: {  	_ =	shalt  }
0x5f: {  	_ =	shalt  }
0x60: {  	_ =	shalt  }
0x61: {  	_ =	shalt  }
0x62: {  	_ =	shalt  }
0x63: {  	_ =	shalt  }
0x64: {  	_ =	shalt  }
0x65: {  	_ =	shalt  }
0x66: {  	_ =	shalt  }
0x67: {  	_ =	shalt  }
0x68: {  	_ =	shalt  }
0x69: {  	_ =	shalt  }
0x6a: {  	_ =	shalt  }
0x6b: {  	_ =	shalt  }
0x6c: {  	_ =	shalt  }
0x6d: {  	_ =	shalt  }
0x6e: {  	_ =	shalt  }
0x6f: {  	_ =	shalt  }
0x70: {  	_ =	shalt  }
0x71: {  	_ =	shalt  }
0x72: {  	_ =	shalt  }
0x73: {  	_ =	shalt  }
0x74: {  	_ =	shalt  }
0x75: {  	_ =	shalt  }
0x76: {  	_ =	shalt  }
0x77: {  	_ =	shalt  }
0x78: {  	_ =	shalt  }
0x79: {  	_ =	shalt  }
0x7a: {  	_ =	shalt  }
0x7b: {  	_ =	shalt  }
0x7c: {  	_ =	shalt  }
0x7d: {  	_ =	shalt  }
0x7e: {  	_ =	shalt  }
0x7f: {  	_ =	shalt  }
0x80: {  	_ =	shalt  }
0x81: {  	_ =	shalt  }
0x82: {  	_ =	shalt  }
0x83: {  	_ =	shalt  }
0x84: {  	_ =	shalt  }
0x85: {  	_ =	shalt  }
0x86: {  	_ =	shalt  }
0x87: {  	_ =	shalt  }
.Lfunc_end0:
.L_simem_size_0:
called_computation_lowered:
.L_overlay_start_0:
0x88: {  	s2 =	sld [smem:$0x3FD9]  }
0x89: {  	s3 =	sld [smem:$0x3FFE];
	_ =	sdelay $0x1  }
0x8a: {  	s1 =	srdreg.scid  }
0x8b: {  	s0 =	sand.u32 $0x1, s1  }
0x8c: {  	s17 =	sshll.u32 s0, $0xA;
	s2 =	sadd.s32 s3, s2  }
0x8d: {  	s2 =	sadd.s32 s2, s17  }
0x8e: {  	[smem:$0x3FC4] =	sst s2  }
0x8f: {  	_ = 	snop  }
0x90: {  	s2 =	sld [smem:$0x3FD0];
	(tm) =	ssettm $0x1  }
0x91: {  	s18 =	sld [smem:$0x3FFB];
	_ =	sdelay $0x3  }
0x92: {  	_ =	strace s18  }
0x93: {  	s3 =	sld [smem:$0x3FFC];
	_ =	sdelay $0x3  }
0x94: {  	_ =	strace s3  }
0x95: {  	s3 =	sld [smem:$0x3FFD];
	_ =	sdelay $0x3  }
0x96: {  	_ =	strace s3  }
0x97: {  	_ =	strace $0x8FFFFFFF  }
0x98: {  	s19 =	sld [smem:$0x3FDB];
	_ =	sdelay $0x1  }
0x99: {  	s4 =	simm.s32 $_scs_section_size  }
0x9a: {  	s5 =	simm.s32 $_size__tile_overlayer_lowered;
	s6 =	simm.s32 $_tile_overlayer_lowered  }
0x9b: {  	s22 =	simm.s32 $0x1BFF;
	s21 =	sshll.u32 s6, $0x1;
	s3 =	sadd.s32 s4, s19  }
0x9c: {  	s7 =	simm.s32 $0x0;
	s20 =	sshll.u32 s5, $0x1;
	s5 =	sadd.s32 s21, s3  }
0x9d: {  	[timem:s7], [sflag:s22] =	dma.local [hbm:s5], s20  }
0x9e: {  	_ =	swait.ge [sflag:s22], s20  }
0x9f: {  	s4 =	ssub.s32 $0x0, s20;
	[sflag:s22] =	ssyncset.done $0x0  }
0xa0: {  	[sflag:s22] =	ssyncadd.s32 s4;
	_ =	sdelay $0x1  }
0xa1: {  	s23 =	simm.s32 $0x1B8B  }
0xa2: {  	_ =	swait.ge [sflag:s23], $0x1  }
0xa3: {  	[sflag:s23] =	ssyncset.done $0x0  }
0xa4: {  	s25 =	simm.s32 $0x1B8E;
	s24 =	sld [smem:$0x3FFE];
	[sflag:s23] =	ssyncadd.s32 $0xFFFFFFFF  }
0xa5: {  	s26 =	simm.s32 $execute0_lowered;
	[smem:$0x3FD2] =	sst s25  }
0xa6: {  	s5 =	sshll.u32 s26, $0x1;
	_ =	strace $0x80000046;
	[dreg:$0x1] =	wrdreg $0xFFFFFFFF  }
0xa7: {  	s28 =	simm.s32 $_size_execute0_lowered;
	s3 =	sadd.s32 s3, s5;
	[dreg:$0x0] =	wrdreg $0x0  }
0xa8: {  	s5 =	sshll.u32 s28, $0x1;
	[dreg:$0x2] =	wrdreg s3  }
0xa9: {  	[dreg:$0x3] =	wrdreg s5  }
0xaa: {  	[dreg:$0x4] =	wrdreg $0xC0  }
0xab: {  	_ =	task [dreg:s7], $0x5FFFF  }
0xac: {  	[dreg:$0x1] =	wrdreg $0xFFFFFFFF  }
0xad: {  	[dreg:$0x0] =	wrdreg $0x60  }
0xae: {  	[dreg:$0x2] =	wrdreg s2  }
0xaf: {  	[dreg:$0x3] =	wrdreg s24  }
0xb0: {  	[dreg:$0x4] =	wrdreg $0x7A000  }
0xb1: {  	[dreg:$0x5] =	wrdreg $0x9  }
0xb2: {  	_ =	task.clear_ibuf [dreg:s7], $0x6FFFF;
	_ =	strace $0x90000046  }
0xb3: {  	s29 =	simm.s32 $0x9;
	_ =	strace $0x80000048  }
0xb4: {  	_ =	swait.ge [sflag:s29], $0x1  }
0xb5: {  	[sflag:s29] =	ssyncadd.s32 $0xFFFFFFFF  }
0xb6: {  	_ =	strace $0x90000048  }
0xb7: {  	_ =	sfence  }
0xb8: {  	s30 =	sld [smem:$0x0];
	_ =	sdelay $0x2  }
0xb9: {  	s31 =	sshll.u32 s1, $0xD;
	s1 =	sshrl.u32 s1, $0x2  }
0xba: {  	s3 =	sand.u32 $0x4000, s31;
	s1 =	sadd.s32 s1, s30  }
0xbb: {  	s0 =	sor.u32 s3, s0;
	s1 =	sshll.u32 s1, $0x11  }
0xbc: {  	s0 =	sor.u32 s1, s0  }
0xbd: {  	s0 =	sadd.s32 $0x8F2B, s0  }
0xbe: {  	[sflag:s0] =	ssyncadd.remote.s32 $0x1  }
0xbf: {  	_ =	sfence.sel $0xFFFF  }
0xc0: {  	[dreg:$0x0] =	wrdreg $0xFFFFFFFF;
	(pc) =	sbr.abs _section_cstart, $3  }
0xc1: {  	[dreg:$0x1] =	wrdreg $0xFFFFFFFF  }
0xc2: {  	_ =	task.clear_ibuf [dreg:s7], $0x2FFFF;
	_ =	strace $0x9FFFFFFF  }
0xc3: {  	(tm) =	ssettm $0x7FFFFFFF  }
tec
execute0_lowered:
.L_overlay_start_1:
0x0: {  	(tag) =	ssettag $0x1  }
0x1: {  	s0 =	rddreg [dreg:$0x0]  }
0x2: {  	s1 =	rddreg [dreg:$0x1];
	s2 =	srdreg.scid  }
0x3: {  	s20 =	rddreg [dreg:$0x2];
	s13 =	stileid.u32  }
0x4: {  	s5 =	simm.s32 $0x0;
	s30 =	simm.s32 $0x7780;
	s31 =	simm.s32 $0x0  }
0x5: {  	s2 =	sand.u32 $0x1, s2;
	s4 =	smul.u32 $0x280, s13;
	[smem:$0x7FF] =	sst s5  }
0x6: {  	s24 =	sshrl.u32 s13, $0x2;
	s6 =	sshll.u32 s13, $0x8;
	s29 =	smul.u32 $0xA000, s13  }
0x7: {  	s7 =	sshrl.u32 s13, $0x3;
	s26 =	sshll.u32 s13, $0x7;
	s3 =	smul.u32 $0x2800, s2  }
0x8: {  	_ =	strace $0x80000047;
	s23 =	ssub.s32 $0x2, s2;
	s5 =	smul.u32 $0x13C00, s24  }
0x9: {  	s2 =	sshll.u32 s2, $0x7;
	s6 =	sand.u32 $0x300, s6;
	s7 =	smul.u32 $0x5000, s7  }
0xa: {  	s24 =	simm.s32 $0x400;
	s25 =	sshrl.u32 s23, $0x1;
	s2 =	sor.u32 s2, s6  }
0xb: {  	s3 =	sadd.s32 s4, s3;
	s2 =	sor.u32 s5, s2;
	s28 =	sshrl.u32 s7, $0x2  }
0xc: {  	s5 =	sand.u32 $0x380, s26;
	s22 =	ssub.s32 s23, s25;
	s23 =	simm.s32 $0x80  }
0xd: {  	s25 =	simm.s32 $0x1;
	s26 =	simm.s32 $0x2780;
	s3 =	sshrl.u32 s3, $0x3  }
0xe: {  	s2 =	sshrl.u32 s2, $0x3;
	s6 =	sadd.s32 s28, s20;
	s22 =	smax.u32 s22, $0x1  }
0xf: {  	s1 =	sadd.s32 s3, s1;
	s3 =	sadd.s32 s0, s2;
	s4 =	sadd.s32 s5, s6  }
0x10: {  	s0 =	sshrl.u32 s29, $0x2;
	s5 =	sadd.s32 $0x2800, s4;
	s6 =	sadd.s32 $0x5000, s4  }
0x11: {  	s7 =	sadd.s32 $0x7800, s4;
	s8 =	sadd.s32 $0xA000, s4;
	s9 =	sadd.s32 $0xC800, s4  }
0x12: {  	s10 =	sadd.s32 $0xF000, s4;
	s11 =	sadd.s32 $0x11800, s4;
	s12 =	sadd.s32 $0x14000, s4  }
0x13: {  	s13 =	sadd.s32 $0x16800, s4;
	s14 =	sadd.s32 $0x19000, s4;
	s15 =	sadd.s32 $0x1B800, s4  }
0x14: {  	s16 =	sadd.s32 $0x1E000, s4;
	s17 =	sadd.s32 $0x20800, s4;
	s18 =	sadd.s32 $0x23000, s4  }
0x15: {  	v0 =	vimm.f32 $0.0e+00;
	v1 =	vimm.f32 $1.000000000e+00;
	s19 =	sadd.s32 $0x25800, s4;
	s20 =	sadd.s32 s0, s20;
	s21 =	sadd.s32 $0x1000, s1  }
.LBB2_1:
0x16: {  	s0 =	simm.s32 $0x40;
	s1 =	simm.s32 $0x0  }
.LBB2_2:
0x17: {  	p0 =	sne.s32 s0, $0x9FC0;
	[tilespmem:s1+$0x2780] =	vst v0;
	s1 =	smov.u32 s0;
	s0 =	sadd.s32 $0x40, s0  }
.Ltmp0:
0x18: {  	(pc) =	sbr.rel @p0 .LBB2_2-.Ltmp0, $2  }
0x19: {  	_ =	sdelay $0x2  }
0x1a: {  	s1 =	sshra.s32 s1, $0x2  }
0x1b: {  	[tilespmem:s1+$0x2780] =	vst v0;
	s0 =	simm.s32 $0x0  }
0x1c: {  	[tilespmem:s0], [sflag:$0x1] =	stream.strided.gather [hbm4b:s3+s23], $0x2780, s24, s23, $0x38;
	[tilespmem:$0xA200] =	vst v63  }
0x1d: {  	_ =	swait.ge [sflag:s25], $0x2780  }
0x1e: {  	[sflag:s25] =	ssyncset.done $0x0  }
0x1f: {  	s1 =	simm.s32 $0x0;
	s0 =	simm.s32 $0x40;
	[sflag:s25] =	ssyncadd.s32 $0xFFFFD880  }
.LBB2_4:
0x20: {  	p0 =	sne.s32 s0, $0x9C00;
	v2 =	vld [tilespmem:s1+$0x0];
	_ =	sdelay $0x3  }
.Ltmp1:
0x21: {  	(pc) =	sbr.rel @p0 .LBB2_4-.Ltmp1, $2  }
0x22: {  	_ =	sdelay $0x2  }
0x23: {  	s1 =	sshra.s32 s0, $0x2;
	s0 =	sadd.s32 $0x40, s0;
	[tilespmem:v2+s26+$0x0] =	vst.idx.add.f32.msk $0xffff, v1  }
0x24: {  	v2 =	vld [tilespmem:s1+$0x0];
	_ =	sdelay $0x7  }
0x25: {  	[tilespmem:v2+s26+$0x0] =	vst.idx.add.f32.msk $0xffff, v1  }
0x26: {  	[spmem:s4] =	stream.strided.scatter [tilespmem:s26], [sflag:$0x1], $0x280, s24, s23, $0x38;
	[tilespmem:$0xA200] =	vst v63  }
0x27: {  	_ =	swait.ge [sflag:s25], $0x280  }
0x28: {  	[sflag:s25] =	ssyncset.done $0x0  }
0x29: {  	s0 =	simm.s32 $0x2A00;
	[sflag:s25] =	ssyncadd.s32 $0xFFFFFD80  }
0x2a: {  	[spmem:s5] =	stream.strided.scatter [tilespmem:s0], [sflag:$0x1], $0x280, s24, s23, $0x38;
	[tilespmem:$0xA200] =	vst v63  }
0x2b: {  	_ =	swait.ge [sflag:s25], $0x280  }
0x2c: {  	[sflag:s25] =	ssyncset.done $0x0  }
0x2d: {  	s1 =	simm.s32 $0x2C80;
	[sflag:s25] =	ssyncadd.s32 $0xFFFFFD80  }
0x2e: {  	[spmem:s6] =	stream.strided.scatter [tilespmem:s1], [sflag:$0x1], $0x280, s24, s23, $0x38;
	[tilespmem:$0xA200] =	vst v63  }
0x2f: {  	_ =	swait.ge [sflag:s25], $0x280  }
0x30: {  	[sflag:s25] =	ssyncset.done $0x0  }
0x31: {  	s2 =	simm.s32 $0x2F00;
	[sflag:s25] =	ssyncadd.s32 $0xFFFFFD80  }
0x32: {  	[spmem:s7] =	stream.strided.scatter [tilespmem:s2], [sflag:$0x1], $0x280, s24, s23, $0x38;
	[tilespmem:$0xA200] =	vst v63  }
0x33: {  	_ =	swait.ge [sflag:s25], $0x280  }
0x34: {  	[sflag:s25] =	ssyncset.done $0x0  }
0x35: {  	s29 =	simm.s32 $0x3180;
	[sflag:s25] =	ssyncadd.s32 $0xFFFFFD80  }
0x36: {  	[spmem:s8] =	stream.strided.scatter [tilespmem:s29], [sflag:$0x1], $0x280, s24, s23, $0x38;
	[tilespmem:$0xA200] =	vst v63  }
0x37: {  	_ =	swait.ge [sflag:s25], $0x280  }
0x38: {  	[sflag:s25] =	ssyncset.done $0x0  }
0x39: {  	s1 =	simm.s32 $0x3400;
	[sflag:s25] =	ssyncadd.s32 $0xFFFFFD80  }
0x3a: {  	[spmem:s9] =	stream.strided.scatter [tilespmem:s1], [sflag:$0x1], $0x280, s24, s23, $0x38;
	[tilespmem:$0xA200] =	vst v63  }
0x3b: {  	_ =	swait.ge [sflag:s25], $0x280  }
0x3c: {  	[sflag:s25] =	ssyncset.done $0x0  }
0x3d: {  	s2 =	simm.s32 $0x3680;
	[sflag:s25] =	ssyncadd.s32 $0xFFFFFD80  }
0x3e: {  	[spmem:s10] =	stream.strided.scatter [tilespmem:s2], [sflag:$0x1], $0x280, s24, s23, $0x38;
	[tilespmem:$0xA200] =	vst v63  }
0x3f: {  	_ =	swait.ge [sflag:s25], $0x280  }
0x40: {  	[sflag:s25] =	ssyncset.done $0x0  }
0x41: {  	s29 =	simm.s32 $0x3900;
	[sflag:s25] =	ssyncadd.s32 $0xFFFFFD80  }
0x42: {  	[spmem:s11] =	stream.strided.scatter [tilespmem:s29], [sflag:$0x1], $0x280, s24, s23, $0x38;
	[tilespmem:$0xA200] =	vst v63  }
0x43: {  	_ =	swait.ge [sflag:s25], $0x280  }
0x44: {  	[sflag:s25] =	ssyncset.done $0x0  }
0x45: {  	s1 =	simm.s32 $0x3B80;
	[sflag:s25] =	ssyncadd.s32 $0xFFFFFD80  }
0x46: {  	[spmem:s12] =	stream.strided.scatter [tilespmem:s1], [sflag:$0x1], $0x280, s24, s23, $0x38;
	[tilespmem:$0xA200] =	vst v63  }
0x47: {  	_ =	swait.ge [sflag:s25], $0x280  }
0x48: {  	[sflag:s25] =	ssyncset.done $0x0  }
0x49: {  	s2 =	simm.s32 $0x3E00;
	[sflag:s25] =	ssyncadd.s32 $0xFFFFFD80  }
0x4a: {  	[spmem:s13] =	stream.strided.scatter [tilespmem:s2], [sflag:$0x1], $0x280, s24, s23, $0x38;
	[tilespmem:$0xA200] =	vst v63  }
0x4b: {  	_ =	swait.ge [sflag:s25], $0x280  }
0x4c: {  	[sflag:s25] =	ssyncset.done $0x0  }
0x4d: {  	s29 =	simm.s32 $0x4080;
	[sflag:s25] =	ssyncadd.s32 $0xFFFFFD80  }
0x4e: {  	[spmem:s14] =	stream.strided.scatter [tilespmem:s29], [sflag:$0x1], $0x280, s24, s23, $0x38;
	[tilespmem:$0xA200] =	vst v63  }
0x4f: {  	_ =	swait.ge [sflag:s25], $0x280  }
0x50: {  	[sflag:s25] =	ssyncset.done $0x0  }
0x51: {  	s1 =	simm.s32 $0x4300;
	[sflag:s25] =	ssyncadd.s32 $0xFFFFFD80  }
0x52: {  	[spmem:s15] =	stream.strided.scatter [tilespmem:s1], [sflag:$0x1], $0x280, s24, s23, $0x38;
	[tilespmem:$0xA200] =	vst v63  }
0x53: {  	_ =	swait.ge [sflag:s25], $0x280  }
0x54: {  	[sflag:s25] =	ssyncset.done $0x0  }
0x55: {  	s2 =	simm.s32 $0x4580;
	[sflag:s25] =	ssyncadd.s32 $0xFFFFFD80  }
0x56: {  	[spmem:s16] =	stream.strided.scatter [tilespmem:s2], [sflag:$0x1], $0x280, s24, s23, $0x38;
	[tilespmem:$0xA200] =	vst v63  }
0x57: {  	_ =	swait.ge [sflag:s25], $0x280  }
0x58: {  	[sflag:s25] =	ssyncset.done $0x0  }
0x59: {  	s29 =	simm.s32 $0x4800;
	[sflag:s25] =	ssyncadd.s32 $0xFFFFFD80  }
0x5a: {  	[spmem:s17] =	stream.strided.scatter [tilespmem:s29], [sflag:$0x1], $0x280, s24, s23, $0x38;
	[tilespmem:$0xA200] =	vst v63  }
0x5b: {  	_ =	swait.ge [sflag:s25], $0x280  }
0x5c: {  	[sflag:s25] =	ssyncset.done $0x0  }
0x5d: {  	s1 =	simm.s32 $0x4A80;
	[sflag:s25] =	ssyncadd.s32 $0xFFFFFD80  }
0x5e: {  	[spmem:s18] =	stream.strided.scatter [tilespmem:s1], [sflag:$0x1], $0x280, s24, s23, $0x38;
	[tilespmem:$0xA200] =	vst v63  }
0x5f: {  	_ =	swait.ge [sflag:s25], $0x280  }
0x60: {  	[sflag:s25] =	ssyncset.done $0x0  }
0x61: {  	s2 =	simm.s32 $0x4D00;
	[sflag:s25] =	ssyncadd.s32 $0xFFFFFD80  }
0x62: {  	[spmem:s19] =	stream.strided.scatter [tilespmem:s2], [sflag:$0x1], $0x280, s24, s23, $0x38;
	[tilespmem:$0xA200] =	vst v63  }
0x63: {  	_ =	swait.ge [sflag:s25], $0x280  }
0x64: {  	[sflag:s25] =	ssyncset.done $0x0  }
0x65: {  	[sflag:s25] =	ssyncadd.s32 $0xFFFFFD80  }
0x66: {  	s29 =	simm.s32 $0x4F80;
	[bflag:$0x0] =	sbarrier.arrive $0xFFFF  }
0x67: {  	[tilespmem:s29], [sflag:$0x1] =	stream.linear.gather [spmem:s20], $0x2800, $0x38;
	[tilespmem:$0xA200] =	vst v63  }
0x68: {  	s1 =	simm.s32 $0x0;
	_ =	swait.ge [sflag:s25], $0x2800  }
0x69: {  	s0 =	sand.u32 $0x1C00, s1;
	s2 =	sand.u32 $0x70, s1;
	[sflag:s25] =	ssyncset.done $0x0  }
0x6a: {  	s0 =	sor.u32 s2, s0;
	[sflag:s25] =	ssyncadd.s32 $0xFFFFD800  }
0x6b: {  	v2 =	vld [tilespmem:s0+$0x5000]  }
0x6c: {  	v3 =	vld [tilespmem:s0+$0x4F80];
	_ =	sdelay $0x1  }
0x6d: {  	v4 =	vld [tilespmem:s0+$0x5080];
	_ =	sdelay $0x1  }
0x6e: {  	v5 =	vld [tilespmem:s0+$0x5100]  }
0x6f: {  	v2 =	vadd.f32 v2, v3  }
0x70: {  	v3 =	vld [tilespmem:s0+$0x5180]  }
0x71: {  	v2 =	vadd.f32 v4, v2  }
0x72: {  	v56 =	vld [tilespmem:s0+$0x5200]  }
0x73: {  	v2 =	vadd.f32 v5, v2  }
0x74: {  	v57 =	vld [tilespmem:s0+$0x5280]  }
0x75: {  	v2 =	vadd.f32 v3, v2  }
0x76: {  	v3 =	vld [tilespmem:s0+$0x5300]  }
0x77: {  	v2 =	vadd.f32 v56, v2  }
0x78: {  	v58 =	vld [tilespmem:s0+$0x6380]  }
0x79: {  	v2 =	vadd.f32 v57, v2  }
0x7a: {  	v59 =	vld [tilespmem:s0+$0x6400]  }
0x7b: {  	v2 =	vadd.f32 v3, v2  }
0x7c: {  	v3 =	vld [tilespmem:s0+$0x6480]  }
0x7d: {  	v2 =	vadd.f32 v58, v2  }
0x7e: {  	v60 =	vld [tilespmem:s0+$0x6500]  }
0x7f: {  	v2 =	vadd.f32 v59, v2  }
0x80: {  	v61 =	vld [tilespmem:s0+$0x6580]  }
0x81: {  	v2 =	vadd.f32 v3, v2  }
0x82: {  	v3 =	vld [tilespmem:s0+$0x6600]  }
0x83: {  	v2 =	vadd.f32 v60, v2  }
0x84: {  	v62 =	vld [tilespmem:s0+$0x6680]  }
0x85: {  	v2 =	vadd.f32 v61, v2  }
0x86: {  	v63 =	vld [tilespmem:s0+$0x6700]  }
0x87: {  	v2 =	vadd.f32 v3, v2;
	_ =	sdelay $0x1  }
0x88: {  	v2 =	vadd.f32 v62, v2;
	_ =	sdelay $0x1  }
0x89: {  	s2 =	simm.s32 $0x80;
	s29 =	simm.s32 $0x10;
	v2 =	vadd.f32 v63, v2  }
0x8a: {  	s28 =	sand.u32 $0x1C00, s2;
	s1 =	sand.u32 $0x70, s29;
	s0 =	simm.s32 $0x7780  }
0x8b: {  	s1 =	sor.u32 s1, s28;
	s28 =	simm.s32 $0x20;
	[tilespmem:s0+$0x0] =	vst v2  }
.LBB2_6:
0x8c: {  	p0 =	sne.s32 s28, $0x270;
	v2 =	vld [tilespmem:s1+$0x5000]  }
0x8d: {  	v3 =	vld [tilespmem:s1+$0x4F80];
	_ =	sdelay $0x1  }
0x8e: {  	v4 =	vld [tilespmem:s1+$0x5080];
	_ =	sdelay $0x1  }
0x8f: {  	v5 =	vld [tilespmem:s1+$0x5100]  }
0x90: {  	v2 =	vadd.f32 v2, v3  }
0x91: {  	v3 =	vld [tilespmem:s1+$0x5180]  }
0x92: {  	v2 =	vadd.f32 v4, v2  }
0x93: {  	v4 =	vld [tilespmem:s1+$0x5200]  }
0x94: {  	v2 =	vadd.f32 v5, v2  }
0x95: {  	v5 =	vld [tilespmem:s1+$0x5280]  }
0x96: {  	v2 =	vadd.f32 v3, v2  }
0x97: {  	v3 =	vld [tilespmem:s1+$0x5300]  }
0x98: {  	v2 =	vadd.f32 v4, v2  }
0x99: {  	v4 =	vld [tilespmem:s1+$0x6380]  }
0x9a: {  	v2 =	vadd.f32 v5, v2  }
0x9b: {  	v5 =	vld [tilespmem:s1+$0x6400]  }
0x9c: {  	v2 =	vadd.f32 v3, v2  }
0x9d: {  	v3 =	vld [tilespmem:s1+$0x6480]  }
0x9e: {  	v2 =	vadd.f32 v4, v2  }
0x9f: {  	v4 =	vld [tilespmem:s1+$0x6500]  }
0xa0: {  	v2 =	vadd.f32 v5, v2  }
0xa1: {  	v5 =	vld [tilespmem:s1+$0x6580]  }
0xa2: {  	v2 =	vadd.f32 v3, v2  }
0xa3: {  	v3 =	vld [tilespmem:s1+$0x6600]  }
0xa4: {  	v2 =	vadd.f32 v4, v2  }
0xa5: {  	v4 =	vld [tilespmem:s1+$0x6680]  }
0xa6: {  	v2 =	vadd.f32 v5, v2  }
0xa7: {  	v5 =	vld [tilespmem:s1+$0x6700]  }
0xa8: {  	v2 =	vadd.f32 v3, v2;
	_ =	sdelay $0x1  }
.Ltmp2:
0xa9: {  	v2 =	vadd.f32 v4, v2;
	(pc) =	sbr.rel @p0 .LBB2_6-.Ltmp2, $4  }
0xaa: {  	_ = 	snop  }
0xab: {  	s2 =	sadd.s32 $0x80, s2;
	v2 =	vadd.f32 v5, v2  }
0xac: {  	s0 =	sadd.s32 $0x10, s0;
	s29 =	sand.u32 $0x1C00, s2;
	s1 =	sand.u32 $0x70, s28  }
0xad: {  	s28 =	sadd.s32 $0x10, s28;
	s1 =	sor.u32 s1, s29;
	[tilespmem:s0+$0x0] =	vst v2  }
0xae: {  	v2 =	vld [tilespmem:s1+$0x5000]  }
0xaf: {  	v3 =	vld [tilespmem:s1+$0x4F80];
	_ =	sdelay $0x1  }
0xb0: {  	v4 =	vld [tilespmem:s1+$0x5080];
	_ =	sdelay $0x1  }
0xb1: {  	v5 =	vld [tilespmem:s1+$0x5100]  }
0xb2: {  	v2 =	vadd.f32 v2, v3  }
0xb3: {  	v3 =	vld [tilespmem:s1+$0x5180]  }
0xb4: {  	v2 =	vadd.f32 v4, v2  }
0xb5: {  	v56 =	vld [tilespmem:s1+$0x5200]  }
0xb6: {  	v2 =	vadd.f32 v5, v2  }
0xb7: {  	v57 =	vld [tilespmem:s1+$0x5280]  }
0xb8: {  	v2 =	vadd.f32 v3, v2  }
0xb9: {  	v3 =	vld [tilespmem:s1+$0x5300]  }
0xba: {  	v2 =	vadd.f32 v56, v2  }
0xbb: {  	v58 =	vld [tilespmem:s1+$0x6380]  }
0xbc: {  	v2 =	vadd.f32 v57, v2  }
0xbd: {  	v59 =	vld [tilespmem:s1+$0x6400]  }
0xbe: {  	v2 =	vadd.f32 v3, v2  }
0xbf: {  	v3 =	vld [tilespmem:s1+$0x6480]  }
0xc0: {  	v2 =	vadd.f32 v58, v2  }
0xc1: {  	v60 =	vld [tilespmem:s1+$0x6500]  }
0xc2: {  	v2 =	vadd.f32 v59, v2  }
0xc3: {  	v61 =	vld [tilespmem:s1+$0x6580]  }
0xc4: {  	v2 =	vadd.f32 v3, v2  }
0xc5: {  	v3 =	vld [tilespmem:s1+$0x6600]  }
0xc6: {  	v2 =	vadd.f32 v60, v2  }
0xc7: {  	v62 =	vld [tilespmem:s1+$0x6680]  }
0xc8: {  	v2 =	vadd.f32 v61, v2  }
0xc9: {  	v63 =	vld [tilespmem:s1+$0x6700]  }
0xca: {  	v2 =	vadd.f32 v3, v2;
	_ =	sdelay $0x1  }
0xcb: {  	v2 =	vadd.f32 v62, v2;
	_ =	sdelay $0x1  }
0xcc: {  	s31 =	sadd.s32 $0x1, s31;
	v2 =	vadd.f32 v63, v2  }
0xcd: {  	s0 =	sadd.s32 $0x10, s0;
	p0 =	sne.s32 s31, s22  }
.Ltmp3:
0xce: {  	s29 =	simm.s32 $0x0;
	[tilespmem:s0+$0x0] =	vst v2;
	(pc) =	sbr.rel @p0 .LBB2_1-.Ltmp3, $4  }
0xcf: {  	[hbm4b:s21+s29] =	stream.linear.scatter [tilespmem:s30], [sflag:$0x1], $0x280, $0x38;
	[tilespmem:$0xA200] =	vst v63  }
0xd0: {  	_ =	swait.ge [sflag:s25], $0x280  }
0xd1: {  	[sflag:s25] =	ssyncset.done $0x0  }
0xd2: {  	[sflag:s25] =	ssyncadd.s32 $0xFFFFFD80  }
0xd3: {  	_ =	sfence.sel $0x180000  }
0xd4: {  	[bflag:$0x0] =	sbarrier.arrive $0xFFFF  }
0xd5: {  	_ =	strace $0x90000047  }
0xd6: {  	s0 =	stileid.u32;
	[bflag:$0x2] =	sbarrier.arrive $0xFFFF  }
0xd7: {  	p0 =	sne.s32 s0, $0x0;
	s0 =	rddreg [dreg:$0x3]  }
0xd8: {  	s0 =	sadd.s32 @!p0 $0x100000, s0  }
0xd9: {  	[sflag:s0] =	ssyncadd.tile.s32 @!p0 $0x1;
	_ =	shalt  }
.Lfunc_end2:
_tile_overlayer_lowered:
.L_overlay_start_2:
0xda: {  	(tag) =	ssettag $0x2  }
0xdb: {  	s0 =	rddreg [dreg:$0x0];
	s2 =	stileid.u32  }
0xdc: {  	s1 =	rddreg [dreg:$0x1];
	p0 =	sne.s32 s2, $0x0  }
0xdd: {  	s3 =	rddreg [dreg:$0x2];
	[bflag:$0x3] =	sbarrier.arrive $0xFFFF;
	s2 =	simm.s32 @!p0 $0x1C01  }
0xde: {  	[timem:s3], [sflag:s2] =	dma.local @!p0 [hbm:s0], s1  }
0xdf: {  	s0 =	simm.s32 @!p0 $0x1  }
0xe0: {  	_ =	swait.ge @!p0 [sflag:s0], s1  }
0xe1: {  	s1 =	ssub.s32 @!p0 $0x0, s1;
	[sflag:s0] =	ssyncset.done @!p0 $0x0  }
0xe2: {  	[sflag:s0] =	ssyncadd.s32 @!p0 s1  }
0xe3: {  	[bflag:$0x3] =	sbarrier.arrive $0xFFFF  }
0xe4: {  	_ =	shalt  }

// kernel: kernel.9.cloned.1.call-start
scs
__scs_entry_jumppad:
0x0: {  	(pc) =	sbr.rel $0x88, $3  }
0x1: {  	(tag) =	ssettag $0x0;
	lr =	simm.s32 $0x1  }
0x2: {  	[smem:$0x3F9D] =	sst lr;
	_ =	strace $0xD0000000  }
0x3: {  	_ = 	snop  }
0x4: {  	_ = 	snop  }
0x5: {  	_ = 	snop  }
0x6: {  	_ = 	snop  }
0x7: {  	_ = 	snop  }
__scs_overlays_trampoline_lowered:
0x8: {  	[smem:$0x3FAC] =	sst s0  }
0x9: {  	[smem:$0x3FAD] =	sst s1  }
0xa: {  	[smem:$0x3FAE] =	sst s2  }
0xb: {  	[smem:$0x3FAF] =	sst s3  }
0xc: {  	[smem:$0x3FB0] =	sst s4  }
0xd: {  	[smem:$0x3FB1] =	sst s5  }
0xe: {  	[smem:$0x3FB2] =	sst s6  }
0xf: {  	[smem:$0x3FB3] =	sst s7  }
0x10: {  	[smem:$0x3FB4] =	sst s8  }
0x11: {  	[smem:$0x3FB5] =	sst s9;
	s0 =	simm.s32 @!p0 $0x0  }
0x12: {  	s1 =	sld [smem:$0x3F9B];
	s0 =	simm.s32 @p0 $0x1  }
0x13: {  	[smem:$0x3FB6] =	sst s0;
	s0 =	simm.s32 @!p1 $0x0  }
0x14: {  	s2 =	sld [smem:$0x3F9A];
	s0 =	simm.s32 @p1 $0x1  }
0x15: {  	[smem:$0x3FB7] =	sst s0;
	s0 =	simm.s32 @!p2 $0x0  }
0x16: {  	s3 =	sld [smem:$0x3FDB];
	s0 =	simm.s32 @p2 $0x1  }
0x17: {  	s4 =	simm.s32 $0x1BF5;
	[smem:$0x3FB9] =	sst s0  }
0x18: {  	s0 =	sld [smem:$0x3F9C];
	_ =	swait.ge [sflag:s4], $0x0  }
0x19: {  	s7 =	sld [smem:$0x3F9D]  }
0x1a: {  	s8 =	sadd.s32 $0xFFFFE003, lr  }
0x1b: {  	s9 =	sadd.s32 $0xFFFFFEF7, lr;
	s5 =	simm.s32 $0xFFFFFFFF;
	p2 =	slt.u32 s8, $0xFFFFF086  }
0x1c: {  	p1 =	slt.u32 s9, $0xF7A;
	s5 =	simm.s32 @!p2 $0x0  }
0x1d: {  	s5 =	simm.s32 @p1 $0x1;
	p0 =	seq.s32 s7, s2  }
0x1e: {  	s7 =	smul.u32 @!p0 $0xF7A, s2;
	p2 =	seq.s32 @!p0 s5, $0x0  }
0x1f: {  	s9 =	smul.u32 $0xF7A, s1;
	s8 =	simm.s32 @!p0 $0x1BF5;
	p2 =	por !p2, p0  }
0x20: {  	[sflag:s8] =	ssyncset.s32 @!p0 $0xFFFFF086;
	s6 =	sadd.s32 @!p0 s3, s7;
	s7 =	simm.s32 @!p0 $0x108  }
0x21: {  	s3 =	sadd.s32 s3, s9;
	s6 =	sadd.s32 @!p0 $0x88, s6;
	s7 =	simm.s32 @p2 $0x1082  }
0x22: {  	[simem:s7], [sflag:s8] =	dma.local @!p0 [hbm:s6], $0xF7A  }
0x23: {  	s9 =	sor.u32 $0xD0000000, s2;
	s6 =	simm.s32 $0x108;
	_ =	swait.ge @!p0 [sflag:s8], $0x0  }
0x24: {  	s3 =	sadd.s32 $0x88, s3;
	s6 =	simm.s32 @!p1 $0x1082;
	[sflag:s4] =	ssyncset.s32 $0xFFFFF086  }
0x25: {  	[simem:s6], [sflag:s4] =	dma.local [hbm:s3], $0xF7A  }
0x26: {  	[smem:$0x3F9D] =	sst s1;
	(tag) =	ssettag s2;
	_ =	strace s9  }
0x27: {  	s1 =	sld [smem:$0x3FAD]  }
0x28: {  	s2 =	sld [smem:$0x3FAE]  }
0x29: {  	s4 =	sld [smem:$0x3FB0]  }
0x2a: {  	p0 =	seq.s32 s5, $0x0;
	s5 =	sld [smem:$0x3FB1]  }
0x2b: {  	s6 =	sld [smem:$0x3FB2]  }
0x2c: {  	s7 =	sld [smem:$0x3FB3]  }
0x2d: {  	s3 =	simm.s32 $0x108;
	s8 =	sld [smem:$0x3FB4]  }
0x2e: {  	s3 =	simm.s32 @!p0 $0x1082;
	s9 =	sld [smem:$0x3FB5]  }
0x2f: {  	lr =	sadd.s32 s0, s3;
	s0 =	sld [smem:$0x3FAC]  }
0x30: {  	s3 =	sld [smem:$0x3FAF]  }
0x31: {  	[smem:$0x3FB8] =	sst s10  }
0x32: {  	s10 =	sld [smem:$0x3FB6];
	_ =	sdelay $0x3  }
0x33: {  	p0 =	seq.s32 s10, $0x1;
	s10 =	sld [smem:$0x3FB8];
	_ =	sdelay $0x3  }
0x34: {  	[smem:$0x3FB8] =	sst s10  }
0x35: {  	s10 =	sld [smem:$0x3FB7];
	_ =	sdelay $0x3  }
0x36: {  	p1 =	seq.s32 s10, $0x1;
	s10 =	sld [smem:$0x3FB8];
	_ =	sdelay $0x3  }
0x37: {  	[smem:$0x3FB8] =	sst s10  }
0x38: {  	s10 =	sld [smem:$0x3FB9]  }
0x39: {  	_ = 	snop;
	(pc) =	sbr.ind lr, $3  }
0x3a: {  	_ = 	snop  }
0x3b: {  	_ = 	snop  }
0x3c: {  	p2 =	seq.s32 s10, $0x1;
	s10 =	sld [smem:$0x3FB8]  }
0x3d: {  	_ =	shalt  }
0x3e: {  	_ =	shalt  }
0x3f: {  	_ =	shalt  }
0x40: {  	_ =	shalt  }
0x41: {  	_ =	shalt  }
0x42: {  	_ =	shalt  }
0x43: {  	_ =	shalt  }
0x44: {  	_ =	shalt  }
0x45: {  	_ =	shalt  }
0x46: {  	_ =	shalt  }
0x47: {  	_ =	shalt  }
0x48: {  	_ =	shalt  }
0x49: {  	_ =	shalt  }
0x4a: {  	_ =	shalt  }
0x4b: {  	_ =	shalt  }
0x4c: {  	_ =	shalt  }
0x4d: {  	_ =	shalt  }
0x4e: {  	_ =	shalt  }
0x4f: {  	_ =	shalt  }
0x50: {  	_ =	shalt  }
0x51: {  	_ =	shalt  }
0x52: {  	_ =	shalt  }
0x53: {  	_ =	shalt  }
0x54: {  	_ =	shalt  }
0x55: {  	_ =	shalt  }
0x56: {  	_ =	shalt  }
0x57: {  	_ =	shalt  }
0x58: {  	_ =	shalt  }
0x59: {  	_ =	shalt  }
0x5a: {  	_ =	shalt  }
0x5b: {  	_ =	shalt  }
0x5c: {  	_ =	shalt  }
0x5d: {  	_ =	shalt  }
0x5e: {  	_ =	shalt  }
0x5f: {  	_ =	shalt  }
0x60: {  	_ =	shalt  }
0x61: {  	_ =	shalt  }
0x62: {  	_ =	shalt  }
0x63: {  	_ =	shalt  }
0x64: {  	_ =	shalt  }
0x65: {  	_ =	shalt  }
0x66: {  	_ =	shalt  }
0x67: {  	_ =	shalt  }
0x68: {  	_ =	shalt  }
0x69: {  	_ =	shalt  }
0x6a: {  	_ =	shalt  }
0x6b: {  	_ =	shalt  }
0x6c: {  	_ =	shalt  }
0x6d: {  	_ =	shalt  }
0x6e: {  	_ =	shalt  }
0x6f: {  	_ =	shalt  }
0x70: {  	_ =	shalt  }
0x71: {  	_ =	shalt  }
0x72: {  	_ =	shalt  }
0x73: {  	_ =	shalt  }
0x74: {  	_ =	shalt  }
0x75: {  	_ =	shalt  }
0x76: {  	_ =	shalt  }
0x77: {  	_ =	shalt  }
0x78: {  	_ =	shalt  }
0x79: {  	_ =	shalt  }
0x7a: {  	_ =	shalt  }
0x7b: {  	_ =	shalt  }
0x7c: {  	_ =	shalt  }
0x7d: {  	_ =	shalt  }
0x7e: {  	_ =	shalt  }
0x7f: {  	_ =	shalt  }
0x80: {  	_ =	shalt  }
0x81: {  	_ =	shalt  }
0x82: {  	_ =	shalt  }
0x83: {  	_ =	shalt  }
0x84: {  	_ =	shalt  }
0x85: {  	_ =	shalt  }
0x86: {  	_ =	shalt  }
0x87: {  	_ =	shalt  }
.Lfunc_end0:
.L_simem_size_0:
called_computation.1_lowered:
.L_overlay_start_0:
0x88: {  	s2 =	sld [smem:$0x3FD9]  }
0x89: {  	s3 =	sld [smem:$0x3FFE];
	_ =	sdelay $0x1  }
0x8a: {  	s1 =	srdreg.scid  }
0x8b: {  	s0 =	sand.u32 $0x1, s1  }
0x8c: {  	s17 =	sshll.u32 s0, $0xA;
	s2 =	sadd.s32 s3, s2  }
0x8d: {  	s2 =	sadd.s32 s2, s17  }
0x8e: {  	[smem:$0x3FC4] =	sst s2  }
0x8f: {  	_ = 	snop  }
0x90: {  	s2 =	sld [smem:$0x3FD0];
	(tm) =	ssettm $0x1  }
0x91: {  	s18 =	sld [smem:$0x3FFB];
	_ =	sdelay $0x3  }
0x92: {  	_ =	strace s18  }
0x93: {  	s3 =	sld [smem:$0x3FFC];
	_ =	sdelay $0x3  }
0x94: {  	_ =	strace s3  }
0x95: {  	s3 =	sld [smem:$0x3FFD];
	_ =	sdelay $0x3  }
0x96: {  	_ =	strace s3  }
0x97: {  	_ =	strace $0x8FFFFFFF  }
0x98: {  	s19 =	sld [smem:$0x3FDB];
	_ =	sdelay $0x1  }
0x99: {  	s4 =	simm.s32 $_scs_section_size  }
0x9a: {  	s5 =	simm.s32 $_size__tile_overlayer_lowered;
	s6 =	simm.s32 $_tile_overlayer_lowered  }
0x9b: {  	s22 =	simm.s32 $0x1BFF;
	s21 =	sshll.u32 s6, $0x1;
	s3 =	sadd.s32 s4, s19  }
0x9c: {  	s7 =	simm.s32 $0x0;
	s20 =	sshll.u32 s5, $0x1;
	s5 =	sadd.s32 s21, s3  }
0x9d: {  	[timem:s7], [sflag:s22] =	dma.local [hbm:s5], s20  }
0x9e: {  	_ =	swait.ge [sflag:s22], s20  }
0x9f: {  	s4 =	ssub.s32 $0x0, s20;
	[sflag:s22] =	ssyncset.done $0x0  }
0xa0: {  	[sflag:s22] =	ssyncadd.s32 s4;
	_ =	sdelay $0x1  }
0xa1: {  	s23 =	simm.s32 $0x1B8B  }
0xa2: {  	_ =	swait.ge [sflag:s23], $0x1  }
0xa3: {  	[sflag:s23] =	ssyncset.done $0x0  }
0xa4: {  	s25 =	simm.s32 $0x1B8E;
	s24 =	sld [smem:$0x3FFE];
	[sflag:s23] =	ssyncadd.s32 $0xFFFFFFFF  }
0xa5: {  	s26 =	simm.s32 $execute0_lowered;
	[smem:$0x3FD2] =	sst s25  }
0xa6: {  	s5 =	sshll.u32 s26, $0x1;
	_ =	strace $0x80000049;
	[dreg:$0x1] =	wrdreg $0xFFFFFFFF  }
0xa7: {  	s28 =	simm.s32 $_size_execute0_lowered;
	s3 =	sadd.s32 s3, s5;
	[dreg:$0x0] =	wrdreg $0x0  }
0xa8: {  	s5 =	sshll.u32 s28, $0x1;
	[dreg:$0x2] =	wrdreg s3  }
0xa9: {  	[dreg:$0x3] =	wrdreg s5  }
0xaa: {  	[dreg:$0x4] =	wrdreg $0xC0  }
0xab: {  	_ =	task [dreg:s7], $0x5FFFF  }
0xac: {  	[dreg:$0x1] =	wrdreg $0xFFFFFFFF  }
0xad: {  	[dreg:$0x0] =	wrdreg $0x60  }
0xae: {  	[dreg:$0x2] =	wrdreg s2  }
0xaf: {  	[dreg:$0x3] =	wrdreg s24  }
0xb0: {  	[dreg:$0x4] =	wrdreg $0xB8000  }
0xb1: {  	[dreg:$0x5] =	wrdreg $0x9  }
0xb2: {  	_ =	task.clear_ibuf [dreg:s7], $0x6FFFF;
	_ =	strace $0x90000049  }
0xb3: {  	s29 =	simm.s32 $0x9;
	_ =	strace $0x8000004B  }
0xb4: {  	_ =	swait.ge [sflag:s29], $0x1  }
0xb5: {  	[sflag:s29] =	ssyncadd.s32 $0xFFFFFFFF  }
0xb6: {  	_ =	strace $0x9000004B  }
0xb7: {  	_ =	sfence  }
0xb8: {  	s30 =	sld [smem:$0x0];
	_ =	sdelay $0x2  }
0xb9: {  	s31 =	sshll.u32 s1, $0xD;
	s1 =	sshrl.u32 s1, $0x2  }
0xba: {  	s3 =	sand.u32 $0x4000, s31;
	s1 =	sadd.s32 s1, s30  }
0xbb: {  	s0 =	sor.u32 s3, s0;
	s1 =	sshll.u32 s1, $0x11  }
0xbc: {  	s0 =	sor.u32 s1, s0  }
0xbd: {  	s0 =	sadd.s32 $0x8F2B, s0  }
0xbe: {  	[sflag:s0] =	ssyncadd.remote.s32 $0x1  }
0xbf: {  	_ =	sfence.sel $0xFFFF  }
0xc0: {  	[dreg:$0x0] =	wrdreg $0xFFFFFFFF;
	(pc) =	sbr.abs _section_cstart, $3  }
0xc1: {  	[dreg:$0x1] =	wrdreg $0xFFFFFFFF  }
0xc2: {  	_ =	task.clear_ibuf [dreg:s7], $0x2FFFF;
	_ =	strace $0x9FFFFFFF  }
0xc3: {  	(tm) =	ssettm $0x7FFFFFFF  }
tec
execute0_lowered:
.L_overlay_start_1:
0x0: {  	(tag) =	ssettag $0x1  }
0x1: {  	s1 =	rddreg [dreg:$0x0]  }
0x2: {  	s0 =	rddreg [dreg:$0x1]  }
0x3: {  	s2 =	rddreg [dreg:$0x2];
	s3 =	srdreg.scid;
	s4 =	simm.s32 $0x0  }
0x4: {  	s12 =	stileid.u32;
	s14 =	simm.s32 $0xA;
	s29 =	simm.s32 $0x7C00  }
0x5: {  	s31 =	simm.s32 $0x9000;
	s13 =	simm.s32 $0x3;
	s15 =	simm.s32 $0x7  }
0x6: {  	s17 =	simm.s32 $0x8;
	s30 =	simm.s32 $0x1;
	s16 =	simm.s32 $0x0  }
0x7: {  	s3 =	sand.u32 $0x1, s3;
	[smem:$0x7FF] =	sst s4;
	s8 =	smul.u32 $0x14000, s12  }
0x8: {  	s5 =	sadd.s32 $0x1A00, s0;
	s6 =	sadd.s32 $0x29A00, s0;
	s9 =	sadd.s32 $0x51A00, s0  }
0x9: {  	s18 =	sshll.u32 s12, $0x1;
	s10 =	smul.u32 $0x50000, s12;
	s20 =	sshll.u32 s12, $0x6  }
0xa: {  	s7 =	smul.u32 $0x140000, s3;
	_ =	strace $0x8000004A;
	[dreg:$0x8] =	wrdreg s9  }
0xb: {  	s9 =	sor.u32 s3, s18;
	s19 =	ssub.s32 $0x2, s3;
	[dreg:$0x6] =	wrdreg s6  }
0xc: {  	s3 =	smul.u32 $0xA000, s3;
	s12 =	sor.u32 $0x1C0A, s20;
	[dreg:$0x7] =	wrdreg s5  }
0xd: {  	s9 =	smul.u32 $0xA000, s9;
	s11 =	sshrl.u32 s19, $0x1;
	s10 =	sshrl.u32 s10, $0x2  }
0xe: {  	[dreg:$0x9] =	wrdreg s12;
	s7 =	sadd.s32 s8, s7;
	s10 =	sadd.s32 s10, s2  }
0xf: {  	s3 =	sadd.s32 s3, s8;
	s7 =	sshrl.u32 s7, $0x3;
	s9 =	sshrl.u32 s9, $0x3  }
0x10: {  	s23 =	sor.u32 $0x1000, s3;
	s3 =	sadd.s32 $0x2000, s3;
	s0 =	sadd.s32 s7, s0  }
0x11: {  	s7 =	ssub.s32 s19, s11;
	s21 =	sadd.s32 s5, s9;
	s22 =	sadd.s32 $0x1200, s9  }
0x12: {  	s9 =	sadd.s32 s6, s9;
	s25 =	sshrl.u32 s23, $0x3;
	[dreg:$0x10] =	wrdreg s3  }
0x13: {  	s11 =	sshrl.u32 s10, $0x3;
	s3 =	simm.s32 $0xA400;
	[dreg:$0xa] =	wrdreg s21  }
0x14: {  	s10 =	simm.s32 $0x6;
	s23 =	simm.s32 $0x9;
	[dreg:$0xb] =	wrdreg s9  }
0x15: {  	s19 =	simm.s32 $0x1C00;
	s24 =	sadd.s32 s5, s22;
	[dreg:$0x11] =	wrdreg s11  }
0x16: {  	s8 =	sadd.s32 s6, s22;
	s0 =	sadd.s32 $0x54200, s0;
	[dreg:$0xc] =	wrdreg s24  }
0x17: {  	s26 =	sadd.s32 s25, s6;
	s7 =	smax.u32 s7, $0x1;
	[dreg:$0xd] =	wrdreg s8  }
0x18: {  	s28 =	sadd.s32 s25, s5;
	s21 =	simm.s32 $0x28;
	[dreg:$0xe] =	wrdreg s0  }
0x19: {  	s22 =	simm.s32 $0x4000;
	s9 =	simm.s32 $0x5;
	[dreg:$0xf] =	wrdreg s7  }
0x1a: {  	s25 =	simm.s32 $0x3B00;
	s5 =	simm.s32 $0x3B80;
	[dreg:$0x4] =	wrdreg s26  }
0x1b: {  	s6 =	simm.s32 $0x3C00;
	[dreg:$0x5] =	wrdreg s28;
	s24 =	simm.s32 $0x5400  }
0x1c: {  	s26 =	simm.s32 $0x6800;
	s7 =	simm.s32 $0x4;
	s0 =	simm.s32 $0x2  }
.LBB2_1:
0x1d: {  	[dreg:$0x12] =	wrdreg s16  }
0x1e: {  	s8 =	rddreg [dreg:$0x8]  }
0x1f: {  	[spmem:s11], [sflag:s12] =	dma.local [hbm:s8], $0x2800  }
0x20: {  	_ =	swait.ge [sflag:s14], $0x2800  }
0x21: {  	[sflag:s14] =	ssyncset.done $0x0  }
0x22: {  	s11 =	rddreg [dreg:$0xa];
	[sflag:s14] =	ssyncadd.s32 $0xFFFFD800  }
0x23: {  	[tilespmem:s4], [sflag:$0xA] =	stream.linear.gather [hbm4b:s11+s4], $0xC80, $0x38;
	[tilespmem:$0x1F800] =	vst v63  }
0x24: {  	_ =	swait.ge [sflag:s14], $0xC80  }
0x25: {  	[sflag:s14] =	ssyncset.done $0x0  }
0x26: {  	s16 =	simm.s32 $0x2000;
	s12 =	rddreg [dreg:$0xb];
	[sflag:s14] =	ssyncadd.s32 $0xFFFFF380  }
0x27: {  	[tilespmem:s16], [sflag:$0xA] =	stream.linear.gather [hbm4b:s12+s4], $0xC80, $0x38;
	[tilespmem:$0x1F800] =	vst v63  }
0x28: {  	_ =	swait.ge [sflag:s14], $0xC80  }
0x29: {  	[sflag:s14] =	ssyncset.done $0x0  }
0x2a: {  	[sflag:s14] =	ssyncadd.s32 $0xFFFFF380  }
0x2b: {  	[bflag:$0x0] =	sbarrier.arrive $0xFFFF  }
0x2c: {  	s18 =	rddreg [dreg:$0x5]  }
0x2d: {  	s8 =	simm.s32 $0x1000;
	s20 =	rddreg [dreg:$0x4];
	s11 =	sadd.s32 $0x0, s18  }
0x2e: {  	[tilespmem:s8], [sflag:$0x1] =	stream.linear.gather [hbm4b:s11+s4], $0xC80, $0x38;
	[tilespmem:$0x1F800] =	vst v63  }
0x2f: {  	s14 =	simm.s32 $0x3000;
	s12 =	sadd.s32 $0x0, s20  }
0x30: {  	[tilespmem:s14], [sflag:$0x2] =	stream.linear.gather [hbm4b:s12+s4], $0xC80, $0x38;
	[tilespmem:$0x1F800] =	vst v63  }
0x31: {  	_ = 	snop  }
0x32: {  	[tilespmem:s22], [sflag:$0x4] =	stream.indirect.gather [hbm4b:s1+s21], $0x80, s4, s21, $0xb8;
	[tilespmem:$0x1F800] =	vst v63  }
0x33: {  	s18 =	simm.s32 $0x80  }
0x34: {  	[tilespmem:s24], [sflag:$0x5] =	stream.indirect.gather [hbm4b:s1+s21], $0x80, s18, s21, $0xb8;
	[tilespmem:$0x1F800] =	vst v63  }
0x35: {  	s20 =	simm.s32 $0x100  }
0x36: {  	[tilespmem:s26], [sflag:$0x6] =	stream.indirect.gather [hbm4b:s1+s21], $0x80, s20, s21, $0xb8;
	[tilespmem:$0x1F800] =	vst v63  }
0x37: {  	s12 =	simm.s32 $0x180  }
0x38: {  	[tilespmem:s29], [sflag:$0x7] =	stream.indirect.gather [hbm4b:s1+s21], $0x80, s12, s21, $0xb8;
	[tilespmem:$0x1F800] =	vst v63  }
0x39: {  	s18 =	simm.s32 $0x200  }
0x3a: {  	[tilespmem:s31], [sflag:$0x8] =	stream.indirect.gather [hbm4b:s1+s21], $0x80, s18, s21, $0xb8;
	[tilespmem:$0x1F800] =	vst v63  }
0x3b: {  	s20 =	simm.s32 $0x280  }
0x3c: {  	[tilespmem:s3], [sflag:$0x9] =	stream.indirect.gather [hbm4b:s1+s21], $0x80, s20, s21, $0xb8;
	[tilespmem:$0x1F800] =	vst v63  }
0x3d: {  	_ =	swait.ge [sflag:s7], $0x1400  }
0x3e: {  	[sflag:s7] =	ssyncset.done $0x0  }
0x3f: {  	[sflag:s7] =	ssyncadd.s32 $0xFFFFEC00  }
0x40: {  	_ =	swait.ge [sflag:s9], $0x1400  }
0x41: {  	[sflag:s9] =	ssyncset.done $0x0  }
0x42: {  	[sflag:s9] =	ssyncadd.s32 $0xFFFFEC00  }
0x43: {  	_ =	swait.ge [sflag:s10], $0x1400  }
0x44: {  	[sflag:s10] =	ssyncset.done $0x0  }
0x45: {  	[sflag:s10] =	ssyncadd.s32 $0xFFFFEC00  }
0x46: {  	[spmem:s2] =	stream.indirect.scatter.add.f32 [tilespmem:s22], [sflag:$0x3], $0x80, s16, s21, $0xb8;
	[tilespmem:$0x1F800] =	vst v63  }
0x47: {  	s12 =	simm.s32 $0x2080  }
0x48: {  	[spmem:s2] =	stream.indirect.scatter.add.f32 [tilespmem:s24], [sflag:$0x3], $0x80, s12, s21, $0xb8;
	[tilespmem:$0x1F800] =	vst v63  }
0x49: {  	s18 =	simm.s32 $0x2100  }
0x4a: {  	[spmem:s2] =	stream.indirect.scatter.add.f32 [tilespmem:s26], [sflag:$0x3], $0x80, s18, s21, $0xb8;
	[tilespmem:$0x1F800] =	vst v63  }
0x4b: {  	_ =	swait.ge [sflag:s13], $0x1400  }
0x4c: {  	[sflag:s13] =	ssyncset.done $0x0  }
0x4d: {  	[sflag:s13] =	ssyncadd.s32 $0xFFFFEC00  }
0x4e: {  	_ =	swait.ge [sflag:s13], $0x1400  }
0x4f: {  	[sflag:s13] =	ssyncset.done $0x0  }
0x50: {  	[sflag:s13] =	ssyncadd.s32 $0xFFFFEC00  }
0x51: {  	_ =	swait.ge [sflag:s13], $0x1400  }
0x52: {  	[sflag:s13] =	ssyncset.done $0x0  }
0x53: {  	s20 =	simm.s32 $0x300;
	[sflag:s13] =	ssyncadd.s32 $0xFFFFEC00  }
0x54: {  	[tilespmem:s22], [sflag:$0x4] =	stream.indirect.gather [hbm4b:s1+s21], $0x80, s20, s21, $0xb8;
	[tilespmem:$0x1F800] =	vst v63  }
0x55: {  	s12 =	simm.s32 $0x380  }
0x56: {  	[tilespmem:s24], [sflag:$0x5] =	stream.indirect.gather [hbm4b:s1+s21], $0x80, s12, s21, $0xb8;
	[tilespmem:$0x1F800] =	vst v63  }
0x57: {  	s18 =	simm.s32 $0x400  }
0x58: {  	[tilespmem:s26], [sflag:$0x6] =	stream.indirect.gather [hbm4b:s1+s21], $0x80, s18, s21, $0xb8;
	[tilespmem:$0x1F800] =	vst v63  }
0x59: {  	_ =	swait.ge [sflag:s15], $0x1400  }
0x5a: {  	[sflag:s15] =	ssyncset.done $0x0  }
0x5b: {  	[sflag:s15] =	ssyncadd.s32 $0xFFFFEC00  }
0x5c: {  	_ =	swait.ge [sflag:s17], $0x1400  }
0x5d: {  	[sflag:s17] =	ssyncset.done $0x0  }
0x5e: {  	[sflag:s17] =	ssyncadd.s32 $0xFFFFEC00  }
0x5f: {  	_ =	swait.ge [sflag:s23], $0x1400  }
0x60: {  	[sflag:s23] =	ssyncset.done $0x0  }
0x61: {  	s20 =	simm.s32 $0x2180;
	[sflag:s23] =	ssyncadd.s32 $0xFFFFEC00  }
0x62: {  	[spmem:s2] =	stream.indirect.scatter.add.f32 [tilespmem:s29], [sflag:$0x3], $0x80, s20, s21, $0xb8;
	[tilespmem:$0x1F800] =	vst v63  }
0x63: {  	s12 =	simm.s32 $0x2200  }
0x64: {  	[spmem:s2] =	stream.indirect.scatter.add.f32 [tilespmem:s31], [sflag:$0x3], $0x80, s12, s21, $0xb8;
	[tilespmem:$0x1F800] =	vst v63  }
0x65: {  	s18 =	simm.s32 $0x2280  }
0x66: {  	[spmem:s2] =	stream.indirect.scatter.add.f32 [tilespmem:s3], [sflag:$0x3], $0x80, s18, s21, $0xb8;
	[tilespmem:$0x1F800] =	vst v63  }
0x67: {  	_ =	swait.ge [sflag:s13], $0x1400  }
0x68: {  	[sflag:s13] =	ssyncset.done $0x0  }
0x69: {  	[sflag:s13] =	ssyncadd.s32 $0xFFFFEC00  }
0x6a: {  	_ =	swait.ge [sflag:s13], $0x1400  }
0x6b: {  	[sflag:s13] =	ssyncset.done $0x0  }
0x6c: {  	[sflag:s13] =	ssyncadd.s32 $0xFFFFEC00  }
0x6d: {  	_ =	swait.ge [sflag:s13], $0x1400  }
0x6e: {  	[sflag:s13] =	ssyncset.done $0x0  }
0x6f: {  	s20 =	simm.s32 $0x480;
	[sflag:s13] =	ssyncadd.s32 $0xFFFFEC00  }
0x70: {  	[tilespmem:s29], [sflag:$0x7] =	stream.indirect.gather [hbm4b:s1+s21], $0x80, s20, s21, $0xb8;
	[tilespmem:$0x1F800] =	vst v63  }
0x71: {  	s12 =	simm.s32 $0x500  }
0x72: {  	[tilespmem:s31], [sflag:$0x8] =	stream.indirect.gather [hbm4b:s1+s21], $0x80, s12, s21, $0xb8;
	[tilespmem:$0x1F800] =	vst v63  }
0x73: {  	s18 =	simm.s32 $0x580  }
0x74: {  	[tilespmem:s3], [sflag:$0x9] =	stream.indirect.gather [hbm4b:s1+s21], $0x80, s18, s21, $0xb8;
	[tilespmem:$0x1F800] =	vst v63  }
0x75: {  	_ =	swait.ge [sflag:s7], $0x1400  }
0x76: {  	[sflag:s7] =	ssyncset.done $0x0  }
0x77: {  	[sflag:s7] =	ssyncadd.s32 $0xFFFFEC00  }
0x78: {  	_ =	swait.ge [sflag:s9], $0x1400  }
0x79: {  	[sflag:s9] =	ssyncset.done $0x0  }
0x7a: {  	[sflag:s9] =	ssyncadd.s32 $0xFFFFEC00  }
0x7b: {  	_ =	swait.ge [sflag:s10], $0x1400  }
0x7c: {  	[sflag:s10] =	ssyncset.done $0x0  }
0x7d: {  	s20 =	simm.s32 $0x2300;
	[sflag:s10] =	ssyncadd.s32 $0xFFFFEC00  }
0x7e: {  	[spmem:s2] =	stream.indirect.scatter.add.f32 [tilespmem:s22], [sflag:$0x3], $0x80, s20, s21, $0xb8;
	[tilespmem:$0x1F800] =	vst v63  }
0x7f: {  	s12 =	simm.s32 $0x2380  }
0x80: {  	[spmem:s2] =	stream.indirect.scatter.add.f32 [tilespmem:s24], [sflag:$0x3], $0x80, s12, s21, $0xb8;
	[tilespmem:$0x1F800] =	vst v63  }
0x81: {  	s18 =	simm.s32 $0x2400  }
0x82: {  	[spmem:s2] =	stream.indirect.scatter.add.f32 [tilespmem:s26], [sflag:$0x3], $0x80, s18, s21, $0xb8;
	[tilespmem:$0x1F800] =	vst v63  }
0x83: {  	_ =	swait.ge [sflag:s13], $0x1400  }
0x84: {  	[sflag:s13] =	ssyncset.done $0x0  }
0x85: {  	[sflag:s13] =	ssyncadd.s32 $0xFFFFEC00  }
0x86: {  	_ =	swait.ge [sflag:s13], $0x1400  }
0x87: {  	[sflag:s13] =	ssyncset.done $0x0  }
0x88: {  	[sflag:s13] =	ssyncadd.s32 $0xFFFFEC00  }
0x89: {  	_ =	swait.ge [sflag:s13], $0x1400  }
0x8a: {  	[sflag:s13] =	ssyncset.done $0x0  }
0x8b: {  	s20 =	simm.s32 $0x600;
	[sflag:s13] =	ssyncadd.s32 $0xFFFFEC00  }
0x8c: {  	[tilespmem:s22], [sflag:$0x4] =	stream.indirect.gather [hbm4b:s1+s21], $0x80, s20, s21, $0xb8;
	[tilespmem:$0x1F800] =	vst v63  }
0x8d: {  	s12 =	simm.s32 $0x680  }
0x8e: {  	[tilespmem:s24], [sflag:$0x5] =	stream.indirect.gather [hbm4b:s1+s21], $0x80, s12, s21, $0xb8;
	[tilespmem:$0x1F800] =	vst v63  }
0x8f: {  	s18 =	simm.s32 $0x700  }
0x90: {  	[tilespmem:s26], [sflag:$0x6] =	stream.indirect.gather [hbm4b:s1+s21], $0x80, s18, s21, $0xb8;
	[tilespmem:$0x1F800] =	vst v63  }
0x91: {  	_ =	swait.ge [sflag:s15], $0x1400  }
0x92: {  	[sflag:s15] =	ssyncset.done $0x0  }
0x93: {  	[sflag:s15] =	ssyncadd.s32 $0xFFFFEC00  }
0x94: {  	_ =	swait.ge [sflag:s17], $0x1400  }
0x95: {  	[sflag:s17] =	ssyncset.done $0x0  }
0x96: {  	[sflag:s17] =	ssyncadd.s32 $0xFFFFEC00  }
0x97: {  	_ =	swait.ge [sflag:s23], $0x1400  }
0x98: {  	[sflag:s23] =	ssyncset.done $0x0  }
0x99: {  	s20 =	simm.s32 $0x2480;
	[sflag:s23] =	ssyncadd.s32 $0xFFFFEC00  }
0x9a: {  	[spmem:s2] =	stream.indirect.scatter.add.f32 [tilespmem:s29], [sflag:$0x3], $0x80, s20, s21, $0xb8;
	[tilespmem:$0x1F800] =	vst v63  }
0x9b: {  	s12 =	simm.s32 $0x2500  }
0x9c: {  	[spmem:s2] =	stream.indirect.scatter.add.f32 [tilespmem:s31], [sflag:$0x3], $0x80, s12, s21, $0xb8;
	[tilespmem:$0x1F800] =	vst v63  }
0x9d: {  	s18 =	simm.s32 $0x2580  }
0x9e: {  	[spmem:s2] =	stream.indirect.scatter.add.f32 [tilespmem:s3], [sflag:$0x3], $0x80, s18, s21, $0xb8;
	[tilespmem:$0x1F800] =	vst v63  }
0x9f: {  	_ =	swait.ge [sflag:s13], $0x1400  }
0xa0: {  	[sflag:s13] =	ssyncset.done $0x0  }
0xa1: {  	[sflag:s13] =	ssyncadd.s32 $0xFFFFEC00  }
0xa2: {  	_ =	swait.ge [sflag:s13], $0x1400  }
0xa3: {  	[sflag:s13] =	ssyncset.done $0x0  }
0xa4: {  	[sflag:s13] =	ssyncadd.s32 $0xFFFFEC00  }
0xa5: {  	_ =	swait.ge [sflag:s13], $0x1400  }
0xa6: {  	[sflag:s13] =	ssyncset.done $0x0  }
0xa7: {  	s20 =	simm.s32 $0x780;
	[sflag:s13] =	ssyncadd.s32 $0xFFFFEC00  }
0xa8: {  	[tilespmem:s29], [sflag:$0x7] =	stream.indirect.gather [hbm4b:s1+s21], $0x80, s20, s21, $0xb8;
	[tilespmem:$0x1F800] =	vst v63  }
0xa9: {  	s12 =	simm.s32 $0x800  }
0xaa: {  	[tilespmem:s31], [sflag:$0x8] =	stream.indirect.gather [hbm4b:s1+s21], $0x80, s12, s21, $0xb8;
	[tilespmem:$0x1F800] =	vst v63  }
0xab: {  	s18 =	simm.s32 $0x880  }
0xac: {  	[tilespmem:s3], [sflag:$0x9] =	stream.indirect.gather [hbm4b:s1+s21], $0x80, s18, s21, $0xb8;
	[tilespmem:$0x1F800] =	vst v63  }
0xad: {  	_ =	swait.ge [sflag:s7], $0x1400  }
0xae: {  	[sflag:s7] =	ssyncset.done $0x0  }
0xaf: {  	[sflag:s7] =	ssyncadd.s32 $0xFFFFEC00  }
0xb0: {  	_ =	swait.ge [sflag:s9], $0x1400  }
0xb1: {  	[sflag:s9] =	ssyncset.done $0x0  }
0xb2: {  	[sflag:s9] =	ssyncadd.s32 $0xFFFFEC00  }
0xb3: {  	_ =	swait.ge [sflag:s10], $0x1400  }
0xb4: {  	[sflag:s10] =	ssyncset.done $0x0  }
0xb5: {  	s20 =	simm.s32 $0x2600;
	[sflag:s10] =	ssyncadd.s32 $0xFFFFEC00  }
0xb6: {  	[spmem:s2] =	stream.indirect.scatter.add.f32 [tilespmem:s22], [sflag:$0x3], $0x80, s20, s21, $0xb8;
	[tilespmem:$0x1F800] =	vst v63  }
0xb7: {  	s12 =	simm.s32 $0x2680  }
0xb8: {  	[spmem:s2] =	stream.indirect.scatter.add.f32 [tilespmem:s24], [sflag:$0x3], $0x80, s12, s21, $0xb8;
	[tilespmem:$0x1F800] =	vst v63  }
0xb9: {  	s18 =	simm.s32 $0x2700  }
0xba: {  	[spmem:s2] =	stream.indirect.scatter.add.f32 [tilespmem:s26], [sflag:$0x3], $0x80, s18, s21, $0xb8;
	[tilespmem:$0x1F800] =	vst v63  }
0xbb: {  	_ =	swait.ge [sflag:s13], $0x1400  }
0xbc: {  	[sflag:s13] =	ssyncset.done $0x0  }
0xbd: {  	[sflag:s13] =	ssyncadd.s32 $0xFFFFEC00  }
0xbe: {  	_ =	swait.ge [sflag:s13], $0x1400  }
0xbf: {  	[sflag:s13] =	ssyncset.done $0x0  }
0xc0: {  	[sflag:s13] =	ssyncadd.s32 $0xFFFFEC00  }
0xc1: {  	_ =	swait.ge [sflag:s13], $0x1400  }
0xc2: {  	[sflag:s13] =	ssyncset.done $0x0  }
0xc3: {  	[sflag:s13] =	ssyncadd.s32 $0xFFFFEC00  }
0xc4: {  	_ =	swait.ge [sflag:s15], $0x1400  }
0xc5: {  	[sflag:s15] =	ssyncset.done $0x0  }
0xc6: {  	[sflag:s15] =	ssyncadd.s32 $0xFFFFEC00  }
0xc7: {  	_ =	swait.ge [sflag:s17], $0x1400  }
0xc8: {  	[sflag:s17] =	ssyncset.done $0x0  }
0xc9: {  	[sflag:s17] =	ssyncadd.s32 $0xFFFFEC00  }
0xca: {  	_ =	swait.ge [sflag:s23], $0x1400  }
0xcb: {  	[sflag:s23] =	ssyncset.done $0x0  }
0xcc: {  	s20 =	simm.s32 $0x2780;
	[sflag:s23] =	ssyncadd.s32 $0xFFFFEC00  }
0xcd: {  	[spmem:s2] =	stream.indirect.scatter.add.f32 [tilespmem:s29], [sflag:$0x3], $0x80, s20, s21, $0xb8;
	[tilespmem:$0x1F800] =	vst v63  }
0xce: {  	s12 =	simm.s32 $0x2800  }
0xcf: {  	[spmem:s2] =	stream.indirect.scatter.add.f32 [tilespmem:s31], [sflag:$0x3], $0x80, s12, s21, $0xb8;
	[tilespmem:$0x1F800] =	vst v63  }
0xd0: {  	s18 =	simm.s32 $0x2880  }
0xd1: {  	[spmem:s2] =	stream.indirect.scatter.add.f32 [tilespmem:s3], [sflag:$0x3], $0x80, s18, s21, $0xb8;
	[tilespmem:$0x1F800] =	vst v63  }
0xd2: {  	_ =	swait.ge [sflag:s13], $0x1400  }
0xd3: {  	[sflag:s13] =	ssyncset.done $0x0  }
0xd4: {  	[sflag:s13] =	ssyncadd.s32 $0xFFFFEC00  }
0xd5: {  	_ =	swait.ge [sflag:s13], $0x1400  }
0xd6: {  	[sflag:s13] =	ssyncset.done $0x0  }
0xd7: {  	[sflag:s13] =	ssyncadd.s32 $0xFFFFEC00  }
0xd8: {  	_ =	swait.ge [sflag:s13], $0x1400  }
0xd9: {  	[sflag:s13] =	ssyncset.done $0x0  }
0xda: {  	s20 =	simm.s32 $0x900;
	[sflag:s13] =	ssyncadd.s32 $0xFFFFEC00  }
0xdb: {  	[tilespmem:s22], [sflag:$0x4] =	stream.indirect.gather [hbm4b:s1+s21], $0x80, s20, s21, $0xb8;
	[tilespmem:$0x1F800] =	vst v63  }
0xdc: {  	s12 =	simm.s32 $0x980  }
0xdd: {  	[tilespmem:s24], [sflag:$0x5] =	stream.indirect.gather [hbm4b:s1+s21], $0x80, s12, s21, $0xb8;
	[tilespmem:$0x1F800] =	vst v63  }
0xde: {  	s18 =	simm.s32 $0xA00  }
0xdf: {  	[tilespmem:s26], [sflag:$0x6] =	stream.indirect.gather [hbm4b:s1+s21], $0x80, s18, s21, $0xb8;
	[tilespmem:$0x1F800] =	vst v63  }
0xe0: {  	_ =	swait.ge [sflag:s7], $0x1400  }
0xe1: {  	[sflag:s7] =	ssyncset.done $0x0  }
0xe2: {  	s20 =	simm.s32 $0x2900;
	[sflag:s7] =	ssyncadd.s32 $0xFFFFEC00  }
0xe3: {  	[spmem:s2] =	stream.indirect.scatter.add.f32 [tilespmem:s22], [sflag:$0x3], $0x80, s20, s21, $0xb8;
	[tilespmem:$0x1F800] =	vst v63  }
0xe4: {  	_ =	swait.ge [sflag:s9], $0x1400  }
0xe5: {  	[sflag:s9] =	ssyncset.done $0x0  }
0xe6: {  	s12 =	simm.s32 $0x2980;
	[sflag:s9] =	ssyncadd.s32 $0xFFFFEC00  }
0xe7: {  	[spmem:s2] =	stream.indirect.scatter.add.f32 [tilespmem:s24], [sflag:$0x3], $0x80, s12, s21, $0xb8;
	[tilespmem:$0x1F800] =	vst v63  }
0xe8: {  	_ =	swait.ge [sflag:s10], $0x1400  }
0xe9: {  	[sflag:s10] =	ssyncset.done $0x0  }
0xea: {  	s18 =	simm.s32 $0x2A00;
	[sflag:s10] =	ssyncadd.s32 $0xFFFFEC00  }
0xeb: {  	[spmem:s2] =	stream.indirect.scatter.add.f32 [tilespmem:s26], [sflag:$0x3], $0x80, s18, s21, $0xb8;
	[tilespmem:$0x1F800] =	vst v63  }
0xec: {  	_ =	swait.ge [sflag:s13], $0x1400  }
0xed: {  	[sflag:s13] =	ssyncset.done $0x0  }
0xee: {  	[sflag:s13] =	ssyncadd.s32 $0xFFFFEC00  }
0xef: {  	_ =	swait.ge [sflag:s13], $0x1400  }
0xf0: {  	[sflag:s13] =	ssyncset.done $0x0  }
0xf1: {  	[sflag:s13] =	ssyncadd.s32 $0xFFFFEC00  }
0xf2: {  	_ =	swait.ge [sflag:s13], $0x1400  }
0xf3: {  	[sflag:s13] =	ssyncset.done $0x0  }
0xf4: {  	s20 =	simm.s32 $0xA80;
	[sflag:s13] =	ssyncadd.s32 $0xFFFFEC00  }
0xf5: {  	[tilespmem:s22], [sflag:$0x4] =	stream.indirect.gather [hbm4b:s1+s21], $0x80, s20, s21, $0xb8;
	[tilespmem:$0x1F800] =	vst v63  }
0xf6: {  	s12 =	simm.s32 $0xB00  }
0xf7: {  	[tilespmem:s24], [sflag:$0x5] =	stream.indirect.gather [hbm4b:s1+s21], $0x80, s12, s21, $0xb8;
	[tilespmem:$0x1F800] =	vst v63  }
0xf8: {  	s18 =	simm.s32 $0xB80  }
0xf9: {  	[tilespmem:s26], [sflag:$0x6] =	stream.indirect.gather [hbm4b:s1+s21], $0x80, s18, s21, $0xb8;
	[tilespmem:$0x1F800] =	vst v63  }
0xfa: {  	_ =	swait.ge [sflag:s7], $0x1400  }
0xfb: {  	[sflag:s7] =	ssyncset.done $0x0  }
0xfc: {  	s20 =	simm.s32 $0x2A80;
	[sflag:s7] =	ssyncadd.s32 $0xFFFFEC00  }
0xfd: {  	[spmem:s2] =	stream.indirect.scatter.add.f32 [tilespmem:s22], [sflag:$0x3], $0x80, s20, s21, $0xb8;
	[tilespmem:$0x1F800] =	vst v63  }
0xfe: {  	_ =	swait.ge [sflag:s9], $0x1400  }
0xff: {  	[sflag:s9] =	ssyncset.done $0x0  }
0x100: {  	s12 =	simm.s32 $0x2B00;
	[sflag:s9] =	ssyncadd.s32 $0xFFFFEC00  }
0x101: {  	[spmem:s2] =	stream.indirect.scatter.add.f32 [tilespmem:s24], [sflag:$0x3], $0x80, s12, s21, $0xb8;
	[tilespmem:$0x1F800] =	vst v63  }
0x102: {  	_ =	swait.ge [sflag:s10], $0x1400  }
0x103: {  	[sflag:s10] =	ssyncset.done $0x0  }
0x104: {  	s18 =	simm.s32 $0x2B80;
	[sflag:s10] =	ssyncadd.s32 $0xFFFFEC00  }
0x105: {  	[spmem:s2] =	stream.indirect.scatter.add.f32 [tilespmem:s26], [sflag:$0x3], $0x80, s18, s21, $0xb8;
	[tilespmem:$0x1F800] =	vst v63  }
0x106: {  	_ =	swait.ge [sflag:s13], $0x1400  }
0x107: {  	[sflag:s13] =	ssyncset.done $0x0  }
0x108: {  	[sflag:s13] =	ssyncadd.s32 $0xFFFFEC00  }
0x109: {  	_ =	swait.ge [sflag:s13], $0x1400  }
0x10a: {  	[sflag:s13] =	ssyncset.done $0x0  }
0x10b: {  	[sflag:s13] =	ssyncadd.s32 $0xFFFFEC00  }
0x10c: {  	_ =	swait.ge [sflag:s13], $0x1400  }
0x10d: {  	[sflag:s13] =	ssyncset.done $0x0  }
0x10e: {  	s20 =	simm.s32 $0xC00;
	[sflag:s13] =	ssyncadd.s32 $0xFFFFEC00  }
0x10f: {  	[tilespmem:s22], [sflag:$0x4] =	stream.indirect.gather [hbm4b:s1+s21], $0x80, s20, s21, $0xb8;
	[tilespmem:$0x1F800] =	vst v63  }
0x110: {  	_ =	swait.ge [sflag:s7], $0x1400  }
0x111: {  	[sflag:s7] =	ssyncset.done $0x0  }
0x112: {  	s12 =	simm.s32 $0x2C00;
	[sflag:s7] =	ssyncadd.s32 $0xFFFFEC00  }
0x113: {  	[spmem:s2] =	stream.indirect.scatter.add.f32 [tilespmem:s22], [sflag:$0x3], $0x80, s12, s21, $0xb8;
	[tilespmem:$0x1F800] =	vst v63  }
0x114: {  	_ =	swait.ge [sflag:s13], $0x1400  }
0x115: {  	[sflag:s13] =	ssyncset.done $0x0  }
0x116: {  	[sflag:s13] =	ssyncadd.s32 $0xFFFFEC00  }
0x117: {  	_ =	swait.ge [sflag:s30], $0xC80  }
0x118: {  	[sflag:s30] =	ssyncset.done $0x0  }
0x119: {  	[sflag:s30] =	ssyncadd.s32 $0xFFFFF380  }
0x11a: {  	_ =	swait.ge [sflag:s0], $0xC80  }
0x11b: {  	s28 =	rddreg [dreg:$0x10]  }
0x11c: {  	[sflag:s0] =	ssyncset.done $0x0;
	s18 =	rddreg [dreg:$0x7];
	s11 =	sshrl.u32 s28, $0x3  }
0x11d: {  	s20 =	rddreg [dreg:$0x6];
	[sflag:s0] =	ssyncadd.s32 $0xFFFFF380;
	s12 =	sadd.s32 s18, s11  }
0x11e: {  	[tilespmem:s4], [sflag:$0x1] =	stream.linear.gather [hbm4b:s12+s4], $0xC80, $0x38;
	[tilespmem:$0x1F800] =	vst v63  }
0x11f: {  	s11 =	sadd.s32 s20, s11  }
0x120: {  	[tilespmem:s16], [sflag:$0x2] =	stream.linear.gather [hbm4b:s11+s4], $0xC80, $0x38;
	[tilespmem:$0x1F800] =	vst v63  }
0x121: {  	_ = 	snop  }
0x122: {  	[tilespmem:s22], [sflag:$0x4] =	stream.indirect.gather [hbm4b:s1+s21], $0x80, s8, s21, $0xb8;
	[tilespmem:$0x1F800] =	vst v63  }
0x123: {  	s16 =	simm.s32 $0x1080  }
0x124: {  	[tilespmem:s24], [sflag:$0x5] =	stream.indirect.gather [hbm4b:s1+s21], $0x80, s16, s21, $0xb8;
	[tilespmem:$0x1F800] =	vst v63  }
0x125: {  	s18 =	simm.s32 $0x1100  }
0x126: {  	[tilespmem:s26], [sflag:$0x6] =	stream.indirect.gather [hbm4b:s1+s21], $0x80, s18, s21, $0xb8;
	[tilespmem:$0x1F800] =	vst v63  }
0x127: {  	s20 =	simm.s32 $0x1180  }
0x128: {  	[tilespmem:s29], [sflag:$0x7] =	stream.indirect.gather [hbm4b:s1+s21], $0x80, s20, s21, $0xb8;
	[tilespmem:$0x1F800] =	vst v63  }
0x129: {  	s11 =	simm.s32 $0x1200  }
0x12a: {  	[tilespmem:s31], [sflag:$0x8] =	stream.indirect.gather [hbm4b:s1+s21], $0x80, s11, s21, $0xb8;
	[tilespmem:$0x1F800] =	vst v63  }
0x12b: {  	s12 =	simm.s32 $0x1280  }
0x12c: {  	[tilespmem:s3], [sflag:$0x9] =	stream.indirect.gather [hbm4b:s1+s21], $0x80, s12, s21, $0xb8;
	[tilespmem:$0x1F800] =	vst v63  }
0x12d: {  	_ =	swait.ge [sflag:s7], $0x1400  }
0x12e: {  	[sflag:s7] =	ssyncset.done $0x0  }
0x12f: {  	[sflag:s7] =	ssyncadd.s32 $0xFFFFEC00  }
0x130: {  	_ =	swait.ge [sflag:s9], $0x1400  }
0x131: {  	[sflag:s9] =	ssyncset.done $0x0  }
0x132: {  	[sflag:s9] =	ssyncadd.s32 $0xFFFFEC00  }
0x133: {  	_ =	swait.ge [sflag:s10], $0x1400  }
0x134: {  	[sflag:s10] =	ssyncset.done $0x0  }
0x135: {  	[sflag:s10] =	ssyncadd.s32 $0xFFFFEC00  }
0x136: {  	[spmem:s2] =	stream.indirect.scatter.add.f32 [tilespmem:s22], [sflag:$0x3], $0x80, s14, s21, $0xb8;
	[tilespmem:$0x1F800] =	vst v63  }
0x137: {  	s16 =	simm.s32 $0x3080  }
0x138: {  	[spmem:s2] =	stream.indirect.scatter.add.f32 [tilespmem:s24], [sflag:$0x3], $0x80, s16, s21, $0xb8;
	[tilespmem:$0x1F800] =	vst v63  }
0x139: {  	s18 =	simm.s32 $0x3100  }
0x13a: {  	[spmem:s2] =	stream.indirect.scatter.add.f32 [tilespmem:s26], [sflag:$0x3], $0x80, s18, s21, $0xb8;
	[tilespmem:$0x1F800] =	vst v63  }
0x13b: {  	_ =	swait.ge [sflag:s13], $0x1400  }
0x13c: {  	[sflag:s13] =	ssyncset.done $0x0  }
0x13d: {  	[sflag:s13] =	ssyncadd.s32 $0xFFFFEC00  }
0x13e: {  	_ =	swait.ge [sflag:s13], $0x1400  }
0x13f: {  	[sflag:s13] =	ssyncset.done $0x0  }
0x140: {  	[sflag:s13] =	ssyncadd.s32 $0xFFFFEC00  }
0x141: {  	_ =	swait.ge [sflag:s13], $0x1400  }
0x142: {  	[sflag:s13] =	ssyncset.done $0x0  }
0x143: {  	s20 =	simm.s32 $0x1300;
	[sflag:s13] =	ssyncadd.s32 $0xFFFFEC00  }
0x144: {  	[tilespmem:s22], [sflag:$0x4] =	stream.indirect.gather [hbm4b:s1+s21], $0x80, s20, s21, $0xb8;
	[tilespmem:$0x1F800] =	vst v63  }
0x145: {  	s11 =	simm.s32 $0x1380  }
0x146: {  	[tilespmem:s24], [sflag:$0x5] =	stream.indirect.gather [hbm4b:s1+s21], $0x80, s11, s21, $0xb8;
	[tilespmem:$0x1F800] =	vst v63  }
0x147: {  	s12 =	simm.s32 $0x1400  }
0x148: {  	[tilespmem:s26], [sflag:$0x6] =	stream.indirect.gather [hbm4b:s1+s21], $0x80, s12, s21, $0xb8;
	[tilespmem:$0x1F800] =	vst v63  }
0x149: {  	_ =	swait.ge [sflag:s15], $0x1400  }
0x14a: {  	[sflag:s15] =	ssyncset.done $0x0  }
0x14b: {  	[sflag:s15] =	ssyncadd.s32 $0xFFFFEC00  }
0x14c: {  	_ =	swait.ge [sflag:s17], $0x1400  }
0x14d: {  	[sflag:s17] =	ssyncset.done $0x0  }
0x14e: {  	[sflag:s17] =	ssyncadd.s32 $0xFFFFEC00  }
0x14f: {  	_ =	swait.ge [sflag:s23], $0x1400  }
0x150: {  	[sflag:s23] =	ssyncset.done $0x0  }
0x151: {  	s14 =	simm.s32 $0x3180;
	[sflag:s23] =	ssyncadd.s32 $0xFFFFEC00  }
0x152: {  	[spmem:s2] =	stream.indirect.scatter.add.f32 [tilespmem:s29], [sflag:$0x3], $0x80, s14, s21, $0xb8;
	[tilespmem:$0x1F800] =	vst v63  }
0x153: {  	s16 =	simm.s32 $0x3200  }
0x154: {  	[spmem:s2] =	stream.indirect.scatter.add.f32 [tilespmem:s31], [sflag:$0x3], $0x80, s16, s21, $0xb8;
	[tilespmem:$0x1F800] =	vst v63  }
0x155: {  	s18 =	simm.s32 $0x3280  }
0x156: {  	[spmem:s2] =	stream.indirect.scatter.add.f32 [tilespmem:s3], [sflag:$0x3], $0x80, s18, s21, $0xb8;
	[tilespmem:$0x1F800] =	vst v63  }
0x157: {  	_ =	swait.ge [sflag:s13], $0x1400  }
0x158: {  	[sflag:s13] =	ssyncset.done $0x0  }
0x159: {  	[sflag:s13] =	ssyncadd.s32 $0xFFFFEC00  }
0x15a: {  	_ =	swait.ge [sflag:s13], $0x1400  }
0x15b: {  	[sflag:s13] =	ssyncset.done $0x0  }
0x15c: {  	[sflag:s13] =	ssyncadd.s32 $0xFFFFEC00  }
0x15d: {  	_ =	swait.ge [sflag:s13], $0x1400  }
0x15e: {  	[sflag:s13] =	ssyncset.done $0x0  }
0x15f: {  	s20 =	simm.s32 $0x1480;
	[sflag:s13] =	ssyncadd.s32 $0xFFFFEC00  }
0x160: {  	[tilespmem:s29], [sflag:$0x7] =	stream.indirect.gather [hbm4b:s1+s21], $0x80, s20, s21, $0xb8;
	[tilespmem:$0x1F800] =	vst v63  }
0x161: {  	s11 =	simm.s32 $0x1500  }
0x162: {  	[tilespmem:s31], [sflag:$0x8] =	stream.indirect.gather [hbm4b:s1+s21], $0x80, s11, s21, $0xb8;
	[tilespmem:$0x1F800] =	vst v63  }
0x163: {  	s12 =	simm.s32 $0x1580  }
0x164: {  	[tilespmem:s3], [sflag:$0x9] =	stream.indirect.gather [hbm4b:s1+s21], $0x80, s12, s21, $0xb8;
	[tilespmem:$0x1F800] =	vst v63  }
0x165: {  	_ =	swait.ge [sflag:s7], $0x1400  }
0x166: {  	[sflag:s7] =	ssyncset.done $0x0  }
0x167: {  	[sflag:s7] =	ssyncadd.s32 $0xFFFFEC00  }
0x168: {  	_ =	swait.ge [sflag:s9], $0x1400  }
0x169: {  	[sflag:s9] =	ssyncset.done $0x0  }
0x16a: {  	[sflag:s9] =	ssyncadd.s32 $0xFFFFEC00  }
0x16b: {  	_ =	swait.ge [sflag:s10], $0x1400  }
0x16c: {  	[sflag:s10] =	ssyncset.done $0x0  }
0x16d: {  	s14 =	simm.s32 $0x3300;
	[sflag:s10] =	ssyncadd.s32 $0xFFFFEC00  }
0x16e: {  	[spmem:s2] =	stream.indirect.scatter.add.f32 [tilespmem:s22], [sflag:$0x3], $0x80, s14, s21, $0xb8;
	[tilespmem:$0x1F800] =	vst v63  }
0x16f: {  	s16 =	simm.s32 $0x3380  }
0x170: {  	[spmem:s2] =	stream.indirect.scatter.add.f32 [tilespmem:s24], [sflag:$0x3], $0x80, s16, s21, $0xb8;
	[tilespmem:$0x1F800] =	vst v63  }
0x171: {  	s18 =	simm.s32 $0x3400  }
0x172: {  	[spmem:s2] =	stream.indirect.scatter.add.f32 [tilespmem:s26], [sflag:$0x3], $0x80, s18, s21, $0xb8;
	[tilespmem:$0x1F800] =	vst v63  }
0x173: {  	_ =	swait.ge [sflag:s13], $0x1400  }
0x174: {  	[sflag:s13] =	ssyncset.done $0x0  }
0x175: {  	[sflag:s13] =	ssyncadd.s32 $0xFFFFEC00  }
0x176: {  	_ =	swait.ge [sflag:s13], $0x1400  }
0x177: {  	[sflag:s13] =	ssyncset.done $0x0  }
0x178: {  	[sflag:s13] =	ssyncadd.s32 $0xFFFFEC00  }
0x179: {  	_ =	swait.ge [sflag:s13], $0x1400  }
0x17a: {  	[sflag:s13] =	ssyncset.done $0x0  }
0x17b: {  	s20 =	simm.s32 $0x1600;
	[sflag:s13] =	ssyncadd.s32 $0xFFFFEC00  }
0x17c: {  	[tilespmem:s22], [sflag:$0x4] =	stream.indirect.gather [hbm4b:s1+s21], $0x80, s20, s21, $0xb8;
	[tilespmem:$0x1F800] =	vst v63  }
0x17d: {  	s11 =	simm.s32 $0x1680  }
0x17e: {  	[tilespmem:s24], [sflag:$0x5] =	stream.indirect.gather [hbm4b:s1+s21], $0x80, s11, s21, $0xb8;
	[tilespmem:$0x1F800] =	vst v63  }
0x17f: {  	s12 =	simm.s32 $0x1700  }
0x180: {  	[tilespmem:s26], [sflag:$0x6] =	stream.indirect.gather [hbm4b:s1+s21], $0x80, s12, s21, $0xb8;
	[tilespmem:$0x1F800] =	vst v63  }
0x181: {  	_ =	swait.ge [sflag:s15], $0x1400  }
0x182: {  	[sflag:s15] =	ssyncset.done $0x0  }
0x183: {  	[sflag:s15] =	ssyncadd.s32 $0xFFFFEC00  }
0x184: {  	_ =	swait.ge [sflag:s17], $0x1400  }
0x185: {  	[sflag:s17] =	ssyncset.done $0x0  }
0x186: {  	[sflag:s17] =	ssyncadd.s32 $0xFFFFEC00  }
0x187: {  	_ =	swait.ge [sflag:s23], $0x1400  }
0x188: {  	[sflag:s23] =	ssyncset.done $0x0  }
0x189: {  	s14 =	simm.s32 $0x3480;
	[sflag:s23] =	ssyncadd.s32 $0xFFFFEC00  }
0x18a: {  	[spmem:s2] =	stream.indirect.scatter.add.f32 [tilespmem:s29], [sflag:$0x3], $0x80, s14, s21, $0xb8;
	[tilespmem:$0x1F800] =	vst v63  }
0x18b: {  	s16 =	simm.s32 $0x3500  }
0x18c: {  	[spmem:s2] =	stream.indirect.scatter.add.f32 [tilespmem:s31], [sflag:$0x3], $0x80, s16, s21, $0xb8;
	[tilespmem:$0x1F800] =	vst v63  }
0x18d: {  	s18 =	simm.s32 $0x3580  }
0x18e: {  	[spmem:s2] =	stream.indirect.scatter.add.f32 [tilespmem:s3], [sflag:$0x3], $0x80, s18, s21, $0xb8;
	[tilespmem:$0x1F800] =	vst v63  }
0x18f: {  	_ =	swait.ge [sflag:s13], $0x1400  }
0x190: {  	[sflag:s13] =	ssyncset.done $0x0  }
0x191: {  	[sflag:s13] =	ssyncadd.s32 $0xFFFFEC00  }
0x192: {  	_ =	swait.ge [sflag:s13], $0x1400  }
0x193: {  	[sflag:s13] =	ssyncset.done $0x0  }
0x194: {  	[sflag:s13] =	ssyncadd.s32 $0xFFFFEC00  }
0x195: {  	_ =	swait.ge [sflag:s13], $0x1400  }
0x196: {  	[sflag:s13] =	ssyncset.done $0x0  }
0x197: {  	s20 =	simm.s32 $0x1780;
	[sflag:s13] =	ssyncadd.s32 $0xFFFFEC00  }
0x198: {  	[tilespmem:s29], [sflag:$0x7] =	stream.indirect.gather [hbm4b:s1+s21], $0x80, s20, s21, $0xb8;
	[tilespmem:$0x1F800] =	vst v63  }
0x199: {  	s11 =	simm.s32 $0x1800  }
0x19a: {  	[tilespmem:s31], [sflag:$0x8] =	stream.indirect.gather [hbm4b:s1+s21], $0x80, s11, s21, $0xb8;
	[tilespmem:$0x1F800] =	vst v63  }
0x19b: {  	s12 =	simm.s32 $0x1880  }
0x19c: {  	[tilespmem:s3], [sflag:$0x9] =	stream.indirect.gather [hbm4b:s1+s21], $0x80, s12, s21, $0xb8;
	[tilespmem:$0x1F800] =	vst v63  }
0x19d: {  	_ =	swait.ge [sflag:s7], $0x1400  }
0x19e: {  	[sflag:s7] =	ssyncset.done $0x0  }
0x19f: {  	[sflag:s7] =	ssyncadd.s32 $0xFFFFEC00  }
0x1a0: {  	_ =	swait.ge [sflag:s9], $0x1400  }
0x1a1: {  	[sflag:s9] =	ssyncset.done $0x0  }
0x1a2: {  	[sflag:s9] =	ssyncadd.s32 $0xFFFFEC00  }
0x1a3: {  	_ =	swait.ge [sflag:s10], $0x1400  }
0x1a4: {  	[sflag:s10] =	ssyncset.done $0x0  }
0x1a5: {  	s14 =	simm.s32 $0x3600;
	[sflag:s10] =	ssyncadd.s32 $0xFFFFEC00  }
0x1a6: {  	[spmem:s2] =	stream.indirect.scatter.add.f32 [tilespmem:s22], [sflag:$0x3], $0x80, s14, s21, $0xb8;
	[tilespmem:$0x1F800] =	vst v63  }
0x1a7: {  	s16 =	simm.s32 $0x3680  }
0x1a8: {  	[spmem:s2] =	stream.indirect.scatter.add.f32 [tilespmem:s24], [sflag:$0x3], $0x80, s16, s21, $0xb8;
	[tilespmem:$0x1F800] =	vst v63  }
0x1a9: {  	s18 =	simm.s32 $0x3700  }
0x1aa: {  	[spmem:s2] =	stream.indirect.scatter.add.f32 [tilespmem:s26], [sflag:$0x3], $0x80, s18, s21, $0xb8;
	[tilespmem:$0x1F800] =	vst v63  }
0x1ab: {  	_ =	swait.ge [sflag:s13], $0x1400  }
0x1ac: {  	[sflag:s13] =	ssyncset.done $0x0  }
0x1ad: {  	[sflag:s13] =	ssyncadd.s32 $0xFFFFEC00  }
0x1ae: {  	_ =	swait.ge [sflag:s13], $0x1400  }
0x1af: {  	[sflag:s13] =	ssyncset.done $0x0  }
0x1b0: {  	[sflag:s13] =	ssyncadd.s32 $0xFFFFEC00  }
0x1b1: {  	_ =	swait.ge [sflag:s13], $0x1400  }
0x1b2: {  	[sflag:s13] =	ssyncset.done $0x0  }
0x1b3: {  	[sflag:s13] =	ssyncadd.s32 $0xFFFFEC00  }
0x1b4: {  	_ =	swait.ge [sflag:s15], $0x1400  }
0x1b5: {  	[sflag:s15] =	ssyncset.done $0x0  }
0x1b6: {  	[sflag:s15] =	ssyncadd.s32 $0xFFFFEC00  }
0x1b7: {  	_ =	swait.ge [sflag:s17], $0x1400  }
0x1b8: {  	[sflag:s17] =	ssyncset.done $0x0  }
0x1b9: {  	[sflag:s17] =	ssyncadd.s32 $0xFFFFEC00  }
0x1ba: {  	_ =	swait.ge [sflag:s23], $0x1400  }
0x1bb: {  	[sflag:s23] =	ssyncset.done $0x0  }
0x1bc: {  	s20 =	simm.s32 $0x3780;
	[sflag:s23] =	ssyncadd.s32 $0xFFFFEC00  }
0x1bd: {  	[spmem:s2] =	stream.indirect.scatter.add.f32 [tilespmem:s29], [sflag:$0x3], $0x80, s20, s21, $0xb8;
	[tilespmem:$0x1F800] =	vst v63  }
0x1be: {  	s11 =	simm.s32 $0x3800  }
0x1bf: {  	[spmem:s2] =	stream.indirect.scatter.add.f32 [tilespmem:s31], [sflag:$0x3], $0x80, s11, s21, $0xb8;
	[tilespmem:$0x1F800] =	vst v63  }
0x1c0: {  	s12 =	simm.s32 $0x3880  }
0x1c1: {  	[spmem:s2] =	stream.indirect.scatter.add.f32 [tilespmem:s3], [sflag:$0x3], $0x80, s12, s21, $0xb8;
	[tilespmem:$0x1F800] =	vst v63  }
0x1c2: {  	_ =	swait.ge [sflag:s13], $0x1400  }
0x1c3: {  	[sflag:s13] =	ssyncset.done $0x0  }
0x1c4: {  	[sflag:s13] =	ssyncadd.s32 $0xFFFFEC00  }
0x1c5: {  	_ =	swait.ge [sflag:s13], $0x1400  }
0x1c6: {  	[sflag:s13] =	ssyncset.done $0x0  }
0x1c7: {  	[sflag:s13] =	ssyncadd.s32 $0xFFFFEC00  }
0x1c8: {  	_ =	swait.ge [sflag:s13], $0x1400  }
0x1c9: {  	[sflag:s13] =	ssyncset.done $0x0  }
0x1ca: {  	s14 =	simm.s32 $0x1900;
	[sflag:s13] =	ssyncadd.s32 $0xFFFFEC00  }
0x1cb: {  	[tilespmem:s22], [sflag:$0x4] =	stream.indirect.gather [hbm4b:s1+s21], $0x80, s14, s21, $0xb8;
	[tilespmem:$0x1F800] =	vst v63  }
0x1cc: {  	s16 =	simm.s32 $0x1980  }
0x1cd: {  	[tilespmem:s24], [sflag:$0x5] =	stream.indirect.gather [hbm4b:s1+s21], $0x80, s16, s21, $0xb8;
	[tilespmem:$0x1F800] =	vst v63  }
0x1ce: {  	s18 =	simm.s32 $0x1A00  }
0x1cf: {  	[tilespmem:s26], [sflag:$0x6] =	stream.indirect.gather [hbm4b:s1+s21], $0x80, s18, s21, $0xb8;
	[tilespmem:$0x1F800] =	vst v63  }
0x1d0: {  	_ =	swait.ge [sflag:s7], $0x1400  }
0x1d1: {  	[sflag:s7] =	ssyncset.done $0x0  }
0x1d2: {  	s20 =	simm.s32 $0x3900;
	[sflag:s7] =	ssyncadd.s32 $0xFFFFEC00  }
0x1d3: {  	[spmem:s2] =	stream.indirect.scatter.add.f32 [tilespmem:s22], [sflag:$0x3], $0x80, s20, s21, $0xb8;
	[tilespmem:$0x1F800] =	vst v63  }
0x1d4: {  	_ =	swait.ge [sflag:s9], $0x1400  }
0x1d5: {  	[sflag:s9] =	ssyncset.done $0x0  }
0x1d6: {  	s11 =	simm.s32 $0x3980;
	[sflag:s9] =	ssyncadd.s32 $0xFFFFEC00  }
0x1d7: {  	[spmem:s2] =	stream.indirect.scatter.add.f32 [tilespmem:s24], [sflag:$0x3], $0x80, s11, s21, $0xb8;
	[tilespmem:$0x1F800] =	vst v63  }
0x1d8: {  	_ =	swait.ge [sflag:s10], $0x1400  }
0x1d9: {  	[sflag:s10] =	ssyncset.done $0x0  }
0x1da: {  	s12 =	simm.s32 $0x3A00;
	[sflag:s10] =	ssyncadd.s32 $0xFFFFEC00  }
0x1db: {  	[spmem:s2] =	stream.indirect.scatter.add.f32 [tilespmem:s26], [sflag:$0x3], $0x80, s12, s21, $0xb8;
	[tilespmem:$0x1F800] =	vst v63  }
0x1dc: {  	_ =	swait.ge [sflag:s13], $0x1400  }
0x1dd: {  	[sflag:s13] =	ssyncset.done $0x0  }
0x1de: {  	[sflag:s13] =	ssyncadd.s32 $0xFFFFEC00  }
0x1df: {  	_ =	swait.ge [sflag:s13], $0x1400  }
0x1e0: {  	[sflag:s13] =	ssyncset.done $0x0  }
0x1e1: {  	[sflag:s13] =	ssyncadd.s32 $0xFFFFEC00  }
0x1e2: {  	_ =	swait.ge [sflag:s13], $0x1400  }
0x1e3: {  	[sflag:s13] =	ssyncset.done $0x0  }
0x1e4: {  	s14 =	simm.s32 $0x1A80;
	[sflag:s13] =	ssyncadd.s32 $0xFFFFEC00  }
0x1e5: {  	[tilespmem:s22], [sflag:$0x4] =	stream.indirect.gather [hbm4b:s1+s21], $0x80, s14, s21, $0xb8;
	[tilespmem:$0x1F800] =	vst v63  }
0x1e6: {  	s16 =	simm.s32 $0x1B00  }
0x1e7: {  	[tilespmem:s24], [sflag:$0x5] =	stream.indirect.gather [hbm4b:s1+s21], $0x80, s16, s21, $0xb8;
	[tilespmem:$0x1F800] =	vst v63  }
0x1e8: {  	s18 =	simm.s32 $0x1B80  }
0x1e9: {  	[tilespmem:s26], [sflag:$0x6] =	stream.indirect.gather [hbm4b:s1+s21], $0x80, s18, s21, $0xb8;
	[tilespmem:$0x1F800] =	vst v63  }
0x1ea: {  	_ =	swait.ge [sflag:s7], $0x1400  }
0x1eb: {  	[sflag:s7] =	ssyncset.done $0x0  }
0x1ec: {  	s20 =	simm.s32 $0x3A80;
	[sflag:s7] =	ssyncadd.s32 $0xFFFFEC00  }
0x1ed: {  	[spmem:s2] =	stream.indirect.scatter.add.f32 [tilespmem:s22], [sflag:$0x3], $0x80, s20, s21, $0xb8;
	[tilespmem:$0x1F800] =	vst v63  }
0x1ee: {  	_ =	swait.ge [sflag:s9], $0x1400  }
0x1ef: {  	[sflag:s9] =	ssyncset.done $0x0  }
0x1f0: {  	[sflag:s9] =	ssyncadd.s32 $0xFFFFEC00  }
0x1f1: {  	[spmem:s2] =	stream.indirect.scatter.add.f32 [tilespmem:s24], [sflag:$0x3], $0x80, s25, s21, $0xb8;
	[tilespmem:$0x1F800] =	vst v63  }
0x1f2: {  	_ =	swait.ge [sflag:s10], $0x1400  }
0x1f3: {  	[sflag:s10] =	ssyncset.done $0x0  }
0x1f4: {  	[sflag:s10] =	ssyncadd.s32 $0xFFFFEC00  }
0x1f5: {  	[spmem:s2] =	stream.indirect.scatter.add.f32 [tilespmem:s26], [sflag:$0x3], $0x80, s5, s21, $0xb8;
	[tilespmem:$0x1F800] =	vst v63  }
0x1f6: {  	_ =	swait.ge [sflag:s13], $0x1400  }
0x1f7: {  	[sflag:s13] =	ssyncset.done $0x0  }
0x1f8: {  	[sflag:s13] =	ssyncadd.s32 $0xFFFFEC00  }
0x1f9: {  	_ =	swait.ge [sflag:s13], $0x1400  }
0x1fa: {  	[sflag:s13] =	ssyncset.done $0x0  }
0x1fb: {  	[sflag:s13] =	ssyncadd.s32 $0xFFFFEC00  }
0x1fc: {  	_ =	swait.ge [sflag:s13], $0x1400  }
0x1fd: {  	[sflag:s13] =	ssyncset.done $0x0  }
0x1fe: {  	[sflag:s13] =	ssyncadd.s32 $0xFFFFEC00  }
0x1ff: {  	[tilespmem:s22], [sflag:$0x4] =	stream.indirect.gather [hbm4b:s1+s21], $0x80, s19, s21, $0xb8;
	[tilespmem:$0x1F800] =	vst v63  }
0x200: {  	_ =	swait.ge [sflag:s7], $0x1400  }
0x201: {  	[sflag:s7] =	ssyncset.done $0x0  }
0x202: {  	[sflag:s7] =	ssyncadd.s32 $0xFFFFEC00  }
0x203: {  	[spmem:s2] =	stream.indirect.scatter.add.f32 [tilespmem:s22], [sflag:$0x3], $0x80, s6, s21, $0xb8;
	[tilespmem:$0x1F800] =	vst v63  }
0x204: {  	_ =	swait.ge [sflag:s13], $0x1400  }
0x205: {  	[sflag:s13] =	ssyncset.done $0x0  }
0x206: {  	[sflag:s13] =	ssyncadd.s32 $0xFFFFEC00  }
0x207: {  	_ =	swait.ge [sflag:s30], $0xC80  }
0x208: {  	[sflag:s30] =	ssyncset.done $0x0  }
0x209: {  	[sflag:s30] =	ssyncadd.s32 $0xFFFFF380  }
0x20a: {  	s11 =	simm.s32 $0x400;
	_ =	swait.ge [sflag:s0], $0xC80  }
0x20b: {  	s12 =	simm.s32 $0x800;
	s14 =	rddreg [dreg:$0x5];
	[sflag:s0] =	ssyncset.done $0x0  }
.LBB2_2:
0x20c: {  	[sflag:s0] =	ssyncadd.s32 $0xFFFFF380  }
0x20d: {  	s8 =	rddreg [dreg:$0x4];
	s14 =	sadd.s32 s11, s14;
	s20 =	simm.s32 $0x1000  }
0x20e: {  	[tilespmem:s20], [sflag:$0x1] =	stream.linear.gather [hbm4b:s14+s4], $0xC80, $0x38;
	[tilespmem:$0x1F800] =	vst v63  }
0x20f: {  	s18 =	simm.s32 $0x3000;
	s8 =	sadd.s32 s11, s8  }
0x210: {  	[tilespmem:s18], [sflag:$0x2] =	stream.linear.gather [hbm4b:s8+s4], $0xC80, $0x38;
	[tilespmem:$0x1F800] =	vst v63  }
0x211: {  	s16 =	smov.u32 s12  }
0x212: {  	[tilespmem:s22], [sflag:$0x4] =	stream.indirect.gather [hbm4b:s1+s21], $0x80, s4, s21, $0xb8;
	[tilespmem:$0x1F800] =	vst v63  }
0x213: {  	s11 =	smov.u32 s16;
	s16 =	simm.s32 $0x80  }
0x214: {  	[tilespmem:s24], [sflag:$0x5] =	stream.indirect.gather [hbm4b:s1+s21], $0x80, s16, s21, $0xb8;
	[tilespmem:$0x1F800] =	vst v63  }
0x215: {  	s14 =	simm.s32 $0x100  }
0x216: {  	[tilespmem:s26], [sflag:$0x6] =	stream.indirect.gather [hbm4b:s1+s21], $0x80, s14, s21, $0xb8;
	[tilespmem:$0x1F800] =	vst v63  }
0x217: {  	s16 =	simm.s32 $0x180  }
0x218: {  	[tilespmem:s29], [sflag:$0x7] =	stream.indirect.gather [hbm4b:s1+s21], $0x80, s16, s21, $0xb8;
	[tilespmem:$0x1F800] =	vst v63  }
0x219: {  	s14 =	simm.s32 $0x200  }
0x21a: {  	[tilespmem:s31], [sflag:$0x8] =	stream.indirect.gather [hbm4b:s1+s21], $0x80, s14, s21, $0xb8;
	[tilespmem:$0x1F800] =	vst v63  }
0x21b: {  	s16 =	simm.s32 $0x280  }
0x21c: {  	[tilespmem:s3], [sflag:$0x9] =	stream.indirect.gather [hbm4b:s1+s21], $0x80, s16, s21, $0xb8;
	[tilespmem:$0x1F800] =	vst v63  }
0x21d: {  	_ =	swait.ge [sflag:s7], $0x1400  }
0x21e: {  	[sflag:s7] =	ssyncset.done $0x0  }
0x21f: {  	[sflag:s7] =	ssyncadd.s32 $0xFFFFEC00  }
0x220: {  	_ =	swait.ge [sflag:s9], $0x1400  }
0x221: {  	[sflag:s9] =	ssyncset.done $0x0  }
0x222: {  	[sflag:s9] =	ssyncadd.s32 $0xFFFFEC00  }
0x223: {  	_ =	swait.ge [sflag:s10], $0x1400  }
0x224: {  	[sflag:s10] =	ssyncset.done $0x0  }
0x225: {  	s16 =	simm.s32 $0x2000;
	[sflag:s10] =	ssyncadd.s32 $0xFFFFEC00  }
0x226: {  	[spmem:s2] =	stream.indirect.scatter.add.f32 [tilespmem:s22], [sflag:$0x3], $0x80, s16, s21, $0xb8;
	[tilespmem:$0x1F800] =	vst v63  }
0x227: {  	s14 =	simm.s32 $0x2080  }
0x228: {  	[spmem:s2] =	stream.indirect.scatter.add.f32 [tilespmem:s24], [sflag:$0x3], $0x80, s14, s21, $0xb8;
	[tilespmem:$0x1F800] =	vst v63  }
0x229: {  	s14 =	simm.s32 $0x2100  }
0x22a: {  	[spmem:s2] =	stream.indirect.scatter.add.f32 [tilespmem:s26], [sflag:$0x3], $0x80, s14, s21, $0xb8;
	[tilespmem:$0x1F800] =	vst v63  }
0x22b: {  	_ =	swait.ge [sflag:s13], $0x1400  }
0x22c: {  	[sflag:s13] =	ssyncset.done $0x0  }
0x22d: {  	[sflag:s13] =	ssyncadd.s32 $0xFFFFEC00  }
0x22e: {  	_ =	swait.ge [sflag:s13], $0x1400  }
0x22f: {  	[sflag:s13] =	ssyncset.done $0x0  }
0x230: {  	[sflag:s13] =	ssyncadd.s32 $0xFFFFEC00  }
0x231: {  	_ =	swait.ge [sflag:s13], $0x1400  }
0x232: {  	[sflag:s13] =	ssyncset.done $0x0  }
0x233: {  	s14 =	simm.s32 $0x300;
	[sflag:s13] =	ssyncadd.s32 $0xFFFFEC00  }
0x234: {  	[tilespmem:s22], [sflag:$0x4] =	stream.indirect.gather [hbm4b:s1+s21], $0x80, s14, s21, $0xb8;
	[tilespmem:$0x1F800] =	vst v63  }
0x235: {  	s14 =	simm.s32 $0x380  }
0x236: {  	[tilespmem:s24], [sflag:$0x5] =	stream.indirect.gather [hbm4b:s1+s21], $0x80, s14, s21, $0xb8;
	[tilespmem:$0x1F800] =	vst v63  }
0x237: {  	s14 =	simm.s32 $0x400  }
0x238: {  	[tilespmem:s26], [sflag:$0x6] =	stream.indirect.gather [hbm4b:s1+s21], $0x80, s14, s21, $0xb8;
	[tilespmem:$0x1F800] =	vst v63  }
0x239: {  	_ =	swait.ge [sflag:s15], $0x1400  }
0x23a: {  	[sflag:s15] =	ssyncset.done $0x0  }
0x23b: {  	[sflag:s15] =	ssyncadd.s32 $0xFFFFEC00  }
0x23c: {  	_ =	swait.ge [sflag:s17], $0x1400  }
0x23d: {  	[sflag:s17] =	ssyncset.done $0x0  }
0x23e: {  	[sflag:s17] =	ssyncadd.s32 $0xFFFFEC00  }
0x23f: {  	_ =	swait.ge [sflag:s23], $0x1400  }
0x240: {  	[sflag:s23] =	ssyncset.done $0x0  }
0x241: {  	s14 =	simm.s32 $0x2180;
	[sflag:s23] =	ssyncadd.s32 $0xFFFFEC00  }
0x242: {  	[spmem:s2] =	stream.indirect.scatter.add.f32 [tilespmem:s29], [sflag:$0x3], $0x80, s14, s21, $0xb8;
	[tilespmem:$0x1F800] =	vst v63  }
0x243: {  	s14 =	simm.s32 $0x2200  }
0x244: {  	[spmem:s2] =	stream.indirect.scatter.add.f32 [tilespmem:s31], [sflag:$0x3], $0x80, s14, s21, $0xb8;
	[tilespmem:$0x1F800] =	vst v63  }
0x245: {  	s14 =	simm.s32 $0x2280  }
0x246: {  	[spmem:s2] =	stream.indirect.scatter.add.f32 [tilespmem:s3], [sflag:$0x3], $0x80, s14, s21, $0xb8;
	[tilespmem:$0x1F800] =	vst v63  }
0x247: {  	_ =	swait.ge [sflag:s13], $0x1400  }
0x248: {  	[sflag:s13] =	ssyncset.done $0x0  }
0x249: {  	[sflag:s13] =	ssyncadd.s32 $0xFFFFEC00  }
0x24a: {  	_ =	swait.ge [sflag:s13], $0x1400  }
0x24b: {  	[sflag:s13] =	ssyncset.done $0x0  }
0x24c: {  	[sflag:s13] =	ssyncadd.s32 $0xFFFFEC00  }
0x24d: {  	_ =	swait.ge [sflag:s13], $0x1400  }
0x24e: {  	[sflag:s13] =	ssyncset.done $0x0  }
0x24f: {  	s14 =	simm.s32 $0x480;
	[sflag:s13] =	ssyncadd.s32 $0xFFFFEC00  }
0x250: {  	[tilespmem:s29], [sflag:$0x7] =	stream.indirect.gather [hbm4b:s1+s21], $0x80, s14, s21, $0xb8;
	[tilespmem:$0x1F800] =	vst v63  }
0x251: {  	s14 =	simm.s32 $0x500  }
0x252: {  	[tilespmem:s31], [sflag:$0x8] =	stream.indirect.gather [hbm4b:s1+s21], $0x80, s14, s21, $0xb8;
	[tilespmem:$0x1F800] =	vst v63  }
0x253: {  	s14 =	simm.s32 $0x580  }
0x254: {  	[tilespmem:s3], [sflag:$0x9] =	stream.indirect.gather [hbm4b:s1+s21], $0x80, s14, s21, $0xb8;
	[tilespmem:$0x1F800] =	vst v63  }
0x255: {  	_ =	swait.ge [sflag:s7], $0x1400  }
0x256: {  	[sflag:s7] =	ssyncset.done $0x0  }
0x257: {  	[sflag:s7] =	ssyncadd.s32 $0xFFFFEC00  }
0x258: {  	_ =	swait.ge [sflag:s9], $0x1400  }
0x259: {  	[sflag:s9] =	ssyncset.done $0x0  }
0x25a: {  	[sflag:s9] =	ssyncadd.s32 $0xFFFFEC00  }
0x25b: {  	_ =	swait.ge [sflag:s10], $0x1400  }
0x25c: {  	[sflag:s10] =	ssyncset.done $0x0  }
0x25d: {  	s14 =	simm.s32 $0x2300;
	[sflag:s10] =	ssyncadd.s32 $0xFFFFEC00  }
0x25e: {  	[spmem:s2] =	stream.indirect.scatter.add.f32 [tilespmem:s22], [sflag:$0x3], $0x80, s14, s21, $0xb8;
	[tilespmem:$0x1F800] =	vst v63  }
0x25f: {  	s14 =	simm.s32 $0x2380  }
0x260: {  	[spmem:s2] =	stream.indirect.scatter.add.f32 [tilespmem:s24], [sflag:$0x3], $0x80, s14, s21, $0xb8;
	[tilespmem:$0x1F800] =	vst v63  }
0x261: {  	s14 =	simm.s32 $0x2400  }
0x262: {  	[spmem:s2] =	stream.indirect.scatter.add.f32 [tilespmem:s26], [sflag:$0x3], $0x80, s14, s21, $0xb8;
	[tilespmem:$0x1F800] =	vst v63  }
0x263: {  	_ =	swait.ge [sflag:s13], $0x1400  }
0x264: {  	[sflag:s13] =	ssyncset.done $0x0  }
0x265: {  	[sflag:s13] =	ssyncadd.s32 $0xFFFFEC00  }
0x266: {  	_ =	swait.ge [sflag:s13], $0x1400  }
0x267: {  	[sflag:s13] =	ssyncset.done $0x0  }
0x268: {  	[sflag:s13] =	ssyncadd.s32 $0xFFFFEC00  }
0x269: {  	_ =	swait.ge [sflag:s13], $0x1400  }
0x26a: {  	[sflag:s13] =	ssyncset.done $0x0  }
0x26b: {  	s14 =	simm.s32 $0x600;
	[sflag:s13] =	ssyncadd.s32 $0xFFFFEC00  }
0x26c: {  	[tilespmem:s22], [sflag:$0x4] =	stream.indirect.gather [hbm4b:s1+s21], $0x80, s14, s21, $0xb8;
	[tilespmem:$0x1F800] =	vst v63  }
0x26d: {  	s14 =	simm.s32 $0x680  }
0x26e: {  	[tilespmem:s24], [sflag:$0x5] =	stream.indirect.gather [hbm4b:s1+s21], $0x80, s14, s21, $0xb8;
	[tilespmem:$0x1F800] =	vst v63  }
0x26f: {  	s14 =	simm.s32 $0x700  }
0x270: {  	[tilespmem:s26], [sflag:$0x6] =	stream.indirect.gather [hbm4b:s1+s21], $0x80, s14, s21, $0xb8;
	[tilespmem:$0x1F800] =	vst v63  }
0x271: {  	_ =	swait.ge [sflag:s15], $0x1400  }
0x272: {  	[sflag:s15] =	ssyncset.done $0x0  }
0x273: {  	[sflag:s15] =	ssyncadd.s32 $0xFFFFEC00  }
0x274: {  	_ =	swait.ge [sflag:s17], $0x1400  }
0x275: {  	[sflag:s17] =	ssyncset.done $0x0  }
0x276: {  	[sflag:s17] =	ssyncadd.s32 $0xFFFFEC00  }
0x277: {  	_ =	swait.ge [sflag:s23], $0x1400  }
0x278: {  	[sflag:s23] =	ssyncset.done $0x0  }
0x279: {  	s14 =	simm.s32 $0x2480;
	[sflag:s23] =	ssyncadd.s32 $0xFFFFEC00  }
0x27a: {  	[spmem:s2] =	stream.indirect.scatter.add.f32 [tilespmem:s29], [sflag:$0x3], $0x80, s14, s21, $0xb8;
	[tilespmem:$0x1F800] =	vst v63  }
0x27b: {  	s14 =	simm.s32 $0x2500  }
0x27c: {  	[spmem:s2] =	stream.indirect.scatter.add.f32 [tilespmem:s31], [sflag:$0x3], $0x80, s14, s21, $0xb8;
	[tilespmem:$0x1F800] =	vst v63  }
0x27d: {  	s14 =	simm.s32 $0x2580  }
0x27e: {  	[spmem:s2] =	stream.indirect.scatter.add.f32 [tilespmem:s3], [sflag:$0x3], $0x80, s14, s21, $0xb8;
	[tilespmem:$0x1F800] =	vst v63  }
0x27f: {  	_ =	swait.ge [sflag:s13], $0x1400  }
0x280: {  	[sflag:s13] =	ssyncset.done $0x0  }
0x281: {  	[sflag:s13] =	ssyncadd.s32 $0xFFFFEC00  }
0x282: {  	_ =	swait.ge [sflag:s13], $0x1400  }
0x283: {  	[sflag:s13] =	ssyncset.done $0x0  }
0x284: {  	[sflag:s13] =	ssyncadd.s32 $0xFFFFEC00  }
0x285: {  	_ =	swait.ge [sflag:s13], $0x1400  }
0x286: {  	[sflag:s13] =	ssyncset.done $0x0  }
0x287: {  	s14 =	simm.s32 $0x780;
	[sflag:s13] =	ssyncadd.s32 $0xFFFFEC00  }
0x288: {  	[tilespmem:s29], [sflag:$0x7] =	stream.indirect.gather [hbm4b:s1+s21], $0x80, s14, s21, $0xb8;
	[tilespmem:$0x1F800] =	vst v63  }
0x289: {  	s14 =	simm.s32 $0x800  }
0x28a: {  	[tilespmem:s31], [sflag:$0x8] =	stream.indirect.gather [hbm4b:s1+s21], $0x80, s14, s21, $0xb8;
	[tilespmem:$0x1F800] =	vst v63  }
0x28b: {  	s14 =	simm.s32 $0x880  }
0x28c: {  	[tilespmem:s3], [sflag:$0x9] =	stream.indirect.gather [hbm4b:s1+s21], $0x80, s14, s21, $0xb8;
	[tilespmem:$0x1F800] =	vst v63  }
0x28d: {  	_ =	swait.ge [sflag:s7], $0x1400  }
0x28e: {  	[sflag:s7] =	ssyncset.done $0x0  }
0x28f: {  	[sflag:s7] =	ssyncadd.s32 $0xFFFFEC00  }
0x290: {  	_ =	swait.ge [sflag:s9], $0x1400  }
0x291: {  	[sflag:s9] =	ssyncset.done $0x0  }
0x292: {  	[sflag:s9] =	ssyncadd.s32 $0xFFFFEC00  }
0x293: {  	_ =	swait.ge [sflag:s10], $0x1400  }
0x294: {  	[sflag:s10] =	ssyncset.done $0x0  }
0x295: {  	s14 =	simm.s32 $0x2600;
	[sflag:s10] =	ssyncadd.s32 $0xFFFFEC00  }
0x296: {  	[spmem:s2] =	stream.indirect.scatter.add.f32 [tilespmem:s22], [sflag:$0x3], $0x80, s14, s21, $0xb8;
	[tilespmem:$0x1F800] =	vst v63  }
0x297: {  	s14 =	simm.s32 $0x2680  }
0x298: {  	[spmem:s2] =	stream.indirect.scatter.add.f32 [tilespmem:s24], [sflag:$0x3], $0x80, s14, s21, $0xb8;
	[tilespmem:$0x1F800] =	vst v63  }
0x299: {  	s14 =	simm.s32 $0x2700  }
0x29a: {  	[spmem:s2] =	stream.indirect.scatter.add.f32 [tilespmem:s26], [sflag:$0x3], $0x80, s14, s21, $0xb8;
	[tilespmem:$0x1F800] =	vst v63  }
0x29b: {  	_ =	swait.ge [sflag:s13], $0x1400  }
0x29c: {  	[sflag:s13] =	ssyncset.done $0x0  }
0x29d: {  	[sflag:s13] =	ssyncadd.s32 $0xFFFFEC00  }
0x29e: {  	_ =	swait.ge [sflag:s13], $0x1400  }
0x29f: {  	[sflag:s13] =	ssyncset.done $0x0  }
0x2a0: {  	[sflag:s13] =	ssyncadd.s32 $0xFFFFEC00  }
0x2a1: {  	_ =	swait.ge [sflag:s13], $0x1400  }
0x2a2: {  	[sflag:s13] =	ssyncset.done $0x0  }
0x2a3: {  	[sflag:s13] =	ssyncadd.s32 $0xFFFFEC00  }
0x2a4: {  	_ =	swait.ge [sflag:s15], $0x1400  }
0x2a5: {  	[sflag:s15] =	ssyncset.done $0x0  }
0x2a6: {  	[sflag:s15] =	ssyncadd.s32 $0xFFFFEC00  }
0x2a7: {  	_ =	swait.ge [sflag:s17], $0x1400  }
0x2a8: {  	[sflag:s17] =	ssyncset.done $0x0  }
0x2a9: {  	[sflag:s17] =	ssyncadd.s32 $0xFFFFEC00  }
0x2aa: {  	_ =	swait.ge [sflag:s23], $0x1400  }
0x2ab: {  	[sflag:s23] =	ssyncset.done $0x0  }
0x2ac: {  	s14 =	simm.s32 $0x2780;
	[sflag:s23] =	ssyncadd.s32 $0xFFFFEC00  }
0x2ad: {  	[spmem:s2] =	stream.indirect.scatter.add.f32 [tilespmem:s29], [sflag:$0x3], $0x80, s14, s21, $0xb8;
	[tilespmem:$0x1F800] =	vst v63  }
0x2ae: {  	s14 =	simm.s32 $0x2800  }
0x2af: {  	[spmem:s2] =	stream.indirect.scatter.add.f32 [tilespmem:s31], [sflag:$0x3], $0x80, s14, s21, $0xb8;
	[tilespmem:$0x1F800] =	vst v63  }
0x2b0: {  	s14 =	simm.s32 $0x2880  }
0x2b1: {  	[spmem:s2] =	stream.indirect.scatter.add.f32 [tilespmem:s3], [sflag:$0x3], $0x80, s14, s21, $0xb8;
	[tilespmem:$0x1F800] =	vst v63  }
0x2b2: {  	_ =	swait.ge [sflag:s13], $0x1400  }
0x2b3: {  	[sflag:s13] =	ssyncset.done $0x0  }
0x2b4: {  	[sflag:s13] =	ssyncadd.s32 $0xFFFFEC00  }
0x2b5: {  	_ =	swait.ge [sflag:s13], $0x1400  }
0x2b6: {  	[sflag:s13] =	ssyncset.done $0x0  }
0x2b7: {  	[sflag:s13] =	ssyncadd.s32 $0xFFFFEC00  }
0x2b8: {  	_ =	swait.ge [sflag:s13], $0x1400  }
0x2b9: {  	[sflag:s13] =	ssyncset.done $0x0  }
0x2ba: {  	s14 =	simm.s32 $0x900;
	[sflag:s13] =	ssyncadd.s32 $0xFFFFEC00  }
0x2bb: {  	[tilespmem:s22], [sflag:$0x4] =	stream.indirect.gather [hbm4b:s1+s21], $0x80, s14, s21, $0xb8;
	[tilespmem:$0x1F800] =	vst v63  }
0x2bc: {  	s14 =	simm.s32 $0x980  }
0x2bd: {  	[tilespmem:s24], [sflag:$0x5] =	stream.indirect.gather [hbm4b:s1+s21], $0x80, s14, s21, $0xb8;
	[tilespmem:$0x1F800] =	vst v63  }
0x2be: {  	s14 =	simm.s32 $0xA00  }
0x2bf: {  	[tilespmem:s26], [sflag:$0x6] =	stream.indirect.gather [hbm4b:s1+s21], $0x80, s14, s21, $0xb8;
	[tilespmem:$0x1F800] =	vst v63  }
0x2c0: {  	_ =	swait.ge [sflag:s7], $0x1400  }
0x2c1: {  	[sflag:s7] =	ssyncset.done $0x0  }
0x2c2: {  	s14 =	simm.s32 $0x2900;
	[sflag:s7] =	ssyncadd.s32 $0xFFFFEC00  }
0x2c3: {  	[spmem:s2] =	stream.indirect.scatter.add.f32 [tilespmem:s22], [sflag:$0x3], $0x80, s14, s21, $0xb8;
	[tilespmem:$0x1F800] =	vst v63  }
0x2c4: {  	_ =	swait.ge [sflag:s9], $0x1400  }
0x2c5: {  	[sflag:s9] =	ssyncset.done $0x0  }
0x2c6: {  	s14 =	simm.s32 $0x2980;
	[sflag:s9] =	ssyncadd.s32 $0xFFFFEC00  }
0x2c7: {  	[spmem:s2] =	stream.indirect.scatter.add.f32 [tilespmem:s24], [sflag:$0x3], $0x80, s14, s21, $0xb8;
	[tilespmem:$0x1F800] =	vst v63  }
0x2c8: {  	_ =	swait.ge [sflag:s10], $0x1400  }
0x2c9: {  	[sflag:s10] =	ssyncset.done $0x0  }
0x2ca: {  	s14 =	simm.s32 $0x2A00;
	[sflag:s10] =	ssyncadd.s32 $0xFFFFEC00  }
0x2cb: {  	[spmem:s2] =	stream.indirect.scatter.add.f32 [tilespmem:s26], [sflag:$0x3], $0x80, s14, s21, $0xb8;
	[tilespmem:$0x1F800] =	vst v63  }
0x2cc: {  	_ =	swait.ge [sflag:s13], $0x1400  }
0x2cd: {  	[sflag:s13] =	ssyncset.done $0x0  }
0x2ce: {  	[sflag:s13] =	ssyncadd.s32 $0xFFFFEC00  }
0x2cf: {  	_ =	swait.ge [sflag:s13], $0x1400  }
0x2d0: {  	[sflag:s13] =	ssyncset.done $0x0  }
0x2d1: {  	[sflag:s13] =	ssyncadd.s32 $0xFFFFEC00  }
0x2d2: {  	_ =	swait.ge [sflag:s13], $0x1400  }
0x2d3: {  	[sflag:s13] =	ssyncset.done $0x0  }
0x2d4: {  	s14 =	simm.s32 $0xA80;
	[sflag:s13] =	ssyncadd.s32 $0xFFFFEC00  }
0x2d5: {  	[tilespmem:s22], [sflag:$0x4] =	stream.indirect.gather [hbm4b:s1+s21], $0x80, s14, s21, $0xb8;
	[tilespmem:$0x1F800] =	vst v63  }
0x2d6: {  	s14 =	simm.s32 $0xB00  }
0x2d7: {  	[tilespmem:s24], [sflag:$0x5] =	stream.indirect.gather [hbm4b:s1+s21], $0x80, s14, s21, $0xb8;
	[tilespmem:$0x1F800] =	vst v63  }
0x2d8: {  	s14 =	simm.s32 $0xB80  }
0x2d9: {  	[tilespmem:s26], [sflag:$0x6] =	stream.indirect.gather [hbm4b:s1+s21], $0x80, s14, s21, $0xb8;
	[tilespmem:$0x1F800] =	vst v63  }
0x2da: {  	_ =	swait.ge [sflag:s7], $0x1400  }
0x2db: {  	[sflag:s7] =	ssyncset.done $0x0  }
0x2dc: {  	s14 =	simm.s32 $0x2A80;
	[sflag:s7] =	ssyncadd.s32 $0xFFFFEC00  }
0x2dd: {  	[spmem:s2] =	stream.indirect.scatter.add.f32 [tilespmem:s22], [sflag:$0x3], $0x80, s14, s21, $0xb8;
	[tilespmem:$0x1F800] =	vst v63  }
0x2de: {  	_ =	swait.ge [sflag:s9], $0x1400  }
0x2df: {  	[sflag:s9] =	ssyncset.done $0x0  }
0x2e0: {  	s14 =	simm.s32 $0x2B00;
	[sflag:s9] =	ssyncadd.s32 $0xFFFFEC00  }
0x2e1: {  	[spmem:s2] =	stream.indirect.scatter.add.f32 [tilespmem:s24], [sflag:$0x3], $0x80, s14, s21, $0xb8;
	[tilespmem:$0x1F800] =	vst v63  }
0x2e2: {  	_ =	swait.ge [sflag:s10], $0x1400  }
0x2e3: {  	[sflag:s10] =	ssyncset.done $0x0  }
0x2e4: {  	s14 =	simm.s32 $0x2B80;
	[sflag:s10] =	ssyncadd.s32 $0xFFFFEC00  }
0x2e5: {  	[spmem:s2] =	stream.indirect.scatter.add.f32 [tilespmem:s26], [sflag:$0x3], $0x80, s14, s21, $0xb8;
	[tilespmem:$0x1F800] =	vst v63  }
0x2e6: {  	_ =	swait.ge [sflag:s13], $0x1400  }
0x2e7: {  	[sflag:s13] =	ssyncset.done $0x0  }
0x2e8: {  	[sflag:s13] =	ssyncadd.s32 $0xFFFFEC00  }
0x2e9: {  	_ =	swait.ge [sflag:s13], $0x1400  }
0x2ea: {  	[sflag:s13] =	ssyncset.done $0x0  }
0x2eb: {  	[sflag:s13] =	ssyncadd.s32 $0xFFFFEC00  }
0x2ec: {  	_ =	swait.ge [sflag:s13], $0x1400  }
0x2ed: {  	[sflag:s13] =	ssyncset.done $0x0  }
0x2ee: {  	s14 =	simm.s32 $0xC00;
	[sflag:s13] =	ssyncadd.s32 $0xFFFFEC00  }
0x2ef: {  	[tilespmem:s22], [sflag:$0x4] =	stream.indirect.gather [hbm4b:s1+s21], $0x80, s14, s21, $0xb8;
	[tilespmem:$0x1F800] =	vst v63  }
0x2f0: {  	_ =	swait.ge [sflag:s7], $0x1400  }
0x2f1: {  	[sflag:s7] =	ssyncset.done $0x0  }
0x2f2: {  	s14 =	simm.s32 $0x2C00;
	[sflag:s7] =	ssyncadd.s32 $0xFFFFEC00  }
0x2f3: {  	[spmem:s2] =	stream.indirect.scatter.add.f32 [tilespmem:s22], [sflag:$0x3], $0x80, s14, s21, $0xb8;
	[tilespmem:$0x1F800] =	vst v63  }
0x2f4: {  	_ =	swait.ge [sflag:s13], $0x1400  }
0x2f5: {  	[sflag:s13] =	ssyncset.done $0x0  }
0x2f6: {  	[sflag:s13] =	ssyncadd.s32 $0xFFFFEC00  }
0x2f7: {  	_ =	swait.ge [sflag:s30], $0xC80  }
0x2f8: {  	[sflag:s30] =	ssyncset.done $0x0  }
0x2f9: {  	[sflag:s30] =	ssyncadd.s32 $0xFFFFF380  }
0x2fa: {  	s28 =	sadd.s32 $0x2000, s28;
	_ =	swait.ge [sflag:s0], $0xC80  }
0x2fb: {  	s8 =	sshrl.u32 s28, $0x3;
	[sflag:s0] =	ssyncset.done $0x0;
	s14 =	rddreg [dreg:$0x7]  }
0x2fc: {  	[sflag:s0] =	ssyncadd.s32 $0xFFFFF380;
	s14 =	sadd.s32 s14, s8  }
0x2fd: {  	[tilespmem:s4], [sflag:$0x1] =	stream.linear.gather [hbm4b:s14+s4], $0xC80, $0x38;
	[tilespmem:$0x1F800] =	vst v63  }
0x2fe: {  	s14 =	rddreg [dreg:$0x6]  }
0x2ff: {  	s8 =	sadd.s32 s14, s8  }
0x300: {  	[tilespmem:s16], [sflag:$0x2] =	stream.linear.gather [hbm4b:s8+s4], $0xC80, $0x38;
	[tilespmem:$0x1F800] =	vst v63  }
0x301: {  	_ = 	snop  }
0x302: {  	[tilespmem:s22], [sflag:$0x4] =	stream.indirect.gather [hbm4b:s1+s21], $0x80, s20, s21, $0xb8;
	[tilespmem:$0x1F800] =	vst v63  }
0x303: {  	s20 =	simm.s32 $0x1080  }
0x304: {  	[tilespmem:s24], [sflag:$0x5] =	stream.indirect.gather [hbm4b:s1+s21], $0x80, s20, s21, $0xb8;
	[tilespmem:$0x1F800] =	vst v63  }
0x305: {  	s14 =	simm.s32 $0x1100  }
0x306: {  	[tilespmem:s26], [sflag:$0x6] =	stream.indirect.gather [hbm4b:s1+s21], $0x80, s14, s21, $0xb8;
	[tilespmem:$0x1F800] =	vst v63  }
0x307: {  	s16 =	simm.s32 $0x1180  }
0x308: {  	[tilespmem:s29], [sflag:$0x7] =	stream.indirect.gather [hbm4b:s1+s21], $0x80, s16, s21, $0xb8;
	[tilespmem:$0x1F800] =	vst v63  }
0x309: {  	s20 =	simm.s32 $0x1200  }
0x30a: {  	[tilespmem:s31], [sflag:$0x8] =	stream.indirect.gather [hbm4b:s1+s21], $0x80, s20, s21, $0xb8;
	[tilespmem:$0x1F800] =	vst v63  }
0x30b: {  	s14 =	simm.s32 $0x1280  }
0x30c: {  	[tilespmem:s3], [sflag:$0x9] =	stream.indirect.gather [hbm4b:s1+s21], $0x80, s14, s21, $0xb8;
	[tilespmem:$0x1F800] =	vst v63  }
0x30d: {  	_ =	swait.ge [sflag:s7], $0x1400  }
0x30e: {  	[sflag:s7] =	ssyncset.done $0x0  }
0x30f: {  	[sflag:s7] =	ssyncadd.s32 $0xFFFFEC00  }
0x310: {  	_ =	swait.ge [sflag:s9], $0x1400  }
0x311: {  	[sflag:s9] =	ssyncset.done $0x0  }
0x312: {  	[sflag:s9] =	ssyncadd.s32 $0xFFFFEC00  }
0x313: {  	_ =	swait.ge [sflag:s10], $0x1400  }
0x314: {  	[sflag:s10] =	ssyncset.done $0x0  }
0x315: {  	[sflag:s10] =	ssyncadd.s32 $0xFFFFEC00  }
0x316: {  	[spmem:s2] =	stream.indirect.scatter.add.f32 [tilespmem:s22], [sflag:$0x3], $0x80, s18, s21, $0xb8;
	[tilespmem:$0x1F800] =	vst v63  }
0x317: {  	s16 =	simm.s32 $0x3080  }
0x318: {  	[spmem:s2] =	stream.indirect.scatter.add.f32 [tilespmem:s24], [sflag:$0x3], $0x80, s16, s21, $0xb8;
	[tilespmem:$0x1F800] =	vst v63  }
0x319: {  	s18 =	simm.s32 $0x3100  }
0x31a: {  	[spmem:s2] =	stream.indirect.scatter.add.f32 [tilespmem:s26], [sflag:$0x3], $0x80, s18, s21, $0xb8;
	[tilespmem:$0x1F800] =	vst v63  }
0x31b: {  	_ =	swait.ge [sflag:s13], $0x1400  }
0x31c: {  	[sflag:s13] =	ssyncset.done $0x0  }
0x31d: {  	[sflag:s13] =	ssyncadd.s32 $0xFFFFEC00  }
0x31e: {  	_ =	swait.ge [sflag:s13], $0x1400  }
0x31f: {  	[sflag:s13] =	ssyncset.done $0x0  }
0x320: {  	[sflag:s13] =	ssyncadd.s32 $0xFFFFEC00  }
0x321: {  	_ =	swait.ge [sflag:s13], $0x1400  }
0x322: {  	[sflag:s13] =	ssyncset.done $0x0  }
0x323: {  	s20 =	simm.s32 $0x1300;
	[sflag:s13] =	ssyncadd.s32 $0xFFFFEC00  }
0x324: {  	[tilespmem:s22], [sflag:$0x4] =	stream.indirect.gather [hbm4b:s1+s21], $0x80, s20, s21, $0xb8;
	[tilespmem:$0x1F800] =	vst v63  }
0x325: {  	s14 =	simm.s32 $0x1380  }
0x326: {  	[tilespmem:s24], [sflag:$0x5] =	stream.indirect.gather [hbm4b:s1+s21], $0x80, s14, s21, $0xb8;
	[tilespmem:$0x1F800] =	vst v63  }
0x327: {  	s16 =	simm.s32 $0x1400  }
0x328: {  	[tilespmem:s26], [sflag:$0x6] =	stream.indirect.gather [hbm4b:s1+s21], $0x80, s16, s21, $0xb8;
	[tilespmem:$0x1F800] =	vst v63  }
0x329: {  	_ =	swait.ge [sflag:s15], $0x1400  }
0x32a: {  	[sflag:s15] =	ssyncset.done $0x0  }
0x32b: {  	[sflag:s15] =	ssyncadd.s32 $0xFFFFEC00  }
0x32c: {  	_ =	swait.ge [sflag:s17], $0x1400  }
0x32d: {  	[sflag:s17] =	ssyncset.done $0x0  }
0x32e: {  	[sflag:s17] =	ssyncadd.s32 $0xFFFFEC00  }
0x32f: {  	_ =	swait.ge [sflag:s23], $0x1400  }
0x330: {  	[sflag:s23] =	ssyncset.done $0x0  }
0x331: {  	s18 =	simm.s32 $0x3180;
	[sflag:s23] =	ssyncadd.s32 $0xFFFFEC00  }
0x332: {  	[spmem:s2] =	stream.indirect.scatter.add.f32 [tilespmem:s29], [sflag:$0x3], $0x80, s18, s21, $0xb8;
	[tilespmem:$0x1F800] =	vst v63  }
0x333: {  	s20 =	simm.s32 $0x3200  }
0x334: {  	[spmem:s2] =	stream.indirect.scatter.add.f32 [tilespmem:s31], [sflag:$0x3], $0x80, s20, s21, $0xb8;
	[tilespmem:$0x1F800] =	vst v63  }
0x335: {  	s14 =	simm.s32 $0x3280  }
0x336: {  	[spmem:s2] =	stream.indirect.scatter.add.f32 [tilespmem:s3], [sflag:$0x3], $0x80, s14, s21, $0xb8;
	[tilespmem:$0x1F800] =	vst v63  }
0x337: {  	_ =	swait.ge [sflag:s13], $0x1400  }
0x338: {  	[sflag:s13] =	ssyncset.done $0x0  }
0x339: {  	[sflag:s13] =	ssyncadd.s32 $0xFFFFEC00  }
0x33a: {  	_ =	swait.ge [sflag:s13], $0x1400  }
0x33b: {  	[sflag:s13] =	ssyncset.done $0x0  }
0x33c: {  	[sflag:s13] =	ssyncadd.s32 $0xFFFFEC00  }
0x33d: {  	_ =	swait.ge [sflag:s13], $0x1400  }
0x33e: {  	[sflag:s13] =	ssyncset.done $0x0  }
0x33f: {  	s16 =	simm.s32 $0x1480;
	[sflag:s13] =	ssyncadd.s32 $0xFFFFEC00  }
0x340: {  	[tilespmem:s29], [sflag:$0x7] =	stream.indirect.gather [hbm4b:s1+s21], $0x80, s16, s21, $0xb8;
	[tilespmem:$0x1F800] =	vst v63  }
0x341: {  	s18 =	simm.s32 $0x1500  }
0x342: {  	[tilespmem:s31], [sflag:$0x8] =	stream.indirect.gather [hbm4b:s1+s21], $0x80, s18, s21, $0xb8;
	[tilespmem:$0x1F800] =	vst v63  }
0x343: {  	s20 =	simm.s32 $0x1580  }
0x344: {  	[tilespmem:s3], [sflag:$0x9] =	stream.indirect.gather [hbm4b:s1+s21], $0x80, s20, s21, $0xb8;
	[tilespmem:$0x1F800] =	vst v63  }
0x345: {  	_ =	swait.ge [sflag:s7], $0x1400  }
0x346: {  	[sflag:s7] =	ssyncset.done $0x0  }
0x347: {  	[sflag:s7] =	ssyncadd.s32 $0xFFFFEC00  }
0x348: {  	_ =	swait.ge [sflag:s9], $0x1400  }
0x349: {  	[sflag:s9] =	ssyncset.done $0x0  }
0x34a: {  	[sflag:s9] =	ssyncadd.s32 $0xFFFFEC00  }
0x34b: {  	_ =	swait.ge [sflag:s10], $0x1400  }
0x34c: {  	[sflag:s10] =	ssyncset.done $0x0  }
0x34d: {  	s14 =	simm.s32 $0x3300;
	[sflag:s10] =	ssyncadd.s32 $0xFFFFEC00  }
0x34e: {  	[spmem:s2] =	stream.indirect.scatter.add.f32 [tilespmem:s22], [sflag:$0x3], $0x80, s14, s21, $0xb8;
	[tilespmem:$0x1F800] =	vst v63  }
0x34f: {  	s16 =	simm.s32 $0x3380  }
0x350: {  	[spmem:s2] =	stream.indirect.scatter.add.f32 [tilespmem:s24], [sflag:$0x3], $0x80, s16, s21, $0xb8;
	[tilespmem:$0x1F800] =	vst v63  }
0x351: {  	s18 =	simm.s32 $0x3400  }
0x352: {  	[spmem:s2] =	stream.indirect.scatter.add.f32 [tilespmem:s26], [sflag:$0x3], $0x80, s18, s21, $0xb8;
	[tilespmem:$0x1F800] =	vst v63  }
0x353: {  	_ =	swait.ge [sflag:s13], $0x1400  }
0x354: {  	[sflag:s13] =	ssyncset.done $0x0  }
0x355: {  	[sflag:s13] =	ssyncadd.s32 $0xFFFFEC00  }
0x356: {  	_ =	swait.ge [sflag:s13], $0x1400  }
0x357: {  	[sflag:s13] =	ssyncset.done $0x0  }
0x358: {  	[sflag:s13] =	ssyncadd.s32 $0xFFFFEC00  }
0x359: {  	_ =	swait.ge [sflag:s13], $0x1400  }
0x35a: {  	[sflag:s13] =	ssyncset.done $0x0  }
0x35b: {  	s20 =	simm.s32 $0x1600;
	[sflag:s13] =	ssyncadd.s32 $0xFFFFEC00  }
0x35c: {  	[tilespmem:s22], [sflag:$0x4] =	stream.indirect.gather [hbm4b:s1+s21], $0x80, s20, s21, $0xb8;
	[tilespmem:$0x1F800] =	vst v63  }
0x35d: {  	s14 =	simm.s32 $0x1680  }
0x35e: {  	[tilespmem:s24], [sflag:$0x5] =	stream.indirect.gather [hbm4b:s1+s21], $0x80, s14, s21, $0xb8;
	[tilespmem:$0x1F800] =	vst v63  }
0x35f: {  	s16 =	simm.s32 $0x1700  }
0x360: {  	[tilespmem:s26], [sflag:$0x6] =	stream.indirect.gather [hbm4b:s1+s21], $0x80, s16, s21, $0xb8;
	[tilespmem:$0x1F800] =	vst v63  }
0x361: {  	_ =	swait.ge [sflag:s15], $0x1400  }
0x362: {  	[sflag:s15] =	ssyncset.done $0x0  }
0x363: {  	[sflag:s15] =	ssyncadd.s32 $0xFFFFEC00  }
0x364: {  	_ =	swait.ge [sflag:s17], $0x1400  }
0x365: {  	[sflag:s17] =	ssyncset.done $0x0  }
0x366: {  	[sflag:s17] =	ssyncadd.s32 $0xFFFFEC00  }
0x367: {  	_ =	swait.ge [sflag:s23], $0x1400  }
0x368: {  	[sflag:s23] =	ssyncset.done $0x0  }
0x369: {  	s18 =	simm.s32 $0x3480;
	[sflag:s23] =	ssyncadd.s32 $0xFFFFEC00  }
0x36a: {  	[spmem:s2] =	stream.indirect.scatter.add.f32 [tilespmem:s29], [sflag:$0x3], $0x80, s18, s21, $0xb8;
	[tilespmem:$0x1F800] =	vst v63  }
0x36b: {  	s20 =	simm.s32 $0x3500  }
0x36c: {  	[spmem:s2] =	stream.indirect.scatter.add.f32 [tilespmem:s31], [sflag:$0x3], $0x80, s20, s21, $0xb8;
	[tilespmem:$0x1F800] =	vst v63  }
0x36d: {  	s14 =	simm.s32 $0x3580  }
0x36e: {  	[spmem:s2] =	stream.indirect.scatter.add.f32 [tilespmem:s3], [sflag:$0x3], $0x80, s14, s21, $0xb8;
	[tilespmem:$0x1F800] =	vst v63  }
0x36f: {  	_ =	swait.ge [sflag:s13], $0x1400  }
0x370: {  	[sflag:s13] =	ssyncset.done $0x0  }
0x371: {  	[sflag:s13] =	ssyncadd.s32 $0xFFFFEC00  }
0x372: {  	_ =	swait.ge [sflag:s13], $0x1400  }
0x373: {  	[sflag:s13] =	ssyncset.done $0x0  }
0x374: {  	[sflag:s13] =	ssyncadd.s32 $0xFFFFEC00  }
0x375: {  	_ =	swait.ge [sflag:s13], $0x1400  }
0x376: {  	[sflag:s13] =	ssyncset.done $0x0  }
0x377: {  	s16 =	simm.s32 $0x1780;
	[sflag:s13] =	ssyncadd.s32 $0xFFFFEC00  }
0x378: {  	[tilespmem:s29], [sflag:$0x7] =	stream.indirect.gather [hbm4b:s1+s21], $0x80, s16, s21, $0xb8;
	[tilespmem:$0x1F800] =	vst v63  }
0x379: {  	s18 =	simm.s32 $0x1800  }
0x37a: {  	[tilespmem:s31], [sflag:$0x8] =	stream.indirect.gather [hbm4b:s1+s21], $0x80, s18, s21, $0xb8;
	[tilespmem:$0x1F800] =	vst v63  }
0x37b: {  	s20 =	simm.s32 $0x1880  }
0x37c: {  	[tilespmem:s3], [sflag:$0x9] =	stream.indirect.gather [hbm4b:s1+s21], $0x80, s20, s21, $0xb8;
	[tilespmem:$0x1F800] =	vst v63  }
0x37d: {  	_ =	swait.ge [sflag:s7], $0x1400  }
0x37e: {  	[sflag:s7] =	ssyncset.done $0x0  }
0x37f: {  	[sflag:s7] =	ssyncadd.s32 $0xFFFFEC00  }
0x380: {  	_ =	swait.ge [sflag:s9], $0x1400  }
0x381: {  	[sflag:s9] =	ssyncset.done $0x0  }
0x382: {  	[sflag:s9] =	ssyncadd.s32 $0xFFFFEC00  }
0x383: {  	_ =	swait.ge [sflag:s10], $0x1400  }
0x384: {  	[sflag:s10] =	ssyncset.done $0x0  }
0x385: {  	s14 =	simm.s32 $0x3600;
	[sflag:s10] =	ssyncadd.s32 $0xFFFFEC00  }
0x386: {  	[spmem:s2] =	stream.indirect.scatter.add.f32 [tilespmem:s22], [sflag:$0x3], $0x80, s14, s21, $0xb8;
	[tilespmem:$0x1F800] =	vst v63  }
0x387: {  	s16 =	simm.s32 $0x3680  }
0x388: {  	[spmem:s2] =	stream.indirect.scatter.add.f32 [tilespmem:s24], [sflag:$0x3], $0x80, s16, s21, $0xb8;
	[tilespmem:$0x1F800] =	vst v63  }
0x389: {  	s18 =	simm.s32 $0x3700  }
0x38a: {  	[spmem:s2] =	stream.indirect.scatter.add.f32 [tilespmem:s26], [sflag:$0x3], $0x80, s18, s21, $0xb8;
	[tilespmem:$0x1F800] =	vst v63  }
0x38b: {  	_ =	swait.ge [sflag:s13], $0x1400  }
0x38c: {  	[sflag:s13] =	ssyncset.done $0x0  }
0x38d: {  	[sflag:s13] =	ssyncadd.s32 $0xFFFFEC00  }
0x38e: {  	_ =	swait.ge [sflag:s13], $0x1400  }
0x38f: {  	[sflag:s13] =	ssyncset.done $0x0  }
0x390: {  	[sflag:s13] =	ssyncadd.s32 $0xFFFFEC00  }
0x391: {  	_ =	swait.ge [sflag:s13], $0x1400  }
0x392: {  	[sflag:s13] =	ssyncset.done $0x0  }
0x393: {  	[sflag:s13] =	ssyncadd.s32 $0xFFFFEC00  }
0x394: {  	_ =	swait.ge [sflag:s15], $0x1400  }
0x395: {  	[sflag:s15] =	ssyncset.done $0x0  }
0x396: {  	[sflag:s15] =	ssyncadd.s32 $0xFFFFEC00  }
0x397: {  	_ =	swait.ge [sflag:s17], $0x1400  }
0x398: {  	[sflag:s17] =	ssyncset.done $0x0  }
0x399: {  	[sflag:s17] =	ssyncadd.s32 $0xFFFFEC00  }
0x39a: {  	_ =	swait.ge [sflag:s23], $0x1400  }
0x39b: {  	[sflag:s23] =	ssyncset.done $0x0  }
0x39c: {  	s20 =	simm.s32 $0x3780;
	[sflag:s23] =	ssyncadd.s32 $0xFFFFEC00  }
0x39d: {  	[spmem:s2] =	stream.indirect.scatter.add.f32 [tilespmem:s29], [sflag:$0x3], $0x80, s20, s21, $0xb8;
	[tilespmem:$0x1F800] =	vst v63  }
0x39e: {  	s14 =	simm.s32 $0x3800  }
0x39f: {  	[spmem:s2] =	stream.indirect.scatter.add.f32 [tilespmem:s31], [sflag:$0x3], $0x80, s14, s21, $0xb8;
	[tilespmem:$0x1F800] =	vst v63  }
0x3a0: {  	s16 =	simm.s32 $0x3880  }
0x3a1: {  	[spmem:s2] =	stream.indirect.scatter.add.f32 [tilespmem:s3], [sflag:$0x3], $0x80, s16, s21, $0xb8;
	[tilespmem:$0x1F800] =	vst v63  }
0x3a2: {  	_ =	swait.ge [sflag:s13], $0x1400  }
0x3a3: {  	[sflag:s13] =	ssyncset.done $0x0  }
0x3a4: {  	[sflag:s13] =	ssyncadd.s32 $0xFFFFEC00  }
0x3a5: {  	_ =	swait.ge [sflag:s13], $0x1400  }
0x3a6: {  	[sflag:s13] =	ssyncset.done $0x0  }
0x3a7: {  	[sflag:s13] =	ssyncadd.s32 $0xFFFFEC00  }
0x3a8: {  	_ =	swait.ge [sflag:s13], $0x1400  }
0x3a9: {  	[sflag:s13] =	ssyncset.done $0x0  }
0x3aa: {  	s18 =	simm.s32 $0x1900;
	[sflag:s13] =	ssyncadd.s32 $0xFFFFEC00  }
0x3ab: {  	[tilespmem:s22], [sflag:$0x4] =	stream.indirect.gather [hbm4b:s1+s21], $0x80, s18, s21, $0xb8;
	[tilespmem:$0x1F800] =	vst v63  }
0x3ac: {  	s20 =	simm.s32 $0x1980  }
0x3ad: {  	[tilespmem:s24], [sflag:$0x5] =	stream.indirect.gather [hbm4b:s1+s21], $0x80, s20, s21, $0xb8;
	[tilespmem:$0x1F800] =	vst v63  }
0x3ae: {  	s14 =	simm.s32 $0x1A00  }
0x3af: {  	[tilespmem:s26], [sflag:$0x6] =	stream.indirect.gather [hbm4b:s1+s21], $0x80, s14, s21, $0xb8;
	[tilespmem:$0x1F800] =	vst v63  }
0x3b0: {  	_ =	swait.ge [sflag:s7], $0x1400  }
0x3b1: {  	[sflag:s7] =	ssyncset.done $0x0  }
0x3b2: {  	s16 =	simm.s32 $0x3900;
	[sflag:s7] =	ssyncadd.s32 $0xFFFFEC00  }
0x3b3: {  	[spmem:s2] =	stream.indirect.scatter.add.f32 [tilespmem:s22], [sflag:$0x3], $0x80, s16, s21, $0xb8;
	[tilespmem:$0x1F800] =	vst v63  }
0x3b4: {  	_ =	swait.ge [sflag:s9], $0x1400  }
0x3b5: {  	[sflag:s9] =	ssyncset.done $0x0  }
0x3b6: {  	s18 =	simm.s32 $0x3980;
	[sflag:s9] =	ssyncadd.s32 $0xFFFFEC00  }
0x3b7: {  	[spmem:s2] =	stream.indirect.scatter.add.f32 [tilespmem:s24], [sflag:$0x3], $0x80, s18, s21, $0xb8;
	[tilespmem:$0x1F800] =	vst v63  }
0x3b8: {  	_ =	swait.ge [sflag:s10], $0x1400  }
0x3b9: {  	[sflag:s10] =	ssyncset.done $0x0  }
0x3ba: {  	s20 =	simm.s32 $0x3A00;
	[sflag:s10] =	ssyncadd.s32 $0xFFFFEC00  }
0x3bb: {  	[spmem:s2] =	stream.indirect.scatter.add.f32 [tilespmem:s26], [sflag:$0x3], $0x80, s20, s21, $0xb8;
	[tilespmem:$0x1F800] =	vst v63  }
0x3bc: {  	_ =	swait.ge [sflag:s13], $0x1400  }
0x3bd: {  	[sflag:s13] =	ssyncset.done $0x0  }
0x3be: {  	[sflag:s13] =	ssyncadd.s32 $0xFFFFEC00  }
0x3bf: {  	_ =	swait.ge [sflag:s13], $0x1400  }
0x3c0: {  	[sflag:s13] =	ssyncset.done $0x0  }
0x3c1: {  	[sflag:s13] =	ssyncadd.s32 $0xFFFFEC00  }
0x3c2: {  	_ =	swait.ge [sflag:s13], $0x1400  }
0x3c3: {  	[sflag:s13] =	ssyncset.done $0x0  }
0x3c4: {  	s14 =	simm.s32 $0x1A80;
	[sflag:s13] =	ssyncadd.s32 $0xFFFFEC00  }
0x3c5: {  	[tilespmem:s22], [sflag:$0x4] =	stream.indirect.gather [hbm4b:s1+s21], $0x80, s14, s21, $0xb8;
	[tilespmem:$0x1F800] =	vst v63  }
0x3c6: {  	s16 =	simm.s32 $0x1B00  }
0x3c7: {  	[tilespmem:s24], [sflag:$0x5] =	stream.indirect.gather [hbm4b:s1+s21], $0x80, s16, s21, $0xb8;
	[tilespmem:$0x1F800] =	vst v63  }
0x3c8: {  	s18 =	simm.s32 $0x1B80  }
0x3c9: {  	[tilespmem:s26], [sflag:$0x6] =	stream.indirect.gather [hbm4b:s1+s21], $0x80, s18, s21, $0xb8;
	[tilespmem:$0x1F800] =	vst v63  }
0x3ca: {  	_ =	swait.ge [sflag:s7], $0x1400  }
0x3cb: {  	[sflag:s7] =	ssyncset.done $0x0  }
0x3cc: {  	s20 =	simm.s32 $0x3A80;
	[sflag:s7] =	ssyncadd.s32 $0xFFFFEC00  }
0x3cd: {  	[spmem:s2] =	stream.indirect.scatter.add.f32 [tilespmem:s22], [sflag:$0x3], $0x80, s20, s21, $0xb8;
	[tilespmem:$0x1F800] =	vst v63  }
0x3ce: {  	_ =	swait.ge [sflag:s9], $0x1400  }
0x3cf: {  	[sflag:s9] =	ssyncset.done $0x0  }
0x3d0: {  	[sflag:s9] =	ssyncadd.s32 $0xFFFFEC00  }
0x3d1: {  	[spmem:s2] =	stream.indirect.scatter.add.f32 [tilespmem:s24], [sflag:$0x3], $0x80, s25, s21, $0xb8;
	[tilespmem:$0x1F800] =	vst v63  }
0x3d2: {  	_ =	swait.ge [sflag:s10], $0x1400  }
0x3d3: {  	[sflag:s10] =	ssyncset.done $0x0  }
0x3d4: {  	[sflag:s10] =	ssyncadd.s32 $0xFFFFEC00  }
0x3d5: {  	[spmem:s2] =	stream.indirect.scatter.add.f32 [tilespmem:s26], [sflag:$0x3], $0x80, s5, s21, $0xb8;
	[tilespmem:$0x1F800] =	vst v63  }
0x3d6: {  	_ =	swait.ge [sflag:s13], $0x1400  }
0x3d7: {  	[sflag:s13] =	ssyncset.done $0x0  }
0x3d8: {  	[sflag:s13] =	ssyncadd.s32 $0xFFFFEC00  }
0x3d9: {  	_ =	swait.ge [sflag:s13], $0x1400  }
0x3da: {  	[sflag:s13] =	ssyncset.done $0x0  }
0x3db: {  	[sflag:s13] =	ssyncadd.s32 $0xFFFFEC00  }
0x3dc: {  	_ =	swait.ge [sflag:s13], $0x1400  }
0x3dd: {  	[sflag:s13] =	ssyncset.done $0x0  }
0x3de: {  	[sflag:s13] =	ssyncadd.s32 $0xFFFFEC00  }
0x3df: {  	[tilespmem:s22], [sflag:$0x4] =	stream.indirect.gather [hbm4b:s1+s21], $0x80, s19, s21, $0xb8;
	[tilespmem:$0x1F800] =	vst v63  }
0x3e0: {  	_ =	swait.ge [sflag:s7], $0x1400  }
0x3e1: {  	[sflag:s7] =	ssyncset.done $0x0  }
0x3e2: {  	[sflag:s7] =	ssyncadd.s32 $0xFFFFEC00  }
0x3e3: {  	[spmem:s2] =	stream.indirect.scatter.add.f32 [tilespmem:s22], [sflag:$0x3], $0x80, s6, s21, $0xb8;
	[tilespmem:$0x1F800] =	vst v63  }
0x3e4: {  	_ =	swait.ge [sflag:s13], $0x1400  }
0x3e5: {  	[sflag:s13] =	ssyncset.done $0x0  }
0x3e6: {  	p0 =	sne.s32 s12, $0xC00;
	[sflag:s13] =	ssyncadd.s32 $0xFFFFEC00  }
.Ltmp0:
0x3e7: {  	_ =	swait.ge [sflag:s30], $0xC80;
	(pc) =	sbr.rel @p0 .LBB2_2-.Ltmp0, $4  }
0x3e8: {  	[sflag:s30] =	ssyncset.done $0x0  }
0x3e9: {  	[sflag:s30] =	ssyncadd.s32 $0xFFFFF380  }
0x3ea: {  	_ =	swait.ge [sflag:s0], $0xC80  }
0x3eb: {  	s12 =	sadd.s32 $0x400, s12;
	s14 =	rddreg [dreg:$0x5];
	[sflag:s0] =	ssyncset.done $0x0  }
0x3ec: {  	s8 =	rddreg [dreg:$0x4]  }
0x3ed: {  	[sflag:s0] =	ssyncadd.s32 $0xFFFFF380;
	s12 =	sadd.s32 s11, s14;
	s14 =	simm.s32 $0x1000  }
0x3ee: {  	[tilespmem:s14], [sflag:$0x1] =	stream.linear.gather [hbm4b:s12+s4], $0xC80, $0x38;
	[tilespmem:$0x1F800] =	vst v63  }
0x3ef: {  	s20 =	simm.s32 $0x3000;
	s8 =	sadd.s32 s11, s8  }
0x3f0: {  	[tilespmem:s20], [sflag:$0x2] =	stream.linear.gather [hbm4b:s8+s4], $0xC80, $0x38;
	[tilespmem:$0x1F800] =	vst v63  }
0x3f1: {  	_ = 	snop  }
0x3f2: {  	[tilespmem:s22], [sflag:$0x4] =	stream.indirect.gather [hbm4b:s1+s21], $0x80, s4, s21, $0xb8;
	[tilespmem:$0x1F800] =	vst v63  }
0x3f3: {  	s6 =	simm.s32 $0x80  }
0x3f4: {  	[tilespmem:s24], [sflag:$0x5] =	stream.indirect.gather [hbm4b:s1+s21], $0x80, s6, s21, $0xb8;
	[tilespmem:$0x1F800] =	vst v63  }
0x3f5: {  	s19 =	simm.s32 $0x100  }
0x3f6: {  	[tilespmem:s26], [sflag:$0x6] =	stream.indirect.gather [hbm4b:s1+s21], $0x80, s19, s21, $0xb8;
	[tilespmem:$0x1F800] =	vst v63  }
0x3f7: {  	s5 =	simm.s32 $0x180  }
0x3f8: {  	[tilespmem:s29], [sflag:$0x7] =	stream.indirect.gather [hbm4b:s1+s21], $0x80, s5, s21, $0xb8;
	[tilespmem:$0x1F800] =	vst v63  }
0x3f9: {  	s25 =	simm.s32 $0x200  }
0x3fa: {  	[tilespmem:s31], [sflag:$0x8] =	stream.indirect.gather [hbm4b:s1+s21], $0x80, s25, s21, $0xb8;
	[tilespmem:$0x1F800] =	vst v63  }
0x3fb: {  	s11 =	simm.s32 $0x280  }
0x3fc: {  	[tilespmem:s3], [sflag:$0x9] =	stream.indirect.gather [hbm4b:s1+s21], $0x80, s11, s21, $0xb8;
	[tilespmem:$0x1F800] =	vst v63  }
0x3fd: {  	_ =	swait.ge [sflag:s7], $0x1400  }
0x3fe: {  	[sflag:s7] =	ssyncset.done $0x0  }
0x3ff: {  	[sflag:s7] =	ssyncadd.s32 $0xFFFFEC00  }
0x400: {  	_ =	swait.ge [sflag:s9], $0x1400  }
0x401: {  	[sflag:s9] =	ssyncset.done $0x0  }
0x402: {  	[sflag:s9] =	ssyncadd.s32 $0xFFFFEC00  }
0x403: {  	_ =	swait.ge [sflag:s10], $0x1400  }
0x404: {  	[sflag:s10] =	ssyncset.done $0x0  }
0x405: {  	s16 =	simm.s32 $0x2000;
	[sflag:s10] =	ssyncadd.s32 $0xFFFFEC00  }
0x406: {  	[spmem:s2] =	stream.indirect.scatter.add.f32 [tilespmem:s22], [sflag:$0x3], $0x80, s16, s21, $0xb8;
	[tilespmem:$0x1F800] =	vst v63  }
0x407: {  	s12 =	simm.s32 $0x2080  }
0x408: {  	[spmem:s2] =	stream.indirect.scatter.add.f32 [tilespmem:s24], [sflag:$0x3], $0x80, s12, s21, $0xb8;
	[tilespmem:$0x1F800] =	vst v63  }
0x409: {  	s18 =	simm.s32 $0x2100  }
0x40a: {  	[spmem:s2] =	stream.indirect.scatter.add.f32 [tilespmem:s26], [sflag:$0x3], $0x80, s18, s21, $0xb8;
	[tilespmem:$0x1F800] =	vst v63  }
0x40b: {  	_ =	swait.ge [sflag:s13], $0x1400  }
0x40c: {  	[sflag:s13] =	ssyncset.done $0x0  }
0x40d: {  	[sflag:s13] =	ssyncadd.s32 $0xFFFFEC00  }
0x40e: {  	_ =	swait.ge [sflag:s13], $0x1400  }
0x40f: {  	[sflag:s13] =	ssyncset.done $0x0  }
0x410: {  	[sflag:s13] =	ssyncadd.s32 $0xFFFFEC00  }
0x411: {  	_ =	swait.ge [sflag:s13], $0x1400  }
0x412: {  	[sflag:s13] =	ssyncset.done $0x0  }
0x413: {  	s8 =	simm.s32 $0x300;
	[sflag:s13] =	ssyncadd.s32 $0xFFFFEC00  }
0x414: {  	[tilespmem:s22], [sflag:$0x4] =	stream.indirect.gather [hbm4b:s1+s21], $0x80, s8, s21, $0xb8;
	[tilespmem:$0x1F800] =	vst v63  }
0x415: {  	s11 =	simm.s32 $0x380  }
0x416: {  	[tilespmem:s24], [sflag:$0x5] =	stream.indirect.gather [hbm4b:s1+s21], $0x80, s11, s21, $0xb8;
	[tilespmem:$0x1F800] =	vst v63  }
0x417: {  	s12 =	simm.s32 $0x400  }
0x418: {  	[tilespmem:s26], [sflag:$0x6] =	stream.indirect.gather [hbm4b:s1+s21], $0x80, s12, s21, $0xb8;
	[tilespmem:$0x1F800] =	vst v63  }
0x419: {  	_ =	swait.ge [sflag:s15], $0x1400  }
0x41a: {  	[sflag:s15] =	ssyncset.done $0x0  }
0x41b: {  	[sflag:s15] =	ssyncadd.s32 $0xFFFFEC00  }
0x41c: {  	_ =	swait.ge [sflag:s17], $0x1400  }
0x41d: {  	[sflag:s17] =	ssyncset.done $0x0  }
0x41e: {  	[sflag:s17] =	ssyncadd.s32 $0xFFFFEC00  }
0x41f: {  	_ =	swait.ge [sflag:s23], $0x1400  }
0x420: {  	[sflag:s23] =	ssyncset.done $0x0  }
0x421: {  	s18 =	simm.s32 $0x2180;
	[sflag:s23] =	ssyncadd.s32 $0xFFFFEC00  }
0x422: {  	[spmem:s2] =	stream.indirect.scatter.add.f32 [tilespmem:s29], [sflag:$0x3], $0x80, s18, s21, $0xb8;
	[tilespmem:$0x1F800] =	vst v63  }
0x423: {  	s8 =	simm.s32 $0x2200  }
0x424: {  	[spmem:s2] =	stream.indirect.scatter.add.f32 [tilespmem:s31], [sflag:$0x3], $0x80, s8, s21, $0xb8;
	[tilespmem:$0x1F800] =	vst v63  }
0x425: {  	s11 =	simm.s32 $0x2280  }
0x426: {  	[spmem:s2] =	stream.indirect.scatter.add.f32 [tilespmem:s3], [sflag:$0x3], $0x80, s11, s21, $0xb8;
	[tilespmem:$0x1F800] =	vst v63  }
0x427: {  	_ =	swait.ge [sflag:s13], $0x1400  }
0x428: {  	[sflag:s13] =	ssyncset.done $0x0  }
0x429: {  	[sflag:s13] =	ssyncadd.s32 $0xFFFFEC00  }
0x42a: {  	_ =	swait.ge [sflag:s13], $0x1400  }
0x42b: {  	[sflag:s13] =	ssyncset.done $0x0  }
0x42c: {  	[sflag:s13] =	ssyncadd.s32 $0xFFFFEC00  }
0x42d: {  	_ =	swait.ge [sflag:s13], $0x1400  }
0x42e: {  	[sflag:s13] =	ssyncset.done $0x0  }
0x42f: {  	s12 =	simm.s32 $0x480;
	[sflag:s13] =	ssyncadd.s32 $0xFFFFEC00  }
0x430: {  	[tilespmem:s29], [sflag:$0x7] =	stream.indirect.gather [hbm4b:s1+s21], $0x80, s12, s21, $0xb8;
	[tilespmem:$0x1F800] =	vst v63  }
0x431: {  	s18 =	simm.s32 $0x500  }
0x432: {  	[tilespmem:s31], [sflag:$0x8] =	stream.indirect.gather [hbm4b:s1+s21], $0x80, s18, s21, $0xb8;
	[tilespmem:$0x1F800] =	vst v63  }
0x433: {  	s8 =	simm.s32 $0x580  }
0x434: {  	[tilespmem:s3], [sflag:$0x9] =	stream.indirect.gather [hbm4b:s1+s21], $0x80, s8, s21, $0xb8;
	[tilespmem:$0x1F800] =	vst v63  }
0x435: {  	_ =	swait.ge [sflag:s7], $0x1400  }
0x436: {  	[sflag:s7] =	ssyncset.done $0x0  }
0x437: {  	[sflag:s7] =	ssyncadd.s32 $0xFFFFEC00  }
0x438: {  	_ =	swait.ge [sflag:s9], $0x1400  }
0x439: {  	[sflag:s9] =	ssyncset.done $0x0  }
0x43a: {  	[sflag:s9] =	ssyncadd.s32 $0xFFFFEC00  }
0x43b: {  	_ =	swait.ge [sflag:s10], $0x1400  }
0x43c: {  	[sflag:s10] =	ssyncset.done $0x0  }
0x43d: {  	s11 =	simm.s32 $0x2300;
	[sflag:s10] =	ssyncadd.s32 $0xFFFFEC00  }
0x43e: {  	[spmem:s2] =	stream.indirect.scatter.add.f32 [tilespmem:s22], [sflag:$0x3], $0x80, s11, s21, $0xb8;
	[tilespmem:$0x1F800] =	vst v63  }
0x43f: {  	s12 =	simm.s32 $0x2380  }
0x440: {  	[spmem:s2] =	stream.indirect.scatter.add.f32 [tilespmem:s24], [sflag:$0x3], $0x80, s12, s21, $0xb8;
	[tilespmem:$0x1F800] =	vst v63  }
0x441: {  	s18 =	simm.s32 $0x2400  }
0x442: {  	[spmem:s2] =	stream.indirect.scatter.add.f32 [tilespmem:s26], [sflag:$0x3], $0x80, s18, s21, $0xb8;
	[tilespmem:$0x1F800] =	vst v63  }
0x443: {  	_ =	swait.ge [sflag:s13], $0x1400  }
0x444: {  	[sflag:s13] =	ssyncset.done $0x0  }
0x445: {  	[sflag:s13] =	ssyncadd.s32 $0xFFFFEC00  }
0x446: {  	_ =	swait.ge [sflag:s13], $0x1400  }
0x447: {  	[sflag:s13] =	ssyncset.done $0x0  }
0x448: {  	[sflag:s13] =	ssyncadd.s32 $0xFFFFEC00  }
0x449: {  	_ =	swait.ge [sflag:s13], $0x1400  }
0x44a: {  	[sflag:s13] =	ssyncset.done $0x0  }
0x44b: {  	s8 =	simm.s32 $0x600;
	[sflag:s13] =	ssyncadd.s32 $0xFFFFEC00  }
0x44c: {  	[tilespmem:s22], [sflag:$0x4] =	stream.indirect.gather [hbm4b:s1+s21], $0x80, s8, s21, $0xb8;
	[tilespmem:$0x1F800] =	vst v63  }
0x44d: {  	s11 =	simm.s32 $0x680  }
0x44e: {  	[tilespmem:s24], [sflag:$0x5] =	stream.indirect.gather [hbm4b:s1+s21], $0x80, s11, s21, $0xb8;
	[tilespmem:$0x1F800] =	vst v63  }
0x44f: {  	s12 =	simm.s32 $0x700  }
0x450: {  	[tilespmem:s26], [sflag:$0x6] =	stream.indirect.gather [hbm4b:s1+s21], $0x80, s12, s21, $0xb8;
	[tilespmem:$0x1F800] =	vst v63  }
0x451: {  	_ =	swait.ge [sflag:s15], $0x1400  }
0x452: {  	[sflag:s15] =	ssyncset.done $0x0  }
0x453: {  	[sflag:s15] =	ssyncadd.s32 $0xFFFFEC00  }
0x454: {  	_ =	swait.ge [sflag:s17], $0x1400  }
0x455: {  	[sflag:s17] =	ssyncset.done $0x0  }
0x456: {  	[sflag:s17] =	ssyncadd.s32 $0xFFFFEC00  }
0x457: {  	_ =	swait.ge [sflag:s23], $0x1400  }
0x458: {  	[sflag:s23] =	ssyncset.done $0x0  }
0x459: {  	s18 =	simm.s32 $0x2480;
	[sflag:s23] =	ssyncadd.s32 $0xFFFFEC00  }
0x45a: {  	[spmem:s2] =	stream.indirect.scatter.add.f32 [tilespmem:s29], [sflag:$0x3], $0x80, s18, s21, $0xb8;
	[tilespmem:$0x1F800] =	vst v63  }
0x45b: {  	s8 =	simm.s32 $0x2500  }
0x45c: {  	[spmem:s2] =	stream.indirect.scatter.add.f32 [tilespmem:s31], [sflag:$0x3], $0x80, s8, s21, $0xb8;
	[tilespmem:$0x1F800] =	vst v63  }
0x45d: {  	s11 =	simm.s32 $0x2580  }
0x45e: {  	[spmem:s2] =	stream.indirect.scatter.add.f32 [tilespmem:s3], [sflag:$0x3], $0x80, s11, s21, $0xb8;
	[tilespmem:$0x1F800] =	vst v63  }
0x45f: {  	_ =	swait.ge [sflag:s13], $0x1400  }
0x460: {  	[sflag:s13] =	ssyncset.done $0x0  }
0x461: {  	[sflag:s13] =	ssyncadd.s32 $0xFFFFEC00  }
0x462: {  	_ =	swait.ge [sflag:s13], $0x1400  }
0x463: {  	[sflag:s13] =	ssyncset.done $0x0  }
0x464: {  	[sflag:s13] =	ssyncadd.s32 $0xFFFFEC00  }
0x465: {  	_ =	swait.ge [sflag:s13], $0x1400  }
0x466: {  	[sflag:s13] =	ssyncset.done $0x0  }
0x467: {  	s12 =	simm.s32 $0x780;
	[sflag:s13] =	ssyncadd.s32 $0xFFFFEC00  }
0x468: {  	[tilespmem:s29], [sflag:$0x7] =	stream.indirect.gather [hbm4b:s1+s21], $0x80, s12, s21, $0xb8;
	[tilespmem:$0x1F800] =	vst v63  }
0x469: {  	s18 =	simm.s32 $0x800  }
0x46a: {  	[tilespmem:s31], [sflag:$0x8] =	stream.indirect.gather [hbm4b:s1+s21], $0x80, s18, s21, $0xb8;
	[tilespmem:$0x1F800] =	vst v63  }
0x46b: {  	s8 =	simm.s32 $0x880  }
0x46c: {  	[tilespmem:s3], [sflag:$0x9] =	stream.indirect.gather [hbm4b:s1+s21], $0x80, s8, s21, $0xb8;
	[tilespmem:$0x1F800] =	vst v63  }
0x46d: {  	_ =	swait.ge [sflag:s7], $0x1400  }
0x46e: {  	[sflag:s7] =	ssyncset.done $0x0  }
0x46f: {  	[sflag:s7] =	ssyncadd.s32 $0xFFFFEC00  }
0x470: {  	_ =	swait.ge [sflag:s9], $0x1400  }
0x471: {  	[sflag:s9] =	ssyncset.done $0x0  }
0x472: {  	[sflag:s9] =	ssyncadd.s32 $0xFFFFEC00  }
0x473: {  	_ =	swait.ge [sflag:s10], $0x1400  }
0x474: {  	[sflag:s10] =	ssyncset.done $0x0  }
0x475: {  	s11 =	simm.s32 $0x2600;
	[sflag:s10] =	ssyncadd.s32 $0xFFFFEC00  }
0x476: {  	[spmem:s2] =	stream.indirect.scatter.add.f32 [tilespmem:s22], [sflag:$0x3], $0x80, s11, s21, $0xb8;
	[tilespmem:$0x1F800] =	vst v63  }
0x477: {  	s12 =	simm.s32 $0x2680  }
0x478: {  	[spmem:s2] =	stream.indirect.scatter.add.f32 [tilespmem:s24], [sflag:$0x3], $0x80, s12, s21, $0xb8;
	[tilespmem:$0x1F800] =	vst v63  }
0x479: {  	s18 =	simm.s32 $0x2700  }
0x47a: {  	[spmem:s2] =	stream.indirect.scatter.add.f32 [tilespmem:s26], [sflag:$0x3], $0x80, s18, s21, $0xb8;
	[tilespmem:$0x1F800] =	vst v63  }
0x47b: {  	_ =	swait.ge [sflag:s13], $0x1400  }
0x47c: {  	[sflag:s13] =	ssyncset.done $0x0  }
0x47d: {  	[sflag:s13] =	ssyncadd.s32 $0xFFFFEC00  }
0x47e: {  	_ =	swait.ge [sflag:s13], $0x1400  }
0x47f: {  	[sflag:s13] =	ssyncset.done $0x0  }
0x480: {  	[sflag:s13] =	ssyncadd.s32 $0xFFFFEC00  }
0x481: {  	_ =	swait.ge [sflag:s13], $0x1400  }
0x482: {  	[sflag:s13] =	ssyncset.done $0x0  }
0x483: {  	[sflag:s13] =	ssyncadd.s32 $0xFFFFEC00  }
0x484: {  	_ =	swait.ge [sflag:s15], $0x1400  }
0x485: {  	[sflag:s15] =	ssyncset.done $0x0  }
0x486: {  	[sflag:s15] =	ssyncadd.s32 $0xFFFFEC00  }
0x487: {  	_ =	swait.ge [sflag:s17], $0x1400  }
0x488: {  	[sflag:s17] =	ssyncset.done $0x0  }
0x489: {  	[sflag:s17] =	ssyncadd.s32 $0xFFFFEC00  }
0x48a: {  	_ =	swait.ge [sflag:s23], $0x1400  }
0x48b: {  	[sflag:s23] =	ssyncset.done $0x0  }
0x48c: {  	s8 =	simm.s32 $0x2780;
	[sflag:s23] =	ssyncadd.s32 $0xFFFFEC00  }
0x48d: {  	[spmem:s2] =	stream.indirect.scatter.add.f32 [tilespmem:s29], [sflag:$0x3], $0x80, s8, s21, $0xb8;
	[tilespmem:$0x1F800] =	vst v63  }
0x48e: {  	s11 =	simm.s32 $0x2800  }
0x48f: {  	[spmem:s2] =	stream.indirect.scatter.add.f32 [tilespmem:s31], [sflag:$0x3], $0x80, s11, s21, $0xb8;
	[tilespmem:$0x1F800] =	vst v63  }
0x490: {  	s12 =	simm.s32 $0x2880  }
0x491: {  	[spmem:s2] =	stream.indirect.scatter.add.f32 [tilespmem:s3], [sflag:$0x3], $0x80, s12, s21, $0xb8;
	[tilespmem:$0x1F800] =	vst v63  }
0x492: {  	_ =	swait.ge [sflag:s13], $0x1400  }
0x493: {  	[sflag:s13] =	ssyncset.done $0x0  }
0x494: {  	[sflag:s13] =	ssyncadd.s32 $0xFFFFEC00  }
0x495: {  	_ =	swait.ge [sflag:s13], $0x1400  }
0x496: {  	[sflag:s13] =	ssyncset.done $0x0  }
0x497: {  	[sflag:s13] =	ssyncadd.s32 $0xFFFFEC00  }
0x498: {  	_ =	swait.ge [sflag:s13], $0x1400  }
0x499: {  	[sflag:s13] =	ssyncset.done $0x0  }
0x49a: {  	s18 =	simm.s32 $0x900;
	[sflag:s13] =	ssyncadd.s32 $0xFFFFEC00  }
0x49b: {  	[tilespmem:s22], [sflag:$0x4] =	stream.indirect.gather [hbm4b:s1+s21], $0x80, s18, s21, $0xb8;
	[tilespmem:$0x1F800] =	vst v63  }
0x49c: {  	s8 =	simm.s32 $0x980  }
0x49d: {  	[tilespmem:s24], [sflag:$0x5] =	stream.indirect.gather [hbm4b:s1+s21], $0x80, s8, s21, $0xb8;
	[tilespmem:$0x1F800] =	vst v63  }
0x49e: {  	s11 =	simm.s32 $0xA00  }
0x49f: {  	[tilespmem:s26], [sflag:$0x6] =	stream.indirect.gather [hbm4b:s1+s21], $0x80, s11, s21, $0xb8;
	[tilespmem:$0x1F800] =	vst v63  }
0x4a0: {  	_ =	swait.ge [sflag:s7], $0x1400  }
0x4a1: {  	[sflag:s7] =	ssyncset.done $0x0  }
0x4a2: {  	s12 =	simm.s32 $0x2900;
	[sflag:s7] =	ssyncadd.s32 $0xFFFFEC00  }
0x4a3: {  	[spmem:s2] =	stream.indirect.scatter.add.f32 [tilespmem:s22], [sflag:$0x3], $0x80, s12, s21, $0xb8;
	[tilespmem:$0x1F800] =	vst v63  }
0x4a4: {  	_ =	swait.ge [sflag:s9], $0x1400  }
0x4a5: {  	[sflag:s9] =	ssyncset.done $0x0  }
0x4a6: {  	s18 =	simm.s32 $0x2980;
	[sflag:s9] =	ssyncadd.s32 $0xFFFFEC00  }
0x4a7: {  	[spmem:s2] =	stream.indirect.scatter.add.f32 [tilespmem:s24], [sflag:$0x3], $0x80, s18, s21, $0xb8;
	[tilespmem:$0x1F800] =	vst v63  }
0x4a8: {  	_ =	swait.ge [sflag:s10], $0x1400  }
0x4a9: {  	[sflag:s10] =	ssyncset.done $0x0  }
0x4aa: {  	s8 =	simm.s32 $0x2A00;
	[sflag:s10] =	ssyncadd.s32 $0xFFFFEC00  }
0x4ab: {  	[spmem:s2] =	stream.indirect.scatter.add.f32 [tilespmem:s26], [sflag:$0x3], $0x80, s8, s21, $0xb8;
	[tilespmem:$0x1F800] =	vst v63  }
0x4ac: {  	_ =	swait.ge [sflag:s13], $0x1400  }
0x4ad: {  	[sflag:s13] =	ssyncset.done $0x0  }
0x4ae: {  	[sflag:s13] =	ssyncadd.s32 $0xFFFFEC00  }
0x4af: {  	_ =	swait.ge [sflag:s13], $0x1400  }
0x4b0: {  	[sflag:s13] =	ssyncset.done $0x0  }
0x4b1: {  	[sflag:s13] =	ssyncadd.s32 $0xFFFFEC00  }
0x4b2: {  	_ =	swait.ge [sflag:s13], $0x1400  }
0x4b3: {  	[sflag:s13] =	ssyncset.done $0x0  }
0x4b4: {  	s11 =	simm.s32 $0xA80;
	[sflag:s13] =	ssyncadd.s32 $0xFFFFEC00  }
0x4b5: {  	[tilespmem:s22], [sflag:$0x4] =	stream.indirect.gather [hbm4b:s1+s21], $0x80, s11, s21, $0xb8;
	[tilespmem:$0x1F800] =	vst v63  }
0x4b6: {  	s12 =	simm.s32 $0xB00  }
0x4b7: {  	[tilespmem:s24], [sflag:$0x5] =	stream.indirect.gather [hbm4b:s1+s21], $0x80, s12, s21, $0xb8;
	[tilespmem:$0x1F800] =	vst v63  }
0x4b8: {  	s18 =	simm.s32 $0xB80  }
0x4b9: {  	[tilespmem:s26], [sflag:$0x6] =	stream.indirect.gather [hbm4b:s1+s21], $0x80, s18, s21, $0xb8;
	[tilespmem:$0x1F800] =	vst v63  }
0x4ba: {  	_ =	swait.ge [sflag:s7], $0x1400  }
0x4bb: {  	[sflag:s7] =	ssyncset.done $0x0  }
0x4bc: {  	s8 =	simm.s32 $0x2A80;
	[sflag:s7] =	ssyncadd.s32 $0xFFFFEC00  }
0x4bd: {  	[spmem:s2] =	stream.indirect.scatter.add.f32 [tilespmem:s22], [sflag:$0x3], $0x80, s8, s21, $0xb8;
	[tilespmem:$0x1F800] =	vst v63  }
0x4be: {  	_ =	swait.ge [sflag:s9], $0x1400  }
0x4bf: {  	[sflag:s9] =	ssyncset.done $0x0  }
0x4c0: {  	s11 =	simm.s32 $0x2B00;
	[sflag:s9] =	ssyncadd.s32 $0xFFFFEC00  }
0x4c1: {  	[spmem:s2] =	stream.indirect.scatter.add.f32 [tilespmem:s24], [sflag:$0x3], $0x80, s11, s21, $0xb8;
	[tilespmem:$0x1F800] =	vst v63  }
0x4c2: {  	_ =	swait.ge [sflag:s10], $0x1400  }
0x4c3: {  	[sflag:s10] =	ssyncset.done $0x0  }
0x4c4: {  	s12 =	simm.s32 $0x2B80;
	[sflag:s10] =	ssyncadd.s32 $0xFFFFEC00  }
0x4c5: {  	[spmem:s2] =	stream.indirect.scatter.add.f32 [tilespmem:s26], [sflag:$0x3], $0x80, s12, s21, $0xb8;
	[tilespmem:$0x1F800] =	vst v63  }
0x4c6: {  	_ =	swait.ge [sflag:s13], $0x1400  }
0x4c7: {  	[sflag:s13] =	ssyncset.done $0x0  }
0x4c8: {  	[sflag:s13] =	ssyncadd.s32 $0xFFFFEC00  }
0x4c9: {  	_ =	swait.ge [sflag:s13], $0x1400  }
0x4ca: {  	[sflag:s13] =	ssyncset.done $0x0  }
0x4cb: {  	[sflag:s13] =	ssyncadd.s32 $0xFFFFEC00  }
0x4cc: {  	_ =	swait.ge [sflag:s13], $0x1400  }
0x4cd: {  	[sflag:s13] =	ssyncset.done $0x0  }
0x4ce: {  	s18 =	simm.s32 $0xC00;
	[sflag:s13] =	ssyncadd.s32 $0xFFFFEC00  }
0x4cf: {  	[tilespmem:s22], [sflag:$0x4] =	stream.indirect.gather [hbm4b:s1+s21], $0x80, s18, s21, $0xb8;
	[tilespmem:$0x1F800] =	vst v63  }
0x4d0: {  	_ =	swait.ge [sflag:s7], $0x1400  }
0x4d1: {  	[sflag:s7] =	ssyncset.done $0x0  }
0x4d2: {  	s8 =	simm.s32 $0x2C00;
	[sflag:s7] =	ssyncadd.s32 $0xFFFFEC00  }
0x4d3: {  	[spmem:s2] =	stream.indirect.scatter.add.f32 [tilespmem:s22], [sflag:$0x3], $0x80, s8, s21, $0xb8;
	[tilespmem:$0x1F800] =	vst v63  }
0x4d4: {  	_ =	swait.ge [sflag:s13], $0x1400  }
0x4d5: {  	[sflag:s13] =	ssyncset.done $0x0  }
0x4d6: {  	[sflag:s13] =	ssyncadd.s32 $0xFFFFEC00  }
0x4d7: {  	_ =	swait.ge [sflag:s30], $0xC80  }
0x4d8: {  	[sflag:s30] =	ssyncset.done $0x0  }
0x4d9: {  	[sflag:s30] =	ssyncadd.s32 $0xFFFFF380  }
0x4da: {  	s11 =	sadd.s32 $0x2000, s28;
	_ =	swait.ge [sflag:s0], $0xC80  }
0x4db: {  	s8 =	sshrl.u32 s11, $0x3;
	[sflag:s0] =	ssyncset.done $0x0;
	s12 =	rddreg [dreg:$0x7]  }
0x4dc: {  	s28 =	rddreg [dreg:$0x6];
	[sflag:s0] =	ssyncadd.s32 $0xFFFFF380;
	s18 =	sadd.s32 s12, s8  }
0x4dd: {  	[tilespmem:s4], [sflag:$0x1] =	stream.linear.gather [hbm4b:s18+s4], $0xC80, $0x38;
	[tilespmem:$0x1F800] =	vst v63  }
0x4de: {  	s8 =	sadd.s32 s28, s8  }
0x4df: {  	[tilespmem:s16], [sflag:$0x2] =	stream.linear.gather [hbm4b:s8+s4], $0xC80, $0x38;
	[tilespmem:$0x1F800] =	vst v63  }
0x4e0: {  	_ = 	snop  }
0x4e1: {  	[tilespmem:s22], [sflag:$0x4] =	stream.indirect.gather [hbm4b:s1+s21], $0x80, s14, s21, $0xb8;
	[tilespmem:$0x1F800] =	vst v63  }
0x4e2: {  	s11 =	simm.s32 $0x1080  }
0x4e3: {  	[tilespmem:s24], [sflag:$0x5] =	stream.indirect.gather [hbm4b:s1+s21], $0x80, s11, s21, $0xb8;
	[tilespmem:$0x1F800] =	vst v63  }
0x4e4: {  	s28 =	simm.s32 $0x1100  }
0x4e5: {  	[tilespmem:s26], [sflag:$0x6] =	stream.indirect.gather [hbm4b:s1+s21], $0x80, s28, s21, $0xb8;
	[tilespmem:$0x1F800] =	vst v63  }
0x4e6: {  	s12 =	simm.s32 $0x1180  }
0x4e7: {  	[tilespmem:s29], [sflag:$0x7] =	stream.indirect.gather [hbm4b:s1+s21], $0x80, s12, s21, $0xb8;
	[tilespmem:$0x1F800] =	vst v63  }
0x4e8: {  	s18 =	simm.s32 $0x1200  }
0x4e9: {  	[tilespmem:s31], [sflag:$0x8] =	stream.indirect.gather [hbm4b:s1+s21], $0x80, s18, s21, $0xb8;
	[tilespmem:$0x1F800] =	vst v63  }
0x4ea: {  	s8 =	simm.s32 $0x1280  }
0x4eb: {  	[tilespmem:s3], [sflag:$0x9] =	stream.indirect.gather [hbm4b:s1+s21], $0x80, s8, s21, $0xb8;
	[tilespmem:$0x1F800] =	vst v63  }
0x4ec: {  	_ =	swait.ge [sflag:s7], $0x1400  }
0x4ed: {  	[sflag:s7] =	ssyncset.done $0x0  }
0x4ee: {  	[sflag:s7] =	ssyncadd.s32 $0xFFFFEC00  }
0x4ef: {  	_ =	swait.ge [sflag:s9], $0x1400  }
0x4f0: {  	[sflag:s9] =	ssyncset.done $0x0  }
0x4f1: {  	[sflag:s9] =	ssyncadd.s32 $0xFFFFEC00  }
0x4f2: {  	_ =	swait.ge [sflag:s10], $0x1400  }
0x4f3: {  	[sflag:s10] =	ssyncset.done $0x0  }
0x4f4: {  	[sflag:s10] =	ssyncadd.s32 $0xFFFFEC00  }
0x4f5: {  	[spmem:s2] =	stream.indirect.scatter.add.f32 [tilespmem:s22], [sflag:$0x3], $0x80, s20, s21, $0xb8;
	[tilespmem:$0x1F800] =	vst v63  }
0x4f6: {  	s8 =	simm.s32 $0x3080  }
0x4f7: {  	[spmem:s2] =	stream.indirect.scatter.add.f32 [tilespmem:s24], [sflag:$0x3], $0x80, s8, s21, $0xb8;
	[tilespmem:$0x1F800] =	vst v63  }
0x4f8: {  	s8 =	simm.s32 $0x3100  }
0x4f9: {  	[spmem:s2] =	stream.indirect.scatter.add.f32 [tilespmem:s26], [sflag:$0x3], $0x80, s8, s21, $0xb8;
	[tilespmem:$0x1F800] =	vst v63  }
0x4fa: {  	_ =	swait.ge [sflag:s13], $0x1400  }
0x4fb: {  	[sflag:s13] =	ssyncset.done $0x0  }
0x4fc: {  	[sflag:s13] =	ssyncadd.s32 $0xFFFFEC00  }
0x4fd: {  	_ =	swait.ge [sflag:s13], $0x1400  }
0x4fe: {  	[sflag:s13] =	ssyncset.done $0x0  }
0x4ff: {  	[sflag:s13] =	ssyncadd.s32 $0xFFFFEC00  }
0x500: {  	_ =	swait.ge [sflag:s13], $0x1400  }
0x501: {  	[sflag:s13] =	ssyncset.done $0x0  }
0x502: {  	s8 =	simm.s32 $0x1300;
	[sflag:s13] =	ssyncadd.s32 $0xFFFFEC00  }
0x503: {  	[tilespmem:s22], [sflag:$0x4] =	stream.indirect.gather [hbm4b:s1+s21], $0x80, s8, s21, $0xb8;
	[tilespmem:$0x1F800] =	vst v63  }
0x504: {  	s8 =	simm.s32 $0x1380  }
0x505: {  	[tilespmem:s24], [sflag:$0x5] =	stream.indirect.gather [hbm4b:s1+s21], $0x80, s8, s21, $0xb8;
	[tilespmem:$0x1F800] =	vst v63  }
0x506: {  	s8 =	simm.s32 $0x1400  }
0x507: {  	[tilespmem:s26], [sflag:$0x6] =	stream.indirect.gather [hbm4b:s1+s21], $0x80, s8, s21, $0xb8;
	[tilespmem:$0x1F800] =	vst v63  }
0x508: {  	_ =	swait.ge [sflag:s15], $0x1400  }
0x509: {  	[sflag:s15] =	ssyncset.done $0x0  }
0x50a: {  	[sflag:s15] =	ssyncadd.s32 $0xFFFFEC00  }
0x50b: {  	_ =	swait.ge [sflag:s17], $0x1400  }
0x50c: {  	[sflag:s17] =	ssyncset.done $0x0  }
0x50d: {  	[sflag:s17] =	ssyncadd.s32 $0xFFFFEC00  }
0x50e: {  	_ =	swait.ge [sflag:s23], $0x1400  }
0x50f: {  	[sflag:s23] =	ssyncset.done $0x0  }
0x510: {  	s8 =	simm.s32 $0x3180;
	[sflag:s23] =	ssyncadd.s32 $0xFFFFEC00  }
0x511: {  	[spmem:s2] =	stream.indirect.scatter.add.f32 [tilespmem:s29], [sflag:$0x3], $0x80, s8, s21, $0xb8;
	[tilespmem:$0x1F800] =	vst v63  }
0x512: {  	s8 =	simm.s32 $0x3200  }
0x513: {  	[spmem:s2] =	stream.indirect.scatter.add.f32 [tilespmem:s31], [sflag:$0x3], $0x80, s8, s21, $0xb8;
	[tilespmem:$0x1F800] =	vst v63  }
0x514: {  	s8 =	simm.s32 $0x3280  }
0x515: {  	[spmem:s2] =	stream.indirect.scatter.add.f32 [tilespmem:s3], [sflag:$0x3], $0x80, s8, s21, $0xb8;
	[tilespmem:$0x1F800] =	vst v63  }
0x516: {  	_ =	swait.ge [sflag:s13], $0x1400  }
0x517: {  	[sflag:s13] =	ssyncset.done $0x0  }
0x518: {  	[sflag:s13] =	ssyncadd.s32 $0xFFFFEC00  }
0x519: {  	_ =	swait.ge [sflag:s13], $0x1400  }
0x51a: {  	[sflag:s13] =	ssyncset.done $0x0  }
0x51b: {  	[sflag:s13] =	ssyncadd.s32 $0xFFFFEC00  }
0x51c: {  	_ =	swait.ge [sflag:s13], $0x1400  }
0x51d: {  	[sflag:s13] =	ssyncset.done $0x0  }
0x51e: {  	s8 =	simm.s32 $0x1480;
	[sflag:s13] =	ssyncadd.s32 $0xFFFFEC00  }
0x51f: {  	[tilespmem:s29], [sflag:$0x7] =	stream.indirect.gather [hbm4b:s1+s21], $0x80, s8, s21, $0xb8;
	[tilespmem:$0x1F800] =	vst v63  }
0x520: {  	s8 =	simm.s32 $0x1500  }
0x521: {  	[tilespmem:s31], [sflag:$0x8] =	stream.indirect.gather [hbm4b:s1+s21], $0x80, s8, s21, $0xb8;
	[tilespmem:$0x1F800] =	vst v63  }
0x522: {  	s8 =	simm.s32 $0x1580  }
0x523: {  	[tilespmem:s3], [sflag:$0x9] =	stream.indirect.gather [hbm4b:s1+s21], $0x80, s8, s21, $0xb8;
	[tilespmem:$0x1F800] =	vst v63  }
0x524: {  	_ =	swait.ge [sflag:s7], $0x1400  }
0x525: {  	[sflag:s7] =	ssyncset.done $0x0  }
0x526: {  	[sflag:s7] =	ssyncadd.s32 $0xFFFFEC00  }
0x527: {  	_ =	swait.ge [sflag:s9], $0x1400  }
0x528: {  	[sflag:s9] =	ssyncset.done $0x0  }
0x529: {  	[sflag:s9] =	ssyncadd.s32 $0xFFFFEC00  }
0x52a: {  	_ =	swait.ge [sflag:s10], $0x1400  }
0x52b: {  	[sflag:s10] =	ssyncset.done $0x0  }
0x52c: {  	s8 =	simm.s32 $0x3300;
	[sflag:s10] =	ssyncadd.s32 $0xFFFFEC00  }
0x52d: {  	[spmem:s2] =	stream.indirect.scatter.add.f32 [tilespmem:s22], [sflag:$0x3], $0x80, s8, s21, $0xb8;
	[tilespmem:$0x1F800] =	vst v63  }
0x52e: {  	s8 =	simm.s32 $0x3380  }
0x52f: {  	[spmem:s2] =	stream.indirect.scatter.add.f32 [tilespmem:s24], [sflag:$0x3], $0x80, s8, s21, $0xb8;
	[tilespmem:$0x1F800] =	vst v63  }
0x530: {  	s8 =	simm.s32 $0x3400  }
0x531: {  	[spmem:s2] =	stream.indirect.scatter.add.f32 [tilespmem:s26], [sflag:$0x3], $0x80, s8, s21, $0xb8;
	[tilespmem:$0x1F800] =	vst v63  }
0x532: {  	_ =	swait.ge [sflag:s13], $0x1400  }
0x533: {  	[sflag:s13] =	ssyncset.done $0x0  }
0x534: {  	[sflag:s13] =	ssyncadd.s32 $0xFFFFEC00  }
0x535: {  	_ =	swait.ge [sflag:s13], $0x1400  }
0x536: {  	[sflag:s13] =	ssyncset.done $0x0  }
0x537: {  	[sflag:s13] =	ssyncadd.s32 $0xFFFFEC00  }
0x538: {  	_ =	swait.ge [sflag:s13], $0x1400  }
0x539: {  	[sflag:s13] =	ssyncset.done $0x0  }
0x53a: {  	s8 =	simm.s32 $0x1600;
	[sflag:s13] =	ssyncadd.s32 $0xFFFFEC00  }
0x53b: {  	[tilespmem:s22], [sflag:$0x4] =	stream.indirect.gather [hbm4b:s1+s21], $0x80, s8, s21, $0xb8;
	[tilespmem:$0x1F800] =	vst v63  }
0x53c: {  	s8 =	simm.s32 $0x1680  }
0x53d: {  	[tilespmem:s24], [sflag:$0x5] =	stream.indirect.gather [hbm4b:s1+s21], $0x80, s8, s21, $0xb8;
	[tilespmem:$0x1F800] =	vst v63  }
0x53e: {  	s8 =	simm.s32 $0x1700  }
0x53f: {  	[tilespmem:s26], [sflag:$0x6] =	stream.indirect.gather [hbm4b:s1+s21], $0x80, s8, s21, $0xb8;
	[tilespmem:$0x1F800] =	vst v63  }
0x540: {  	_ =	swait.ge [sflag:s15], $0x1400  }
0x541: {  	[sflag:s15] =	ssyncset.done $0x0  }
0x542: {  	[sflag:s15] =	ssyncadd.s32 $0xFFFFEC00  }
0x543: {  	_ =	swait.ge [sflag:s17], $0x1400  }
0x544: {  	[sflag:s17] =	ssyncset.done $0x0  }
0x545: {  	[sflag:s17] =	ssyncadd.s32 $0xFFFFEC00  }
0x546: {  	_ =	swait.ge [sflag:s23], $0x1400  }
0x547: {  	[sflag:s23] =	ssyncset.done $0x0  }
0x548: {  	s8 =	simm.s32 $0x3480;
	[sflag:s23] =	ssyncadd.s32 $0xFFFFEC00  }
0x549: {  	[spmem:s2] =	stream.indirect.scatter.add.f32 [tilespmem:s29], [sflag:$0x3], $0x80, s8, s21, $0xb8;
	[tilespmem:$0x1F800] =	vst v63  }
0x54a: {  	s8 =	simm.s32 $0x3500  }
0x54b: {  	[spmem:s2] =	stream.indirect.scatter.add.f32 [tilespmem:s31], [sflag:$0x3], $0x80, s8, s21, $0xb8;
	[tilespmem:$0x1F800] =	vst v63  }
0x54c: {  	s8 =	simm.s32 $0x3580  }
0x54d: {  	[spmem:s2] =	stream.indirect.scatter.add.f32 [tilespmem:s3], [sflag:$0x3], $0x80, s8, s21, $0xb8;
	[tilespmem:$0x1F800] =	vst v63  }
0x54e: {  	_ =	swait.ge [sflag:s13], $0x1400  }
0x54f: {  	[sflag:s13] =	ssyncset.done $0x0  }
0x550: {  	[sflag:s13] =	ssyncadd.s32 $0xFFFFEC00  }
0x551: {  	_ =	swait.ge [sflag:s13], $0x1400  }
0x552: {  	[sflag:s13] =	ssyncset.done $0x0  }
0x553: {  	[sflag:s13] =	ssyncadd.s32 $0xFFFFEC00  }
0x554: {  	_ =	swait.ge [sflag:s13], $0x1400  }
0x555: {  	[sflag:s13] =	ssyncset.done $0x0  }
0x556: {  	s8 =	simm.s32 $0x1780;
	[sflag:s13] =	ssyncadd.s32 $0xFFFFEC00  }
0x557: {  	[tilespmem:s29], [sflag:$0x7] =	stream.indirect.gather [hbm4b:s1+s21], $0x80, s8, s21, $0xb8;
	[tilespmem:$0x1F800] =	vst v63  }
0x558: {  	s8 =	simm.s32 $0x1800  }
0x559: {  	[tilespmem:s31], [sflag:$0x8] =	stream.indirect.gather [hbm4b:s1+s21], $0x80, s8, s21, $0xb8;
	[tilespmem:$0x1F800] =	vst v63  }
0x55a: {  	s8 =	simm.s32 $0x1880  }
0x55b: {  	[tilespmem:s3], [sflag:$0x9] =	stream.indirect.gather [hbm4b:s1+s21], $0x80, s8, s21, $0xb8;
	[tilespmem:$0x1F800] =	vst v63  }
0x55c: {  	_ =	swait.ge [sflag:s7], $0x1400  }
0x55d: {  	[sflag:s7] =	ssyncset.done $0x0  }
0x55e: {  	[sflag:s7] =	ssyncadd.s32 $0xFFFFEC00  }
0x55f: {  	_ =	swait.ge [sflag:s9], $0x1400  }
0x560: {  	[sflag:s9] =	ssyncset.done $0x0  }
0x561: {  	[sflag:s9] =	ssyncadd.s32 $0xFFFFEC00  }
0x562: {  	_ =	swait.ge [sflag:s10], $0x1400  }
0x563: {  	[sflag:s10] =	ssyncset.done $0x0  }
0x564: {  	s8 =	simm.s32 $0x3600;
	[sflag:s10] =	ssyncadd.s32 $0xFFFFEC00  }
0x565: {  	[spmem:s2] =	stream.indirect.scatter.add.f32 [tilespmem:s22], [sflag:$0x3], $0x80, s8, s21, $0xb8;
	[tilespmem:$0x1F800] =	vst v63  }
0x566: {  	s8 =	simm.s32 $0x3680  }
0x567: {  	[spmem:s2] =	stream.indirect.scatter.add.f32 [tilespmem:s24], [sflag:$0x3], $0x80, s8, s21, $0xb8;
	[tilespmem:$0x1F800] =	vst v63  }
0x568: {  	s8 =	simm.s32 $0x3700  }
0x569: {  	[spmem:s2] =	stream.indirect.scatter.add.f32 [tilespmem:s26], [sflag:$0x3], $0x80, s8, s21, $0xb8;
	[tilespmem:$0x1F800] =	vst v63  }
0x56a: {  	_ =	swait.ge [sflag:s13], $0x1400  }
0x56b: {  	[sflag:s13] =	ssyncset.done $0x0  }
0x56c: {  	[sflag:s13] =	ssyncadd.s32 $0xFFFFEC00  }
0x56d: {  	_ =	swait.ge [sflag:s13], $0x1400  }
0x56e: {  	[sflag:s13] =	ssyncset.done $0x0  }
0x56f: {  	[sflag:s13] =	ssyncadd.s32 $0xFFFFEC00  }
0x570: {  	_ =	swait.ge [sflag:s13], $0x1400  }
0x571: {  	[sflag:s13] =	ssyncset.done $0x0  }
0x572: {  	[sflag:s13] =	ssyncadd.s32 $0xFFFFEC00  }
0x573: {  	_ =	swait.ge [sflag:s15], $0x1400  }
0x574: {  	[sflag:s15] =	ssyncset.done $0x0  }
0x575: {  	[sflag:s15] =	ssyncadd.s32 $0xFFFFEC00  }
0x576: {  	_ =	swait.ge [sflag:s17], $0x1400  }
0x577: {  	[sflag:s17] =	ssyncset.done $0x0  }
0x578: {  	[sflag:s17] =	ssyncadd.s32 $0xFFFFEC00  }
0x579: {  	_ =	swait.ge [sflag:s23], $0x1400  }
0x57a: {  	[sflag:s23] =	ssyncset.done $0x0  }
0x57b: {  	s8 =	simm.s32 $0x3780;
	[sflag:s23] =	ssyncadd.s32 $0xFFFFEC00  }
0x57c: {  	[spmem:s2] =	stream.indirect.scatter.add.f32 [tilespmem:s29], [sflag:$0x3], $0x80, s8, s21, $0xb8;
	[tilespmem:$0x1F800] =	vst v63  }
0x57d: {  	s8 =	simm.s32 $0x3800  }
0x57e: {  	[spmem:s2] =	stream.indirect.scatter.add.f32 [tilespmem:s31], [sflag:$0x3], $0x80, s8, s21, $0xb8;
	[tilespmem:$0x1F800] =	vst v63  }
0x57f: {  	s8 =	simm.s32 $0x3880  }
0x580: {  	[spmem:s2] =	stream.indirect.scatter.add.f32 [tilespmem:s3], [sflag:$0x3], $0x80, s8, s21, $0xb8;
	[tilespmem:$0x1F800] =	vst v63  }
0x581: {  	_ =	swait.ge [sflag:s13], $0x1400  }
0x582: {  	[sflag:s13] =	ssyncset.done $0x0  }
0x583: {  	[sflag:s13] =	ssyncadd.s32 $0xFFFFEC00  }
0x584: {  	_ =	swait.ge [sflag:s13], $0x1400  }
0x585: {  	[sflag:s13] =	ssyncset.done $0x0  }
0x586: {  	[sflag:s13] =	ssyncadd.s32 $0xFFFFEC00  }
0x587: {  	_ =	swait.ge [sflag:s13], $0x1400  }
0x588: {  	[sflag:s13] =	ssyncset.done $0x0  }
0x589: {  	s8 =	simm.s32 $0x1900;
	[sflag:s13] =	ssyncadd.s32 $0xFFFFEC00  }
0x58a: {  	[tilespmem:s22], [sflag:$0x4] =	stream.indirect.gather [hbm4b:s1+s21], $0x80, s8, s21, $0xb8;
	[tilespmem:$0x1F800] =	vst v63  }
0x58b: {  	s8 =	simm.s32 $0x1980  }
0x58c: {  	[tilespmem:s24], [sflag:$0x5] =	stream.indirect.gather [hbm4b:s1+s21], $0x80, s8, s21, $0xb8;
	[tilespmem:$0x1F800] =	vst v63  }
0x58d: {  	s8 =	simm.s32 $0x1A00  }
0x58e: {  	[tilespmem:s26], [sflag:$0x6] =	stream.indirect.gather [hbm4b:s1+s21], $0x80, s8, s21, $0xb8;
	[tilespmem:$0x1F800] =	vst v63  }
0x58f: {  	_ =	swait.ge [sflag:s7], $0x1400  }
0x590: {  	[sflag:s7] =	ssyncset.done $0x0  }
0x591: {  	s8 =	simm.s32 $0x3900;
	[sflag:s7] =	ssyncadd.s32 $0xFFFFEC00  }
0x592: {  	[spmem:s2] =	stream.indirect.scatter.add.f32 [tilespmem:s22], [sflag:$0x3], $0x80, s8, s21, $0xb8;
	[tilespmem:$0x1F800] =	vst v63  }
0x593: {  	_ =	swait.ge [sflag:s9], $0x1400  }
0x594: {  	[sflag:s9] =	ssyncset.done $0x0  }
0x595: {  	s8 =	simm.s32 $0x3980;
	[sflag:s9] =	ssyncadd.s32 $0xFFFFEC00  }
0x596: {  	[spmem:s2] =	stream.indirect.scatter.add.f32 [tilespmem:s24], [sflag:$0x3], $0x80, s8, s21, $0xb8;
	[tilespmem:$0x1F800] =	vst v63  }
0x597: {  	_ =	swait.ge [sflag:s10], $0x1400  }
0x598: {  	[sflag:s10] =	ssyncset.done $0x0  }
0x599: {  	s8 =	simm.s32 $0x3A00;
	[sflag:s10] =	ssyncadd.s32 $0xFFFFEC00  }
0x59a: {  	[spmem:s2] =	stream.indirect.scatter.add.f32 [tilespmem:s26], [sflag:$0x3], $0x80, s8, s21, $0xb8;
	[tilespmem:$0x1F800] =	vst v63  }
0x59b: {  	_ =	swait.ge [sflag:s13], $0x1400  }
0x59c: {  	[sflag:s13] =	ssyncset.done $0x0  }
0x59d: {  	[sflag:s13] =	ssyncadd.s32 $0xFFFFEC00  }
0x59e: {  	_ =	swait.ge [sflag:s13], $0x1400  }
0x59f: {  	[sflag:s13] =	ssyncset.done $0x0  }
0x5a0: {  	[sflag:s13] =	ssyncadd.s32 $0xFFFFEC00  }
0x5a1: {  	_ =	swait.ge [sflag:s13], $0x1400  }
0x5a2: {  	[sflag:s13] =	ssyncset.done $0x0  }
0x5a3: {  	s8 =	simm.s32 $0x1A80;
	[sflag:s13] =	ssyncadd.s32 $0xFFFFEC00  }
0x5a4: {  	[tilespmem:s22], [sflag:$0x4] =	stream.indirect.gather [hbm4b:s1+s21], $0x80, s8, s21, $0xb8;
	[tilespmem:$0x1F800] =	vst v63  }
0x5a5: {  	s8 =	simm.s32 $0x1B00  }
0x5a6: {  	[tilespmem:s24], [sflag:$0x5] =	stream.indirect.gather [hbm4b:s1+s21], $0x80, s8, s21, $0xb8;
	[tilespmem:$0x1F800] =	vst v63  }
0x5a7: {  	s8 =	simm.s32 $0x1B80  }
0x5a8: {  	[tilespmem:s26], [sflag:$0x6] =	stream.indirect.gather [hbm4b:s1+s21], $0x80, s8, s21, $0xb8;
	[tilespmem:$0x1F800] =	vst v63  }
0x5a9: {  	_ =	swait.ge [sflag:s7], $0x1400  }
0x5aa: {  	[sflag:s7] =	ssyncset.done $0x0  }
0x5ab: {  	s8 =	simm.s32 $0x3A80;
	[sflag:s7] =	ssyncadd.s32 $0xFFFFEC00  }
0x5ac: {  	[spmem:s2] =	stream.indirect.scatter.add.f32 [tilespmem:s22], [sflag:$0x3], $0x80, s8, s21, $0xb8;
	[tilespmem:$0x1F800] =	vst v63  }
0x5ad: {  	_ =	swait.ge [sflag:s9], $0x1400  }
0x5ae: {  	[sflag:s9] =	ssyncset.done $0x0  }
0x5af: {  	s8 =	simm.s32 $0x3B00;
	[sflag:s9] =	ssyncadd.s32 $0xFFFFEC00  }
0x5b0: {  	[spmem:s2] =	stream.indirect.scatter.add.f32 [tilespmem:s24], [sflag:$0x3], $0x80, s8, s21, $0xb8;
	[tilespmem:$0x1F800] =	vst v63  }
0x5b1: {  	_ =	swait.ge [sflag:s10], $0x1400  }
0x5b2: {  	[sflag:s10] =	ssyncset.done $0x0  }
0x5b3: {  	s8 =	simm.s32 $0x3B80;
	[sflag:s10] =	ssyncadd.s32 $0xFFFFEC00  }
0x5b4: {  	[spmem:s2] =	stream.indirect.scatter.add.f32 [tilespmem:s26], [sflag:$0x3], $0x80, s8, s21, $0xb8;
	[tilespmem:$0x1F800] =	vst v63  }
0x5b5: {  	_ =	swait.ge [sflag:s13], $0x1400  }
0x5b6: {  	[sflag:s13] =	ssyncset.done $0x0  }
0x5b7: {  	[sflag:s13] =	ssyncadd.s32 $0xFFFFEC00  }
0x5b8: {  	_ =	swait.ge [sflag:s13], $0x1400  }
0x5b9: {  	[sflag:s13] =	ssyncset.done $0x0  }
0x5ba: {  	[sflag:s13] =	ssyncadd.s32 $0xFFFFEC00  }
0x5bb: {  	_ =	swait.ge [sflag:s13], $0x1400  }
0x5bc: {  	[sflag:s13] =	ssyncset.done $0x0  }
0x5bd: {  	s8 =	simm.s32 $0x1C00;
	[sflag:s13] =	ssyncadd.s32 $0xFFFFEC00  }
0x5be: {  	[tilespmem:s22], [sflag:$0x4] =	stream.indirect.gather [hbm4b:s1+s21], $0x80, s8, s21, $0xb8;
	[tilespmem:$0x1F800] =	vst v63  }
0x5bf: {  	_ =	swait.ge [sflag:s7], $0x1400  }
0x5c0: {  	[sflag:s7] =	ssyncset.done $0x0  }
0x5c1: {  	s8 =	simm.s32 $0x3C00;
	[sflag:s7] =	ssyncadd.s32 $0xFFFFEC00  }
0x5c2: {  	[spmem:s2] =	stream.indirect.scatter.add.f32 [tilespmem:s22], [sflag:$0x3], $0x80, s8, s21, $0xb8;
	[tilespmem:$0x1F800] =	vst v63  }
0x5c3: {  	_ =	swait.ge [sflag:s13], $0x1400  }
0x5c4: {  	[sflag:s13] =	ssyncset.done $0x0  }
0x5c5: {  	[sflag:s13] =	ssyncadd.s32 $0xFFFFEC00  }
0x5c6: {  	_ =	swait.ge [sflag:s30], $0xC80  }
0x5c7: {  	[sflag:s30] =	ssyncset.done $0x0  }
0x5c8: {  	[sflag:s30] =	ssyncadd.s32 $0xFFFFF380  }
0x5c9: {  	_ =	swait.ge [sflag:s0], $0xC80  }
0x5ca: {  	[sflag:s0] =	ssyncset.done $0x0  }
0x5cb: {  	s5 =	rddreg [dreg:$0xc];
	[sflag:s0] =	ssyncadd.s32 $0xFFFFF380  }
0x5cc: {  	[tilespmem:s14], [sflag:$0x1] =	stream.linear.gather [hbm4b:s5+s4], $0xC80, $0x38;
	[tilespmem:$0x1F800] =	vst v63  }
0x5cd: {  	s5 =	rddreg [dreg:$0xd]  }
0x5ce: {  	[tilespmem:s20], [sflag:$0x2] =	stream.linear.gather [hbm4b:s5+s4], $0xC80, $0x38;
	[tilespmem:$0x1F800] =	vst v63  }
0x5cf: {  	_ = 	snop  }
0x5d0: {  	[tilespmem:s22], [sflag:$0x4] =	stream.indirect.gather [hbm4b:s1+s21], $0x80, s4, s21, $0xb8;
	[tilespmem:$0x1F800] =	vst v63  }
0x5d1: {  	_ = 	snop  }
0x5d2: {  	[tilespmem:s24], [sflag:$0x5] =	stream.indirect.gather [hbm4b:s1+s21], $0x80, s6, s21, $0xb8;
	[tilespmem:$0x1F800] =	vst v63  }
0x5d3: {  	_ = 	snop  }
0x5d4: {  	[tilespmem:s26], [sflag:$0x6] =	stream.indirect.gather [hbm4b:s1+s21], $0x80, s19, s21, $0xb8;
	[tilespmem:$0x1F800] =	vst v63  }
0x5d5: {  	s19 =	simm.s32 $0x180  }
0x5d6: {  	[tilespmem:s29], [sflag:$0x7] =	stream.indirect.gather [hbm4b:s1+s21], $0x80, s19, s21, $0xb8;
	[tilespmem:$0x1F800] =	vst v63  }
0x5d7: {  	_ = 	snop  }
0x5d8: {  	[tilespmem:s31], [sflag:$0x8] =	stream.indirect.gather [hbm4b:s1+s21], $0x80, s25, s21, $0xb8;
	[tilespmem:$0x1F800] =	vst v63  }
0x5d9: {  	s25 =	simm.s32 $0x280  }
0x5da: {  	[tilespmem:s3], [sflag:$0x9] =	stream.indirect.gather [hbm4b:s1+s21], $0x80, s25, s21, $0xb8;
	[tilespmem:$0x1F800] =	vst v63  }
0x5db: {  	_ =	swait.ge [sflag:s7], $0x1400  }
0x5dc: {  	[sflag:s7] =	ssyncset.done $0x0  }
0x5dd: {  	[sflag:s7] =	ssyncadd.s32 $0xFFFFEC00  }
0x5de: {  	_ =	swait.ge [sflag:s9], $0x1400  }
0x5df: {  	[sflag:s9] =	ssyncset.done $0x0  }
0x5e0: {  	[sflag:s9] =	ssyncadd.s32 $0xFFFFEC00  }
0x5e1: {  	_ =	swait.ge [sflag:s10], $0x1400  }
0x5e2: {  	[sflag:s10] =	ssyncset.done $0x0  }
0x5e3: {  	[sflag:s10] =	ssyncadd.s32 $0xFFFFEC00  }
0x5e4: {  	[spmem:s2] =	stream.indirect.scatter.add.f32 [tilespmem:s22], [sflag:$0x3], $0x80, s16, s21, $0xb8;
	[tilespmem:$0x1F800] =	vst v63  }
0x5e5: {  	s6 =	simm.s32 $0x2080  }
0x5e6: {  	[spmem:s2] =	stream.indirect.scatter.add.f32 [tilespmem:s24], [sflag:$0x3], $0x80, s6, s21, $0xb8;
	[tilespmem:$0x1F800] =	vst v63  }
0x5e7: {  	s8 =	simm.s32 $0x2100  }
0x5e8: {  	[spmem:s2] =	stream.indirect.scatter.add.f32 [tilespmem:s26], [sflag:$0x3], $0x80, s8, s21, $0xb8;
	[tilespmem:$0x1F800] =	vst v63  }
0x5e9: {  	_ =	swait.ge [sflag:s13], $0x1400  }
0x5ea: {  	[sflag:s13] =	ssyncset.done $0x0  }
0x5eb: {  	[sflag:s13] =	ssyncadd.s32 $0xFFFFEC00  }
0x5ec: {  	_ =	swait.ge [sflag:s13], $0x1400  }
0x5ed: {  	[sflag:s13] =	ssyncset.done $0x0  }
0x5ee: {  	[sflag:s13] =	ssyncadd.s32 $0xFFFFEC00  }
0x5ef: {  	_ =	swait.ge [sflag:s13], $0x1400  }
0x5f0: {  	[sflag:s13] =	ssyncset.done $0x0  }
0x5f1: {  	s16 =	simm.s32 $0x300;
	[sflag:s13] =	ssyncadd.s32 $0xFFFFEC00  }
0x5f2: {  	[tilespmem:s22], [sflag:$0x4] =	stream.indirect.gather [hbm4b:s1+s21], $0x80, s16, s21, $0xb8;
	[tilespmem:$0x1F800] =	vst v63  }
0x5f3: {  	s19 =	simm.s32 $0x380  }
0x5f4: {  	[tilespmem:s24], [sflag:$0x5] =	stream.indirect.gather [hbm4b:s1+s21], $0x80, s19, s21, $0xb8;
	[tilespmem:$0x1F800] =	vst v63  }
0x5f5: {  	s25 =	simm.s32 $0x400  }
0x5f6: {  	[tilespmem:s26], [sflag:$0x6] =	stream.indirect.gather [hbm4b:s1+s21], $0x80, s25, s21, $0xb8;
	[tilespmem:$0x1F800] =	vst v63  }
0x5f7: {  	_ =	swait.ge [sflag:s15], $0x1400  }
0x5f8: {  	[sflag:s15] =	ssyncset.done $0x0  }
0x5f9: {  	[sflag:s15] =	ssyncadd.s32 $0xFFFFEC00  }
0x5fa: {  	_ =	swait.ge [sflag:s17], $0x1400  }
0x5fb: {  	[sflag:s17] =	ssyncset.done $0x0  }
0x5fc: {  	[sflag:s17] =	ssyncadd.s32 $0xFFFFEC00  }
0x5fd: {  	_ =	swait.ge [sflag:s23], $0x1400  }
0x5fe: {  	[sflag:s23] =	ssyncset.done $0x0  }
0x5ff: {  	s6 =	simm.s32 $0x2180;
	[sflag:s23] =	ssyncadd.s32 $0xFFFFEC00  }
0x600: {  	[spmem:s2] =	stream.indirect.scatter.add.f32 [tilespmem:s29], [sflag:$0x3], $0x80, s6, s21, $0xb8;
	[tilespmem:$0x1F800] =	vst v63  }
0x601: {  	s8 =	simm.s32 $0x2200  }
0x602: {  	[spmem:s2] =	stream.indirect.scatter.add.f32 [tilespmem:s31], [sflag:$0x3], $0x80, s8, s21, $0xb8;
	[tilespmem:$0x1F800] =	vst v63  }
0x603: {  	s16 =	simm.s32 $0x2280  }
0x604: {  	[spmem:s2] =	stream.indirect.scatter.add.f32 [tilespmem:s3], [sflag:$0x3], $0x80, s16, s21, $0xb8;
	[tilespmem:$0x1F800] =	vst v63  }
0x605: {  	_ =	swait.ge [sflag:s13], $0x1400  }
0x606: {  	[sflag:s13] =	ssyncset.done $0x0  }
0x607: {  	[sflag:s13] =	ssyncadd.s32 $0xFFFFEC00  }
0x608: {  	_ =	swait.ge [sflag:s13], $0x1400  }
0x609: {  	[sflag:s13] =	ssyncset.done $0x0  }
0x60a: {  	[sflag:s13] =	ssyncadd.s32 $0xFFFFEC00  }
0x60b: {  	_ =	swait.ge [sflag:s13], $0x1400  }
0x60c: {  	[sflag:s13] =	ssyncset.done $0x0  }
0x60d: {  	s19 =	simm.s32 $0x480;
	[sflag:s13] =	ssyncadd.s32 $0xFFFFEC00  }
0x60e: {  	[tilespmem:s29], [sflag:$0x7] =	stream.indirect.gather [hbm4b:s1+s21], $0x80, s19, s21, $0xb8;
	[tilespmem:$0x1F800] =	vst v63  }
0x60f: {  	s25 =	simm.s32 $0x500  }
0x610: {  	[tilespmem:s31], [sflag:$0x8] =	stream.indirect.gather [hbm4b:s1+s21], $0x80, s25, s21, $0xb8;
	[tilespmem:$0x1F800] =	vst v63  }
0x611: {  	s6 =	simm.s32 $0x580  }
0x612: {  	[tilespmem:s3], [sflag:$0x9] =	stream.indirect.gather [hbm4b:s1+s21], $0x80, s6, s21, $0xb8;
	[tilespmem:$0x1F800] =	vst v63  }
0x613: {  	_ =	swait.ge [sflag:s7], $0x1400  }
0x614: {  	[sflag:s7] =	ssyncset.done $0x0  }
0x615: {  	[sflag:s7] =	ssyncadd.s32 $0xFFFFEC00  }
0x616: {  	_ =	swait.ge [sflag:s9], $0x1400  }
0x617: {  	[sflag:s9] =	ssyncset.done $0x0  }
0x618: {  	[sflag:s9] =	ssyncadd.s32 $0xFFFFEC00  }
0x619: {  	_ =	swait.ge [sflag:s10], $0x1400  }
0x61a: {  	[sflag:s10] =	ssyncset.done $0x0  }
0x61b: {  	s8 =	simm.s32 $0x2300;
	[sflag:s10] =	ssyncadd.s32 $0xFFFFEC00  }
0x61c: {  	[spmem:s2] =	stream.indirect.scatter.add.f32 [tilespmem:s22], [sflag:$0x3], $0x80, s8, s21, $0xb8;
	[tilespmem:$0x1F800] =	vst v63  }
0x61d: {  	s16 =	simm.s32 $0x2380  }
0x61e: {  	[spmem:s2] =	stream.indirect.scatter.add.f32 [tilespmem:s24], [sflag:$0x3], $0x80, s16, s21, $0xb8;
	[tilespmem:$0x1F800] =	vst v63  }
0x61f: {  	s19 =	simm.s32 $0x2400  }
0x620: {  	[spmem:s2] =	stream.indirect.scatter.add.f32 [tilespmem:s26], [sflag:$0x3], $0x80, s19, s21, $0xb8;
	[tilespmem:$0x1F800] =	vst v63  }
0x621: {  	_ =	swait.ge [sflag:s13], $0x1400  }
0x622: {  	[sflag:s13] =	ssyncset.done $0x0  }
0x623: {  	[sflag:s13] =	ssyncadd.s32 $0xFFFFEC00  }
0x624: {  	_ =	swait.ge [sflag:s13], $0x1400  }
0x625: {  	[sflag:s13] =	ssyncset.done $0x0  }
0x626: {  	[sflag:s13] =	ssyncadd.s32 $0xFFFFEC00  }
0x627: {  	_ =	swait.ge [sflag:s13], $0x1400  }
0x628: {  	[sflag:s13] =	ssyncset.done $0x0  }
0x629: {  	s25 =	simm.s32 $0x600;
	[sflag:s13] =	ssyncadd.s32 $0xFFFFEC00  }
0x62a: {  	[tilespmem:s22], [sflag:$0x4] =	stream.indirect.gather [hbm4b:s1+s21], $0x80, s25, s21, $0xb8;
	[tilespmem:$0x1F800] =	vst v63  }
0x62b: {  	s6 =	simm.s32 $0x680  }
0x62c: {  	[tilespmem:s24], [sflag:$0x5] =	stream.indirect.gather [hbm4b:s1+s21], $0x80, s6, s21, $0xb8;
	[tilespmem:$0x1F800] =	vst v63  }
0x62d: {  	s8 =	simm.s32 $0x700  }
0x62e: {  	[tilespmem:s26], [sflag:$0x6] =	stream.indirect.gather [hbm4b:s1+s21], $0x80, s8, s21, $0xb8;
	[tilespmem:$0x1F800] =	vst v63  }
0x62f: {  	_ =	swait.ge [sflag:s15], $0x1400  }
0x630: {  	[sflag:s15] =	ssyncset.done $0x0  }
0x631: {  	[sflag:s15] =	ssyncadd.s32 $0xFFFFEC00  }
0x632: {  	_ =	swait.ge [sflag:s17], $0x1400  }
0x633: {  	[sflag:s17] =	ssyncset.done $0x0  }
0x634: {  	[sflag:s17] =	ssyncadd.s32 $0xFFFFEC00  }
0x635: {  	_ =	swait.ge [sflag:s23], $0x1400  }
0x636: {  	[sflag:s23] =	ssyncset.done $0x0  }
0x637: {  	s16 =	simm.s32 $0x2480;
	[sflag:s23] =	ssyncadd.s32 $0xFFFFEC00  }
0x638: {  	[spmem:s2] =	stream.indirect.scatter.add.f32 [tilespmem:s29], [sflag:$0x3], $0x80, s16, s21, $0xb8;
	[tilespmem:$0x1F800] =	vst v63  }
0x639: {  	s19 =	simm.s32 $0x2500  }
0x63a: {  	[spmem:s2] =	stream.indirect.scatter.add.f32 [tilespmem:s31], [sflag:$0x3], $0x80, s19, s21, $0xb8;
	[tilespmem:$0x1F800] =	vst v63  }
0x63b: {  	s25 =	simm.s32 $0x2580  }
0x63c: {  	[spmem:s2] =	stream.indirect.scatter.add.f32 [tilespmem:s3], [sflag:$0x3], $0x80, s25, s21, $0xb8;
	[tilespmem:$0x1F800] =	vst v63  }
0x63d: {  	_ =	swait.ge [sflag:s13], $0x1400  }
0x63e: {  	[sflag:s13] =	ssyncset.done $0x0  }
0x63f: {  	[sflag:s13] =	ssyncadd.s32 $0xFFFFEC00  }
0x640: {  	_ =	swait.ge [sflag:s13], $0x1400  }
0x641: {  	[sflag:s13] =	ssyncset.done $0x0  }
0x642: {  	[sflag:s13] =	ssyncadd.s32 $0xFFFFEC00  }
0x643: {  	_ =	swait.ge [sflag:s13], $0x1400  }
0x644: {  	[sflag:s13] =	ssyncset.done $0x0  }
0x645: {  	s6 =	simm.s32 $0x780;
	[sflag:s13] =	ssyncadd.s32 $0xFFFFEC00  }
0x646: {  	[tilespmem:s29], [sflag:$0x7] =	stream.indirect.gather [hbm4b:s1+s21], $0x80, s6, s21, $0xb8;
	[tilespmem:$0x1F800] =	vst v63  }
0x647: {  	s8 =	simm.s32 $0x800  }
0x648: {  	[tilespmem:s31], [sflag:$0x8] =	stream.indirect.gather [hbm4b:s1+s21], $0x80, s8, s21, $0xb8;
	[tilespmem:$0x1F800] =	vst v63  }
0x649: {  	s16 =	simm.s32 $0x880  }
0x64a: {  	[tilespmem:s3], [sflag:$0x9] =	stream.indirect.gather [hbm4b:s1+s21], $0x80, s16, s21, $0xb8;
	[tilespmem:$0x1F800] =	vst v63  }
0x64b: {  	_ =	swait.ge [sflag:s7], $0x1400  }
0x64c: {  	[sflag:s7] =	ssyncset.done $0x0  }
0x64d: {  	[sflag:s7] =	ssyncadd.s32 $0xFFFFEC00  }
0x64e: {  	_ =	swait.ge [sflag:s9], $0x1400  }
0x64f: {  	[sflag:s9] =	ssyncset.done $0x0  }
0x650: {  	[sflag:s9] =	ssyncadd.s32 $0xFFFFEC00  }
0x651: {  	_ =	swait.ge [sflag:s10], $0x1400  }
0x652: {  	[sflag:s10] =	ssyncset.done $0x0  }
0x653: {  	s19 =	simm.s32 $0x2600;
	[sflag:s10] =	ssyncadd.s32 $0xFFFFEC00  }
0x654: {  	[spmem:s2] =	stream.indirect.scatter.add.f32 [tilespmem:s22], [sflag:$0x3], $0x80, s19, s21, $0xb8;
	[tilespmem:$0x1F800] =	vst v63  }
0x655: {  	s25 =	simm.s32 $0x2680  }
0x656: {  	[spmem:s2] =	stream.indirect.scatter.add.f32 [tilespmem:s24], [sflag:$0x3], $0x80, s25, s21, $0xb8;
	[tilespmem:$0x1F800] =	vst v63  }
0x657: {  	s6 =	simm.s32 $0x2700  }
0x658: {  	[spmem:s2] =	stream.indirect.scatter.add.f32 [tilespmem:s26], [sflag:$0x3], $0x80, s6, s21, $0xb8;
	[tilespmem:$0x1F800] =	vst v63  }
0x659: {  	_ =	swait.ge [sflag:s13], $0x1400  }
0x65a: {  	[sflag:s13] =	ssyncset.done $0x0  }
0x65b: {  	[sflag:s13] =	ssyncadd.s32 $0xFFFFEC00  }
0x65c: {  	_ =	swait.ge [sflag:s13], $0x1400  }
0x65d: {  	[sflag:s13] =	ssyncset.done $0x0  }
0x65e: {  	[sflag:s13] =	ssyncadd.s32 $0xFFFFEC00  }
0x65f: {  	_ =	swait.ge [sflag:s13], $0x1400  }
0x660: {  	[sflag:s13] =	ssyncset.done $0x0  }
0x661: {  	[sflag:s13] =	ssyncadd.s32 $0xFFFFEC00  }
0x662: {  	_ =	swait.ge [sflag:s15], $0x1400  }
0x663: {  	[sflag:s15] =	ssyncset.done $0x0  }
0x664: {  	[sflag:s15] =	ssyncadd.s32 $0xFFFFEC00  }
0x665: {  	_ =	swait.ge [sflag:s17], $0x1400  }
0x666: {  	[sflag:s17] =	ssyncset.done $0x0  }
0x667: {  	[sflag:s17] =	ssyncadd.s32 $0xFFFFEC00  }
0x668: {  	_ =	swait.ge [sflag:s23], $0x1400  }
0x669: {  	[sflag:s23] =	ssyncset.done $0x0  }
0x66a: {  	s8 =	simm.s32 $0x2780;
	[sflag:s23] =	ssyncadd.s32 $0xFFFFEC00  }
0x66b: {  	[spmem:s2] =	stream.indirect.scatter.add.f32 [tilespmem:s29], [sflag:$0x3], $0x80, s8, s21, $0xb8;
	[tilespmem:$0x1F800] =	vst v63  }
0x66c: {  	s16 =	simm.s32 $0x2800  }
0x66d: {  	[spmem:s2] =	stream.indirect.scatter.add.f32 [tilespmem:s31], [sflag:$0x3], $0x80, s16, s21, $0xb8;
	[tilespmem:$0x1F800] =	vst v63  }
0x66e: {  	s19 =	simm.s32 $0x2880  }
0x66f: {  	[spmem:s2] =	stream.indirect.scatter.add.f32 [tilespmem:s3], [sflag:$0x3], $0x80, s19, s21, $0xb8;
	[tilespmem:$0x1F800] =	vst v63  }
0x670: {  	_ =	swait.ge [sflag:s13], $0x1400  }
0x671: {  	[sflag:s13] =	ssyncset.done $0x0  }
0x672: {  	[sflag:s13] =	ssyncadd.s32 $0xFFFFEC00  }
0x673: {  	_ =	swait.ge [sflag:s13], $0x1400  }
0x674: {  	[sflag:s13] =	ssyncset.done $0x0  }
0x675: {  	[sflag:s13] =	ssyncadd.s32 $0xFFFFEC00  }
0x676: {  	_ =	swait.ge [sflag:s13], $0x1400  }
0x677: {  	[sflag:s13] =	ssyncset.done $0x0  }
0x678: {  	s25 =	simm.s32 $0x900;
	[sflag:s13] =	ssyncadd.s32 $0xFFFFEC00  }
0x679: {  	[tilespmem:s22], [sflag:$0x4] =	stream.indirect.gather [hbm4b:s1+s21], $0x80, s25, s21, $0xb8;
	[tilespmem:$0x1F800] =	vst v63  }
0x67a: {  	s6 =	simm.s32 $0x980  }
0x67b: {  	[tilespmem:s24], [sflag:$0x5] =	stream.indirect.gather [hbm4b:s1+s21], $0x80, s6, s21, $0xb8;
	[tilespmem:$0x1F800] =	vst v63  }
0x67c: {  	s8 =	simm.s32 $0xA00  }
0x67d: {  	[tilespmem:s26], [sflag:$0x6] =	stream.indirect.gather [hbm4b:s1+s21], $0x80, s8, s21, $0xb8;
	[tilespmem:$0x1F800] =	vst v63  }
0x67e: {  	_ =	swait.ge [sflag:s7], $0x1400  }
0x67f: {  	[sflag:s7] =	ssyncset.done $0x0  }
0x680: {  	s16 =	simm.s32 $0x2900;
	[sflag:s7] =	ssyncadd.s32 $0xFFFFEC00  }
0x681: {  	[spmem:s2] =	stream.indirect.scatter.add.f32 [tilespmem:s22], [sflag:$0x3], $0x80, s16, s21, $0xb8;
	[tilespmem:$0x1F800] =	vst v63  }
0x682: {  	_ =	swait.ge [sflag:s9], $0x1400  }
0x683: {  	[sflag:s9] =	ssyncset.done $0x0  }
0x684: {  	s19 =	simm.s32 $0x2980;
	[sflag:s9] =	ssyncadd.s32 $0xFFFFEC00  }
0x685: {  	[spmem:s2] =	stream.indirect.scatter.add.f32 [tilespmem:s24], [sflag:$0x3], $0x80, s19, s21, $0xb8;
	[tilespmem:$0x1F800] =	vst v63  }
0x686: {  	_ =	swait.ge [sflag:s10], $0x1400  }
0x687: {  	[sflag:s10] =	ssyncset.done $0x0  }
0x688: {  	s25 =	simm.s32 $0x2A00;
	[sflag:s10] =	ssyncadd.s32 $0xFFFFEC00  }
0x689: {  	[spmem:s2] =	stream.indirect.scatter.add.f32 [tilespmem:s26], [sflag:$0x3], $0x80, s25, s21, $0xb8;
	[tilespmem:$0x1F800] =	vst v63  }
0x68a: {  	_ =	swait.ge [sflag:s13], $0x1400  }
0x68b: {  	[sflag:s13] =	ssyncset.done $0x0  }
0x68c: {  	[sflag:s13] =	ssyncadd.s32 $0xFFFFEC00  }
0x68d: {  	_ =	swait.ge [sflag:s13], $0x1400  }
0x68e: {  	[sflag:s13] =	ssyncset.done $0x0  }
0x68f: {  	[sflag:s13] =	ssyncadd.s32 $0xFFFFEC00  }
0x690: {  	_ =	swait.ge [sflag:s13], $0x1400  }
0x691: {  	[sflag:s13] =	ssyncset.done $0x0  }
0x692: {  	s6 =	simm.s32 $0xA80;
	[sflag:s13] =	ssyncadd.s32 $0xFFFFEC00  }
0x693: {  	[tilespmem:s22], [sflag:$0x4] =	stream.indirect.gather [hbm4b:s1+s21], $0x80, s6, s21, $0xb8;
	[tilespmem:$0x1F800] =	vst v63  }
0x694: {  	s8 =	simm.s32 $0xB00  }
0x695: {  	[tilespmem:s24], [sflag:$0x5] =	stream.indirect.gather [hbm4b:s1+s21], $0x80, s8, s21, $0xb8;
	[tilespmem:$0x1F800] =	vst v63  }
0x696: {  	s16 =	simm.s32 $0xB80  }
0x697: {  	[tilespmem:s26], [sflag:$0x6] =	stream.indirect.gather [hbm4b:s1+s21], $0x80, s16, s21, $0xb8;
	[tilespmem:$0x1F800] =	vst v63  }
0x698: {  	_ =	swait.ge [sflag:s7], $0x1400  }
0x699: {  	[sflag:s7] =	ssyncset.done $0x0  }
0x69a: {  	s19 =	simm.s32 $0x2A80;
	[sflag:s7] =	ssyncadd.s32 $0xFFFFEC00  }
0x69b: {  	[spmem:s2] =	stream.indirect.scatter.add.f32 [tilespmem:s22], [sflag:$0x3], $0x80, s19, s21, $0xb8;
	[tilespmem:$0x1F800] =	vst v63  }
0x69c: {  	_ =	swait.ge [sflag:s9], $0x1400  }
0x69d: {  	[sflag:s9] =	ssyncset.done $0x0  }
0x69e: {  	s25 =	simm.s32 $0x2B00;
	[sflag:s9] =	ssyncadd.s32 $0xFFFFEC00  }
0x69f: {  	[spmem:s2] =	stream.indirect.scatter.add.f32 [tilespmem:s24], [sflag:$0x3], $0x80, s25, s21, $0xb8;
	[tilespmem:$0x1F800] =	vst v63  }
0x6a0: {  	_ =	swait.ge [sflag:s10], $0x1400  }
0x6a1: {  	[sflag:s10] =	ssyncset.done $0x0  }
0x6a2: {  	s6 =	simm.s32 $0x2B80;
	[sflag:s10] =	ssyncadd.s32 $0xFFFFEC00  }
0x6a3: {  	[spmem:s2] =	stream.indirect.scatter.add.f32 [tilespmem:s26], [sflag:$0x3], $0x80, s6, s21, $0xb8;
	[tilespmem:$0x1F800] =	vst v63  }
0x6a4: {  	_ =	swait.ge [sflag:s13], $0x1400  }
0x6a5: {  	[sflag:s13] =	ssyncset.done $0x0  }
0x6a6: {  	[sflag:s13] =	ssyncadd.s32 $0xFFFFEC00  }
0x6a7: {  	_ =	swait.ge [sflag:s13], $0x1400  }
0x6a8: {  	[sflag:s13] =	ssyncset.done $0x0  }
0x6a9: {  	[sflag:s13] =	ssyncadd.s32 $0xFFFFEC00  }
0x6aa: {  	_ =	swait.ge [sflag:s13], $0x1400  }
0x6ab: {  	[sflag:s13] =	ssyncset.done $0x0  }
0x6ac: {  	s8 =	simm.s32 $0xC00;
	[sflag:s13] =	ssyncadd.s32 $0xFFFFEC00  }
0x6ad: {  	[tilespmem:s22], [sflag:$0x4] =	stream.indirect.gather [hbm4b:s1+s21], $0x80, s8, s21, $0xb8;
	[tilespmem:$0x1F800] =	vst v63  }
0x6ae: {  	_ =	swait.ge [sflag:s7], $0x1400  }
0x6af: {  	[sflag:s7] =	ssyncset.done $0x0  }
0x6b0: {  	s16 =	simm.s32 $0x2C00;
	[sflag:s7] =	ssyncadd.s32 $0xFFFFEC00  }
0x6b1: {  	[spmem:s2] =	stream.indirect.scatter.add.f32 [tilespmem:s22], [sflag:$0x3], $0x80, s16, s21, $0xb8;
	[tilespmem:$0x1F800] =	vst v63  }
0x6b2: {  	_ =	swait.ge [sflag:s13], $0x1400  }
0x6b3: {  	[sflag:s13] =	ssyncset.done $0x0  }
0x6b4: {  	[sflag:s13] =	ssyncadd.s32 $0xFFFFEC00  }
0x6b5: {  	_ =	swait.ge [sflag:s30], $0xC80  }
0x6b6: {  	[sflag:s30] =	ssyncset.done $0x0  }
0x6b7: {  	[sflag:s30] =	ssyncadd.s32 $0xFFFFF380  }
0x6b8: {  	_ =	swait.ge [sflag:s0], $0xC80  }
0x6b9: {  	[sflag:s0] =	ssyncset.done $0x0  }
0x6ba: {  	[sflag:s0] =	ssyncadd.s32 $0xFFFFF380  }
0x6bb: {  	[tilespmem:s22], [sflag:$0x4] =	stream.indirect.gather [hbm4b:s1+s21], $0x80, s14, s21, $0xb8;
	[tilespmem:$0x1F800] =	vst v63  }
0x6bc: {  	_ = 	snop  }
0x6bd: {  	[tilespmem:s24], [sflag:$0x5] =	stream.indirect.gather [hbm4b:s1+s21], $0x80, s11, s21, $0xb8;
	[tilespmem:$0x1F800] =	vst v63  }
0x6be: {  	_ = 	snop  }
0x6bf: {  	[tilespmem:s26], [sflag:$0x6] =	stream.indirect.gather [hbm4b:s1+s21], $0x80, s28, s21, $0xb8;
	[tilespmem:$0x1F800] =	vst v63  }
0x6c0: {  	_ = 	snop  }
0x6c1: {  	[tilespmem:s29], [sflag:$0x7] =	stream.indirect.gather [hbm4b:s1+s21], $0x80, s12, s21, $0xb8;
	[tilespmem:$0x1F800] =	vst v63  }
0x6c2: {  	_ = 	snop  }
0x6c3: {  	[tilespmem:s31], [sflag:$0x8] =	stream.indirect.gather [hbm4b:s1+s21], $0x80, s18, s21, $0xb8;
	[tilespmem:$0x1F800] =	vst v63  }
0x6c4: {  	s18 =	simm.s32 $0x1280  }
0x6c5: {  	[tilespmem:s3], [sflag:$0x9] =	stream.indirect.gather [hbm4b:s1+s21], $0x80, s18, s21, $0xb8;
	[tilespmem:$0x1F800] =	vst v63  }
0x6c6: {  	_ =	swait.ge [sflag:s7], $0x1400  }
0x6c7: {  	[sflag:s7] =	ssyncset.done $0x0  }
0x6c8: {  	[sflag:s7] =	ssyncadd.s32 $0xFFFFEC00  }
0x6c9: {  	_ =	swait.ge [sflag:s9], $0x1400  }
0x6ca: {  	[sflag:s9] =	ssyncset.done $0x0  }
0x6cb: {  	[sflag:s9] =	ssyncadd.s32 $0xFFFFEC00  }
0x6cc: {  	_ =	swait.ge [sflag:s10], $0x1400  }
0x6cd: {  	[sflag:s10] =	ssyncset.done $0x0  }
0x6ce: {  	[sflag:s10] =	ssyncadd.s32 $0xFFFFEC00  }
0x6cf: {  	[spmem:s2] =	stream.indirect.scatter.add.f32 [tilespmem:s22], [sflag:$0x3], $0x80, s20, s21, $0xb8;
	[tilespmem:$0x1F800] =	vst v63  }
0x6d0: {  	s19 =	simm.s32 $0x3080  }
0x6d1: {  	[spmem:s2] =	stream.indirect.scatter.add.f32 [tilespmem:s24], [sflag:$0x3], $0x80, s19, s21, $0xb8;
	[tilespmem:$0x1F800] =	vst v63  }
0x6d2: {  	s20 =	simm.s32 $0x3100  }
0x6d3: {  	[spmem:s2] =	stream.indirect.scatter.add.f32 [tilespmem:s26], [sflag:$0x3], $0x80, s20, s21, $0xb8;
	[tilespmem:$0x1F800] =	vst v63  }
0x6d4: {  	_ =	swait.ge [sflag:s13], $0x1400  }
0x6d5: {  	[sflag:s13] =	ssyncset.done $0x0  }
0x6d6: {  	[sflag:s13] =	ssyncadd.s32 $0xFFFFEC00  }
0x6d7: {  	_ =	swait.ge [sflag:s13], $0x1400  }
0x6d8: {  	[sflag:s13] =	ssyncset.done $0x0  }
0x6d9: {  	[sflag:s13] =	ssyncadd.s32 $0xFFFFEC00  }
0x6da: {  	_ =	swait.ge [sflag:s13], $0x1400  }
0x6db: {  	[sflag:s13] =	ssyncset.done $0x0  }
0x6dc: {  	s25 =	simm.s32 $0x1300;
	[sflag:s13] =	ssyncadd.s32 $0xFFFFEC00  }
0x6dd: {  	[tilespmem:s22], [sflag:$0x4] =	stream.indirect.gather [hbm4b:s1+s21], $0x80, s25, s21, $0xb8;
	[tilespmem:$0x1F800] =	vst v63  }
0x6de: {  	s28 =	simm.s32 $0x1380  }
0x6df: {  	[tilespmem:s24], [sflag:$0x5] =	stream.indirect.gather [hbm4b:s1+s21], $0x80, s28, s21, $0xb8;
	[tilespmem:$0x1F800] =	vst v63  }
0x6e0: {  	s6 =	simm.s32 $0x1400  }
0x6e1: {  	[tilespmem:s26], [sflag:$0x6] =	stream.indirect.gather [hbm4b:s1+s21], $0x80, s6, s21, $0xb8;
	[tilespmem:$0x1F800] =	vst v63  }
0x6e2: {  	_ =	swait.ge [sflag:s15], $0x1400  }
0x6e3: {  	[sflag:s15] =	ssyncset.done $0x0  }
0x6e4: {  	[sflag:s15] =	ssyncadd.s32 $0xFFFFEC00  }
0x6e5: {  	_ =	swait.ge [sflag:s17], $0x1400  }
0x6e6: {  	[sflag:s17] =	ssyncset.done $0x0  }
0x6e7: {  	[sflag:s17] =	ssyncadd.s32 $0xFFFFEC00  }
0x6e8: {  	_ =	swait.ge [sflag:s23], $0x1400  }
0x6e9: {  	[sflag:s23] =	ssyncset.done $0x0  }
0x6ea: {  	s8 =	simm.s32 $0x3180;
	[sflag:s23] =	ssyncadd.s32 $0xFFFFEC00  }
0x6eb: {  	[spmem:s2] =	stream.indirect.scatter.add.f32 [tilespmem:s29], [sflag:$0x3], $0x80, s8, s21, $0xb8;
	[tilespmem:$0x1F800] =	vst v63  }
0x6ec: {  	s11 =	simm.s32 $0x3200  }
0x6ed: {  	[spmem:s2] =	stream.indirect.scatter.add.f32 [tilespmem:s31], [sflag:$0x3], $0x80, s11, s21, $0xb8;
	[tilespmem:$0x1F800] =	vst v63  }
0x6ee: {  	s12 =	simm.s32 $0x3280  }
0x6ef: {  	[spmem:s2] =	stream.indirect.scatter.add.f32 [tilespmem:s3], [sflag:$0x3], $0x80, s12, s21, $0xb8;
	[tilespmem:$0x1F800] =	vst v63  }
0x6f0: {  	_ =	swait.ge [sflag:s13], $0x1400  }
0x6f1: {  	[sflag:s13] =	ssyncset.done $0x0  }
0x6f2: {  	[sflag:s13] =	ssyncadd.s32 $0xFFFFEC00  }
0x6f3: {  	_ =	swait.ge [sflag:s13], $0x1400  }
0x6f4: {  	[sflag:s13] =	ssyncset.done $0x0  }
0x6f5: {  	[sflag:s13] =	ssyncadd.s32 $0xFFFFEC00  }
0x6f6: {  	_ =	swait.ge [sflag:s13], $0x1400  }
0x6f7: {  	[sflag:s13] =	ssyncset.done $0x0  }
0x6f8: {  	s14 =	simm.s32 $0x1480;
	[sflag:s13] =	ssyncadd.s32 $0xFFFFEC00  }
0x6f9: {  	[tilespmem:s29], [sflag:$0x7] =	stream.indirect.gather [hbm4b:s1+s21], $0x80, s14, s21, $0xb8;
	[tilespmem:$0x1F800] =	vst v63  }
0x6fa: {  	s16 =	simm.s32 $0x1500  }
0x6fb: {  	[tilespmem:s31], [sflag:$0x8] =	stream.indirect.gather [hbm4b:s1+s21], $0x80, s16, s21, $0xb8;
	[tilespmem:$0x1F800] =	vst v63  }
0x6fc: {  	s18 =	simm.s32 $0x1580  }
0x6fd: {  	[tilespmem:s3], [sflag:$0x9] =	stream.indirect.gather [hbm4b:s1+s21], $0x80, s18, s21, $0xb8;
	[tilespmem:$0x1F800] =	vst v63  }
0x6fe: {  	_ =	swait.ge [sflag:s7], $0x1400  }
0x6ff: {  	[sflag:s7] =	ssyncset.done $0x0  }
0x700: {  	[sflag:s7] =	ssyncadd.s32 $0xFFFFEC00  }
0x701: {  	_ =	swait.ge [sflag:s9], $0x1400  }
0x702: {  	[sflag:s9] =	ssyncset.done $0x0  }
0x703: {  	[sflag:s9] =	ssyncadd.s32 $0xFFFFEC00  }
0x704: {  	_ =	swait.ge [sflag:s10], $0x1400  }
0x705: {  	[sflag:s10] =	ssyncset.done $0x0  }
0x706: {  	s19 =	simm.s32 $0x3300;
	[sflag:s10] =	ssyncadd.s32 $0xFFFFEC00  }
0x707: {  	[spmem:s2] =	stream.indirect.scatter.add.f32 [tilespmem:s22], [sflag:$0x3], $0x80, s19, s21, $0xb8;
	[tilespmem:$0x1F800] =	vst v63  }
0x708: {  	s20 =	simm.s32 $0x3380  }
0x709: {  	[spmem:s2] =	stream.indirect.scatter.add.f32 [tilespmem:s24], [sflag:$0x3], $0x80, s20, s21, $0xb8;
	[tilespmem:$0x1F800] =	vst v63  }
0x70a: {  	s25 =	simm.s32 $0x3400  }
0x70b: {  	[spmem:s2] =	stream.indirect.scatter.add.f32 [tilespmem:s26], [sflag:$0x3], $0x80, s25, s21, $0xb8;
	[tilespmem:$0x1F800] =	vst v63  }
0x70c: {  	_ =	swait.ge [sflag:s13], $0x1400  }
0x70d: {  	[sflag:s13] =	ssyncset.done $0x0  }
0x70e: {  	[sflag:s13] =	ssyncadd.s32 $0xFFFFEC00  }
0x70f: {  	_ =	swait.ge [sflag:s13], $0x1400  }
0x710: {  	[sflag:s13] =	ssyncset.done $0x0  }
0x711: {  	[sflag:s13] =	ssyncadd.s32 $0xFFFFEC00  }
0x712: {  	_ =	swait.ge [sflag:s13], $0x1400  }
0x713: {  	[sflag:s13] =	ssyncset.done $0x0  }
0x714: {  	s28 =	simm.s32 $0x1600;
	[sflag:s13] =	ssyncadd.s32 $0xFFFFEC00  }
0x715: {  	[tilespmem:s22], [sflag:$0x4] =	stream.indirect.gather [hbm4b:s1+s21], $0x80, s28, s21, $0xb8;
	[tilespmem:$0x1F800] =	vst v63  }
0x716: {  	s6 =	simm.s32 $0x1680  }
0x717: {  	[tilespmem:s24], [sflag:$0x5] =	stream.indirect.gather [hbm4b:s1+s21], $0x80, s6, s21, $0xb8;
	[tilespmem:$0x1F800] =	vst v63  }
0x718: {  	s8 =	simm.s32 $0x1700  }
0x719: {  	[tilespmem:s26], [sflag:$0x6] =	stream.indirect.gather [hbm4b:s1+s21], $0x80, s8, s21, $0xb8;
	[tilespmem:$0x1F800] =	vst v63  }
0x71a: {  	_ =	swait.ge [sflag:s15], $0x1400  }
0x71b: {  	[sflag:s15] =	ssyncset.done $0x0  }
0x71c: {  	[sflag:s15] =	ssyncadd.s32 $0xFFFFEC00  }
0x71d: {  	_ =	swait.ge [sflag:s17], $0x1400  }
0x71e: {  	[sflag:s17] =	ssyncset.done $0x0  }
0x71f: {  	[sflag:s17] =	ssyncadd.s32 $0xFFFFEC00  }
0x720: {  	_ =	swait.ge [sflag:s23], $0x1400  }
0x721: {  	[sflag:s23] =	ssyncset.done $0x0  }
0x722: {  	s11 =	simm.s32 $0x3480;
	[sflag:s23] =	ssyncadd.s32 $0xFFFFEC00  }
0x723: {  	[spmem:s2] =	stream.indirect.scatter.add.f32 [tilespmem:s29], [sflag:$0x3], $0x80, s11, s21, $0xb8;
	[tilespmem:$0x1F800] =	vst v63  }
0x724: {  	s12 =	simm.s32 $0x3500  }
0x725: {  	[spmem:s2] =	stream.indirect.scatter.add.f32 [tilespmem:s31], [sflag:$0x3], $0x80, s12, s21, $0xb8;
	[tilespmem:$0x1F800] =	vst v63  }
0x726: {  	s14 =	simm.s32 $0x3580  }
0x727: {  	[spmem:s2] =	stream.indirect.scatter.add.f32 [tilespmem:s3], [sflag:$0x3], $0x80, s14, s21, $0xb8;
	[tilespmem:$0x1F800] =	vst v63  }
0x728: {  	_ =	swait.ge [sflag:s13], $0x1400  }
0x729: {  	[sflag:s13] =	ssyncset.done $0x0  }
0x72a: {  	[sflag:s13] =	ssyncadd.s32 $0xFFFFEC00  }
0x72b: {  	_ =	swait.ge [sflag:s13], $0x1400  }
0x72c: {  	[sflag:s13] =	ssyncset.done $0x0  }
0x72d: {  	[sflag:s13] =	ssyncadd.s32 $0xFFFFEC00  }
0x72e: {  	_ =	swait.ge [sflag:s13], $0x1400  }
0x72f: {  	[sflag:s13] =	ssyncset.done $0x0  }
0x730: {  	s16 =	simm.s32 $0x1780;
	[sflag:s13] =	ssyncadd.s32 $0xFFFFEC00  }
0x731: {  	[tilespmem:s29], [sflag:$0x7] =	stream.indirect.gather [hbm4b:s1+s21], $0x80, s16, s21, $0xb8;
	[tilespmem:$0x1F800] =	vst v63  }
0x732: {  	s18 =	simm.s32 $0x1800  }
0x733: {  	[tilespmem:s31], [sflag:$0x8] =	stream.indirect.gather [hbm4b:s1+s21], $0x80, s18, s21, $0xb8;
	[tilespmem:$0x1F800] =	vst v63  }
0x734: {  	s19 =	simm.s32 $0x1880  }
0x735: {  	[tilespmem:s3], [sflag:$0x9] =	stream.indirect.gather [hbm4b:s1+s21], $0x80, s19, s21, $0xb8;
	[tilespmem:$0x1F800] =	vst v63  }
0x736: {  	_ =	swait.ge [sflag:s7], $0x1400  }
0x737: {  	[sflag:s7] =	ssyncset.done $0x0  }
0x738: {  	[sflag:s7] =	ssyncadd.s32 $0xFFFFEC00  }
0x739: {  	_ =	swait.ge [sflag:s9], $0x1400  }
0x73a: {  	[sflag:s9] =	ssyncset.done $0x0  }
0x73b: {  	[sflag:s9] =	ssyncadd.s32 $0xFFFFEC00  }
0x73c: {  	_ =	swait.ge [sflag:s10], $0x1400  }
0x73d: {  	[sflag:s10] =	ssyncset.done $0x0  }
0x73e: {  	s20 =	simm.s32 $0x3600;
	[sflag:s10] =	ssyncadd.s32 $0xFFFFEC00  }
0x73f: {  	[spmem:s2] =	stream.indirect.scatter.add.f32 [tilespmem:s22], [sflag:$0x3], $0x80, s20, s21, $0xb8;
	[tilespmem:$0x1F800] =	vst v63  }
0x740: {  	s25 =	simm.s32 $0x3680  }
0x741: {  	[spmem:s2] =	stream.indirect.scatter.add.f32 [tilespmem:s24], [sflag:$0x3], $0x80, s25, s21, $0xb8;
	[tilespmem:$0x1F800] =	vst v63  }
0x742: {  	s28 =	simm.s32 $0x3700  }
0x743: {  	[spmem:s2] =	stream.indirect.scatter.add.f32 [tilespmem:s26], [sflag:$0x3], $0x80, s28, s21, $0xb8;
	[tilespmem:$0x1F800] =	vst v63  }
0x744: {  	_ =	swait.ge [sflag:s13], $0x1400  }
0x745: {  	[sflag:s13] =	ssyncset.done $0x0  }
0x746: {  	[sflag:s13] =	ssyncadd.s32 $0xFFFFEC00  }
0x747: {  	_ =	swait.ge [sflag:s13], $0x1400  }
0x748: {  	[sflag:s13] =	ssyncset.done $0x0  }
0x749: {  	[sflag:s13] =	ssyncadd.s32 $0xFFFFEC00  }
0x74a: {  	_ =	swait.ge [sflag:s13], $0x1400  }
0x74b: {  	[sflag:s13] =	ssyncset.done $0x0  }
0x74c: {  	[sflag:s13] =	ssyncadd.s32 $0xFFFFEC00  }
0x74d: {  	_ =	swait.ge [sflag:s15], $0x1400  }
0x74e: {  	[sflag:s15] =	ssyncset.done $0x0  }
0x74f: {  	[sflag:s15] =	ssyncadd.s32 $0xFFFFEC00  }
0x750: {  	_ =	swait.ge [sflag:s17], $0x1400  }
0x751: {  	[sflag:s17] =	ssyncset.done $0x0  }
0x752: {  	[sflag:s17] =	ssyncadd.s32 $0xFFFFEC00  }
0x753: {  	_ =	swait.ge [sflag:s23], $0x1400  }
0x754: {  	[sflag:s23] =	ssyncset.done $0x0  }
0x755: {  	s6 =	simm.s32 $0x3780;
	[sflag:s23] =	ssyncadd.s32 $0xFFFFEC00  }
0x756: {  	[spmem:s2] =	stream.indirect.scatter.add.f32 [tilespmem:s29], [sflag:$0x3], $0x80, s6, s21, $0xb8;
	[tilespmem:$0x1F800] =	vst v63  }
0x757: {  	s8 =	simm.s32 $0x3800  }
0x758: {  	[spmem:s2] =	stream.indirect.scatter.add.f32 [tilespmem:s31], [sflag:$0x3], $0x80, s8, s21, $0xb8;
	[tilespmem:$0x1F800] =	vst v63  }
0x759: {  	s11 =	simm.s32 $0x3880  }
0x75a: {  	[spmem:s2] =	stream.indirect.scatter.add.f32 [tilespmem:s3], [sflag:$0x3], $0x80, s11, s21, $0xb8;
	[tilespmem:$0x1F800] =	vst v63  }
0x75b: {  	_ =	swait.ge [sflag:s13], $0x1400  }
0x75c: {  	[sflag:s13] =	ssyncset.done $0x0  }
0x75d: {  	[sflag:s13] =	ssyncadd.s32 $0xFFFFEC00  }
0x75e: {  	_ =	swait.ge [sflag:s13], $0x1400  }
0x75f: {  	[sflag:s13] =	ssyncset.done $0x0  }
0x760: {  	[sflag:s13] =	ssyncadd.s32 $0xFFFFEC00  }
0x761: {  	_ =	swait.ge [sflag:s13], $0x1400  }
0x762: {  	[sflag:s13] =	ssyncset.done $0x0  }
0x763: {  	s12 =	simm.s32 $0x1900;
	[sflag:s13] =	ssyncadd.s32 $0xFFFFEC00  }
0x764: {  	[tilespmem:s22], [sflag:$0x4] =	stream.indirect.gather [hbm4b:s1+s21], $0x80, s12, s21, $0xb8;
	[tilespmem:$0x1F800] =	vst v63  }
0x765: {  	s14 =	simm.s32 $0x1980  }
0x766: {  	[tilespmem:s24], [sflag:$0x5] =	stream.indirect.gather [hbm4b:s1+s21], $0x80, s14, s21, $0xb8;
	[tilespmem:$0x1F800] =	vst v63  }
0x767: {  	s16 =	simm.s32 $0x1A00  }
0x768: {  	[tilespmem:s26], [sflag:$0x6] =	stream.indirect.gather [hbm4b:s1+s21], $0x80, s16, s21, $0xb8;
	[tilespmem:$0x1F800] =	vst v63  }
0x769: {  	_ =	swait.ge [sflag:s7], $0x1400  }
0x76a: {  	[sflag:s7] =	ssyncset.done $0x0  }
0x76b: {  	s18 =	simm.s32 $0x3900;
	[sflag:s7] =	ssyncadd.s32 $0xFFFFEC00  }
0x76c: {  	[spmem:s2] =	stream.indirect.scatter.add.f32 [tilespmem:s22], [sflag:$0x3], $0x80, s18, s21, $0xb8;
	[tilespmem:$0x1F800] =	vst v63  }
0x76d: {  	_ =	swait.ge [sflag:s9], $0x1400  }
0x76e: {  	[sflag:s9] =	ssyncset.done $0x0  }
0x76f: {  	s19 =	simm.s32 $0x3980;
	[sflag:s9] =	ssyncadd.s32 $0xFFFFEC00  }
0x770: {  	[spmem:s2] =	stream.indirect.scatter.add.f32 [tilespmem:s24], [sflag:$0x3], $0x80, s19, s21, $0xb8;
	[tilespmem:$0x1F800] =	vst v63  }
0x771: {  	_ =	swait.ge [sflag:s10], $0x1400  }
0x772: {  	[sflag:s10] =	ssyncset.done $0x0  }
0x773: {  	s20 =	simm.s32 $0x3A00;
	[sflag:s10] =	ssyncadd.s32 $0xFFFFEC00  }
0x774: {  	[spmem:s2] =	stream.indirect.scatter.add.f32 [tilespmem:s26], [sflag:$0x3], $0x80, s20, s21, $0xb8;
	[tilespmem:$0x1F800] =	vst v63  }
0x775: {  	_ =	swait.ge [sflag:s13], $0x1400  }
0x776: {  	[sflag:s13] =	ssyncset.done $0x0  }
0x777: {  	[sflag:s13] =	ssyncadd.s32 $0xFFFFEC00  }
0x778: {  	_ =	swait.ge [sflag:s13], $0x1400  }
0x779: {  	[sflag:s13] =	ssyncset.done $0x0  }
0x77a: {  	[sflag:s13] =	ssyncadd.s32 $0xFFFFEC00  }
0x77b: {  	_ =	swait.ge [sflag:s13], $0x1400  }
0x77c: {  	[sflag:s13] =	ssyncset.done $0x0  }
0x77d: {  	s25 =	simm.s32 $0x1A80;
	[sflag:s13] =	ssyncadd.s32 $0xFFFFEC00  }
0x77e: {  	[tilespmem:s22], [sflag:$0x4] =	stream.indirect.gather [hbm4b:s1+s21], $0x80, s25, s21, $0xb8;
	[tilespmem:$0x1F800] =	vst v63  }
0x77f: {  	s28 =	simm.s32 $0x1B00  }
0x780: {  	[tilespmem:s24], [sflag:$0x5] =	stream.indirect.gather [hbm4b:s1+s21], $0x80, s28, s21, $0xb8;
	[tilespmem:$0x1F800] =	vst v63  }
0x781: {  	s6 =	simm.s32 $0x1B80  }
0x782: {  	[tilespmem:s26], [sflag:$0x6] =	stream.indirect.gather [hbm4b:s1+s21], $0x80, s6, s21, $0xb8;
	[tilespmem:$0x1F800] =	vst v63  }
0x783: {  	_ =	swait.ge [sflag:s7], $0x1400  }
0x784: {  	[sflag:s7] =	ssyncset.done $0x0  }
0x785: {  	s8 =	simm.s32 $0x3A80;
	[sflag:s7] =	ssyncadd.s32 $0xFFFFEC00  }
0x786: {  	[spmem:s2] =	stream.indirect.scatter.add.f32 [tilespmem:s22], [sflag:$0x3], $0x80, s8, s21, $0xb8;
	[tilespmem:$0x1F800] =	vst v63  }
0x787: {  	_ =	swait.ge [sflag:s9], $0x1400  }
0x788: {  	[sflag:s9] =	ssyncset.done $0x0  }
0x789: {  	s11 =	simm.s32 $0x3B00;
	[sflag:s9] =	ssyncadd.s32 $0xFFFFEC00  }
0x78a: {  	[spmem:s2] =	stream.indirect.scatter.add.f32 [tilespmem:s24], [sflag:$0x3], $0x80, s11, s21, $0xb8;
	[tilespmem:$0x1F800] =	vst v63  }
0x78b: {  	_ =	swait.ge [sflag:s10], $0x1400  }
0x78c: {  	[sflag:s10] =	ssyncset.done $0x0  }
0x78d: {  	s12 =	simm.s32 $0x3B80;
	[sflag:s10] =	ssyncadd.s32 $0xFFFFEC00  }
0x78e: {  	[spmem:s2] =	stream.indirect.scatter.add.f32 [tilespmem:s26], [sflag:$0x3], $0x80, s12, s21, $0xb8;
	[tilespmem:$0x1F800] =	vst v63  }
0x78f: {  	_ =	swait.ge [sflag:s13], $0x1400  }
0x790: {  	[sflag:s13] =	ssyncset.done $0x0  }
0x791: {  	[sflag:s13] =	ssyncadd.s32 $0xFFFFEC00  }
0x792: {  	_ =	swait.ge [sflag:s13], $0x1400  }
0x793: {  	[sflag:s13] =	ssyncset.done $0x0  }
0x794: {  	[sflag:s13] =	ssyncadd.s32 $0xFFFFEC00  }
0x795: {  	_ =	swait.ge [sflag:s13], $0x1400  }
0x796: {  	[sflag:s13] =	ssyncset.done $0x0  }
0x797: {  	s14 =	simm.s32 $0x1C00;
	[sflag:s13] =	ssyncadd.s32 $0xFFFFEC00  }
0x798: {  	[tilespmem:s22], [sflag:$0x4] =	stream.indirect.gather [hbm4b:s1+s21], $0x80, s14, s21, $0xb8;
	[tilespmem:$0x1F800] =	vst v63  }
0x799: {  	_ =	swait.ge [sflag:s7], $0x1400  }
0x79a: {  	[sflag:s7] =	ssyncset.done $0x0  }
0x79b: {  	s16 =	simm.s32 $0x3C00;
	[sflag:s7] =	ssyncadd.s32 $0xFFFFEC00  }
0x79c: {  	[spmem:s2] =	stream.indirect.scatter.add.f32 [tilespmem:s22], [sflag:$0x3], $0x80, s16, s21, $0xb8;
	[tilespmem:$0x1F800] =	vst v63  }
0x79d: {  	_ =	swait.ge [sflag:s13], $0x1400  }
0x79e: {  	[sflag:s13] =	ssyncset.done $0x0  }
0x79f: {  	[sflag:s13] =	ssyncadd.s32 $0xFFFFEC00  }
0x7a0: {  	[bflag:$0x0] =	sbarrier.arrive $0xFFFF  }
0x7a1: {  	s12 =	rddreg [dreg:$0x9]  }
0x7a2: {  	s18 =	rddreg [dreg:$0xe]  }
0x7a3: {  	s14 =	simm.s32 $0xA;
	s11 =	rddreg [dreg:$0x11]  }
0x7a4: {  	[hbm:s18], [sflag:s12] =	dma.local [spmem:s11], $0x2800  }
0x7a5: {  	_ =	swait.ge [sflag:s14], $0x2800  }
0x7a6: {  	s20 =	rddreg [dreg:$0x12]  }
0x7a7: {  	s28 =	rddreg [dreg:$0xf];
	s16 =	sadd.s32 $0x1, s20  }
0x7a8: {  	p0 =	sne.s32 s16, s28  }
.Ltmp1:
0x7a9: {  	_ = 	snop;
	(pc) =	sbr.rel @p0 .LBB2_1-.Ltmp1, $3  }
0x7aa: {  	_ =	sdelay $0x1  }
0x7ab: {  	s5 =	simm.s32 $0x3B80;
	s19 =	simm.s32 $0x1C00;
	[sflag:s14] =	ssyncset.done $0x0  }
0x7ac: {  	s25 =	simm.s32 $0x3B00;
	s6 =	simm.s32 $0x3C00;
	[sflag:s14] =	ssyncadd.s32 $0xFFFFD800  }
0x7ad: {  	_ =	sfence.sel $0x180000  }
0x7ae: {  	[bflag:$0x0] =	sbarrier.arrive $0xFFFF  }
0x7af: {  	_ =	strace $0x9000004A  }
0x7b0: {  	s0 =	stileid.u32;
	[bflag:$0x2] =	sbarrier.arrive $0xFFFF  }
0x7b1: {  	p0 =	sne.s32 s0, $0x0;
	s0 =	rddreg [dreg:$0x3]  }
0x7b2: {  	s0 =	sadd.s32 @!p0 $0x100000, s0  }
0x7b3: {  	[sflag:s0] =	ssyncadd.tile.s32 @!p0 $0x1;
	_ =	shalt  }
.Lfunc_end2:
_tile_overlayer_lowered:
.L_overlay_start_2:
0x7b4: {  	(tag) =	ssettag $0x2  }
0x7b5: {  	s0 =	rddreg [dreg:$0x0];
	s2 =	stileid.u32  }
0x7b6: {  	s1 =	rddreg [dreg:$0x1];
	p0 =	sne.s32 s2, $0x0  }
0x7b7: {  	s3 =	rddreg [dreg:$0x2];
	[bflag:$0x3] =	sbarrier.arrive $0xFFFF;
	s2 =	simm.s32 @!p0 $0x1C0A  }
0x7b8: {  	[timem:s3], [sflag:s2] =	dma.local @!p0 [hbm:s0], s1  }
0x7b9: {  	s0 =	simm.s32 @!p0 $0xA  }
0x7ba: {  	_ =	swait.ge @!p0 [sflag:s0], s1  }
0x7bb: {  	s1 =	ssub.s32 @!p0 $0x0, s1;
	[sflag:s0] =	ssyncset.done @!p0 $0x0  }
0x7bc: {  	[sflag:s0] =	ssyncadd.s32 @!p0 s1  }
0x7bd: {  	[bflag:$0x3] =	sbarrier.arrive $0xFFFF  }
0x7be: {  	_ =	shalt  }

</sc_bundles>
